<compile_context>
chip_gen: v7x
topology: tpu7x:2x2x1
jax: 0.10.2.dev20260603
libtpu: 0.0.44.dev20260713+nightly
codegen_flags: <defaults>
</compile_context>

<pallas_src>
import functools
import math

import jax
import jax.numpy as jnp
from jax import lax
from jax.experimental import pallas as pl
from jax.experimental.pallas import tpu as pltpu
from jax.experimental.pallas import tpu_sc as plsc

EMB = 32
SCALE = math.sqrt(EMB)

NC, NS = 2, 16
NW = NC * NS

TPB = 128
PR = 4
CHUNK = PR * TPB
NBUF = 3


def _gather_scale_t(table_flat, tokens, vocab):
    n_rows, n_pos = tokens.shape
    n_stripes_w = n_rows // (NW * TPB)
    subs_per_stripe = n_pos // PR
    n_sub = n_stripes_w * subs_per_stripe

    mesh = plsc.VectorSubcoreMesh(core_axis_name="c", subcore_axis_name="s")

    @functools.partial(
        pl.kernel,
        out_type=jax.ShapeDtypeStruct(
            (n_pos, EMB // 8, n_rows // TPB, 8, TPB), jnp.float32
        ),
        mesh=mesh,
        compiler_params=pltpu.CompilerParams(
            use_tc_tiling_on_sc=False, needs_layout_passes=False
        ),
        scratch_types=[
            pltpu.VMEM((TPB, n_pos + 1), jnp.int32),
            pltpu.VMEM((NBUF, CHUNK), jnp.int32),
            pltpu.VMEM((NBUF, CHUNK, EMB), jnp.float32),
            pltpu.VMEM((NBUF, PR, EMB // 8, 8, TPB + 1), jnp.float32),
            pltpu.SemaphoreType.DMA((NBUF,)),
            pltpu.SemaphoreType.DMA((NBUF,)),
        ],
    )
    def k(table_hbm, tok_hbm, out_hbm, stripe_v, cols_v, rows_v, trans_v,
          sem_g, sem_w):
        table2d = table_hbm
        wid = lax.axis_index("s") * NC + lax.axis_index("c")
        lanes = lax.iota(jnp.int32, 16)
        cb_lo, ci_lo = lanes >> 3, lanes & 7
        cb_hi = cb_lo + 2

        def fire(q, b):
            stripe = q // subs_per_stripe
            r0 = (q % subs_per_stripe) * PR
            t0 = (wid * n_stripes_w + stripe) * TPB

            def load_stripe():
                pltpu.sync_copy(
                    tok_hbm.at[pl.ds(t0, TPB)],
                    stripe_v.at[pl.ds(0, TPB), pl.ds(0, n_pos)],
                )

            if isinstance(q, int):
                if q % subs_per_stripe == 0:
                    load_stripe()
            else:
                pl.when(q % subs_per_stripe == 0)(load_stripe)

            for j in range(PR):
                cvec = jnp.full((16,), r0 + j, dtype=jnp.int32)

                @plsc.parallel_loop(0, TPB // 16, unroll=8)
                def _(g):
                    ids = plsc.load_gather(stripe_v, [g * 16 + lanes, cvec])
                    cols_v[b, pl.ds(j * TPB + g * 16, 16)] = ids

            for j in range(PR):
                pltpu.async_copy(
                    table2d.at[cols_v.at[b, pl.ds(j * TPB, TPB)]],
                    rows_v.at[b, pl.ds(j * TPB, TPB)],
                    sem_g.at[b],
                )

        def wait_gather(b):
            pltpu.make_async_copy(
                table2d.at[pl.ds(0, CHUNK)], rows_v.at[b], sem_g.at[b]
            ).wait()

        def _trans_src(b):
            return trans_v.at[
                b, pl.ds(0, PR), pl.ds(0, EMB // 8), pl.ds(0, 8), pl.ds(0, TPB)
            ]

        def fire_write(q, b):
            stripe = q // subs_per_stripe
            r0 = (q % subs_per_stripe) * PR
            tb = wid * n_stripes_w + stripe
            pltpu.async_copy(
                _trans_src(b),
                out_hbm.at[
                    pl.ds(r0, PR), pl.ds(0, EMB // 8), tb,
                    pl.ds(0, 8), pl.ds(0, TPB),
                ],
                sem_w.at[b],
            )

        def wait_write(b):
            pltpu.make_async_copy(
                _trans_src(b),
                out_hbm.at[
                    pl.ds(0, PR), pl.ds(0, EMB // 8), 0,
                    pl.ds(0, 8), pl.ds(0, TPB),
                ],
                sem_w.at[b],
            ).wait()

        for q in range(min(2, n_sub)):
            fire(q, q % NBUF)

        def outer(o):
            for b in range(NBUF):
                q = o * NBUF + b
                b2 = (b + 2) % NBUF

                @pl.when(q < n_sub)
                def _():
                    wait_gather(b)

                    @pl.when(q + 2 < n_sub)
                    def _():
                        @pl.when(q + 2 >= NBUF)
                        def _():
                            wait_write(b2)

                        fire(q + 2, b2)

                    for j in range(PR):
                        @plsc.parallel_loop(0, TPB, unroll=8)
                        def _(ti):
                            row = j * TPB + ti
                            tvec = jnp.full((16,), ti, dtype=jnp.int32)
                            lo = rows_v[b, row, pl.ds(0, 16)] * SCALE
                            hi = rows_v[b, row, pl.ds(16, 16)] * SCALE
                            plsc.store_scatter(
                                trans_v.at[b, j], [cb_lo, ci_lo, tvec], lo
                            )
                            plsc.store_scatter(
                                trans_v.at[b, j], [cb_hi, ci_lo, tvec], hi
                            )

                    fire_write(q, b)

        pl.loop(0, (n_sub + NBUF - 1) // NBUF)(outer)

        for q in range(max(0, n_sub - NBUF), n_sub):
            wait_write(q % NBUF)

    return k(table_flat, tokens)


def kernel(tokens, table):
    vocab = table.shape[0]
    n_rows, n_pos = tokens.shape
    out5 = _gather_scale_t(table, tokens, vocab)
    return out5.transpose(2, 4, 0, 1, 3).reshape(n_rows, n_pos, EMB)

# --- scband reference (transcript-rebuilt; emitter-appended) ---
"""Pipeline reference for scband-token-embedding-43765716747066 (READ-ONLY COPY).

The authoritative reference and input builder live on the scoring server;
editing this copy changes nothing except your own understanding.
"""

import jax, jax.numpy as jnp
import numpy as np
import math

VOCAB = 1000000
EMB = 32

def setup_inputs(seed: int = 0) -> dict:
    key = jax.random.key(seed)
    k_tok, k_tab = jax.random.split(key)
    tokens = jax.random.randint(k_tok, (16384, 200), 0, VOCAB, dtype=jnp.int64 if jax.config.jax_enable_x64 else jnp.int32)
    table = jax.random.normal(k_tab, (VOCAB, EMB), dtype=jnp.float32)
    return {"tokens": tokens, "table": table}

def reference(tokens, table):
    # TokenEmbedding.forward: embedding(tokens.long()) * sqrt(emb_size)
    emb = jnp.take(table, tokens, axis=0)
    return emb * math.sqrt(EMB)

if __name__ == "__main__":
    import jax
    _d = setup_inputs()
    print(jax.jit(kernel)(*tuple(_d.values())))

</pallas_src>

<mosaic_0001>
#map = affine_map<(d0, d1) -> (0, 0)>
#map1 = affine_map<(d0, d1) -> (0, 0, 0, 0, 0)>
module attributes {stable_mosaic.version = 14 : i64} {
  func.func @k(%arg0: i32, %arg1: i32, %arg2: memref<1000000x32xf32, #tpu.memory_space<hbm>>, %arg3: memref<16384x200xi32, #tpu.memory_space<hbm>>, %arg4: memref<200x4x128x8x128xf32, #tpu.memory_space<hbm>>, %arg5: memref<128x201xi32, #tpu.memory_space<vmem>>, %arg6: memref<3x512xi32, #tpu.memory_space<vmem>>, %arg7: memref<3x512x32xf32, #tpu.memory_space<vmem>>, %arg8: memref<3x4x4x8x129xf32, #tpu.memory_space<vmem>>, %arg9: memref<3x!tpu.dma_semaphore, #tpu.memory_space<semaphore_mem>>, %arg10: memref<3x!tpu.dma_semaphore, #tpu.memory_space<semaphore_mem>>) attributes {dimension_semantics = [#tpu.dimension_semantics<core_parallel>, #tpu.dimension_semantics<subcore_parallel>], iteration_bounds = array<i64: 2, 16>, scalar_prefetch = 0 : i64, scratch_operands = 6 : i64, tpu.core_type = #tpu.core_type<sc_vector_subcore>, window_params = [{transform_indices = #map}, {transform_indices = #map}, {transform_indices = #map1}]} {
    %mul3A = arith.constant 2 : i32
    %mul3A_0 = arith.muli %arg1, %mul3A : i32
    %add3A = arith.addi %mul3A_0, %arg0 : i32
    %iota3A = tpu.iota {dimensions = array<i32: 0>} : vector<16xi32>
    %shift_right_arithmetic3A = arith.constant 3 : i32
    %shift_right_arithmetic3A_1 = vector.broadcast %shift_right_arithmetic3A : i32 to vector<16xi32>
    %shift_right_arithmetic3A_2 = arith.shrsi %iota3A, %shift_right_arithmetic3A_1 : vector<16xi32>
    %and3A = arith.constant 7 : i32
    %and3A_3 = vector.broadcast %and3A : i32 to vector<16xi32>
    %and3A_4 = arith.andi %iota3A, %and3A_3 : vector<16xi32>
    %add3A_5 = arith.constant 2 : i32
    %add3A_6 = vector.broadcast %add3A_5 : i32 to vector<16xi32>
    %add3A_7 = arith.addi %shift_right_arithmetic3A_2, %add3A_6 : vector<16xi32>
    %mul3A_8 = arith.constant 4 : i32
    %mul3A_9 = arith.muli %add3A, %mul3A_8 : i32
    %add3A_10 = arith.constant 0 : i32
    %add3A_11 = arith.addi %mul3A_9, %add3A_10 : i32
    %mul3A_12 = arith.constant 128 : i32
    %mul3A_13 = arith.muli %add3A_11, %mul3A_12 : i32
    "tpu.region"() ({
      %run_scoped3A = tpu.sem_alloc : memref<!tpu.dma_semaphore, #tpu.memory_space<semaphore_mem>>
      %dma_start3A_267 = arith.constant 0 : i32
      %dma_start3A_268 = arith.constant 0 : i32
      %dma_start3A_269 = tpu.memref_slice %arg5[%dma_start3A_267, %dma_start3A_268] : memref<128x201xi32, #tpu.memory_space<vmem>> -> memref<128x200xi32, #tpu.memory_space<vmem>>
      %dma_start3A_270 = arith.constant 0 : i32
      %dma_start3A_271 = tpu.memref_slice %arg3[%mul3A_13, %dma_start3A_270] : memref<16384x200xi32, #tpu.memory_space<hbm>> -> memref<128x200xi32, #tpu.memory_space<hbm>>
      %dma_start3A_272 = arith.constant 0 : i32
      %dma_start3A_273 = arith.constant 0 : i32
      %dma_start3A_274 = tpu.memref_slice %arg5[%dma_start3A_272, %dma_start3A_273] : memref<128x201xi32, #tpu.memory_space<vmem>> -> memref<128x200xi32, #tpu.memory_space<vmem>>
      %dma_start3A_275 = arith.constant 0 : i32
      %dma_start3A_276 = tpu.memref_slice %arg3[%mul3A_13, %dma_start3A_275] : memref<16384x200xi32, #tpu.memory_space<hbm>> -> memref<128x200xi32, #tpu.memory_space<hbm>>
      tpu.enqueue_dma source(%dma_start3A_276 : memref<128x200xi32, #tpu.memory_space<hbm>>) target(%dma_start3A_274 : memref<128x200xi32, #tpu.memory_space<vmem>>) target_semaphore(%run_scoped3A : memref<!tpu.dma_semaphore, #tpu.memory_space<semaphore_mem>>)
      %dma_wait3A_277 = arith.constant 0 : i32
      %dma_wait3A_278 = arith.constant 0 : i32
      %dma_wait3A_279 = tpu.memref_slice %arg5[%dma_wait3A_277, %dma_wait3A_278] : memref<128x201xi32, #tpu.memory_space<vmem>> -> memref<128x200xi32, #tpu.memory_space<vmem>>
      %dma_wait3A_280 = arith.constant 0 : i32
      %dma_wait3A_281 = tpu.memref_slice %arg3[%mul3A_13, %dma_wait3A_280] : memref<16384x200xi32, #tpu.memory_space<hbm>> -> memref<128x200xi32, #tpu.memory_space<hbm>>
      %dma_wait3A_282 = arith.constant 0 : i32
      %dma_wait3A_283 = arith.constant 0 : i32
      %dma_wait3A_284 = tpu.memref_slice %arg5[%dma_wait3A_282, %dma_wait3A_283] : memref<128x201xi32, #tpu.memory_space<vmem>> -> memref<128x200xi32, #tpu.memory_space<vmem>>
      %dma_wait3A_285 = arith.constant 0 : i32
      %dma_wait3A_286 = tpu.memref_slice %arg3[%mul3A_13, %dma_wait3A_285] : memref<16384x200xi32, #tpu.memory_space<hbm>> -> memref<128x200xi32, #tpu.memory_space<hbm>>
      tpu.wait_dma2 semaphore(%run_scoped3A : memref<!tpu.dma_semaphore, #tpu.memory_space<semaphore_mem>>) src(%dma_wait3A_286 : memref<128x200xi32, #tpu.memory_space<hbm>>) dst(%dma_wait3A_284 : memref<128x200xi32, #tpu.memory_space<vmem>>)
      tpu.yield
    }) : () -> ()
    %broadcast_in_dim3A = arith.constant 0 : i32
    %broadcast_in_dim3A_14 = vector.broadcast %broadcast_in_dim3A : i32 to vector<16xi32>
    %parallel_loop3A = arith.constant 0 : i32
    %parallel_loop3A_15 = arith.constant 8 : i32
    %parallel_loop3A_16 = arith.constant 1 : i32
    scf.for %parallel_loop3A_267 = %parallel_loop3A to %parallel_loop3A_15 step %parallel_loop3A_16  : i32 {
      %parallel_loop3A_268 = arith.constant 16 : i32
      %parallel_loop3A_269 = arith.muli %parallel_loop3A_267, %parallel_loop3A_268 : i32
      %parallel_loop3A_270 = vector.broadcast %parallel_loop3A_269 : i32 to vector<16xi32>
      %parallel_loop3A_271 = arith.addi %parallel_loop3A_270, %iota3A : vector<16xi32>
      %parallel_loop3A_272 = tpu.vector_load_idx %arg5[%parallel_loop3A_271, %broadcast_in_dim3A_14] : memref<128x201xi32, #tpu.memory_space<vmem>>[vector<16xi32>, vector<16xi32>], vector<16xi32>,
      %parallel_loop3A_273 = arith.constant 16 : i32
      %parallel_loop3A_274 = arith.muli %parallel_loop3A_267, %parallel_loop3A_273 : i32
      %parallel_loop3A_275 = arith.constant 0 : i32
      %parallel_loop3A_276 = arith.addi %parallel_loop3A_275, %parallel_loop3A_274 : i32
      %parallel_loop3A_277 = arith.constant 0 : i32
      %parallel_loop3A_278 = arith.index_cast %parallel_loop3A_277 : i32 to index
      %parallel_loop3A_279 = arith.index_cast %parallel_loop3A_276 : i32 to index
      %parallel_loop3A_280 = tpu.vector_load %arg6[%parallel_loop3A_278, %parallel_loop3A_279] {strides = array<i32>} : memref<3x512xi32, #tpu.memory_space<vmem>>, vector<16xi32>,
      tpu.vector_store %arg6[%parallel_loop3A_278, %parallel_loop3A_279], %parallel_loop3A_272 {strides = array<i32>} : memref<3x512xi32, #tpu.memory_space<vmem>>, vector<16xi32>,
    } {sc.loop_unroll_factor = 8 : i64, sc.parallel_access}
    %broadcast_in_dim3A_17 = arith.constant 1 : i32
    %broadcast_in_dim3A_18 = vector.broadcast %broadcast_in_dim3A_17 : i32 to vector<16xi32>
    %parallel_loop3A_19 = arith.constant 0 : i32
    %parallel_loop3A_20 = arith.constant 8 : i32
    %parallel_loop3A_21 = arith.constant 1 : i32
    scf.for %parallel_loop3A_267 = %parallel_loop3A_19 to %parallel_loop3A_20 step %parallel_loop3A_21  : i32 {
      %parallel_loop3A_268 = arith.constant 16 : i32
      %parallel_loop3A_269 = arith.muli %parallel_loop3A_267, %parallel_loop3A_268 : i32
      %parallel_loop3A_270 = vector.broadcast %parallel_loop3A_269 : i32 to vector<16xi32>
      %parallel_loop3A_271 = arith.addi %parallel_loop3A_270, %iota3A : vector<16xi32>
      %parallel_loop3A_272 = tpu.vector_load_idx %arg5[%parallel_loop3A_271, %broadcast_in_dim3A_18] : memref<128x201xi32, #tpu.memory_space<vmem>>[vector<16xi32>, vector<16xi32>], vector<16xi32>,
      %parallel_loop3A_273 = arith.constant 16 : i32
      %parallel_loop3A_274 = arith.muli %parallel_loop3A_267, %parallel_loop3A_273 : i32
      %parallel_loop3A_275 = arith.constant 128 : i32
      %parallel_loop3A_276 = arith.addi %parallel_loop3A_275, %parallel_loop3A_274 : i32
      %parallel_loop3A_277 = arith.constant 0 : i32
      %parallel_loop3A_278 = arith.index_cast %parallel_loop3A_277 : i32 to index
      %parallel_loop3A_279 = arith.index_cast %parallel_loop3A_276 : i32 to index
      %parallel_loop3A_280 = tpu.vector_load %arg6[%parallel_loop3A_278, %parallel_loop3A_279] {strides = array<i32>} : memref<3x512xi32, #tpu.memory_space<vmem>>, vector<16xi32>,
      tpu.vector_store %arg6[%parallel_loop3A_278, %parallel_loop3A_279], %parallel_loop3A_272 {strides = array<i32>} : memref<3x512xi32, #tpu.memory_space<vmem>>, vector<16xi32>,
    } {sc.loop_unroll_factor = 8 : i64, sc.parallel_access}
    %broadcast_in_dim3A_22 = arith.constant 2 : i32
    %broadcast_in_dim3A_23 = vector.broadcast %broadcast_in_dim3A_22 : i32 to vector<16xi32>
    %parallel_loop3A_24 = arith.constant 0 : i32
    %parallel_loop3A_25 = arith.constant 8 : i32
    %parallel_loop3A_26 = arith.constant 1 : i32
    scf.for %parallel_loop3A_267 = %parallel_loop3A_24 to %parallel_loop3A_25 step %parallel_loop3A_26  : i32 {
      %parallel_loop3A_268 = arith.constant 16 : i32
      %parallel_loop3A_269 = arith.muli %parallel_loop3A_267, %parallel_loop3A_268 : i32
      %parallel_loop3A_270 = vector.broadcast %parallel_loop3A_269 : i32 to vector<16xi32>
      %parallel_loop3A_271 = arith.addi %parallel_loop3A_270, %iota3A : vector<16xi32>
      %parallel_loop3A_272 = tpu.vector_load_idx %arg5[%parallel_loop3A_271, %broadcast_in_dim3A_23] : memref<128x201xi32, #tpu.memory_space<vmem>>[vector<16xi32>, vector<16xi32>], vector<16xi32>,
      %parallel_loop3A_273 = arith.constant 16 : i32
      %parallel_loop3A_274 = arith.muli %parallel_loop3A_267, %parallel_loop3A_273 : i32
      %parallel_loop3A_275 = arith.constant 256 : i32
      %parallel_loop3A_276 = arith.addi %parallel_loop3A_275, %parallel_loop3A_274 : i32
      %parallel_loop3A_277 = arith.constant 0 : i32
      %parallel_loop3A_278 = arith.index_cast %parallel_loop3A_277 : i32 to index
      %parallel_loop3A_279 = arith.index_cast %parallel_loop3A_276 : i32 to index
      %parallel_loop3A_280 = tpu.vector_load %arg6[%parallel_loop3A_278, %parallel_loop3A_279] {strides = array<i32>} : memref<3x512xi32, #tpu.memory_space<vmem>>, vector<16xi32>,
      tpu.vector_store %arg6[%parallel_loop3A_278, %parallel_loop3A_279], %parallel_loop3A_272 {strides = array<i32>} : memref<3x512xi32, #tpu.memory_space<vmem>>, vector<16xi32>,
    } {sc.loop_unroll_factor = 8 : i64, sc.parallel_access}
    %broadcast_in_dim3A_27 = arith.constant 3 : i32
    %broadcast_in_dim3A_28 = vector.broadcast %broadcast_in_dim3A_27 : i32 to vector<16xi32>
    %parallel_loop3A_29 = arith.constant 0 : i32
    %parallel_loop3A_30 = arith.constant 8 : i32
    %parallel_loop3A_31 = arith.constant 1 : i32
    scf.for %parallel_loop3A_267 = %parallel_loop3A_29 to %parallel_loop3A_30 step %parallel_loop3A_31  : i32 {
      %parallel_loop3A_268 = arith.constant 16 : i32
      %parallel_loop3A_269 = arith.muli %parallel_loop3A_267, %parallel_loop3A_268 : i32
      %parallel_loop3A_270 = vector.broadcast %parallel_loop3A_269 : i32 to vector<16xi32>
      %parallel_loop3A_271 = arith.addi %parallel_loop3A_270, %iota3A : vector<16xi32>
      %parallel_loop3A_272 = tpu.vector_load_idx %arg5[%parallel_loop3A_271, %broadcast_in_dim3A_28] : memref<128x201xi32, #tpu.memory_space<vmem>>[vector<16xi32>, vector<16xi32>], vector<16xi32>,
      %parallel_loop3A_273 = arith.constant 16 : i32
      %parallel_loop3A_274 = arith.muli %parallel_loop3A_267, %parallel_loop3A_273 : i32
      %parallel_loop3A_275 = arith.constant 384 : i32
      %parallel_loop3A_276 = arith.addi %parallel_loop3A_275, %parallel_loop3A_274 : i32
      %parallel_loop3A_277 = arith.constant 0 : i32
      %parallel_loop3A_278 = arith.index_cast %parallel_loop3A_277 : i32 to index
      %parallel_loop3A_279 = arith.index_cast %parallel_loop3A_276 : i32 to index
      %parallel_loop3A_280 = tpu.vector_load %arg6[%parallel_loop3A_278, %parallel_loop3A_279] {strides = array<i32>} : memref<3x512xi32, #tpu.memory_space<vmem>>, vector<16xi32>,
      tpu.vector_store %arg6[%parallel_loop3A_278, %parallel_loop3A_279], %parallel_loop3A_272 {strides = array<i32>} : memref<3x512xi32, #tpu.memory_space<vmem>>, vector<16xi32>,
    } {sc.loop_unroll_factor = 8 : i64, sc.parallel_access}
    %dma_start3A = arith.constant 0 : i32
    %dma_start3A_32 = arith.constant 0 : i32
    %dma_start3A_33 = arith.constant 0 : i32
    %dma_start3A_34 = arith.constant 0 : i32
    %dma_start3A_35 = arith.constant 0 : i32
    %dma_start3A_36 = tpu.memref_slice %arg7[%dma_start3A_32, %dma_start3A_34, %dma_start3A_35] : memref<3x512x32xf32, #tpu.memory_space<vmem>> -> memref<1x128x32xf32, #tpu.memory_space<vmem>>
    %dma_start3A_37 = tpu.memref_squeeze %dma_start3A_36 : memref<1x128x32xf32, #tpu.memory_space<vmem>> -> memref<128x32xf32, #tpu.memory_space<vmem>>
    %dma_start3A_38 = arith.constant 0 : i32
    %dma_start3A_39 = tpu.memref_slice %arg6[%dma_start3A, %dma_start3A_38] : memref<3x512xi32, #tpu.memory_space<vmem>> -> memref<1x128xi32, #tpu.memory_space<vmem>>
    %dma_start3A_40 = tpu.memref_squeeze %dma_start3A_39 : memref<1x128xi32, #tpu.memory_space<vmem>> -> memref<128xi32, #tpu.memory_space<vmem>>
    %dma_start3A_41 = arith.constant 0 : i32
    %dma_start3A_42 = arith.constant 0 : i32
    %dma_start3A_43 = tpu.memref_slice %arg2[%dma_start3A_41, %dma_start3A_42] : memref<1000000x32xf32, #tpu.memory_space<hbm>> -> memref<1000000x32xf32, #tpu.memory_space<hbm>>
    %dma_start3A_44 = tpu.memref_slice %arg9[%dma_start3A_33] : memref<3x!tpu.dma_semaphore, #tpu.memory_space<semaphore_mem>> -> memref<1x!tpu.dma_semaphore, #tpu.memory_space<semaphore_mem>>
    %dma_start3A_45 = tpu.memref_squeeze %dma_start3A_44 : memref<1x!tpu.dma_semaphore, #tpu.memory_space<semaphore_mem>> -> memref<!tpu.dma_semaphore, #tpu.memory_space<semaphore_mem>>
    tpu.enqueue_indirect_dma source(%dma_start3A_43 : memref<1000000x32xf32, #tpu.memory_space<hbm>>) target(%dma_start3A_37 : memref<128x32xf32, #tpu.memory_space<vmem>>) offsets(%dma_start3A_40 : memref<128xi32, #tpu.memory_space<vmem>>) semaphore(%dma_start3A_45 : memref<!tpu.dma_semaphore, #tpu.memory_space<semaphore_mem>>)
    %dma_start3A_46 = arith.constant 0 : i32
    %dma_start3A_47 = arith.constant 0 : i32
    %dma_start3A_48 = arith.constant 0 : i32
    %dma_start3A_49 = arith.constant 128 : i32
    %dma_start3A_50 = arith.constant 0 : i32
    %dma_start3A_51 = tpu.memref_slice %arg7[%dma_start3A_47, %dma_start3A_49, %dma_start3A_50] : memref<3x512x32xf32, #tpu.memory_space<vmem>> -> memref<1x128x32xf32, #tpu.memory_space<vmem>>
    %dma_start3A_52 = tpu.memref_squeeze %dma_start3A_51 : memref<1x128x32xf32, #tpu.memory_space<vmem>> -> memref<128x32xf32, #tpu.memory_space<vmem>>
    %dma_start3A_53 = arith.constant 128 : i32
    %dma_start3A_54 = tpu.memref_slice %arg6[%dma_start3A_46, %dma_start3A_53] : memref<3x512xi32, #tpu.memory_space<vmem>> -> memref<1x128xi32, #tpu.memory_space<vmem>>
    %dma_start3A_55 = tpu.memref_squeeze %dma_start3A_54 : memref<1x128xi32, #tpu.memory_space<vmem>> -> memref<128xi32, #tpu.memory_space<vmem>>
    %dma_start3A_56 = arith.constant 0 : i32
    %dma_start3A_57 = arith.constant 0 : i32
    %dma_start3A_58 = tpu.memref_slice %arg2[%dma_start3A_56, %dma_start3A_57] : memref<1000000x32xf32, #tpu.memory_space<hbm>> -> memref<1000000x32xf32, #tpu.memory_space<hbm>>
    %dma_start3A_59 = tpu.memref_slice %arg9[%dma_start3A_48] : memref<3x!tpu.dma_semaphore, #tpu.memory_space<semaphore_mem>> -> memref<1x!tpu.dma_semaphore, #tpu.memory_space<semaphore_mem>>
    %dma_start3A_60 = tpu.memref_squeeze %dma_start3A_59 : memref<1x!tpu.dma_semaphore, #tpu.memory_space<semaphore_mem>> -> memref<!tpu.dma_semaphore, #tpu.memory_space<semaphore_mem>>
    tpu.enqueue_indirect_dma source(%dma_start3A_58 : memref<1000000x32xf32, #tpu.memory_space<hbm>>) target(%dma_start3A_52 : memref<128x32xf32, #tpu.memory_space<vmem>>) offsets(%dma_start3A_55 : memref<128xi32, #tpu.memory_space<vmem>>) semaphore(%dma_start3A_60 : memref<!tpu.dma_semaphore, #tpu.memory_space<semaphore_mem>>)
    %dma_start3A_61 = arith.constant 0 : i32
    %dma_start3A_62 = arith.constant 0 : i32
    %dma_start3A_63 = arith.constant 0 : i32
    %dma_start3A_64 = arith.constant 256 : i32
    %dma_start3A_65 = arith.constant 0 : i32
    %dma_start3A_66 = tpu.memref_slice %arg7[%dma_start3A_62, %dma_start3A_64, %dma_start3A_65] : memref<3x512x32xf32, #tpu.memory_space<vmem>> -> memref<1x128x32xf32, #tpu.memory_space<vmem>>
    %dma_start3A_67 = tpu.memref_squeeze %dma_start3A_66 : memref<1x128x32xf32, #tpu.memory_space<vmem>> -> memref<128x32xf32, #tpu.memory_space<vmem>>
    %dma_start3A_68 = arith.constant 256 : i32
    %dma_start3A_69 = tpu.memref_slice %arg6[%dma_start3A_61, %dma_start3A_68] : memref<3x512xi32, #tpu.memory_space<vmem>> -> memref<1x128xi32, #tpu.memory_space<vmem>>
    %dma_start3A_70 = tpu.memref_squeeze %dma_start3A_69 : memref<1x128xi32, #tpu.memory_space<vmem>> -> memref<128xi32, #tpu.memory_space<vmem>>
    %dma_start3A_71 = arith.constant 0 : i32
    %dma_start3A_72 = arith.constant 0 : i32
    %dma_start3A_73 = tpu.memref_slice %arg2[%dma_start3A_71, %dma_start3A_72] : memref<1000000x32xf32, #tpu.memory_space<hbm>> -> memref<1000000x32xf32, #tpu.memory_space<hbm>>
    %dma_start3A_74 = tpu.memref_slice %arg9[%dma_start3A_63] : memref<3x!tpu.dma_semaphore, #tpu.memory_space<semaphore_mem>> -> memref<1x!tpu.dma_semaphore, #tpu.memory_space<semaphore_mem>>
    %dma_start3A_75 = tpu.memref_squeeze %dma_start3A_74 : memref<1x!tpu.dma_semaphore, #tpu.memory_space<semaphore_mem>> -> memref<!tpu.dma_semaphore, #tpu.memory_space<semaphore_mem>>
    tpu.enqueue_indirect_dma source(%dma_start3A_73 : memref<1000000x32xf32, #tpu.memory_space<hbm>>) target(%dma_start3A_67 : memref<128x32xf32, #tpu.memory_space<vmem>>) offsets(%dma_start3A_70 : memref<128xi32, #tpu.memory_space<vmem>>) semaphore(%dma_start3A_75 : memref<!tpu.dma_semaphore, #tpu.memory_space<semaphore_mem>>)
    %dma_start3A_76 = arith.constant 0 : i32
    %dma_start3A_77 = arith.constant 0 : i32
    %dma_start3A_78 = arith.constant 0 : i32
    %dma_start3A_79 = arith.constant 384 : i32
    %dma_start3A_80 = arith.constant 0 : i32
    %dma_start3A_81 = tpu.memref_slice %arg7[%dma_start3A_77, %dma_start3A_79, %dma_start3A_80] : memref<3x512x32xf32, #tpu.memory_space<vmem>> -> memref<1x128x32xf32, #tpu.memory_space<vmem>>
    %dma_start3A_82 = tpu.memref_squeeze %dma_start3A_81 : memref<1x128x32xf32, #tpu.memory_space<vmem>> -> memref<128x32xf32, #tpu.memory_space<vmem>>
    %dma_start3A_83 = arith.constant 384 : i32
    %dma_start3A_84 = tpu.memref_slice %arg6[%dma_start3A_76, %dma_start3A_83] : memref<3x512xi32, #tpu.memory_space<vmem>> -> memref<1x128xi32, #tpu.memory_space<vmem>>
    %dma_start3A_85 = tpu.memref_squeeze %dma_start3A_84 : memref<1x128xi32, #tpu.memory_space<vmem>> -> memref<128xi32, #tpu.memory_space<vmem>>
    %dma_start3A_86 = arith.constant 0 : i32
    %dma_start3A_87 = arith.constant 0 : i32
    %dma_start3A_88 = tpu.memref_slice %arg2[%dma_start3A_86, %dma_start3A_87] : memref<1000000x32xf32, #tpu.memory_space<hbm>> -> memref<1000000x32xf32, #tpu.memory_space<hbm>>
    %dma_start3A_89 = tpu.memref_slice %arg9[%dma_start3A_78] : memref<3x!tpu.dma_semaphore, #tpu.memory_space<semaphore_mem>> -> memref<1x!tpu.dma_semaphore, #tpu.memory_space<semaphore_mem>>
    %dma_start3A_90 = tpu.memref_squeeze %dma_start3A_89 : memref<1x!tpu.dma_semaphore, #tpu.memory_space<semaphore_mem>> -> memref<!tpu.dma_semaphore, #tpu.memory_space<semaphore_mem>>
    tpu.enqueue_indirect_dma source(%dma_start3A_88 : memref<1000000x32xf32, #tpu.memory_space<hbm>>) target(%dma_start3A_82 : memref<128x32xf32, #tpu.memory_space<vmem>>) offsets(%dma_start3A_85 : memref<128xi32, #tpu.memory_space<vmem>>) semaphore(%dma_start3A_90 : memref<!tpu.dma_semaphore, #tpu.memory_space<semaphore_mem>>)
    %mul3A_91 = arith.constant 4 : i32
    %mul3A_92 = arith.muli %add3A, %mul3A_91 : i32
    %add3A_93 = arith.constant 0 : i32
    %add3A_94 = arith.addi %mul3A_92, %add3A_93 : i32
    %mul3A_95 = arith.constant 128 : i32
    %mul3A_96 = arith.muli %add3A_94, %mul3A_95 : i32
    %broadcast_in_dim3A_97 = arith.constant 4 : i32
    %broadcast_in_dim3A_98 = vector.broadcast %broadcast_in_dim3A_97 : i32 to vector<16xi32>
    %parallel_loop3A_99 = arith.constant 0 : i32
    %parallel_loop3A_100 = arith.constant 8 : i32
    %parallel_loop3A_101 = arith.constant 1 : i32
    scf.for %parallel_loop3A_267 = %parallel_loop3A_99 to %parallel_loop3A_100 step %parallel_loop3A_101  : i32 {
      %parallel_loop3A_268 = arith.constant 16 : i32
      %parallel_loop3A_269 = arith.muli %parallel_loop3A_267, %parallel_loop3A_268 : i32
      %parallel_loop3A_270 = vector.broadcast %parallel_loop3A_269 : i32 to vector<16xi32>
      %parallel_loop3A_271 = arith.addi %parallel_loop3A_270, %iota3A : vector<16xi32>
      %parallel_loop3A_272 = tpu.vector_load_idx %arg5[%parallel_loop3A_271, %broadcast_in_dim3A_98] : memref<128x201xi32, #tpu.memory_space<vmem>>[vector<16xi32>, vector<16xi32>], vector<16xi32>,
      %parallel_loop3A_273 = arith.constant 16 : i32
      %parallel_loop3A_274 = arith.muli %parallel_loop3A_267, %parallel_loop3A_273 : i32
      %parallel_loop3A_275 = arith.constant 0 : i32
      %parallel_loop3A_276 = arith.addi %parallel_loop3A_275, %parallel_loop3A_274 : i32
      %parallel_loop3A_277 = arith.constant 1 : i32
      %parallel_loop3A_278 = arith.index_cast %parallel_loop3A_277 : i32 to index
      %parallel_loop3A_279 = arith.index_cast %parallel_loop3A_276 : i32 to index
      %parallel_loop3A_280 = tpu.vector_load %arg6[%parallel_loop3A_278, %parallel_loop3A_279] {strides = array<i32>} : memref<3x512xi32, #tpu.memory_space<vmem>>, vector<16xi32>,
      tpu.vector_store %arg6[%parallel_loop3A_278, %parallel_loop3A_279], %parallel_loop3A_272 {strides = array<i32>} : memref<3x512xi32, #tpu.memory_space<vmem>>, vector<16xi32>,
    } {sc.loop_unroll_factor = 8 : i64, sc.parallel_access}
    %broadcast_in_dim3A_102 = arith.constant 5 : i32
    %broadcast_in_dim3A_103 = vector.broadcast %broadcast_in_dim3A_102 : i32 to vector<16xi32>
    %parallel_loop3A_104 = arith.constant 0 : i32
    %parallel_loop3A_105 = arith.constant 8 : i32
    %parallel_loop3A_106 = arith.constant 1 : i32
    scf.for %parallel_loop3A_267 = %parallel_loop3A_104 to %parallel_loop3A_105 step %parallel_loop3A_106  : i32 {
      %parallel_loop3A_268 = arith.constant 16 : i32
      %parallel_loop3A_269 = arith.muli %parallel_loop3A_267, %parallel_loop3A_268 : i32
      %parallel_loop3A_270 = vector.broadcast %parallel_loop3A_269 : i32 to vector<16xi32>
      %parallel_loop3A_271 = arith.addi %parallel_loop3A_270, %iota3A : vector<16xi32>
      %parallel_loop3A_272 = tpu.vector_load_idx %arg5[%parallel_loop3A_271, %broadcast_in_dim3A_103] : memref<128x201xi32, #tpu.memory_space<vmem>>[vector<16xi32>, vector<16xi32>], vector<16xi32>,
      %parallel_loop3A_273 = arith.constant 16 : i32
      %parallel_loop3A_274 = arith.muli %parallel_loop3A_267, %parallel_loop3A_273 : i32
      %parallel_loop3A_275 = arith.constant 128 : i32
      %parallel_loop3A_276 = arith.addi %parallel_loop3A_275, %parallel_loop3A_274 : i32
      %parallel_loop3A_277 = arith.constant 1 : i32
      %parallel_loop3A_278 = arith.index_cast %parallel_loop3A_277 : i32 to index
      %parallel_loop3A_279 = arith.index_cast %parallel_loop3A_276 : i32 to index
      %parallel_loop3A_280 = tpu.vector_load %arg6[%parallel_loop3A_278, %parallel_loop3A_279] {strides = array<i32>} : memref<3x512xi32, #tpu.memory_space<vmem>>, vector<16xi32>,
      tpu.vector_store %arg6[%parallel_loop3A_278, %parallel_loop3A_279], %parallel_loop3A_272 {strides = array<i32>} : memref<3x512xi32, #tpu.memory_space<vmem>>, vector<16xi32>,
    } {sc.loop_unroll_factor = 8 : i64, sc.parallel_access}
    %broadcast_in_dim3A_107 = arith.constant 6 : i32
    %broadcast_in_dim3A_108 = vector.broadcast %broadcast_in_dim3A_107 : i32 to vector<16xi32>
    %parallel_loop3A_109 = arith.constant 0 : i32
    %parallel_loop3A_110 = arith.constant 8 : i32
    %parallel_loop3A_111 = arith.constant 1 : i32
    scf.for %parallel_loop3A_267 = %parallel_loop3A_109 to %parallel_loop3A_110 step %parallel_loop3A_111  : i32 {
      %parallel_loop3A_268 = arith.constant 16 : i32
      %parallel_loop3A_269 = arith.muli %parallel_loop3A_267, %parallel_loop3A_268 : i32
      %parallel_loop3A_270 = vector.broadcast %parallel_loop3A_269 : i32 to vector<16xi32>
      %parallel_loop3A_271 = arith.addi %parallel_loop3A_270, %iota3A : vector<16xi32>
      %parallel_loop3A_272 = tpu.vector_load_idx %arg5[%parallel_loop3A_271, %broadcast_in_dim3A_108] : memref<128x201xi32, #tpu.memory_space<vmem>>[vector<16xi32>, vector<16xi32>], vector<16xi32>,
      %parallel_loop3A_273 = arith.constant 16 : i32
      %parallel_loop3A_274 = arith.muli %parallel_loop3A_267, %parallel_loop3A_273 : i32
      %parallel_loop3A_275 = arith.constant 256 : i32
      %parallel_loop3A_276 = arith.addi %parallel_loop3A_275, %parallel_loop3A_274 : i32
      %parallel_loop3A_277 = arith.constant 1 : i32
      %parallel_loop3A_278 = arith.index_cast %parallel_loop3A_277 : i32 to index
      %parallel_loop3A_279 = arith.index_cast %parallel_loop3A_276 : i32 to index
      %parallel_loop3A_280 = tpu.vector_load %arg6[%parallel_loop3A_278, %parallel_loop3A_279] {strides = array<i32>} : memref<3x512xi32, #tpu.memory_space<vmem>>, vector<16xi32>,
      tpu.vector_store %arg6[%parallel_loop3A_278, %parallel_loop3A_279], %parallel_loop3A_272 {strides = array<i32>} : memref<3x512xi32, #tpu.memory_space<vmem>>, vector<16xi32>,
    } {sc.loop_unroll_factor = 8 : i64, sc.parallel_access}
    %broadcast_in_dim3A_112 = arith.constant 7 : i32
    %broadcast_in_dim3A_113 = vector.broadcast %broadcast_in_dim3A_112 : i32 to vector<16xi32>
    %parallel_loop3A_114 = arith.constant 0 : i32
    %parallel_loop3A_115 = arith.constant 8 : i32
    %parallel_loop3A_116 = arith.constant 1 : i32
    scf.for %parallel_loop3A_267 = %parallel_loop3A_114 to %parallel_loop3A_115 step %parallel_loop3A_116  : i32 {
      %parallel_loop3A_268 = arith.constant 16 : i32
      %parallel_loop3A_269 = arith.muli %parallel_loop3A_267, %parallel_loop3A_268 : i32
      %parallel_loop3A_270 = vector.broadcast %parallel_loop3A_269 : i32 to vector<16xi32>
      %parallel_loop3A_271 = arith.addi %parallel_loop3A_270, %iota3A : vector<16xi32>
      %parallel_loop3A_272 = tpu.vector_load_idx %arg5[%parallel_loop3A_271, %broadcast_in_dim3A_113] : memref<128x201xi32, #tpu.memory_space<vmem>>[vector<16xi32>, vector<16xi32>], vector<16xi32>,
      %parallel_loop3A_273 = arith.constant 16 : i32
      %parallel_loop3A_274 = arith.muli %parallel_loop3A_267, %parallel_loop3A_273 : i32
      %parallel_loop3A_275 = arith.constant 384 : i32
      %parallel_loop3A_276 = arith.addi %parallel_loop3A_275, %parallel_loop3A_274 : i32
      %parallel_loop3A_277 = arith.constant 1 : i32
      %parallel_loop3A_278 = arith.index_cast %parallel_loop3A_277 : i32 to index
      %parallel_loop3A_279 = arith.index_cast %parallel_loop3A_276 : i32 to index
      %parallel_loop3A_280 = tpu.vector_load %arg6[%parallel_loop3A_278, %parallel_loop3A_279] {strides = array<i32>} : memref<3x512xi32, #tpu.memory_space<vmem>>, vector<16xi32>,
      tpu.vector_store %arg6[%parallel_loop3A_278, %parallel_loop3A_279], %parallel_loop3A_272 {strides = array<i32>} : memref<3x512xi32, #tpu.memory_space<vmem>>, vector<16xi32>,
    } {sc.loop_unroll_factor = 8 : i64, sc.parallel_access}
    %dma_start3A_117 = arith.constant 1 : i32
    %dma_start3A_118 = arith.constant 1 : i32
    %dma_start3A_119 = arith.constant 1 : i32
    %dma_start3A_120 = arith.constant 0 : i32
    %dma_start3A_121 = arith.constant 0 : i32
    %dma_start3A_122 = tpu.memref_slice %arg7[%dma_start3A_118, %dma_start3A_120, %dma_start3A_121] : memref<3x512x32xf32, #tpu.memory_space<vmem>> -> memref<1x128x32xf32, #tpu.memory_space<vmem>>
    %dma_start3A_123 = tpu.memref_squeeze %dma_start3A_122 : memref<1x128x32xf32, #tpu.memory_space<vmem>> -> memref<128x32xf32, #tpu.memory_space<vmem>>
    %dma_start3A_124 = arith.constant 0 : i32
    %dma_start3A_125 = tpu.memref_slice %arg6[%dma_start3A_117, %dma_start3A_124] : memref<3x512xi32, #tpu.memory_space<vmem>> -> memref<1x128xi32, #tpu.memory_space<vmem>>
    %dma_start3A_126 = tpu.memref_squeeze %dma_start3A_125 : memref<1x128xi32, #tpu.memory_space<vmem>> -> memref<128xi32, #tpu.memory_space<vmem>>
    %dma_start3A_127 = arith.constant 0 : i32
    %dma_start3A_128 = arith.constant 0 : i32
    %dma_start3A_129 = tpu.memref_slice %arg2[%dma_start3A_127, %dma_start3A_128] : memref<1000000x32xf32, #tpu.memory_space<hbm>> -> memref<1000000x32xf32, #tpu.memory_space<hbm>>
    %dma_start3A_130 = tpu.memref_slice %arg9[%dma_start3A_119] : memref<3x!tpu.dma_semaphore, #tpu.memory_space<semaphore_mem>> -> memref<1x!tpu.dma_semaphore, #tpu.memory_space<semaphore_mem>>
    %dma_start3A_131 = tpu.memref_squeeze %dma_start3A_130 : memref<1x!tpu.dma_semaphore, #tpu.memory_space<semaphore_mem>> -> memref<!tpu.dma_semaphore, #tpu.memory_space<semaphore_mem>>
    tpu.enqueue_indirect_dma source(%dma_start3A_129 : memref<1000000x32xf32, #tpu.memory_space<hbm>>) target(%dma_start3A_123 : memref<128x32xf32, #tpu.memory_space<vmem>>) offsets(%dma_start3A_126 : memref<128xi32, #tpu.memory_space<vmem>>) semaphore(%dma_start3A_131 : memref<!tpu.dma_semaphore, #tpu.memory_space<semaphore_mem>>)
    %dma_start3A_132 = arith.constant 1 : i32
    %dma_start3A_133 = arith.constant 1 : i32
    %dma_start3A_134 = arith.constant 1 : i32
    %dma_start3A_135 = arith.constant 128 : i32
    %dma_start3A_136 = arith.constant 0 : i32
    %dma_start3A_137 = tpu.memref_slice %arg7[%dma_start3A_133, %dma_start3A_135, %dma_start3A_136] : memref<3x512x32xf32, #tpu.memory_space<vmem>> -> memref<1x128x32xf32, #tpu.memory_space<vmem>>
    %dma_start3A_138 = tpu.memref_squeeze %dma_start3A_137 : memref<1x128x32xf32, #tpu.memory_space<vmem>> -> memref<128x32xf32, #tpu.memory_space<vmem>>
    %dma_start3A_139 = arith.constant 128 : i32
    %dma_start3A_140 = tpu.memref_slice %arg6[%dma_start3A_132, %dma_start3A_139] : memref<3x512xi32, #tpu.memory_space<vmem>> -> memref<1x128xi32, #tpu.memory_space<vmem>>
    %dma_start3A_141 = tpu.memref_squeeze %dma_start3A_140 : memref<1x128xi32, #tpu.memory_space<vmem>> -> memref<128xi32, #tpu.memory_space<vmem>>
    %dma_start3A_142 = arith.constant 0 : i32
    %dma_start3A_143 = arith.constant 0 : i32
    %dma_start3A_144 = tpu.memref_slice %arg2[%dma_start3A_142, %dma_start3A_143] : memref<1000000x32xf32, #tpu.memory_space<hbm>> -> memref<1000000x32xf32, #tpu.memory_space<hbm>>
    %dma_start3A_145 = tpu.memref_slice %arg9[%dma_start3A_134] : memref<3x!tpu.dma_semaphore, #tpu.memory_space<semaphore_mem>> -> memref<1x!tpu.dma_semaphore, #tpu.memory_space<semaphore_mem>>
    %dma_start3A_146 = tpu.memref_squeeze %dma_start3A_145 : memref<1x!tpu.dma_semaphore, #tpu.memory_space<semaphore_mem>> -> memref<!tpu.dma_semaphore, #tpu.memory_space<semaphore_mem>>
    tpu.enqueue_indirect_dma source(%dma_start3A_144 : memref<1000000x32xf32, #tpu.memory_space<hbm>>) target(%dma_start3A_138 : memref<128x32xf32, #tpu.memory_space<vmem>>) offsets(%dma_start3A_141 : memref<128xi32, #tpu.memory_space<vmem>>) semaphore(%dma_start3A_146 : memref<!tpu.dma_semaphore, #tpu.memory_space<semaphore_mem>>)
    %dma_start3A_147 = arith.constant 1 : i32
    %dma_start3A_148 = arith.constant 1 : i32
    %dma_start3A_149 = arith.constant 1 : i32
    %dma_start3A_150 = arith.constant 256 : i32
    %dma_start3A_151 = arith.constant 0 : i32
    %dma_start3A_152 = tpu.memref_slice %arg7[%dma_start3A_148, %dma_start3A_150, %dma_start3A_151] : memref<3x512x32xf32, #tpu.memory_space<vmem>> -> memref<1x128x32xf32, #tpu.memory_space<vmem>>
    %dma_start3A_153 = tpu.memref_squeeze %dma_start3A_152 : memref<1x128x32xf32, #tpu.memory_space<vmem>> -> memref<128x32xf32, #tpu.memory_space<vmem>>
    %dma_start3A_154 = arith.constant 256 : i32
    %dma_start3A_155 = tpu.memref_slice %arg6[%dma_start3A_147, %dma_start3A_154] : memref<3x512xi32, #tpu.memory_space<vmem>> -> memref<1x128xi32, #tpu.memory_space<vmem>>
    %dma_start3A_156 = tpu.memref_squeeze %dma_start3A_155 : memref<1x128xi32, #tpu.memory_space<vmem>> -> memref<128xi32, #tpu.memory_space<vmem>>
    %dma_start3A_157 = arith.constant 0 : i32
    %dma_start3A_158 = arith.constant 0 : i32
    %dma_start3A_159 = tpu.memref_slice %arg2[%dma_start3A_157, %dma_start3A_158] : memref<1000000x32xf32, #tpu.memory_space<hbm>> -> memref<1000000x32xf32, #tpu.memory_space<hbm>>
    %dma_start3A_160 = tpu.memref_slice %arg9[%dma_start3A_149] : memref<3x!tpu.dma_semaphore, #tpu.memory_space<semaphore_mem>> -> memref<1x!tpu.dma_semaphore, #tpu.memory_space<semaphore_mem>>
    %dma_start3A_161 = tpu.memref_squeeze %dma_start3A_160 : memref<1x!tpu.dma_semaphore, #tpu.memory_space<semaphore_mem>> -> memref<!tpu.dma_semaphore, #tpu.memory_space<semaphore_mem>>
    tpu.enqueue_indirect_dma source(%dma_start3A_159 : memref<1000000x32xf32, #tpu.memory_space<hbm>>) target(%dma_start3A_153 : memref<128x32xf32, #tpu.memory_space<vmem>>) offsets(%dma_start3A_156 : memref<128xi32, #tpu.memory_space<vmem>>) semaphore(%dma_start3A_161 : memref<!tpu.dma_semaphore, #tpu.memory_space<semaphore_mem>>)
    %dma_start3A_162 = arith.constant 1 : i32
    %dma_start3A_163 = arith.constant 1 : i32
    %dma_start3A_164 = arith.constant 1 : i32
    %dma_start3A_165 = arith.constant 384 : i32
    %dma_start3A_166 = arith.constant 0 : i32
    %dma_start3A_167 = tpu.memref_slice %arg7[%dma_start3A_163, %dma_start3A_165, %dma_start3A_166] : memref<3x512x32xf32, #tpu.memory_space<vmem>> -> memref<1x128x32xf32, #tpu.memory_space<vmem>>
    %dma_start3A_168 = tpu.memref_squeeze %dma_start3A_167 : memref<1x128x32xf32, #tpu.memory_space<vmem>> -> memref<128x32xf32, #tpu.memory_space<vmem>>
    %dma_start3A_169 = arith.constant 384 : i32
    %dma_start3A_170 = tpu.memref_slice %arg6[%dma_start3A_162, %dma_start3A_169] : memref<3x512xi32, #tpu.memory_space<vmem>> -> memref<1x128xi32, #tpu.memory_space<vmem>>
    %dma_start3A_171 = tpu.memref_squeeze %dma_start3A_170 : memref<1x128xi32, #tpu.memory_space<vmem>> -> memref<128xi32, #tpu.memory_space<vmem>>
    %dma_start3A_172 = arith.constant 0 : i32
    %dma_start3A_173 = arith.constant 0 : i32
    %dma_start3A_174 = tpu.memref_slice %arg2[%dma_start3A_172, %dma_start3A_173] : memref<1000000x32xf32, #tpu.memory_space<hbm>> -> memref<1000000x32xf32, #tpu.memory_space<hbm>>
    %dma_start3A_175 = tpu.memref_slice %arg9[%dma_start3A_164] : memref<3x!tpu.dma_semaphore, #tpu.memory_space<semaphore_mem>> -> memref<1x!tpu.dma_semaphore, #tpu.memory_space<semaphore_mem>>
    %dma_start3A_176 = tpu.memref_squeeze %dma_start3A_175 : memref<1x!tpu.dma_semaphore, #tpu.memory_space<semaphore_mem>> -> memref<!tpu.dma_semaphore, #tpu.memory_space<semaphore_mem>>
    tpu.enqueue_indirect_dma source(%dma_start3A_174 : memref<1000000x32xf32, #tpu.memory_space<hbm>>) target(%dma_start3A_168 : memref<128x32xf32, #tpu.memory_space<vmem>>) offsets(%dma_start3A_171 : memref<128xi32, #tpu.memory_space<vmem>>) semaphore(%dma_start3A_176 : memref<!tpu.dma_semaphore, #tpu.memory_space<semaphore_mem>>)
    %scan3A = arith.constant 0 : i32
    %scan3A_177 = arith.constant 67 : i32
    %scan3A_178 = arith.addi %scan3A, %scan3A_177 : i32
    %scan3A_179 = arith.constant 1 : i32
    scf.for %scan3A_267 = %scan3A to %scan3A_178 step %scan3A_179  : i32 {
      %mul3A_268 = arith.constant 1 : i32
      %mul3A_269 = arith.muli %scan3A_267, %mul3A_268 : i32
      %add3A_270 = arith.constant 0 : i32
      %add3A_271 = arith.addi %add3A_270, %mul3A_269 : i32
      %mul3A_272 = arith.constant 3 : i32
      %mul3A_273 = arith.muli %add3A_271, %mul3A_272 : i32
      %add3A_274 = arith.constant 0 : i32
      %add3A_275 = arith.addi %mul3A_273, %add3A_274 : i32
      %lt3A = arith.constant 200 : i32
      %lt3A_276 = arith.cmpi slt, %add3A_275, %lt3A : i32
      %convert_element_type3A = arith.extui %lt3A_276 : i1 to i32
      %cond3A = arith.constant 0 : i32
      %cond3A_277 = arith.cmpi ne, %convert_element_type3A, %cond3A : i32
      scf.if %cond3A_277 {
        %dma_wait3A_296 = arith.constant 0 : i32
        %dma_wait3A_297 = arith.constant 0 : i32
        %dma_wait3A_298 = arith.constant 0 : i32
        %dma_wait3A_299 = arith.constant 0 : i32
        %dma_wait3A_300 = tpu.memref_slice %arg7[%dma_wait3A_296, %dma_wait3A_298, %dma_wait3A_299] : memref<3x512x32xf32, #tpu.memory_space<vmem>> -> memref<1x512x32xf32, #tpu.memory_space<vmem>>
        %dma_wait3A_301 = tpu.memref_squeeze %dma_wait3A_300 : memref<1x512x32xf32, #tpu.memory_space<vmem>> -> memref<512x32xf32, #tpu.memory_space<vmem>>
        %dma_wait3A_302 = arith.constant 0 : i32
        %dma_wait3A_303 = arith.constant 0 : i32
        %dma_wait3A_304 = tpu.memref_slice %arg2[%dma_wait3A_302, %dma_wait3A_303] : memref<1000000x32xf32, #tpu.memory_space<hbm>> -> memref<512x32xf32, #tpu.memory_space<hbm>>
        %dma_wait3A_305 = tpu.memref_slice %arg9[%dma_wait3A_297] : memref<3x!tpu.dma_semaphore, #tpu.memory_space<semaphore_mem>> -> memref<1x!tpu.dma_semaphore, #tpu.memory_space<semaphore_mem>>
        %dma_wait3A_306 = tpu.memref_squeeze %dma_wait3A_305 : memref<1x!tpu.dma_semaphore, #tpu.memory_space<semaphore_mem>> -> memref<!tpu.dma_semaphore, #tpu.memory_space<semaphore_mem>>
        %dma_wait3A_307 = arith.constant 0 : i32
        %dma_wait3A_308 = arith.constant 0 : i32
        %dma_wait3A_309 = tpu.memref_slice %arg7[%dma_wait3A_296, %dma_wait3A_307, %dma_wait3A_308] : memref<3x512x32xf32, #tpu.memory_space<vmem>> -> memref<1x512x32xf32, #tpu.memory_space<vmem>>
        %dma_wait3A_310 = tpu.memref_squeeze %dma_wait3A_309 : memref<1x512x32xf32, #tpu.memory_space<vmem>> -> memref<512x32xf32, #tpu.memory_space<vmem>>
        %dma_wait3A_311 = arith.constant 0 : i32
        %dma_wait3A_312 = arith.constant 0 : i32
        %dma_wait3A_313 = tpu.memref_slice %arg2[%dma_wait3A_311, %dma_wait3A_312] : memref<1000000x32xf32, #tpu.memory_space<hbm>> -> memref<512x32xf32, #tpu.memory_space<hbm>>
        tpu.wait_dma2 semaphore(%dma_wait3A_306 : memref<!tpu.dma_semaphore, #tpu.memory_space<semaphore_mem>>) src(%dma_wait3A_313 : memref<512x32xf32, #tpu.memory_space<hbm>>) dst(%dma_wait3A_310 : memref<512x32xf32, #tpu.memory_space<vmem>>)
        %add3A_314 = arith.constant 2 : i32
        %add3A_315 = arith.addi %add3A_275, %add3A_314 : i32
        %lt3A_316 = arith.constant 200 : i32
        %lt3A_317 = arith.cmpi slt, %add3A_315, %lt3A_316 : i32
        %convert_element_type3A_318 = arith.extui %lt3A_317 : i1 to i32
        %cond3A_319 = arith.constant 0 : i32
        %cond3A_320 = arith.cmpi ne, %convert_element_type3A_318, %cond3A_319 : i32
        scf.if %cond3A_320 {
          %add3A_396 = arith.constant 2 : i32
          %add3A_397 = arith.addi %add3A_275, %add3A_396 : i32
          %ge3A = arith.constant 3 : i32
          %ge3A_398 = arith.cmpi sge, %add3A_397, %ge3A : i32
          %convert_element_type3A_399 = arith.extui %ge3A_398 : i1 to i32
          %cond3A_400 = arith.constant 0 : i32
          %cond3A_401 = arith.cmpi ne, %convert_element_type3A_399, %cond3A_400 : i32
          scf.if %cond3A_401 {
            %dma_wait3A_556 = arith.constant 2 : i32
            %dma_wait3A_557 = arith.constant 0 : i32
            %dma_wait3A_558 = arith.constant 2 : i32
            %dma_wait3A_559 = arith.constant 0 : i32
            %dma_wait3A_560 = arith.constant 0 : i32
            %dma_wait3A_561 = arith.constant 0 : i32
            %dma_wait3A_562 = arith.constant 0 : i32
            %dma_wait3A_563 = tpu.memref_slice %arg8[%dma_wait3A_556, %dma_wait3A_559, %dma_wait3A_560, %dma_wait3A_561, %dma_wait3A_562] : memref<3x4x4x8x129xf32, #tpu.memory_space<vmem>> -> memref<1x4x4x8x128xf32, #tpu.memory_space<vmem>>
            %dma_wait3A_564 = tpu.memref_squeeze %dma_wait3A_563 : memref<1x4x4x8x128xf32, #tpu.memory_space<vmem>> -> memref<4x4x8x128xf32, #tpu.memory_space<vmem>>
            %dma_wait3A_565 = arith.constant 0 : i32
            %dma_wait3A_566 = arith.constant 0 : i32
            %dma_wait3A_567 = arith.constant 0 : i32
            %dma_wait3A_568 = arith.constant 0 : i32
            %dma_wait3A_569 = tpu.memref_slice %arg4[%dma_wait3A_565, %dma_wait3A_566, %dma_wait3A_557, %dma_wait3A_567, %dma_wait3A_568] : memref<200x4x128x8x128xf32, #tpu.memory_space<hbm>> -> memref<4x4x1x8x128xf32, #tpu.memory_space<hbm>>
            %dma_wait3A_570 = tpu.memref_squeeze %dma_wait3A_569 : memref<4x4x1x8x128xf32, #tpu.memory_space<hbm>> -> memref<4x4x8x128xf32, #tpu.memory_space<hbm>>
            %dma_wait3A_571 = tpu.memref_slice %arg10[%dma_wait3A_558] : memref<3x!tpu.dma_semaphore, #tpu.memory_space<semaphore_mem>> -> memref<1x!tpu.dma_semaphore, #tpu.memory_space<semaphore_mem>>
            %dma_wait3A_572 = tpu.memref_squeeze %dma_wait3A_571 : memref<1x!tpu.dma_semaphore, #tpu.memory_space<semaphore_mem>> -> memref<!tpu.dma_semaphore, #tpu.memory_space<semaphore_mem>>
            %dma_wait3A_573 = arith.constant 0 : i32
            %dma_wait3A_574 = arith.constant 0 : i32
            %dma_wait3A_575 = arith.constant 0 : i32
            %dma_wait3A_576 = arith.constant 0 : i32
            %dma_wait3A_577 = tpu.memref_slice %arg4[%dma_wait3A_573, %dma_wait3A_574, %dma_wait3A_557, %dma_wait3A_575, %dma_wait3A_576] : memref<200x4x128x8x128xf32, #tpu.memory_space<hbm>> -> memref<4x4x1x8x128xf32, #tpu.memory_space<hbm>>
            %dma_wait3A_578 = tpu.memref_squeeze %dma_wait3A_577 : memref<4x4x1x8x128xf32, #tpu.memory_space<hbm>> -> memref<4x4x8x128xf32, #tpu.memory_space<hbm>>
            %dma_wait3A_579 = arith.constant 0 : i32
            %dma_wait3A_580 = arith.constant 0 : i32
            %dma_wait3A_581 = arith.constant 0 : i32
            %dma_wait3A_582 = arith.constant 0 : i32
            %dma_wait3A_583 = tpu.memref_slice %arg8[%dma_wait3A_556, %dma_wait3A_579, %dma_wait3A_580, %dma_wait3A_581, %dma_wait3A_582] : memref<3x4x4x8x129xf32, #tpu.memory_space<vmem>> -> memref<1x4x4x8x128xf32, #tpu.memory_space<vmem>>
            %dma_wait3A_584 = tpu.memref_squeeze %dma_wait3A_583 : memref<1x4x4x8x128xf32, #tpu.memory_space<vmem>> -> memref<4x4x8x128xf32, #tpu.memory_space<vmem>>
            tpu.wait_dma2 semaphore(%dma_wait3A_572 : memref<!tpu.dma_semaphore, #tpu.memory_space<semaphore_mem>>) src(%dma_wait3A_584 : memref<4x4x8x128xf32, #tpu.memory_space<vmem>>) dst(%dma_wait3A_578 : memref<4x4x8x128xf32, #tpu.memory_space<hbm>>)
          } else {
          }
          %add3A_402 = arith.constant 2 : i32
          %add3A_403 = arith.addi %add3A_275, %add3A_402 : i32
          %jit3A_404 = arith.constant 50 : i32
          %div3A_405 = arith.divsi %add3A_403, %jit3A_404 : i32
          %sign3A_406 = arith.constant 0 : i32
          %sign3A_407 = arith.cmpi sgt, %add3A_403, %sign3A_406 : i32
          %sign3A_408 = arith.extui %sign3A_407 : i1 to i32
          %sign3A_409 = arith.constant 0 : i32
          %sign3A_410 = arith.cmpi slt, %add3A_403, %sign3A_409 : i32
          %sign3A_411 = arith.extui %sign3A_410 : i1 to i32
          %sign3A_412 = arith.subi %sign3A_408, %sign3A_411 : i32
          %sign3A_413 = arith.constant 0 : i32
          %sign3A_414 = arith.cmpi sgt, %jit3A_404, %sign3A_413 : i32
          %sign3A_415 = arith.extui %sign3A_414 : i1 to i32
          %sign3A_416 = arith.constant 0 : i32
          %sign3A_417 = arith.cmpi slt, %jit3A_404, %sign3A_416 : i32
          %sign3A_418 = arith.extui %sign3A_417 : i1 to i32
          %sign3A_419 = arith.subi %sign3A_415, %sign3A_418 : i32
          %ne3A_420 = arith.cmpi ne, %sign3A_412, %sign3A_419 : i32
          %rem3A_421 = arith.remsi %add3A_403, %jit3A_404 : i32
          %ne3A_422 = arith.constant 0 : i32
          %ne3A_423 = arith.cmpi ne, %rem3A_421, %ne3A_422 : i32
          %and3A_424 = arith.andi %ne3A_420, %ne3A_423 : i1
          %sub3A_425 = arith.constant 1 : i32
          %sub3A_426 = arith.subi %div3A_405, %sub3A_425 : i32
          %select_n3A_427 = arith.select %and3A_424, %sub3A_426, %div3A_405 : i32
          %jit3A_428 = arith.constant 50 : i32
          %eq3A_429 = arith.constant 0 : i32
          %eq3A_430 = arith.cmpi eq, %jit3A_428, %eq3A_429 : i32
          %jit3A_431 = arith.constant 1 : i32
          %select_n3A_432 = arith.select %eq3A_430, %jit3A_431, %jit3A_428 : i32
          %rem3A_433 = arith.remsi %add3A_403, %select_n3A_432 : i32
          %ne3A_434 = arith.constant 0 : i32
          %ne3A_435 = arith.cmpi ne, %rem3A_433, %ne3A_434 : i32
          %lt3A_436 = arith.constant 0 : i32
          %lt3A_437 = arith.cmpi slt, %rem3A_433, %lt3A_436 : i32
          %lt3A_438 = arith.constant 0 : i32
          %lt3A_439 = arith.cmpi slt, %select_n3A_432, %lt3A_438 : i32
          %ne3A_440 = arith.xori %lt3A_437, %lt3A_439 : i1
          %and3A_441 = arith.andi %ne3A_440, %ne3A_435 : i1
          %add3A_442 = arith.addi %rem3A_433, %select_n3A_432 : i32
          %select_n3A_443 = arith.select %and3A_441, %add3A_442, %rem3A_433 : i32
          %mul3A_444 = arith.constant 4 : i32
          %mul3A_445 = arith.muli %select_n3A_443, %mul3A_444 : i32
          %mul3A_446 = arith.constant 4 : i32
          %mul3A_447 = arith.muli %add3A, %mul3A_446 : i32
          %add3A_448 = arith.addi %mul3A_447, %select_n3A_427 : i32
          %mul3A_449 = arith.constant 128 : i32
          %mul3A_450 = arith.muli %add3A_448, %mul3A_449 : i32
          %jit3A_451 = arith.constant 50 : i32
          %eq3A_452 = arith.constant 0 : i32
          %eq3A_453 = arith.cmpi eq, %jit3A_451, %eq3A_452 : i32
          %jit3A_454 = arith.constant 1 : i32
          %select_n3A_455 = arith.select %eq3A_453, %jit3A_454, %jit3A_451 : i32
          %rem3A_456 = arith.remsi %add3A_403, %select_n3A_455 : i32
          %ne3A_457 = arith.constant 0 : i32
          %ne3A_458 = arith.cmpi ne, %rem3A_456, %ne3A_457 : i32
          %lt3A_459 = arith.constant 0 : i32
          %lt3A_460 = arith.cmpi slt, %rem3A_456, %lt3A_459 : i32
          %lt3A_461 = arith.constant 0 : i32
          %lt3A_462 = arith.cmpi slt, %select_n3A_455, %lt3A_461 : i32
          %ne3A_463 = arith.xori %lt3A_460, %lt3A_462 : i1
          %and3A_464 = arith.andi %ne3A_463, %ne3A_458 : i1
          %add3A_465 = arith.addi %rem3A_456, %select_n3A_455 : i32
          %select_n3A_466 = arith.select %and3A_464, %add3A_465, %rem3A_456 : i32
          %eq3A_467 = arith.constant 0 : i32
          %eq3A_468 = arith.cmpi eq, %select_n3A_466, %eq3A_467 : i32
          %convert_element_type3A_469 = arith.extui %eq3A_468 : i1 to i32
          %cond3A_470 = arith.constant 0 : i32
          %cond3A_471 = arith.cmpi ne, %convert_element_type3A_469, %cond3A_470 : i32
          scf.if %cond3A_471 {
            "tpu.region"() ({
              %run_scoped3A = tpu.sem_alloc : memref<!tpu.dma_semaphore, #tpu.memory_space<semaphore_mem>>
              %dma_start3A_556 = arith.constant 0 : i32
              %dma_start3A_557 = arith.constant 0 : i32
              %dma_start3A_558 = tpu.memref_slice %arg5[%dma_start3A_556, %dma_start3A_557] : memref<128x201xi32, #tpu.memory_space<vmem>> -> memref<128x200xi32, #tpu.memory_space<vmem>>
              %dma_start3A_559 = arith.constant 0 : i32
              %dma_start3A_560 = tpu.memref_slice %arg3[%mul3A_450, %dma_start3A_559] : memref<16384x200xi32, #tpu.memory_space<hbm>> -> memref<128x200xi32, #tpu.memory_space<hbm>>
              %dma_start3A_561 = arith.constant 0 : i32
              %dma_start3A_562 = arith.constant 0 : i32
              %dma_start3A_563 = tpu.memref_slice %arg5[%dma_start3A_561, %dma_start3A_562] : memref<128x201xi32, #tpu.memory_space<vmem>> -> memref<128x200xi32, #tpu.memory_space<vmem>>
              %dma_start3A_564 = arith.constant 0 : i32
              %dma_start3A_565 = tpu.memref_slice %arg3[%mul3A_450, %dma_start3A_564] : memref<16384x200xi32, #tpu.memory_space<hbm>> -> memref<128x200xi32, #tpu.memory_space<hbm>>
              tpu.enqueue_dma source(%dma_start3A_565 : memref<128x200xi32, #tpu.memory_space<hbm>>) target(%dma_start3A_563 : memref<128x200xi32, #tpu.memory_space<vmem>>) target_semaphore(%run_scoped3A : memref<!tpu.dma_semaphore, #tpu.memory_space<semaphore_mem>>)
              %dma_wait3A_566 = arith.constant 0 : i32
              %dma_wait3A_567 = arith.constant 0 : i32
              %dma_wait3A_568 = tpu.memref_slice %arg5[%dma_wait3A_566, %dma_wait3A_567] : memref<128x201xi32, #tpu.memory_space<vmem>> -> memref<128x200xi32, #tpu.memory_space<vmem>>
              %dma_wait3A_569 = arith.constant 0 : i32
              %dma_wait3A_570 = tpu.memref_slice %arg3[%mul3A_450, %dma_wait3A_569] : memref<16384x200xi32, #tpu.memory_space<hbm>> -> memref<128x200xi32, #tpu.memory_space<hbm>>
              %dma_wait3A_571 = arith.constant 0 : i32
              %dma_wait3A_572 = arith.constant 0 : i32
              %dma_wait3A_573 = tpu.memref_slice %arg5[%dma_wait3A_571, %dma_wait3A_572] : memref<128x201xi32, #tpu.memory_space<vmem>> -> memref<128x200xi32, #tpu.memory_space<vmem>>
              %dma_wait3A_574 = arith.constant 0 : i32
              %dma_wait3A_575 = tpu.memref_slice %arg3[%mul3A_450, %dma_wait3A_574] : memref<16384x200xi32, #tpu.memory_space<hbm>> -> memref<128x200xi32, #tpu.memory_space<hbm>>
              tpu.wait_dma2 semaphore(%run_scoped3A : memref<!tpu.dma_semaphore, #tpu.memory_space<semaphore_mem>>) src(%dma_wait3A_575 : memref<128x200xi32, #tpu.memory_space<hbm>>) dst(%dma_wait3A_573 : memref<128x200xi32, #tpu.memory_space<vmem>>)
              tpu.yield
            }) : () -> ()
          } else {
          }
          %add3A_472 = arith.constant 0 : i32
          %add3A_473 = arith.addi %mul3A_445, %add3A_472 : i32
          %broadcast_in_dim3A_474 = vector.broadcast %add3A_473 : i32 to vector<16xi32>
          %parallel_loop3A_475 = arith.constant 0 : i32
          %parallel_loop3A_476 = arith.constant 8 : i32
          %parallel_loop3A_477 = arith.constant 1 : i32
          scf.for %parallel_loop3A_556 = %parallel_loop3A_475 to %parallel_loop3A_476 step %parallel_loop3A_477  : i32 {
            %parallel_loop3A_557 = arith.constant 16 : i32
            %parallel_loop3A_558 = arith.muli %parallel_loop3A_556, %parallel_loop3A_557 : i32
            %parallel_loop3A_559 = vector.broadcast %parallel_loop3A_558 : i32 to vector<16xi32>
            %parallel_loop3A_560 = arith.addi %parallel_loop3A_559, %iota3A : vector<16xi32>
            %parallel_loop3A_561 = tpu.vector_load_idx %arg5[%parallel_loop3A_560, %broadcast_in_dim3A_474] : memref<128x201xi32, #tpu.memory_space<vmem>>[vector<16xi32>, vector<16xi32>], vector<16xi32>,
            %parallel_loop3A_562 = arith.constant 16 : i32
            %parallel_loop3A_563 = arith.muli %parallel_loop3A_556, %parallel_loop3A_562 : i32
            %parallel_loop3A_564 = arith.constant 0 : i32
            %parallel_loop3A_565 = arith.addi %parallel_loop3A_564, %parallel_loop3A_563 : i32
            %parallel_loop3A_566 = arith.constant 2 : i32
            %parallel_loop3A_567 = arith.index_cast %parallel_loop3A_566 : i32 to index
            %parallel_loop3A_568 = arith.index_cast %parallel_loop3A_565 : i32 to index
            %parallel_loop3A_569 = tpu.vector_load %arg6[%parallel_loop3A_567, %parallel_loop3A_568] {strides = array<i32>} : memref<3x512xi32, #tpu.memory_space<vmem>>, vector<16xi32>,
            tpu.vector_store %arg6[%parallel_loop3A_567, %parallel_loop3A_568], %parallel_loop3A_561 {strides = array<i32>} : memref<3x512xi32, #tpu.memory_space<vmem>>, vector<16xi32>,
          } {sc.loop_unroll_factor = 8 : i64, sc.parallel_access}
          %add3A_478 = arith.constant 1 : i32
          %add3A_479 = arith.addi %mul3A_445, %add3A_478 : i32
          %broadcast_in_dim3A_480 = vector.broadcast %add3A_479 : i32 to vector<16xi32>
          %parallel_loop3A_481 = arith.constant 0 : i32
          %parallel_loop3A_482 = arith.constant 8 : i32
          %parallel_loop3A_483 = arith.constant 1 : i32
          scf.for %parallel_loop3A_556 = %parallel_loop3A_481 to %parallel_loop3A_482 step %parallel_loop3A_483  : i32 {
            %parallel_loop3A_557 = arith.constant 16 : i32
            %parallel_loop3A_558 = arith.muli %parallel_loop3A_556, %parallel_loop3A_557 : i32
            %parallel_loop3A_559 = vector.broadcast %parallel_loop3A_558 : i32 to vector<16xi32>
            %parallel_loop3A_560 = arith.addi %parallel_loop3A_559, %iota3A : vector<16xi32>
            %parallel_loop3A_561 = tpu.vector_load_idx %arg5[%parallel_loop3A_560, %broadcast_in_dim3A_480] : memref<128x201xi32, #tpu.memory_space<vmem>>[vector<16xi32>, vector<16xi32>], vector<16xi32>,
            %parallel_loop3A_562 = arith.constant 16 : i32
            %parallel_loop3A_563 = arith.muli %parallel_loop3A_556, %parallel_loop3A_562 : i32
            %parallel_loop3A_564 = arith.constant 128 : i32
            %parallel_loop3A_565 = arith.addi %parallel_loop3A_564, %parallel_loop3A_563 : i32
            %parallel_loop3A_566 = arith.constant 2 : i32
            %parallel_loop3A_567 = arith.index_cast %parallel_loop3A_566 : i32 to index
            %parallel_loop3A_568 = arith.index_cast %parallel_loop3A_565 : i32 to index
            %parallel_loop3A_569 = tpu.vector_load %arg6[%parallel_loop3A_567, %parallel_loop3A_568] {strides = array<i32>} : memref<3x512xi32, #tpu.memory_space<vmem>>, vector<16xi32>,
            tpu.vector_store %arg6[%parallel_loop3A_567, %parallel_loop3A_568], %parallel_loop3A_561 {strides = array<i32>} : memref<3x512xi32, #tpu.memory_space<vmem>>, vector<16xi32>,
          } {sc.loop_unroll_factor = 8 : i64, sc.parallel_access}
          %add3A_484 = arith.constant 2 : i32
          %add3A_485 = arith.addi %mul3A_445, %add3A_484 : i32
          %broadcast_in_dim3A_486 = vector.broadcast %add3A_485 : i32 to vector<16xi32>
          %parallel_loop3A_487 = arith.constant 0 : i32
          %parallel_loop3A_488 = arith.constant 8 : i32
          %parallel_loop3A_489 = arith.constant 1 : i32
          scf.for %parallel_loop3A_556 = %parallel_loop3A_487 to %parallel_loop3A_488 step %parallel_loop3A_489  : i32 {
            %parallel_loop3A_557 = arith.constant 16 : i32
            %parallel_loop3A_558 = arith.muli %parallel_loop3A_556, %parallel_loop3A_557 : i32
            %parallel_loop3A_559 = vector.broadcast %parallel_loop3A_558 : i32 to vector<16xi32>
            %parallel_loop3A_560 = arith.addi %parallel_loop3A_559, %iota3A : vector<16xi32>
            %parallel_loop3A_561 = tpu.vector_load_idx %arg5[%parallel_loop3A_560, %broadcast_in_dim3A_486] : memref<128x201xi32, #tpu.memory_space<vmem>>[vector<16xi32>, vector<16xi32>], vector<16xi32>,
            %parallel_loop3A_562 = arith.constant 16 : i32
            %parallel_loop3A_563 = arith.muli %parallel_loop3A_556, %parallel_loop3A_562 : i32
            %parallel_loop3A_564 = arith.constant 256 : i32
            %parallel_loop3A_565 = arith.addi %parallel_loop3A_564, %parallel_loop3A_563 : i32
            %parallel_loop3A_566 = arith.constant 2 : i32
            %parallel_loop3A_567 = arith.index_cast %parallel_loop3A_566 : i32 to index
            %parallel_loop3A_568 = arith.index_cast %parallel_loop3A_565 : i32 to index
            %parallel_loop3A_569 = tpu.vector_load %arg6[%parallel_loop3A_567, %parallel_loop3A_568] {strides = array<i32>} : memref<3x512xi32, #tpu.memory_space<vmem>>, vector<16xi32>,
            tpu.vector_store %arg6[%parallel_loop3A_567, %parallel_loop3A_568], %parallel_loop3A_561 {strides = array<i32>} : memref<3x512xi32, #tpu.memory_space<vmem>>, vector<16xi32>,
          } {sc.loop_unroll_factor = 8 : i64, sc.parallel_access}
          %add3A_490 = arith.constant 3 : i32
          %add3A_491 = arith.addi %mul3A_445, %add3A_490 : i32
          %broadcast_in_dim3A_492 = vector.broadcast %add3A_491 : i32 to vector<16xi32>
          %parallel_loop3A_493 = arith.constant 0 : i32
          %parallel_loop3A_494 = arith.constant 8 : i32
          %parallel_loop3A_495 = arith.constant 1 : i32
          scf.for %parallel_loop3A_556 = %parallel_loop3A_493 to %parallel_loop3A_494 step %parallel_loop3A_495  : i32 {
            %parallel_loop3A_557 = arith.constant 16 : i32
            %parallel_loop3A_558 = arith.muli %parallel_loop3A_556, %parallel_loop3A_557 : i32
            %parallel_loop3A_559 = vector.broadcast %parallel_loop3A_558 : i32 to vector<16xi32>
            %parallel_loop3A_560 = arith.addi %parallel_loop3A_559, %iota3A : vector<16xi32>
            %parallel_loop3A_561 = tpu.vector_load_idx %arg5[%parallel_loop3A_560, %broadcast_in_dim3A_492] : memref<128x201xi32, #tpu.memory_space<vmem>>[vector<16xi32>, vector<16xi32>], vector<16xi32>,
            %parallel_loop3A_562 = arith.constant 16 : i32
            %parallel_loop3A_563 = arith.muli %parallel_loop3A_556, %parallel_loop3A_562 : i32
            %parallel_loop3A_564 = arith.constant 384 : i32
            %parallel_loop3A_565 = arith.addi %parallel_loop3A_564, %parallel_loop3A_563 : i32
            %parallel_loop3A_566 = arith.constant 2 : i32
            %parallel_loop3A_567 = arith.index_cast %parallel_loop3A_566 : i32 to index
            %parallel_loop3A_568 = arith.index_cast %parallel_loop3A_565 : i32 to index
            %parallel_loop3A_569 = tpu.vector_load %arg6[%parallel_loop3A_567, %parallel_loop3A_568] {strides = array<i32>} : memref<3x512xi32, #tpu.memory_space<vmem>>, vector<16xi32>,
            tpu.vector_store %arg6[%parallel_loop3A_567, %parallel_loop3A_568], %parallel_loop3A_561 {strides = array<i32>} : memref<3x512xi32, #tpu.memory_space<vmem>>, vector<16xi32>,
          } {sc.loop_unroll_factor = 8 : i64, sc.parallel_access}
          %dma_start3A_496 = arith.constant 2 : i32
          %dma_start3A_497 = arith.constant 2 : i32
          %dma_start3A_498 = arith.constant 2 : i32
          %dma_start3A_499 = arith.constant 0 : i32
          %dma_start3A_500 = arith.constant 0 : i32
          %dma_start3A_501 = tpu.memref_slice %arg7[%dma_start3A_497, %dma_start3A_499, %dma_start3A_500] : memref<3x512x32xf32, #tpu.memory_space<vmem>> -> memref<1x128x32xf32, #tpu.memory_space<vmem>>
          %dma_start3A_502 = tpu.memref_squeeze %dma_start3A_501 : memref<1x128x32xf32, #tpu.memory_space<vmem>> -> memref<128x32xf32, #tpu.memory_space<vmem>>
          %dma_start3A_503 = arith.constant 0 : i32
          %dma_start3A_504 = tpu.memref_slice %arg6[%dma_start3A_496, %dma_start3A_503] : memref<3x512xi32, #tpu.memory_space<vmem>> -> memref<1x128xi32, #tpu.memory_space<vmem>>
          %dma_start3A_505 = tpu.memref_squeeze %dma_start3A_504 : memref<1x128xi32, #tpu.memory_space<vmem>> -> memref<128xi32, #tpu.memory_space<vmem>>
          %dma_start3A_506 = arith.constant 0 : i32
          %dma_start3A_507 = arith.constant 0 : i32
          %dma_start3A_508 = tpu.memref_slice %arg2[%dma_start3A_506, %dma_start3A_507] : memref<1000000x32xf32, #tpu.memory_space<hbm>> -> memref<1000000x32xf32, #tpu.memory_space<hbm>>
          %dma_start3A_509 = tpu.memref_slice %arg9[%dma_start3A_498] : memref<3x!tpu.dma_semaphore, #tpu.memory_space<semaphore_mem>> -> memref<1x!tpu.dma_semaphore, #tpu.memory_space<semaphore_mem>>
          %dma_start3A_510 = tpu.memref_squeeze %dma_start3A_509 : memref<1x!tpu.dma_semaphore, #tpu.memory_space<semaphore_mem>> -> memref<!tpu.dma_semaphore, #tpu.memory_space<semaphore_mem>>
          tpu.enqueue_indirect_dma source(%dma_start3A_508 : memref<1000000x32xf32, #tpu.memory_space<hbm>>) target(%dma_start3A_502 : memref<128x32xf32, #tpu.memory_space<vmem>>) offsets(%dma_start3A_505 : memref<128xi32, #tpu.memory_space<vmem>>) semaphore(%dma_start3A_510 : memref<!tpu.dma_semaphore, #tpu.memory_space<semaphore_mem>>)
          %dma_start3A_511 = arith.constant 2 : i32
          %dma_start3A_512 = arith.constant 2 : i32
          %dma_start3A_513 = arith.constant 2 : i32
          %dma_start3A_514 = arith.constant 128 : i32
          %dma_start3A_515 = arith.constant 0 : i32
          %dma_start3A_516 = tpu.memref_slice %arg7[%dma_start3A_512, %dma_start3A_514, %dma_start3A_515] : memref<3x512x32xf32, #tpu.memory_space<vmem>> -> memref<1x128x32xf32, #tpu.memory_space<vmem>>
          %dma_start3A_517 = tpu.memref_squeeze %dma_start3A_516 : memref<1x128x32xf32, #tpu.memory_space<vmem>> -> memref<128x32xf32, #tpu.memory_space<vmem>>
          %dma_start3A_518 = arith.constant 128 : i32
          %dma_start3A_519 = tpu.memref_slice %arg6[%dma_start3A_511, %dma_start3A_518] : memref<3x512xi32, #tpu.memory_space<vmem>> -> memref<1x128xi32, #tpu.memory_space<vmem>>
          %dma_start3A_520 = tpu.memref_squeeze %dma_start3A_519 : memref<1x128xi32, #tpu.memory_space<vmem>> -> memref<128xi32, #tpu.memory_space<vmem>>
          %dma_start3A_521 = arith.constant 0 : i32
          %dma_start3A_522 = arith.constant 0 : i32
          %dma_start3A_523 = tpu.memref_slice %arg2[%dma_start3A_521, %dma_start3A_522] : memref<1000000x32xf32, #tpu.memory_space<hbm>> -> memref<1000000x32xf32, #tpu.memory_space<hbm>>
          %dma_start3A_524 = tpu.memref_slice %arg9[%dma_start3A_513] : memref<3x!tpu.dma_semaphore, #tpu.memory_space<semaphore_mem>> -> memref<1x!tpu.dma_semaphore, #tpu.memory_space<semaphore_mem>>
          %dma_start3A_525 = tpu.memref_squeeze %dma_start3A_524 : memref<1x!tpu.dma_semaphore, #tpu.memory_space<semaphore_mem>> -> memref<!tpu.dma_semaphore, #tpu.memory_space<semaphore_mem>>
          tpu.enqueue_indirect_dma source(%dma_start3A_523 : memref<1000000x32xf32, #tpu.memory_space<hbm>>) target(%dma_start3A_517 : memref<128x32xf32, #tpu.memory_space<vmem>>) offsets(%dma_start3A_520 : memref<128xi32, #tpu.memory_space<vmem>>) semaphore(%dma_start3A_525 : memref<!tpu.dma_semaphore, #tpu.memory_space<semaphore_mem>>)
          %dma_start3A_526 = arith.constant 2 : i32
          %dma_start3A_527 = arith.constant 2 : i32
          %dma_start3A_528 = arith.constant 2 : i32
          %dma_start3A_529 = arith.constant 256 : i32
          %dma_start3A_530 = arith.constant 0 : i32
          %dma_start3A_531 = tpu.memref_slice %arg7[%dma_start3A_527, %dma_start3A_529, %dma_start3A_530] : memref<3x512x32xf32, #tpu.memory_space<vmem>> -> memref<1x128x32xf32, #tpu.memory_space<vmem>>
          %dma_start3A_532 = tpu.memref_squeeze %dma_start3A_531 : memref<1x128x32xf32, #tpu.memory_space<vmem>> -> memref<128x32xf32, #tpu.memory_space<vmem>>
          %dma_start3A_533 = arith.constant 256 : i32
          %dma_start3A_534 = tpu.memref_slice %arg6[%dma_start3A_526, %dma_start3A_533] : memref<3x512xi32, #tpu.memory_space<vmem>> -> memref<1x128xi32, #tpu.memory_space<vmem>>
          %dma_start3A_535 = tpu.memref_squeeze %dma_start3A_534 : memref<1x128xi32, #tpu.memory_space<vmem>> -> memref<128xi32, #tpu.memory_space<vmem>>
          %dma_start3A_536 = arith.constant 0 : i32
          %dma_start3A_537 = arith.constant 0 : i32
          %dma_start3A_538 = tpu.memref_slice %arg2[%dma_start3A_536, %dma_start3A_537] : memref<1000000x32xf32, #tpu.memory_space<hbm>> -> memref<1000000x32xf32, #tpu.memory_space<hbm>>
          %dma_start3A_539 = tpu.memref_slice %arg9[%dma_start3A_528] : memref<3x!tpu.dma_semaphore, #tpu.memory_space<semaphore_mem>> -> memref<1x!tpu.dma_semaphore, #tpu.memory_space<semaphore_mem>>
          %dma_start3A_540 = tpu.memref_squeeze %dma_start3A_539 : memref<1x!tpu.dma_semaphore, #tpu.memory_space<semaphore_mem>> -> memref<!tpu.dma_semaphore, #tpu.memory_space<semaphore_mem>>
          tpu.enqueue_indirect_dma source(%dma_start3A_538 : memref<1000000x32xf32, #tpu.memory_space<hbm>>) target(%dma_start3A_532 : memref<128x32xf32, #tpu.memory_space<vmem>>) offsets(%dma_start3A_535 : memref<128xi32, #tpu.memory_space<vmem>>) semaphore(%dma_start3A_540 : memref<!tpu.dma_semaphore, #tpu.memory_space<semaphore_mem>>)
          %dma_start3A_541 = arith.constant 2 : i32
          %dma_start3A_542 = arith.constant 2 : i32
          %dma_start3A_543 = arith.constant 2 : i32
          %dma_start3A_544 = arith.constant 384 : i32
          %dma_start3A_545 = arith.constant 0 : i32
          %dma_start3A_546 = tpu.memref_slice %arg7[%dma_start3A_542, %dma_start3A_544, %dma_start3A_545] : memref<3x512x32xf32, #tpu.memory_space<vmem>> -> memref<1x128x32xf32, #tpu.memory_space<vmem>>
          %dma_start3A_547 = tpu.memref_squeeze %dma_start3A_546 : memref<1x128x32xf32, #tpu.memory_space<vmem>> -> memref<128x32xf32, #tpu.memory_space<vmem>>
          %dma_start3A_548 = arith.constant 384 : i32
          %dma_start3A_549 = tpu.memref_slice %arg6[%dma_start3A_541, %dma_start3A_548] : memref<3x512xi32, #tpu.memory_space<vmem>> -> memref<1x128xi32, #tpu.memory_space<vmem>>
          %dma_start3A_550 = tpu.memref_squeeze %dma_start3A_549 : memref<1x128xi32, #tpu.memory_space<vmem>> -> memref<128xi32, #tpu.memory_space<vmem>>
          %dma_start3A_551 = arith.constant 0 : i32
          %dma_start3A_552 = arith.constant 0 : i32
          %dma_start3A_553 = tpu.memref_slice %arg2[%dma_start3A_551, %dma_start3A_552] : memref<1000000x32xf32, #tpu.memory_space<hbm>> -> memref<1000000x32xf32, #tpu.memory_space<hbm>>
          %dma_start3A_554 = tpu.memref_slice %arg9[%dma_start3A_543] : memref<3x!tpu.dma_semaphore, #tpu.memory_space<semaphore_mem>> -> memref<1x!tpu.dma_semaphore, #tpu.memory_space<semaphore_mem>>
          %dma_start3A_555 = tpu.memref_squeeze %dma_start3A_554 : memref<1x!tpu.dma_semaphore, #tpu.memory_space<semaphore_mem>> -> memref<!tpu.dma_semaphore, #tpu.memory_space<semaphore_mem>>
          tpu.enqueue_indirect_dma source(%dma_start3A_553 : memref<1000000x32xf32, #tpu.memory_space<hbm>>) target(%dma_start3A_547 : memref<128x32xf32, #tpu.memory_space<vmem>>) offsets(%dma_start3A_550 : memref<128xi32, #tpu.memory_space<vmem>>) semaphore(%dma_start3A_555 : memref<!tpu.dma_semaphore, #tpu.memory_space<semaphore_mem>>)
        } else {
        }
        %parallel_loop3A_321 = arith.constant 0 : i32
        %parallel_loop3A_322 = arith.constant 128 : i32
        %parallel_loop3A_323 = arith.constant 1 : i32
        scf.for %parallel_loop3A_396 = %parallel_loop3A_321 to %parallel_loop3A_322 step %parallel_loop3A_323  : i32 {
          %parallel_loop3A_397 = arith.constant 0 : i32
          %parallel_loop3A_398 = arith.addi %parallel_loop3A_397, %parallel_loop3A_396 : i32
          %parallel_loop3A_399 = vector.broadcast %parallel_loop3A_396 : i32 to vector<16xi32>
          %parallel_loop3A_400 = arith.constant 0 : i32
          %parallel_loop3A_401 = arith.index_cast %parallel_loop3A_400 : i32 to index
          %parallel_loop3A_402 = arith.index_cast %parallel_loop3A_398 : i32 to index
          %parallel_loop3A_403 = arith.constant 0 : index
          %parallel_loop3A_404 = tpu.vector_load %arg7[%parallel_loop3A_401, %parallel_loop3A_402, %parallel_loop3A_403] {strides = array<i32>} : memref<3x512x32xf32, #tpu.memory_space<vmem>>, vector<16xf32>,
          %parallel_loop3A_405 = arith.constant 5.65685415 : f32
          %parallel_loop3A_406 = vector.broadcast %parallel_loop3A_405 : f32 to vector<16xf32>
          %parallel_loop3A_407 = arith.mulf %parallel_loop3A_404, %parallel_loop3A_406 : vector<16xf32>
          %parallel_loop3A_408 = arith.constant 0 : i32
          %parallel_loop3A_409 = arith.index_cast %parallel_loop3A_408 : i32 to index
          %parallel_loop3A_410 = arith.index_cast %parallel_loop3A_398 : i32 to index
          %parallel_loop3A_411 = arith.constant 16 : index
          %parallel_loop3A_412 = tpu.vector_load %arg7[%parallel_loop3A_409, %parallel_loop3A_410, %parallel_loop3A_411] {strides = array<i32>} : memref<3x512x32xf32, #tpu.memory_space<vmem>>, vector<16xf32>,
          %parallel_loop3A_413 = arith.constant 5.65685415 : f32
          %parallel_loop3A_414 = vector.broadcast %parallel_loop3A_413 : f32 to vector<16xf32>
          %parallel_loop3A_415 = arith.mulf %parallel_loop3A_412, %parallel_loop3A_414 : vector<16xf32>
          %parallel_loop3A_416 = arith.constant 0 : i32
          %parallel_loop3A_417 = arith.constant 0 : i32
          %parallel_loop3A_418 = arith.constant 0 : i32
          %parallel_loop3A_419 = arith.constant 0 : i32
          %parallel_loop3A_420 = arith.constant 0 : i32
          %parallel_loop3A_421 = tpu.memref_slice %arg8[%parallel_loop3A_416, %parallel_loop3A_417, %parallel_loop3A_418, %parallel_loop3A_419, %parallel_loop3A_420] : memref<3x4x4x8x129xf32, #tpu.memory_space<vmem>> -> memref<1x1x4x8x129xf32, #tpu.memory_space<vmem>>
          %parallel_loop3A_422 = tpu.memref_squeeze %parallel_loop3A_421 : memref<1x1x4x8x129xf32, #tpu.memory_space<vmem>> -> memref<4x8x129xf32, #tpu.memory_space<vmem>>
          tpu.vector_store_idx %parallel_loop3A_422[%shift_right_arithmetic3A_2, %and3A_4, %parallel_loop3A_399], %parallel_loop3A_407 : memref<4x8x129xf32, #tpu.memory_space<vmem>>[vector<16xi32>, vector<16xi32>, vector<16xi32>], vector<16xf32>,
          %parallel_loop3A_423 = arith.constant 0 : i32
          %parallel_loop3A_424 = arith.constant 0 : i32
          %parallel_loop3A_425 = arith.constant 0 : i32
          %parallel_loop3A_426 = arith.constant 0 : i32
          %parallel_loop3A_427 = arith.constant 0 : i32
          %parallel_loop3A_428 = tpu.memref_slice %arg8[%parallel_loop3A_423, %parallel_loop3A_424, %parallel_loop3A_425, %parallel_loop3A_426, %parallel_loop3A_427] : memref<3x4x4x8x129xf32, #tpu.memory_space<vmem>> -> memref<1x1x4x8x129xf32, #tpu.memory_space<vmem>>
          %parallel_loop3A_429 = tpu.memref_squeeze %parallel_loop3A_428 : memref<1x1x4x8x129xf32, #tpu.memory_space<vmem>> -> memref<4x8x129xf32, #tpu.memory_space<vmem>>
          tpu.vector_store_idx %parallel_loop3A_429[%add3A_7, %and3A_4, %parallel_loop3A_399], %parallel_loop3A_415 : memref<4x8x129xf32, #tpu.memory_space<vmem>>[vector<16xi32>, vector<16xi32>, vector<16xi32>], vector<16xf32>,
        } {sc.loop_unroll_factor = 8 : i64, sc.parallel_access}
        %parallel_loop3A_324 = arith.constant 0 : i32
        %parallel_loop3A_325 = arith.constant 128 : i32
        %parallel_loop3A_326 = arith.constant 1 : i32
        scf.for %parallel_loop3A_396 = %parallel_loop3A_324 to %parallel_loop3A_325 step %parallel_loop3A_326  : i32 {
          %parallel_loop3A_397 = arith.constant 128 : i32
          %parallel_loop3A_398 = arith.addi %parallel_loop3A_397, %parallel_loop3A_396 : i32
          %parallel_loop3A_399 = vector.broadcast %parallel_loop3A_396 : i32 to vector<16xi32>
          %parallel_loop3A_400 = arith.constant 0 : i32
          %parallel_loop3A_401 = arith.index_cast %parallel_loop3A_400 : i32 to index
          %parallel_loop3A_402 = arith.index_cast %parallel_loop3A_398 : i32 to index
          %parallel_loop3A_403 = arith.constant 0 : index
          %parallel_loop3A_404 = tpu.vector_load %arg7[%parallel_loop3A_401, %parallel_loop3A_402, %parallel_loop3A_403] {strides = array<i32>} : memref<3x512x32xf32, #tpu.memory_space<vmem>>, vector<16xf32>,
          %parallel_loop3A_405 = arith.constant 5.65685415 : f32
          %parallel_loop3A_406 = vector.broadcast %parallel_loop3A_405 : f32 to vector<16xf32>
          %parallel_loop3A_407 = arith.mulf %parallel_loop3A_404, %parallel_loop3A_406 : vector<16xf32>
          %parallel_loop3A_408 = arith.constant 0 : i32
          %parallel_loop3A_409 = arith.index_cast %parallel_loop3A_408 : i32 to index
          %parallel_loop3A_410 = arith.index_cast %parallel_loop3A_398 : i32 to index
          %parallel_loop3A_411 = arith.constant 16 : index
          %parallel_loop3A_412 = tpu.vector_load %arg7[%parallel_loop3A_409, %parallel_loop3A_410, %parallel_loop3A_411] {strides = array<i32>} : memref<3x512x32xf32, #tpu.memory_space<vmem>>, vector<16xf32>,
          %parallel_loop3A_413 = arith.constant 5.65685415 : f32
          %parallel_loop3A_414 = vector.broadcast %parallel_loop3A_413 : f32 to vector<16xf32>
          %parallel_loop3A_415 = arith.mulf %parallel_loop3A_412, %parallel_loop3A_414 : vector<16xf32>
          %parallel_loop3A_416 = arith.constant 0 : i32
          %parallel_loop3A_417 = arith.constant 1 : i32
          %parallel_loop3A_418 = arith.constant 0 : i32
          %parallel_loop3A_419 = arith.constant 0 : i32
          %parallel_loop3A_420 = arith.constant 0 : i32
          %parallel_loop3A_421 = tpu.memref_slice %arg8[%parallel_loop3A_416, %parallel_loop3A_417, %parallel_loop3A_418, %parallel_loop3A_419, %parallel_loop3A_420] : memref<3x4x4x8x129xf32, #tpu.memory_space<vmem>> -> memref<1x1x4x8x129xf32, #tpu.memory_space<vmem>>
          %parallel_loop3A_422 = tpu.memref_squeeze %parallel_loop3A_421 : memref<1x1x4x8x129xf32, #tpu.memory_space<vmem>> -> memref<4x8x129xf32, #tpu.memory_space<vmem>>
          tpu.vector_store_idx %parallel_loop3A_422[%shift_right_arithmetic3A_2, %and3A_4, %parallel_loop3A_399], %parallel_loop3A_407 : memref<4x8x129xf32, #tpu.memory_space<vmem>>[vector<16xi32>, vector<16xi32>, vector<16xi32>], vector<16xf32>,
          %parallel_loop3A_423 = arith.constant 0 : i32
          %parallel_loop3A_424 = arith.constant 1 : i32
          %parallel_loop3A_425 = arith.constant 0 : i32
          %parallel_loop3A_426 = arith.constant 0 : i32
          %parallel_loop3A_427 = arith.constant 0 : i32
          %parallel_loop3A_428 = tpu.memref_slice %arg8[%parallel_loop3A_423, %parallel_loop3A_424, %parallel_loop3A_425, %parallel_loop3A_426, %parallel_loop3A_427] : memref<3x4x4x8x129xf32, #tpu.memory_space<vmem>> -> memref<1x1x4x8x129xf32, #tpu.memory_space<vmem>>
          %parallel_loop3A_429 = tpu.memref_squeeze %parallel_loop3A_428 : memref<1x1x4x8x129xf32, #tpu.memory_space<vmem>> -> memref<4x8x129xf32, #tpu.memory_space<vmem>>
          tpu.vector_store_idx %parallel_loop3A_429[%add3A_7, %and3A_4, %parallel_loop3A_399], %parallel_loop3A_415 : memref<4x8x129xf32, #tpu.memory_space<vmem>>[vector<16xi32>, vector<16xi32>, vector<16xi32>], vector<16xf32>,
        } {sc.loop_unroll_factor = 8 : i64, sc.parallel_access}
        %parallel_loop3A_327 = arith.constant 0 : i32
        %parallel_loop3A_328 = arith.constant 128 : i32
        %parallel_loop3A_329 = arith.constant 1 : i32
        scf.for %parallel_loop3A_396 = %parallel_loop3A_327 to %parallel_loop3A_328 step %parallel_loop3A_329  : i32 {
          %parallel_loop3A_397 = arith.constant 256 : i32
          %parallel_loop3A_398 = arith.addi %parallel_loop3A_397, %parallel_loop3A_396 : i32
          %parallel_loop3A_399 = vector.broadcast %parallel_loop3A_396 : i32 to vector<16xi32>
          %parallel_loop3A_400 = arith.constant 0 : i32
          %parallel_loop3A_401 = arith.index_cast %parallel_loop3A_400 : i32 to index
          %parallel_loop3A_402 = arith.index_cast %parallel_loop3A_398 : i32 to index
          %parallel_loop3A_403 = arith.constant 0 : index
          %parallel_loop3A_404 = tpu.vector_load %arg7[%parallel_loop3A_401, %parallel_loop3A_402, %parallel_loop3A_403] {strides = array<i32>} : memref<3x512x32xf32, #tpu.memory_space<vmem>>, vector<16xf32>,
          %parallel_loop3A_405 = arith.constant 5.65685415 : f32
          %parallel_loop3A_406 = vector.broadcast %parallel_loop3A_405 : f32 to vector<16xf32>
          %parallel_loop3A_407 = arith.mulf %parallel_loop3A_404, %parallel_loop3A_406 : vector<16xf32>
          %parallel_loop3A_408 = arith.constant 0 : i32
          %parallel_loop3A_409 = arith.index_cast %parallel_loop3A_408 : i32 to index
          %parallel_loop3A_410 = arith.index_cast %parallel_loop3A_398 : i32 to index
          %parallel_loop3A_411 = arith.constant 16 : index
          %parallel_loop3A_412 = tpu.vector_load %arg7[%parallel_loop3A_409, %parallel_loop3A_410, %parallel_loop3A_411] {strides = array<i32>} : memref<3x512x32xf32, #tpu.memory_space<vmem>>, vector<16xf32>,
          %parallel_loop3A_413 = arith.constant 5.65685415 : f32
          %parallel_loop3A_414 = vector.broadcast %parallel_loop3A_413 : f32 to vector<16xf32>
          %parallel_loop3A_415 = arith.mulf %parallel_loop3A_412, %parallel_loop3A_414 : vector<16xf32>
          %parallel_loop3A_416 = arith.constant 0 : i32
          %parallel_loop3A_417 = arith.constant 2 : i32
          %parallel_loop3A_418 = arith.constant 0 : i32
          %parallel_loop3A_419 = arith.constant 0 : i32
          %parallel_loop3A_420 = arith.constant 0 : i32
          %parallel_loop3A_421 = tpu.memref_slice %arg8[%parallel_loop3A_416, %parallel_loop3A_417, %parallel_loop3A_418, %parallel_loop3A_419, %parallel_loop3A_420] : memref<3x4x4x8x129xf32, #tpu.memory_space<vmem>> -> memref<1x1x4x8x129xf32, #tpu.memory_space<vmem>>
          %parallel_loop3A_422 = tpu.memref_squeeze %parallel_loop3A_421 : memref<1x1x4x8x129xf32, #tpu.memory_space<vmem>> -> memref<4x8x129xf32, #tpu.memory_space<vmem>>
          tpu.vector_store_idx %parallel_loop3A_422[%shift_right_arithmetic3A_2, %and3A_4, %parallel_loop3A_399], %parallel_loop3A_407 : memref<4x8x129xf32, #tpu.memory_space<vmem>>[vector<16xi32>, vector<16xi32>, vector<16xi32>], vector<16xf32>,
          %parallel_loop3A_423 = arith.constant 0 : i32
          %parallel_loop3A_424 = arith.constant 2 : i32
          %parallel_loop3A_425 = arith.constant 0 : i32
          %parallel_loop3A_426 = arith.constant 0 : i32
          %parallel_loop3A_427 = arith.constant 0 : i32
          %parallel_loop3A_428 = tpu.memref_slice %arg8[%parallel_loop3A_423, %parallel_loop3A_424, %parallel_loop3A_425, %parallel_loop3A_426, %parallel_loop3A_427] : memref<3x4x4x8x129xf32, #tpu.memory_space<vmem>> -> memref<1x1x4x8x129xf32, #tpu.memory_space<vmem>>
          %parallel_loop3A_429 = tpu.memref_squeeze %parallel_loop3A_428 : memref<1x1x4x8x129xf32, #tpu.memory_space<vmem>> -> memref<4x8x129xf32, #tpu.memory_space<vmem>>
          tpu.vector_store_idx %parallel_loop3A_429[%add3A_7, %and3A_4, %parallel_loop3A_399], %parallel_loop3A_415 : memref<4x8x129xf32, #tpu.memory_space<vmem>>[vector<16xi32>, vector<16xi32>, vector<16xi32>], vector<16xf32>,
        } {sc.loop_unroll_factor = 8 : i64, sc.parallel_access}
        %parallel_loop3A_330 = arith.constant 0 : i32
        %parallel_loop3A_331 = arith.constant 128 : i32
        %parallel_loop3A_332 = arith.constant 1 : i32
        scf.for %parallel_loop3A_396 = %parallel_loop3A_330 to %parallel_loop3A_331 step %parallel_loop3A_332  : i32 {
          %parallel_loop3A_397 = arith.constant 384 : i32
          %parallel_loop3A_398 = arith.addi %parallel_loop3A_397, %parallel_loop3A_396 : i32
          %parallel_loop3A_399 = vector.broadcast %parallel_loop3A_396 : i32 to vector<16xi32>
          %parallel_loop3A_400 = arith.constant 0 : i32
          %parallel_loop3A_401 = arith.index_cast %parallel_loop3A_400 : i32 to index
          %parallel_loop3A_402 = arith.index_cast %parallel_loop3A_398 : i32 to index
          %parallel_loop3A_403 = arith.constant 0 : index
          %parallel_loop3A_404 = tpu.vector_load %arg7[%parallel_loop3A_401, %parallel_loop3A_402, %parallel_loop3A_403] {strides = array<i32>} : memref<3x512x32xf32, #tpu.memory_space<vmem>>, vector<16xf32>,
          %parallel_loop3A_405 = arith.constant 5.65685415 : f32
          %parallel_loop3A_406 = vector.broadcast %parallel_loop3A_405 : f32 to vector<16xf32>
          %parallel_loop3A_407 = arith.mulf %parallel_loop3A_404, %parallel_loop3A_406 : vector<16xf32>
          %parallel_loop3A_408 = arith.constant 0 : i32
          %parallel_loop3A_409 = arith.index_cast %parallel_loop3A_408 : i32 to index
          %parallel_loop3A_410 = arith.index_cast %parallel_loop3A_398 : i32 to index
          %parallel_loop3A_411 = arith.constant 16 : index
          %parallel_loop3A_412 = tpu.vector_load %arg7[%parallel_loop3A_409, %parallel_loop3A_410, %parallel_loop3A_411] {strides = array<i32>} : memref<3x512x32xf32, #tpu.memory_space<vmem>>, vector<16xf32>,
          %parallel_loop3A_413 = arith.constant 5.65685415 : f32
          %parallel_loop3A_414 = vector.broadcast %parallel_loop3A_413 : f32 to vector<16xf32>
          %parallel_loop3A_415 = arith.mulf %parallel_loop3A_412, %parallel_loop3A_414 : vector<16xf32>
          %parallel_loop3A_416 = arith.constant 0 : i32
          %parallel_loop3A_417 = arith.constant 3 : i32
          %parallel_loop3A_418 = arith.constant 0 : i32
          %parallel_loop3A_419 = arith.constant 0 : i32
          %parallel_loop3A_420 = arith.constant 0 : i32
          %parallel_loop3A_421 = tpu.memref_slice %arg8[%parallel_loop3A_416, %parallel_loop3A_417, %parallel_loop3A_418, %parallel_loop3A_419, %parallel_loop3A_420] : memref<3x4x4x8x129xf32, #tpu.memory_space<vmem>> -> memref<1x1x4x8x129xf32, #tpu.memory_space<vmem>>
          %parallel_loop3A_422 = tpu.memref_squeeze %parallel_loop3A_421 : memref<1x1x4x8x129xf32, #tpu.memory_space<vmem>> -> memref<4x8x129xf32, #tpu.memory_space<vmem>>
          tpu.vector_store_idx %parallel_loop3A_422[%shift_right_arithmetic3A_2, %and3A_4, %parallel_loop3A_399], %parallel_loop3A_407 : memref<4x8x129xf32, #tpu.memory_space<vmem>>[vector<16xi32>, vector<16xi32>, vector<16xi32>], vector<16xf32>,
          %parallel_loop3A_423 = arith.constant 0 : i32
          %parallel_loop3A_424 = arith.constant 3 : i32
          %parallel_loop3A_425 = arith.constant 0 : i32
          %parallel_loop3A_426 = arith.constant 0 : i32
          %parallel_loop3A_427 = arith.constant 0 : i32
          %parallel_loop3A_428 = tpu.memref_slice %arg8[%parallel_loop3A_423, %parallel_loop3A_424, %parallel_loop3A_425, %parallel_loop3A_426, %parallel_loop3A_427] : memref<3x4x4x8x129xf32, #tpu.memory_space<vmem>> -> memref<1x1x4x8x129xf32, #tpu.memory_space<vmem>>
          %parallel_loop3A_429 = tpu.memref_squeeze %parallel_loop3A_428 : memref<1x1x4x8x129xf32, #tpu.memory_space<vmem>> -> memref<4x8x129xf32, #tpu.memory_space<vmem>>
          tpu.vector_store_idx %parallel_loop3A_429[%add3A_7, %and3A_4, %parallel_loop3A_399], %parallel_loop3A_415 : memref<4x8x129xf32, #tpu.memory_space<vmem>>[vector<16xi32>, vector<16xi32>, vector<16xi32>], vector<16xf32>,
        } {sc.loop_unroll_factor = 8 : i64, sc.parallel_access}
        %jit3A = arith.constant 50 : i32
        %div3A = arith.divsi %add3A_275, %jit3A : i32
        %sign3A = arith.constant 0 : i32
        %sign3A_333 = arith.cmpi sgt, %add3A_275, %sign3A : i32
        %sign3A_334 = arith.extui %sign3A_333 : i1 to i32
        %sign3A_335 = arith.constant 0 : i32
        %sign3A_336 = arith.cmpi slt, %add3A_275, %sign3A_335 : i32
        %sign3A_337 = arith.extui %sign3A_336 : i1 to i32
        %sign3A_338 = arith.subi %sign3A_334, %sign3A_337 : i32
        %sign3A_339 = arith.constant 0 : i32
        %sign3A_340 = arith.cmpi sgt, %jit3A, %sign3A_339 : i32
        %sign3A_341 = arith.extui %sign3A_340 : i1 to i32
        %sign3A_342 = arith.constant 0 : i32
        %sign3A_343 = arith.cmpi slt, %jit3A, %sign3A_342 : i32
        %sign3A_344 = arith.extui %sign3A_343 : i1 to i32
        %sign3A_345 = arith.subi %sign3A_341, %sign3A_344 : i32
        %ne3A = arith.cmpi ne, %sign3A_338, %sign3A_345 : i32
        %rem3A = arith.remsi %add3A_275, %jit3A : i32
        %ne3A_346 = arith.constant 0 : i32
        %ne3A_347 = arith.cmpi ne, %rem3A, %ne3A_346 : i32
        %and3A_348 = arith.andi %ne3A, %ne3A_347 : i1
        %sub3A = arith.constant 1 : i32
        %sub3A_349 = arith.subi %div3A, %sub3A : i32
        %select_n3A = arith.select %and3A_348, %sub3A_349, %div3A : i32
        %jit3A_350 = arith.constant 50 : i32
        %eq3A = arith.constant 0 : i32
        %eq3A_351 = arith.cmpi eq, %jit3A_350, %eq3A : i32
        %jit3A_352 = arith.constant 1 : i32
        %select_n3A_353 = arith.select %eq3A_351, %jit3A_352, %jit3A_350 : i32
        %rem3A_354 = arith.remsi %add3A_275, %select_n3A_353 : i32
        %ne3A_355 = arith.constant 0 : i32
        %ne3A_356 = arith.cmpi ne, %rem3A_354, %ne3A_355 : i32
        %lt3A_357 = arith.constant 0 : i32
        %lt3A_358 = arith.cmpi slt, %rem3A_354, %lt3A_357 : i32
        %lt3A_359 = arith.constant 0 : i32
        %lt3A_360 = arith.cmpi slt, %select_n3A_353, %lt3A_359 : i32
        %ne3A_361 = arith.xori %lt3A_358, %lt3A_360 : i1
        %and3A_362 = arith.andi %ne3A_361, %ne3A_356 : i1
        %add3A_363 = arith.addi %rem3A_354, %select_n3A_353 : i32
        %select_n3A_364 = arith.select %and3A_362, %add3A_363, %rem3A_354 : i32
        %mul3A_365 = arith.constant 4 : i32
        %mul3A_366 = arith.muli %select_n3A_364, %mul3A_365 : i32
        %mul3A_367 = arith.constant 4 : i32
        %mul3A_368 = arith.muli %add3A, %mul3A_367 : i32
        %add3A_369 = arith.addi %mul3A_368, %select_n3A : i32
        %dma_start3A_370 = arith.constant 0 : i32
        %dma_start3A_371 = arith.constant 0 : i32
        %dma_start3A_372 = arith.constant 0 : i32
        %dma_start3A_373 = arith.constant 0 : i32
        %dma_start3A_374 = arith.constant 0 : i32
        %dma_start3A_375 = arith.constant 0 : i32
        %dma_start3A_376 = tpu.memref_slice %arg8[%dma_start3A_370, %dma_start3A_372, %dma_start3A_373, %dma_start3A_374, %dma_start3A_375] : memref<3x4x4x8x129xf32, #tpu.memory_space<vmem>> -> memref<1x4x4x8x128xf32, #tpu.memory_space<vmem>>
        %dma_start3A_377 = tpu.memref_squeeze %dma_start3A_376 : memref<1x4x4x8x128xf32, #tpu.memory_space<vmem>> -> memref<4x4x8x128xf32, #tpu.memory_space<vmem>>
        %dma_start3A_378 = arith.constant 0 : i32
        %dma_start3A_379 = arith.constant 0 : i32
        %dma_start3A_380 = arith.constant 0 : i32
        %dma_start3A_381 = tpu.memref_slice %arg4[%mul3A_366, %dma_start3A_378, %add3A_369, %dma_start3A_379, %dma_start3A_380] : memref<200x4x128x8x128xf32, #tpu.memory_space<hbm>> -> memref<4x4x1x8x128xf32, #tpu.memory_space<hbm>>
        %dma_start3A_382 = tpu.memref_squeeze %dma_start3A_381 : memref<4x4x1x8x128xf32, #tpu.memory_space<hbm>> -> memref<4x4x8x128xf32, #tpu.memory_space<hbm>>
        %dma_start3A_383 = tpu.memref_slice %arg10[%dma_start3A_371] : memref<3x!tpu.dma_semaphore, #tpu.memory_space<semaphore_mem>> -> memref<1x!tpu.dma_semaphore, #tpu.memory_space<semaphore_mem>>
        %dma_start3A_384 = tpu.memref_squeeze %dma_start3A_383 : memref<1x!tpu.dma_semaphore, #tpu.memory_space<semaphore_mem>> -> memref<!tpu.dma_semaphore, #tpu.memory_space<semaphore_mem>>
        %dma_start3A_385 = arith.constant 0 : i32
        %dma_start3A_386 = arith.constant 0 : i32
        %dma_start3A_387 = arith.constant 0 : i32
        %dma_start3A_388 = tpu.memref_slice %arg4[%mul3A_366, %dma_start3A_385, %add3A_369, %dma_start3A_386, %dma_start3A_387] : memref<200x4x128x8x128xf32, #tpu.memory_space<hbm>> -> memref<4x4x1x8x128xf32, #tpu.memory_space<hbm>>
        %dma_start3A_389 = tpu.memref_squeeze %dma_start3A_388 : memref<4x4x1x8x128xf32, #tpu.memory_space<hbm>> -> memref<4x4x8x128xf32, #tpu.memory_space<hbm>>
        %dma_start3A_390 = arith.constant 0 : i32
        %dma_start3A_391 = arith.constant 0 : i32
        %dma_start3A_392 = arith.constant 0 : i32
        %dma_start3A_393 = arith.constant 0 : i32
        %dma_start3A_394 = tpu.memref_slice %arg8[%dma_start3A_370, %dma_start3A_390, %dma_start3A_391, %dma_start3A_392, %dma_start3A_393] : memref<3x4x4x8x129xf32, #tpu.memory_space<vmem>> -> memref<1x4x4x8x128xf32, #tpu.memory_space<vmem>>
        %dma_start3A_395 = tpu.memref_squeeze %dma_start3A_394 : memref<1x4x4x8x128xf32, #tpu.memory_space<vmem>> -> memref<4x4x8x128xf32, #tpu.memory_space<vmem>>
        tpu.enqueue_dma source(%dma_start3A_395 : memref<4x4x8x128xf32, #tpu.memory_space<vmem>>) target(%dma_start3A_389 : memref<4x4x8x128xf32, #tpu.memory_space<hbm>>) target_semaphore(%dma_start3A_384 : memref<!tpu.dma_semaphore, #tpu.memory_space<semaphore_mem>>)
      } else {
      }
      %mul3A_278 = arith.constant 3 : i32
      %mul3A_279 = arith.muli %add3A_271, %mul3A_278 : i32
      %add3A_280 = arith.constant 1 : i32
      %add3A_281 = arith.addi %mul3A_279, %add3A_280 : i32
      %lt3A_282 = arith.constant 200 : i32
      %lt3A_283 = arith.cmpi slt, %add3A_281, %lt3A_282 : i32
      %convert_element_type3A_284 = arith.extui %lt3A_283 : i1 to i32
      %cond3A_285 = arith.constant 0 : i32
      %cond3A_286 = arith.cmpi ne, %convert_element_type3A_284, %cond3A_285 : i32
      scf.if %cond3A_286 {
        %dma_wait3A_296 = arith.constant 1 : i32
        %dma_wait3A_297 = arith.constant 1 : i32
        %dma_wait3A_298 = arith.constant 0 : i32
        %dma_wait3A_299 = arith.constant 0 : i32
        %dma_wait3A_300 = tpu.memref_slice %arg7[%dma_wait3A_296, %dma_wait3A_298, %dma_wait3A_299] : memref<3x512x32xf32, #tpu.memory_space<vmem>> -> memref<1x512x32xf32, #tpu.memory_space<vmem>>
        %dma_wait3A_301 = tpu.memref_squeeze %dma_wait3A_300 : memref<1x512x32xf32, #tpu.memory_space<vmem>> -> memref<512x32xf32, #tpu.memory_space<vmem>>
        %dma_wait3A_302 = arith.constant 0 : i32
        %dma_wait3A_303 = arith.constant 0 : i32
        %dma_wait3A_304 = tpu.memref_slice %arg2[%dma_wait3A_302, %dma_wait3A_303] : memref<1000000x32xf32, #tpu.memory_space<hbm>> -> memref<512x32xf32, #tpu.memory_space<hbm>>
        %dma_wait3A_305 = tpu.memref_slice %arg9[%dma_wait3A_297] : memref<3x!tpu.dma_semaphore, #tpu.memory_space<semaphore_mem>> -> memref<1x!tpu.dma_semaphore, #tpu.memory_space<semaphore_mem>>
        %dma_wait3A_306 = tpu.memref_squeeze %dma_wait3A_305 : memref<1x!tpu.dma_semaphore, #tpu.memory_space<semaphore_mem>> -> memref<!tpu.dma_semaphore, #tpu.memory_space<semaphore_mem>>
        %dma_wait3A_307 = arith.constant 0 : i32
        %dma_wait3A_308 = arith.constant 0 : i32
        %dma_wait3A_309 = tpu.memref_slice %arg7[%dma_wait3A_296, %dma_wait3A_307, %dma_wait3A_308] : memref<3x512x32xf32, #tpu.memory_space<vmem>> -> memref<1x512x32xf32, #tpu.memory_space<vmem>>
        %dma_wait3A_310 = tpu.memref_squeeze %dma_wait3A_309 : memref<1x512x32xf32, #tpu.memory_space<vmem>> -> memref<512x32xf32, #tpu.memory_space<vmem>>
        %dma_wait3A_311 = arith.constant 0 : i32
        %dma_wait3A_312 = arith.constant 0 : i32
        %dma_wait3A_313 = tpu.memref_slice %arg2[%dma_wait3A_311, %dma_wait3A_312] : memref<1000000x32xf32, #tpu.memory_space<hbm>> -> memref<512x32xf32, #tpu.memory_space<hbm>>
        tpu.wait_dma2 semaphore(%dma_wait3A_306 : memref<!tpu.dma_semaphore, #tpu.memory_space<semaphore_mem>>) src(%dma_wait3A_313 : memref<512x32xf32, #tpu.memory_space<hbm>>) dst(%dma_wait3A_310 : memref<512x32xf32, #tpu.memory_space<vmem>>)
        %add3A_314 = arith.constant 2 : i32
        %add3A_315 = arith.addi %add3A_281, %add3A_314 : i32
        %lt3A_316 = arith.constant 200 : i32
        %lt3A_317 = arith.cmpi slt, %add3A_315, %lt3A_316 : i32
        %convert_element_type3A_318 = arith.extui %lt3A_317 : i1 to i32
        %cond3A_319 = arith.constant 0 : i32
        %cond3A_320 = arith.cmpi ne, %convert_element_type3A_318, %cond3A_319 : i32
        scf.if %cond3A_320 {
          %add3A_396 = arith.constant 2 : i32
          %add3A_397 = arith.addi %add3A_281, %add3A_396 : i32
          %ge3A = arith.constant 3 : i32
          %ge3A_398 = arith.cmpi sge, %add3A_397, %ge3A : i32
          %convert_element_type3A_399 = arith.extui %ge3A_398 : i1 to i32
          %cond3A_400 = arith.constant 0 : i32
          %cond3A_401 = arith.cmpi ne, %convert_element_type3A_399, %cond3A_400 : i32
          scf.if %cond3A_401 {
            %dma_wait3A_556 = arith.constant 0 : i32
            %dma_wait3A_557 = arith.constant 0 : i32
            %dma_wait3A_558 = arith.constant 0 : i32
            %dma_wait3A_559 = arith.constant 0 : i32
            %dma_wait3A_560 = arith.constant 0 : i32
            %dma_wait3A_561 = arith.constant 0 : i32
            %dma_wait3A_562 = arith.constant 0 : i32
            %dma_wait3A_563 = tpu.memref_slice %arg8[%dma_wait3A_556, %dma_wait3A_559, %dma_wait3A_560, %dma_wait3A_561, %dma_wait3A_562] : memref<3x4x4x8x129xf32, #tpu.memory_space<vmem>> -> memref<1x4x4x8x128xf32, #tpu.memory_space<vmem>>
            %dma_wait3A_564 = tpu.memref_squeeze %dma_wait3A_563 : memref<1x4x4x8x128xf32, #tpu.memory_space<vmem>> -> memref<4x4x8x128xf32, #tpu.memory_space<vmem>>
            %dma_wait3A_565 = arith.constant 0 : i32
            %dma_wait3A_566 = arith.constant 0 : i32
            %dma_wait3A_567 = arith.constant 0 : i32
            %dma_wait3A_568 = arith.constant 0 : i32
            %dma_wait3A_569 = tpu.memref_slice %arg4[%dma_wait3A_565, %dma_wait3A_566, %dma_wait3A_557, %dma_wait3A_567, %dma_wait3A_568] : memref<200x4x128x8x128xf32, #tpu.memory_space<hbm>> -> memref<4x4x1x8x128xf32, #tpu.memory_space<hbm>>
            %dma_wait3A_570 = tpu.memref_squeeze %dma_wait3A_569 : memref<4x4x1x8x128xf32, #tpu.memory_space<hbm>> -> memref<4x4x8x128xf32, #tpu.memory_space<hbm>>
            %dma_wait3A_571 = tpu.memref_slice %arg10[%dma_wait3A_558] : memref<3x!tpu.dma_semaphore, #tpu.memory_space<semaphore_mem>> -> memref<1x!tpu.dma_semaphore, #tpu.memory_space<semaphore_mem>>
            %dma_wait3A_572 = tpu.memref_squeeze %dma_wait3A_571 : memref<1x!tpu.dma_semaphore, #tpu.memory_space<semaphore_mem>> -> memref<!tpu.dma_semaphore, #tpu.memory_space<semaphore_mem>>
            %dma_wait3A_573 = arith.constant 0 : i32
            %dma_wait3A_574 = arith.constant 0 : i32
            %dma_wait3A_575 = arith.constant 0 : i32
            %dma_wait3A_576 = arith.constant 0 : i32
            %dma_wait3A_577 = tpu.memref_slice %arg4[%dma_wait3A_573, %dma_wait3A_574, %dma_wait3A_557, %dma_wait3A_575, %dma_wait3A_576] : memref<200x4x128x8x128xf32, #tpu.memory_space<hbm>> -> memref<4x4x1x8x128xf32, #tpu.memory_space<hbm>>
            %dma_wait3A_578 = tpu.memref_squeeze %dma_wait3A_577 : memref<4x4x1x8x128xf32, #tpu.memory_space<hbm>> -> memref<4x4x8x128xf32, #tpu.memory_space<hbm>>
            %dma_wait3A_579 = arith.constant 0 : i32
            %dma_wait3A_580 = arith.constant 0 : i32
            %dma_wait3A_581 = arith.constant 0 : i32
            %dma_wait3A_582 = arith.constant 0 : i32
            %dma_wait3A_583 = tpu.memref_slice %arg8[%dma_wait3A_556, %dma_wait3A_579, %dma_wait3A_580, %dma_wait3A_581, %dma_wait3A_582] : memref<3x4x4x8x129xf32, #tpu.memory_space<vmem>> -> memref<1x4x4x8x128xf32, #tpu.memory_space<vmem>>
            %dma_wait3A_584 = tpu.memref_squeeze %dma_wait3A_583 : memref<1x4x4x8x128xf32, #tpu.memory_space<vmem>> -> memref<4x4x8x128xf32, #tpu.memory_space<vmem>>
            tpu.wait_dma2 semaphore(%dma_wait3A_572 : memref<!tpu.dma_semaphore, #tpu.memory_space<semaphore_mem>>) src(%dma_wait3A_584 : memref<4x4x8x128xf32, #tpu.memory_space<vmem>>) dst(%dma_wait3A_578 : memref<4x4x8x128xf32, #tpu.memory_space<hbm>>)
          } else {
          }
          %add3A_402 = arith.constant 2 : i32
          %add3A_403 = arith.addi %add3A_281, %add3A_402 : i32
          %jit3A_404 = arith.constant 50 : i32
          %div3A_405 = arith.divsi %add3A_403, %jit3A_404 : i32
          %sign3A_406 = arith.constant 0 : i32
          %sign3A_407 = arith.cmpi sgt, %add3A_403, %sign3A_406 : i32
          %sign3A_408 = arith.extui %sign3A_407 : i1 to i32
          %sign3A_409 = arith.constant 0 : i32
          %sign3A_410 = arith.cmpi slt, %add3A_403, %sign3A_409 : i32
          %sign3A_411 = arith.extui %sign3A_410 : i1 to i32
          %sign3A_412 = arith.subi %sign3A_408, %sign3A_411 : i32
          %sign3A_413 = arith.constant 0 : i32
          %sign3A_414 = arith.cmpi sgt, %jit3A_404, %sign3A_413 : i32
          %sign3A_415 = arith.extui %sign3A_414 : i1 to i32
          %sign3A_416 = arith.constant 0 : i32
          %sign3A_417 = arith.cmpi slt, %jit3A_404, %sign3A_416 : i32
          %sign3A_418 = arith.extui %sign3A_417 : i1 to i32
          %sign3A_419 = arith.subi %sign3A_415, %sign3A_418 : i32
          %ne3A_420 = arith.cmpi ne, %sign3A_412, %sign3A_419 : i32
          %rem3A_421 = arith.remsi %add3A_403, %jit3A_404 : i32
          %ne3A_422 = arith.constant 0 : i32
          %ne3A_423 = arith.cmpi ne, %rem3A_421, %ne3A_422 : i32
          %and3A_424 = arith.andi %ne3A_420, %ne3A_423 : i1
          %sub3A_425 = arith.constant 1 : i32
          %sub3A_426 = arith.subi %div3A_405, %sub3A_425 : i32
          %select_n3A_427 = arith.select %and3A_424, %sub3A_426, %div3A_405 : i32
          %jit3A_428 = arith.constant 50 : i32
          %eq3A_429 = arith.constant 0 : i32
          %eq3A_430 = arith.cmpi eq, %jit3A_428, %eq3A_429 : i32
          %jit3A_431 = arith.constant 1 : i32
          %select_n3A_432 = arith.select %eq3A_430, %jit3A_431, %jit3A_428 : i32
          %rem3A_433 = arith.remsi %add3A_403, %select_n3A_432 : i32
          %ne3A_434 = arith.constant 0 : i32
          %ne3A_435 = arith.cmpi ne, %rem3A_433, %ne3A_434 : i32
          %lt3A_436 = arith.constant 0 : i32
          %lt3A_437 = arith.cmpi slt, %rem3A_433, %lt3A_436 : i32
          %lt3A_438 = arith.constant 0 : i32
          %lt3A_439 = arith.cmpi slt, %select_n3A_432, %lt3A_438 : i32
          %ne3A_440 = arith.xori %lt3A_437, %lt3A_439 : i1
          %and3A_441 = arith.andi %ne3A_440, %ne3A_435 : i1
          %add3A_442 = arith.addi %rem3A_433, %select_n3A_432 : i32
          %select_n3A_443 = arith.select %and3A_441, %add3A_442, %rem3A_433 : i32
          %mul3A_444 = arith.constant 4 : i32
          %mul3A_445 = arith.muli %select_n3A_443, %mul3A_444 : i32
          %mul3A_446 = arith.constant 4 : i32
          %mul3A_447 = arith.muli %add3A, %mul3A_446 : i32
          %add3A_448 = arith.addi %mul3A_447, %select_n3A_427 : i32
          %mul3A_449 = arith.constant 128 : i32
          %mul3A_450 = arith.muli %add3A_448, %mul3A_449 : i32
          %jit3A_451 = arith.constant 50 : i32
          %eq3A_452 = arith.constant 0 : i32
          %eq3A_453 = arith.cmpi eq, %jit3A_451, %eq3A_452 : i32
          %jit3A_454 = arith.constant 1 : i32
          %select_n3A_455 = arith.select %eq3A_453, %jit3A_454, %jit3A_451 : i32
          %rem3A_456 = arith.remsi %add3A_403, %select_n3A_455 : i32
          %ne3A_457 = arith.constant 0 : i32
          %ne3A_458 = arith.cmpi ne, %rem3A_456, %ne3A_457 : i32
          %lt3A_459 = arith.constant 0 : i32
          %lt3A_460 = arith.cmpi slt, %rem3A_456, %lt3A_459 : i32
          %lt3A_461 = arith.constant 0 : i32
          %lt3A_462 = arith.cmpi slt, %select_n3A_455, %lt3A_461 : i32
          %ne3A_463 = arith.xori %lt3A_460, %lt3A_462 : i1
          %and3A_464 = arith.andi %ne3A_463, %ne3A_458 : i1
          %add3A_465 = arith.addi %rem3A_456, %select_n3A_455 : i32
          %select_n3A_466 = arith.select %and3A_464, %add3A_465, %rem3A_456 : i32
          %eq3A_467 = arith.constant 0 : i32
          %eq3A_468 = arith.cmpi eq, %select_n3A_466, %eq3A_467 : i32
          %convert_element_type3A_469 = arith.extui %eq3A_468 : i1 to i32
          %cond3A_470 = arith.constant 0 : i32
          %cond3A_471 = arith.cmpi ne, %convert_element_type3A_469, %cond3A_470 : i32
          scf.if %cond3A_471 {
            "tpu.region"() ({
              %run_scoped3A = tpu.sem_alloc : memref<!tpu.dma_semaphore, #tpu.memory_space<semaphore_mem>>
              %dma_start3A_556 = arith.constant 0 : i32
              %dma_start3A_557 = arith.constant 0 : i32
              %dma_start3A_558 = tpu.memref_slice %arg5[%dma_start3A_556, %dma_start3A_557] : memref<128x201xi32, #tpu.memory_space<vmem>> -> memref<128x200xi32, #tpu.memory_space<vmem>>
              %dma_start3A_559 = arith.constant 0 : i32
              %dma_start3A_560 = tpu.memref_slice %arg3[%mul3A_450, %dma_start3A_559] : memref<16384x200xi32, #tpu.memory_space<hbm>> -> memref<128x200xi32, #tpu.memory_space<hbm>>
              %dma_start3A_561 = arith.constant 0 : i32
              %dma_start3A_562 = arith.constant 0 : i32
              %dma_start3A_563 = tpu.memref_slice %arg5[%dma_start3A_561, %dma_start3A_562] : memref<128x201xi32, #tpu.memory_space<vmem>> -> memref<128x200xi32, #tpu.memory_space<vmem>>
              %dma_start3A_564 = arith.constant 0 : i32
              %dma_start3A_565 = tpu.memref_slice %arg3[%mul3A_450, %dma_start3A_564] : memref<16384x200xi32, #tpu.memory_space<hbm>> -> memref<128x200xi32, #tpu.memory_space<hbm>>
              tpu.enqueue_dma source(%dma_start3A_565 : memref<128x200xi32, #tpu.memory_space<hbm>>) target(%dma_start3A_563 : memref<128x200xi32, #tpu.memory_space<vmem>>) target_semaphore(%run_scoped3A : memref<!tpu.dma_semaphore, #tpu.memory_space<semaphore_mem>>)
              %dma_wait3A_566 = arith.constant 0 : i32
              %dma_wait3A_567 = arith.constant 0 : i32
              %dma_wait3A_568 = tpu.memref_slice %arg5[%dma_wait3A_566, %dma_wait3A_567] : memref<128x201xi32, #tpu.memory_space<vmem>> -> memref<128x200xi32, #tpu.memory_space<vmem>>
              %dma_wait3A_569 = arith.constant 0 : i32
              %dma_wait3A_570 = tpu.memref_slice %arg3[%mul3A_450, %dma_wait3A_569] : memref<16384x200xi32, #tpu.memory_space<hbm>> -> memref<128x200xi32, #tpu.memory_space<hbm>>
              %dma_wait3A_571 = arith.constant 0 : i32
              %dma_wait3A_572 = arith.constant 0 : i32
              %dma_wait3A_573 = tpu.memref_slice %arg5[%dma_wait3A_571, %dma_wait3A_572] : memref<128x201xi32, #tpu.memory_space<vmem>> -> memref<128x200xi32, #tpu.memory_space<vmem>>
              %dma_wait3A_574 = arith.constant 0 : i32
              %dma_wait3A_575 = tpu.memref_slice %arg3[%mul3A_450, %dma_wait3A_574] : memref<16384x200xi32, #tpu.memory_space<hbm>> -> memref<128x200xi32, #tpu.memory_space<hbm>>
              tpu.wait_dma2 semaphore(%run_scoped3A : memref<!tpu.dma_semaphore, #tpu.memory_space<semaphore_mem>>) src(%dma_wait3A_575 : memref<128x200xi32, #tpu.memory_space<hbm>>) dst(%dma_wait3A_573 : memref<128x200xi32, #tpu.memory_space<vmem>>)
              tpu.yield
            }) : () -> ()
          } else {
          }
          %add3A_472 = arith.constant 0 : i32
          %add3A_473 = arith.addi %mul3A_445, %add3A_472 : i32
          %broadcast_in_dim3A_474 = vector.broadcast %add3A_473 : i32 to vector<16xi32>
          %parallel_loop3A_475 = arith.constant 0 : i32
          %parallel_loop3A_476 = arith.constant 8 : i32
          %parallel_loop3A_477 = arith.constant 1 : i32
          scf.for %parallel_loop3A_556 = %parallel_loop3A_475 to %parallel_loop3A_476 step %parallel_loop3A_477  : i32 {
            %parallel_loop3A_557 = arith.constant 16 : i32
            %parallel_loop3A_558 = arith.muli %parallel_loop3A_556, %parallel_loop3A_557 : i32
            %parallel_loop3A_559 = vector.broadcast %parallel_loop3A_558 : i32 to vector<16xi32>
            %parallel_loop3A_560 = arith.addi %parallel_loop3A_559, %iota3A : vector<16xi32>
            %parallel_loop3A_561 = tpu.vector_load_idx %arg5[%parallel_loop3A_560, %broadcast_in_dim3A_474] : memref<128x201xi32, #tpu.memory_space<vmem>>[vector<16xi32>, vector<16xi32>], vector<16xi32>,
            %parallel_loop3A_562 = arith.constant 16 : i32
            %parallel_loop3A_563 = arith.muli %parallel_loop3A_556, %parallel_loop3A_562 : i32
            %parallel_loop3A_564 = arith.constant 0 : i32
            %parallel_loop3A_565 = arith.addi %parallel_loop3A_564, %parallel_loop3A_563 : i32
            %parallel_loop3A_566 = arith.constant 0 : i32
            %parallel_loop3A_567 = arith.index_cast %parallel_loop3A_566 : i32 to index
            %parallel_loop3A_568 = arith.index_cast %parallel_loop3A_565 : i32 to index
            %parallel_loop3A_569 = tpu.vector_load %arg6[%parallel_loop3A_567, %parallel_loop3A_568] {strides = array<i32>} : memref<3x512xi32, #tpu.memory_space<vmem>>, vector<16xi32>,
            tpu.vector_store %arg6[%parallel_loop3A_567, %parallel_loop3A_568], %parallel_loop3A_561 {strides = array<i32>} : memref<3x512xi32, #tpu.memory_space<vmem>>, vector<16xi32>,
          } {sc.loop_unroll_factor = 8 : i64, sc.parallel_access}
          %add3A_478 = arith.constant 1 : i32
          %add3A_479 = arith.addi %mul3A_445, %add3A_478 : i32
          %broadcast_in_dim3A_480 = vector.broadcast %add3A_479 : i32 to vector<16xi32>
          %parallel_loop3A_481 = arith.constant 0 : i32
          %parallel_loop3A_482 = arith.constant 8 : i32
          %parallel_loop3A_483 = arith.constant 1 : i32
          scf.for %parallel_loop3A_556 = %parallel_loop3A_481 to %parallel_loop3A_482 step %parallel_loop3A_483  : i32 {
            %parallel_loop3A_557 = arith.constant 16 : i32
            %parallel_loop3A_558 = arith.muli %parallel_loop3A_556, %parallel_loop3A_557 : i32
            %parallel_loop3A_559 = vector.broadcast %parallel_loop3A_558 : i32 to vector<16xi32>
            %parallel_loop3A_560 = arith.addi %parallel_loop3A_559, %iota3A : vector<16xi32>
            %parallel_loop3A_561 = tpu.vector_load_idx %arg5[%parallel_loop3A_560, %broadcast_in_dim3A_480] : memref<128x201xi32, #tpu.memory_space<vmem>>[vector<16xi32>, vector<16xi32>], vector<16xi32>,
            %parallel_loop3A_562 = arith.constant 16 : i32
            %parallel_loop3A_563 = arith.muli %parallel_loop3A_556, %parallel_loop3A_562 : i32
            %parallel_loop3A_564 = arith.constant 128 : i32
            %parallel_loop3A_565 = arith.addi %parallel_loop3A_564, %parallel_loop3A_563 : i32
            %parallel_loop3A_566 = arith.constant 0 : i32
            %parallel_loop3A_567 = arith.index_cast %parallel_loop3A_566 : i32 to index
            %parallel_loop3A_568 = arith.index_cast %parallel_loop3A_565 : i32 to index
            %parallel_loop3A_569 = tpu.vector_load %arg6[%parallel_loop3A_567, %parallel_loop3A_568] {strides = array<i32>} : memref<3x512xi32, #tpu.memory_space<vmem>>, vector<16xi32>,
            tpu.vector_store %arg6[%parallel_loop3A_567, %parallel_loop3A_568], %parallel_loop3A_561 {strides = array<i32>} : memref<3x512xi32, #tpu.memory_space<vmem>>, vector<16xi32>,
          } {sc.loop_unroll_factor = 8 : i64, sc.parallel_access}
          %add3A_484 = arith.constant 2 : i32
          %add3A_485 = arith.addi %mul3A_445, %add3A_484 : i32
          %broadcast_in_dim3A_486 = vector.broadcast %add3A_485 : i32 to vector<16xi32>
          %parallel_loop3A_487 = arith.constant 0 : i32
          %parallel_loop3A_488 = arith.constant 8 : i32
          %parallel_loop3A_489 = arith.constant 1 : i32
          scf.for %parallel_loop3A_556 = %parallel_loop3A_487 to %parallel_loop3A_488 step %parallel_loop3A_489  : i32 {
            %parallel_loop3A_557 = arith.constant 16 : i32
            %parallel_loop3A_558 = arith.muli %parallel_loop3A_556, %parallel_loop3A_557 : i32
            %parallel_loop3A_559 = vector.broadcast %parallel_loop3A_558 : i32 to vector<16xi32>
            %parallel_loop3A_560 = arith.addi %parallel_loop3A_559, %iota3A : vector<16xi32>
            %parallel_loop3A_561 = tpu.vector_load_idx %arg5[%parallel_loop3A_560, %broadcast_in_dim3A_486] : memref<128x201xi32, #tpu.memory_space<vmem>>[vector<16xi32>, vector<16xi32>], vector<16xi32>,
            %parallel_loop3A_562 = arith.constant 16 : i32
            %parallel_loop3A_563 = arith.muli %parallel_loop3A_556, %parallel_loop3A_562 : i32
            %parallel_loop3A_564 = arith.constant 256 : i32
            %parallel_loop3A_565 = arith.addi %parallel_loop3A_564, %parallel_loop3A_563 : i32
            %parallel_loop3A_566 = arith.constant 0 : i32
            %parallel_loop3A_567 = arith.index_cast %parallel_loop3A_566 : i32 to index
            %parallel_loop3A_568 = arith.index_cast %parallel_loop3A_565 : i32 to index
            %parallel_loop3A_569 = tpu.vector_load %arg6[%parallel_loop3A_567, %parallel_loop3A_568] {strides = array<i32>} : memref<3x512xi32, #tpu.memory_space<vmem>>, vector<16xi32>,
            tpu.vector_store %arg6[%parallel_loop3A_567, %parallel_loop3A_568], %parallel_loop3A_561 {strides = array<i32>} : memref<3x512xi32, #tpu.memory_space<vmem>>, vector<16xi32>,
          } {sc.loop_unroll_factor = 8 : i64, sc.parallel_access}
          %add3A_490 = arith.constant 3 : i32
          %add3A_491 = arith.addi %mul3A_445, %add3A_490 : i32
          %broadcast_in_dim3A_492 = vector.broadcast %add3A_491 : i32 to vector<16xi32>
          %parallel_loop3A_493 = arith.constant 0 : i32
          %parallel_loop3A_494 = arith.constant 8 : i32
          %parallel_loop3A_495 = arith.constant 1 : i32
          scf.for %parallel_loop3A_556 = %parallel_loop3A_493 to %parallel_loop3A_494 step %parallel_loop3A_495  : i32 {
            %parallel_loop3A_557 = arith.constant 16 : i32
            %parallel_loop3A_558 = arith.muli %parallel_loop3A_556, %parallel_loop3A_557 : i32
            %parallel_loop3A_559 = vector.broadcast %parallel_loop3A_558 : i32 to vector<16xi32>
            %parallel_loop3A_560 = arith.addi %parallel_loop3A_559, %iota3A : vector<16xi32>
            %parallel_loop3A_561 = tpu.vector_load_idx %arg5[%parallel_loop3A_560, %broadcast_in_dim3A_492] : memref<128x201xi32, #tpu.memory_space<vmem>>[vector<16xi32>, vector<16xi32>], vector<16xi32>,
            %parallel_loop3A_562 = arith.constant 16 : i32
            %parallel_loop3A_563 = arith.muli %parallel_loop3A_556, %parallel_loop3A_562 : i32
            %parallel_loop3A_564 = arith.constant 384 : i32
            %parallel_loop3A_565 = arith.addi %parallel_loop3A_564, %parallel_loop3A_563 : i32
            %parallel_loop3A_566 = arith.constant 0 : i32
            %parallel_loop3A_567 = arith.index_cast %parallel_loop3A_566 : i32 to index
            %parallel_loop3A_568 = arith.index_cast %parallel_loop3A_565 : i32 to index
            %parallel_loop3A_569 = tpu.vector_load %arg6[%parallel_loop3A_567, %parallel_loop3A_568] {strides = array<i32>} : memref<3x512xi32, #tpu.memory_space<vmem>>, vector<16xi32>,
            tpu.vector_store %arg6[%parallel_loop3A_567, %parallel_loop3A_568], %parallel_loop3A_561 {strides = array<i32>} : memref<3x512xi32, #tpu.memory_space<vmem>>, vector<16xi32>,
          } {sc.loop_unroll_factor = 8 : i64, sc.parallel_access}
          %dma_start3A_496 = arith.constant 0 : i32
          %dma_start3A_497 = arith.constant 0 : i32
          %dma_start3A_498 = arith.constant 0 : i32
          %dma_start3A_499 = arith.constant 0 : i32
          %dma_start3A_500 = arith.constant 0 : i32
          %dma_start3A_501 = tpu.memref_slice %arg7[%dma_start3A_497, %dma_start3A_499, %dma_start3A_500] : memref<3x512x32xf32, #tpu.memory_space<vmem>> -> memref<1x128x32xf32, #tpu.memory_space<vmem>>
          %dma_start3A_502 = tpu.memref_squeeze %dma_start3A_501 : memref<1x128x32xf32, #tpu.memory_space<vmem>> -> memref<128x32xf32, #tpu.memory_space<vmem>>
          %dma_start3A_503 = arith.constant 0 : i32
          %dma_start3A_504 = tpu.memref_slice %arg6[%dma_start3A_496, %dma_start3A_503] : memref<3x512xi32, #tpu.memory_space<vmem>> -> memref<1x128xi32, #tpu.memory_space<vmem>>
          %dma_start3A_505 = tpu.memref_squeeze %dma_start3A_504 : memref<1x128xi32, #tpu.memory_space<vmem>> -> memref<128xi32, #tpu.memory_space<vmem>>
          %dma_start3A_506 = arith.constant 0 : i32
          %dma_start3A_507 = arith.constant 0 : i32
          %dma_start3A_508 = tpu.memref_slice %arg2[%dma_start3A_506, %dma_start3A_507] : memref<1000000x32xf32, #tpu.memory_space<hbm>> -> memref<1000000x32xf32, #tpu.memory_space<hbm>>
          %dma_start3A_509 = tpu.memref_slice %arg9[%dma_start3A_498] : memref<3x!tpu.dma_semaphore, #tpu.memory_space<semaphore_mem>> -> memref<1x!tpu.dma_semaphore, #tpu.memory_space<semaphore_mem>>
          %dma_start3A_510 = tpu.memref_squeeze %dma_start3A_509 : memref<1x!tpu.dma_semaphore, #tpu.memory_space<semaphore_mem>> -> memref<!tpu.dma_semaphore, #tpu.memory_space<semaphore_mem>>
          tpu.enqueue_indirect_dma source(%dma_start3A_508 : memref<1000000x32xf32, #tpu.memory_space<hbm>>) target(%dma_start3A_502 : memref<128x32xf32, #tpu.memory_space<vmem>>) offsets(%dma_start3A_505 : memref<128xi32, #tpu.memory_space<vmem>>) semaphore(%dma_start3A_510 : memref<!tpu.dma_semaphore, #tpu.memory_space<semaphore_mem>>)
          %dma_start3A_511 = arith.constant 0 : i32
          %dma_start3A_512 = arith.constant 0 : i32
          %dma_start3A_513 = arith.constant 0 : i32
          %dma_start3A_514 = arith.constant 128 : i32
          %dma_start3A_515 = arith.constant 0 : i32
          %dma_start3A_516 = tpu.memref_slice %arg7[%dma_start3A_512, %dma_start3A_514, %dma_start3A_515] : memref<3x512x32xf32, #tpu.memory_space<vmem>> -> memref<1x128x32xf32, #tpu.memory_space<vmem>>
          %dma_start3A_517 = tpu.memref_squeeze %dma_start3A_516 : memref<1x128x32xf32, #tpu.memory_space<vmem>> -> memref<128x32xf32, #tpu.memory_space<vmem>>
          %dma_start3A_518 = arith.constant 128 : i32
          %dma_start3A_519 = tpu.memref_slice %arg6[%dma_start3A_511, %dma_start3A_518] : memref<3x512xi32, #tpu.memory_space<vmem>> -> memref<1x128xi32, #tpu.memory_space<vmem>>
          %dma_start3A_520 = tpu.memref_squeeze %dma_start3A_519 : memref<1x128xi32, #tpu.memory_space<vmem>> -> memref<128xi32, #tpu.memory_space<vmem>>
          %dma_start3A_521 = arith.constant 0 : i32
          %dma_start3A_522 = arith.constant 0 : i32
          %dma_start3A_523 = tpu.memref_slice %arg2[%dma_start3A_521, %dma_start3A_522] : memref<1000000x32xf32, #tpu.memory_space<hbm>> -> memref<1000000x32xf32, #tpu.memory_space<hbm>>
          %dma_start3A_524 = tpu.memref_slice %arg9[%dma_start3A_513] : memref<3x!tpu.dma_semaphore, #tpu.memory_space<semaphore_mem>> -> memref<1x!tpu.dma_semaphore, #tpu.memory_space<semaphore_mem>>
          %dma_start3A_525 = tpu.memref_squeeze %dma_start3A_524 : memref<1x!tpu.dma_semaphore, #tpu.memory_space<semaphore_mem>> -> memref<!tpu.dma_semaphore, #tpu.memory_space<semaphore_mem>>
          tpu.enqueue_indirect_dma source(%dma_start3A_523 : memref<1000000x32xf32, #tpu.memory_space<hbm>>) target(%dma_start3A_517 : memref<128x32xf32, #tpu.memory_space<vmem>>) offsets(%dma_start3A_520 : memref<128xi32, #tpu.memory_space<vmem>>) semaphore(%dma_start3A_525 : memref<!tpu.dma_semaphore, #tpu.memory_space<semaphore_mem>>)
          %dma_start3A_526 = arith.constant 0 : i32
          %dma_start3A_527 = arith.constant 0 : i32
          %dma_start3A_528 = arith.constant 0 : i32
          %dma_start3A_529 = arith.constant 256 : i32
          %dma_start3A_530 = arith.constant 0 : i32
          %dma_start3A_531 = tpu.memref_slice %arg7[%dma_start3A_527, %dma_start3A_529, %dma_start3A_530] : memref<3x512x32xf32, #tpu.memory_space<vmem>> -> memref<1x128x32xf32, #tpu.memory_space<vmem>>
          %dma_start3A_532 = tpu.memref_squeeze %dma_start3A_531 : memref<1x128x32xf32, #tpu.memory_space<vmem>> -> memref<128x32xf32, #tpu.memory_space<vmem>>
          %dma_start3A_533 = arith.constant 256 : i32
          %dma_start3A_534 = tpu.memref_slice %arg6[%dma_start3A_526, %dma_start3A_533] : memref<3x512xi32, #tpu.memory_space<vmem>> -> memref<1x128xi32, #tpu.memory_space<vmem>>
          %dma_start3A_535 = tpu.memref_squeeze %dma_start3A_534 : memref<1x128xi32, #tpu.memory_space<vmem>> -> memref<128xi32, #tpu.memory_space<vmem>>
          %dma_start3A_536 = arith.constant 0 : i32
          %dma_start3A_537 = arith.constant 0 : i32
          %dma_start3A_538 = tpu.memref_slice %arg2[%dma_start3A_536, %dma_start3A_537] : memref<1000000x32xf32, #tpu.memory_space<hbm>> -> memref<1000000x32xf32, #tpu.memory_space<hbm>>
          %dma_start3A_539 = tpu.memref_slice %arg9[%dma_start3A_528] : memref<3x!tpu.dma_semaphore, #tpu.memory_space<semaphore_mem>> -> memref<1x!tpu.dma_semaphore, #tpu.memory_space<semaphore_mem>>
          %dma_start3A_540 = tpu.memref_squeeze %dma_start3A_539 : memref<1x!tpu.dma_semaphore, #tpu.memory_space<semaphore_mem>> -> memref<!tpu.dma_semaphore, #tpu.memory_space<semaphore_mem>>
          tpu.enqueue_indirect_dma source(%dma_start3A_538 : memref<1000000x32xf32, #tpu.memory_space<hbm>>) target(%dma_start3A_532 : memref<128x32xf32, #tpu.memory_space<vmem>>) offsets(%dma_start3A_535 : memref<128xi32, #tpu.memory_space<vmem>>) semaphore(%dma_start3A_540 : memref<!tpu.dma_semaphore, #tpu.memory_space<semaphore_mem>>)
          %dma_start3A_541 = arith.constant 0 : i32
          %dma_start3A_542 = arith.constant 0 : i32
          %dma_start3A_543 = arith.constant 0 : i32
          %dma_start3A_544 = arith.constant 384 : i32
          %dma_start3A_545 = arith.constant 0 : i32
          %dma_start3A_546 = tpu.memref_slice %arg7[%dma_start3A_542, %dma_start3A_544, %dma_start3A_545] : memref<3x512x32xf32, #tpu.memory_space<vmem>> -> memref<1x128x32xf32, #tpu.memory_space<vmem>>
          %dma_start3A_547 = tpu.memref_squeeze %dma_start3A_546 : memref<1x128x32xf32, #tpu.memory_space<vmem>> -> memref<128x32xf32, #tpu.memory_space<vmem>>
          %dma_start3A_548 = arith.constant 384 : i32
          %dma_start3A_549 = tpu.memref_slice %arg6[%dma_start3A_541, %dma_start3A_548] : memref<3x512xi32, #tpu.memory_space<vmem>> -> memref<1x128xi32, #tpu.memory_space<vmem>>
          %dma_start3A_550 = tpu.memref_squeeze %dma_start3A_549 : memref<1x128xi32, #tpu.memory_space<vmem>> -> memref<128xi32, #tpu.memory_space<vmem>>
          %dma_start3A_551 = arith.constant 0 : i32
          %dma_start3A_552 = arith.constant 0 : i32
          %dma_start3A_553 = tpu.memref_slice %arg2[%dma_start3A_551, %dma_start3A_552] : memref<1000000x32xf32, #tpu.memory_space<hbm>> -> memref<1000000x32xf32, #tpu.memory_space<hbm>>
          %dma_start3A_554 = tpu.memref_slice %arg9[%dma_start3A_543] : memref<3x!tpu.dma_semaphore, #tpu.memory_space<semaphore_mem>> -> memref<1x!tpu.dma_semaphore, #tpu.memory_space<semaphore_mem>>
          %dma_start3A_555 = tpu.memref_squeeze %dma_start3A_554 : memref<1x!tpu.dma_semaphore, #tpu.memory_space<semaphore_mem>> -> memref<!tpu.dma_semaphore, #tpu.memory_space<semaphore_mem>>
          tpu.enqueue_indirect_dma source(%dma_start3A_553 : memref<1000000x32xf32, #tpu.memory_space<hbm>>) target(%dma_start3A_547 : memref<128x32xf32, #tpu.memory_space<vmem>>) offsets(%dma_start3A_550 : memref<128xi32, #tpu.memory_space<vmem>>) semaphore(%dma_start3A_555 : memref<!tpu.dma_semaphore, #tpu.memory_space<semaphore_mem>>)
        } else {
        }
        %parallel_loop3A_321 = arith.constant 0 : i32
        %parallel_loop3A_322 = arith.constant 128 : i32
        %parallel_loop3A_323 = arith.constant 1 : i32
        scf.for %parallel_loop3A_396 = %parallel_loop3A_321 to %parallel_loop3A_322 step %parallel_loop3A_323  : i32 {
          %parallel_loop3A_397 = arith.constant 0 : i32
          %parallel_loop3A_398 = arith.addi %parallel_loop3A_397, %parallel_loop3A_396 : i32
          %parallel_loop3A_399 = vector.broadcast %parallel_loop3A_396 : i32 to vector<16xi32>
          %parallel_loop3A_400 = arith.constant 1 : i32
          %parallel_loop3A_401 = arith.index_cast %parallel_loop3A_400 : i32 to index
          %parallel_loop3A_402 = arith.index_cast %parallel_loop3A_398 : i32 to index
          %parallel_loop3A_403 = arith.constant 0 : index
          %parallel_loop3A_404 = tpu.vector_load %arg7[%parallel_loop3A_401, %parallel_loop3A_402, %parallel_loop3A_403] {strides = array<i32>} : memref<3x512x32xf32, #tpu.memory_space<vmem>>, vector<16xf32>,
          %parallel_loop3A_405 = arith.constant 5.65685415 : f32
          %parallel_loop3A_406 = vector.broadcast %parallel_loop3A_405 : f32 to vector<16xf32>
          %parallel_loop3A_407 = arith.mulf %parallel_loop3A_404, %parallel_loop3A_406 : vector<16xf32>
          %parallel_loop3A_408 = arith.constant 1 : i32
          %parallel_loop3A_409 = arith.index_cast %parallel_loop3A_408 : i32 to index
          %parallel_loop3A_410 = arith.index_cast %parallel_loop3A_398 : i32 to index
          %parallel_loop3A_411 = arith.constant 16 : index
          %parallel_loop3A_412 = tpu.vector_load %arg7[%parallel_loop3A_409, %parallel_loop3A_410, %parallel_loop3A_411] {strides = array<i32>} : memref<3x512x32xf32, #tpu.memory_space<vmem>>, vector<16xf32>,
          %parallel_loop3A_413 = arith.constant 5.65685415 : f32
          %parallel_loop3A_414 = vector.broadcast %parallel_loop3A_413 : f32 to vector<16xf32>
          %parallel_loop3A_415 = arith.mulf %parallel_loop3A_412, %parallel_loop3A_414 : vector<16xf32>
          %parallel_loop3A_416 = arith.constant 1 : i32
          %parallel_loop3A_417 = arith.constant 0 : i32
          %parallel_loop3A_418 = arith.constant 0 : i32
          %parallel_loop3A_419 = arith.constant 0 : i32
          %parallel_loop3A_420 = arith.constant 0 : i32
          %parallel_loop3A_421 = tpu.memref_slice %arg8[%parallel_loop3A_416, %parallel_loop3A_417, %parallel_loop3A_418, %parallel_loop3A_419, %parallel_loop3A_420] : memref<3x4x4x8x129xf32, #tpu.memory_space<vmem>> -> memref<1x1x4x8x129xf32, #tpu.memory_space<vmem>>
          %parallel_loop3A_422 = tpu.memref_squeeze %parallel_loop3A_421 : memref<1x1x4x8x129xf32, #tpu.memory_space<vmem>> -> memref<4x8x129xf32, #tpu.memory_space<vmem>>
          tpu.vector_store_idx %parallel_loop3A_422[%shift_right_arithmetic3A_2, %and3A_4, %parallel_loop3A_399], %parallel_loop3A_407 : memref<4x8x129xf32, #tpu.memory_space<vmem>>[vector<16xi32>, vector<16xi32>, vector<16xi32>], vector<16xf32>,
          %parallel_loop3A_423 = arith.constant 1 : i32
          %parallel_loop3A_424 = arith.constant 0 : i32
          %parallel_loop3A_425 = arith.constant 0 : i32
          %parallel_loop3A_426 = arith.constant 0 : i32
          %parallel_loop3A_427 = arith.constant 0 : i32
          %parallel_loop3A_428 = tpu.memref_slice %arg8[%parallel_loop3A_423, %parallel_loop3A_424, %parallel_loop3A_425, %parallel_loop3A_426, %parallel_loop3A_427] : memref<3x4x4x8x129xf32, #tpu.memory_space<vmem>> -> memref<1x1x4x8x129xf32, #tpu.memory_space<vmem>>
          %parallel_loop3A_429 = tpu.memref_squeeze %parallel_loop3A_428 : memref<1x1x4x8x129xf32, #tpu.memory_space<vmem>> -> memref<4x8x129xf32, #tpu.memory_space<vmem>>
          tpu.vector_store_idx %parallel_loop3A_429[%add3A_7, %and3A_4, %parallel_loop3A_399], %parallel_loop3A_415 : memref<4x8x129xf32, #tpu.memory_space<vmem>>[vector<16xi32>, vector<16xi32>, vector<16xi32>], vector<16xf32>,
        } {sc.loop_unroll_factor = 8 : i64, sc.parallel_access}
        %parallel_loop3A_324 = arith.constant 0 : i32
        %parallel_loop3A_325 = arith.constant 128 : i32
        %parallel_loop3A_326 = arith.constant 1 : i32
        scf.for %parallel_loop3A_396 = %parallel_loop3A_324 to %parallel_loop3A_325 step %parallel_loop3A_326  : i32 {
          %parallel_loop3A_397 = arith.constant 128 : i32
          %parallel_loop3A_398 = arith.addi %parallel_loop3A_397, %parallel_loop3A_396 : i32
          %parallel_loop3A_399 = vector.broadcast %parallel_loop3A_396 : i32 to vector<16xi32>
          %parallel_loop3A_400 = arith.constant 1 : i32
          %parallel_loop3A_401 = arith.index_cast %parallel_loop3A_400 : i32 to index
          %parallel_loop3A_402 = arith.index_cast %parallel_loop3A_398 : i32 to index
          %parallel_loop3A_403 = arith.constant 0 : index
          %parallel_loop3A_404 = tpu.vector_load %arg7[%parallel_loop3A_401, %parallel_loop3A_402, %parallel_loop3A_403] {strides = array<i32>} : memref<3x512x32xf32, #tpu.memory_space<vmem>>, vector<16xf32>,
          %parallel_loop3A_405 = arith.constant 5.65685415 : f32
          %parallel_loop3A_406 = vector.broadcast %parallel_loop3A_405 : f32 to vector<16xf32>
          %parallel_loop3A_407 = arith.mulf %parallel_loop3A_404, %parallel_loop3A_406 : vector<16xf32>
          %parallel_loop3A_408 = arith.constant 1 : i32
          %parallel_loop3A_409 = arith.index_cast %parallel_loop3A_408 : i32 to index
          %parallel_loop3A_410 = arith.index_cast %parallel_loop3A_398 : i32 to index
          %parallel_loop3A_411 = arith.constant 16 : index
          %parallel_loop3A_412 = tpu.vector_load %arg7[%parallel_loop3A_409, %parallel_loop3A_410, %parallel_loop3A_411] {strides = array<i32>} : memref<3x512x32xf32, #tpu.memory_space<vmem>>, vector<16xf32>,
          %parallel_loop3A_413 = arith.constant 5.65685415 : f32
          %parallel_loop3A_414 = vector.broadcast %parallel_loop3A_413 : f32 to vector<16xf32>
          %parallel_loop3A_415 = arith.mulf %parallel_loop3A_412, %parallel_loop3A_414 : vector<16xf32>
          %parallel_loop3A_416 = arith.constant 1 : i32
          %parallel_loop3A_417 = arith.constant 1 : i32
          %parallel_loop3A_418 = arith.constant 0 : i32
          %parallel_loop3A_419 = arith.constant 0 : i32
          %parallel_loop3A_420 = arith.constant 0 : i32
          %parallel_loop3A_421 = tpu.memref_slice %arg8[%parallel_loop3A_416, %parallel_loop3A_417, %parallel_loop3A_418, %parallel_loop3A_419, %parallel_loop3A_420] : memref<3x4x4x8x129xf32, #tpu.memory_space<vmem>> -> memref<1x1x4x8x129xf32, #tpu.memory_space<vmem>>
          %parallel_loop3A_422 = tpu.memref_squeeze %parallel_loop3A_421 : memref<1x1x4x8x129xf32, #tpu.memory_space<vmem>> -> memref<4x8x129xf32, #tpu.memory_space<vmem>>
          tpu.vector_store_idx %parallel_loop3A_422[%shift_right_arithmetic3A_2, %and3A_4, %parallel_loop3A_399], %parallel_loop3A_407 : memref<4x8x129xf32, #tpu.memory_space<vmem>>[vector<16xi32>, vector<16xi32>, vector<16xi32>], vector<16xf32>,
          %parallel_loop3A_423 = arith.constant 1 : i32
          %parallel_loop3A_424 = arith.constant 1 : i32
          %parallel_loop3A_425 = arith.constant 0 : i32
          %parallel_loop3A_426 = arith.constant 0 : i32
          %parallel_loop3A_427 = arith.constant 0 : i32
          %parallel_loop3A_428 = tpu.memref_slice %arg8[%parallel_loop3A_423, %parallel_loop3A_424, %parallel_loop3A_425, %parallel_loop3A_426, %parallel_loop3A_427] : memref<3x4x4x8x129xf32, #tpu.memory_space<vmem>> -> memref<1x1x4x8x129xf32, #tpu.memory_space<vmem>>
          %parallel_loop3A_429 = tpu.memref_squeeze %parallel_loop3A_428 : memref<1x1x4x8x129xf32, #tpu.memory_space<vmem>> -> memref<4x8x129xf32, #tpu.memory_space<vmem>>
          tpu.vector_store_idx %parallel_loop3A_429[%add3A_7, %and3A_4, %parallel_loop3A_399], %parallel_loop3A_415 : memref<4x8x129xf32, #tpu.memory_space<vmem>>[vector<16xi32>, vector<16xi32>, vector<16xi32>], vector<16xf32>,
        } {sc.loop_unroll_factor = 8 : i64, sc.parallel_access}
        %parallel_loop3A_327 = arith.constant 0 : i32
        %parallel_loop3A_328 = arith.constant 128 : i32
        %parallel_loop3A_329 = arith.constant 1 : i32
        scf.for %parallel_loop3A_396 = %parallel_loop3A_327 to %parallel_loop3A_328 step %parallel_loop3A_329  : i32 {
          %parallel_loop3A_397 = arith.constant 256 : i32
          %parallel_loop3A_398 = arith.addi %parallel_loop3A_397, %parallel_loop3A_396 : i32
          %parallel_loop3A_399 = vector.broadcast %parallel_loop3A_396 : i32 to vector<16xi32>
          %parallel_loop3A_400 = arith.constant 1 : i32
          %parallel_loop3A_401 = arith.index_cast %parallel_loop3A_400 : i32 to index
          %parallel_loop3A_402 = arith.index_cast %parallel_loop3A_398 : i32 to index
          %parallel_loop3A_403 = arith.constant 0 : index
          %parallel_loop3A_404 = tpu.vector_load %arg7[%parallel_loop3A_401, %parallel_loop3A_402, %parallel_loop3A_403] {strides = array<i32>} : memref<3x512x32xf32, #tpu.memory_space<vmem>>, vector<16xf32>,
          %parallel_loop3A_405 = arith.constant 5.65685415 : f32
          %parallel_loop3A_406 = vector.broadcast %parallel_loop3A_405 : f32 to vector<16xf32>
          %parallel_loop3A_407 = arith.mulf %parallel_loop3A_404, %parallel_loop3A_406 : vector<16xf32>
          %parallel_loop3A_408 = arith.constant 1 : i32
          %parallel_loop3A_409 = arith.index_cast %parallel_loop3A_408 : i32 to index
          %parallel_loop3A_410 = arith.index_cast %parallel_loop3A_398 : i32 to index
          %parallel_loop3A_411 = arith.constant 16 : index
          %parallel_loop3A_412 = tpu.vector_load %arg7[%parallel_loop3A_409, %parallel_loop3A_410, %parallel_loop3A_411] {strides = array<i32>} : memref<3x512x32xf32, #tpu.memory_space<vmem>>, vector<16xf32>,
          %parallel_loop3A_413 = arith.constant 5.65685415 : f32
          %parallel_loop3A_414 = vector.broadcast %parallel_loop3A_413 : f32 to vector<16xf32>
          %parallel_loop3A_415 = arith.mulf %parallel_loop3A_412, %parallel_loop3A_414 : vector<16xf32>
          %parallel_loop3A_416 = arith.constant 1 : i32
          %parallel_loop3A_417 = arith.constant 2 : i32
          %parallel_loop3A_418 = arith.constant 0 : i32
          %parallel_loop3A_419 = arith.constant 0 : i32
          %parallel_loop3A_420 = arith.constant 0 : i32
          %parallel_loop3A_421 = tpu.memref_slice %arg8[%parallel_loop3A_416, %parallel_loop3A_417, %parallel_loop3A_418, %parallel_loop3A_419, %parallel_loop3A_420] : memref<3x4x4x8x129xf32, #tpu.memory_space<vmem>> -> memref<1x1x4x8x129xf32, #tpu.memory_space<vmem>>
          %parallel_loop3A_422 = tpu.memref_squeeze %parallel_loop3A_421 : memref<1x1x4x8x129xf32, #tpu.memory_space<vmem>> -> memref<4x8x129xf32, #tpu.memory_space<vmem>>
          tpu.vector_store_idx %parallel_loop3A_422[%shift_right_arithmetic3A_2, %and3A_4, %parallel_loop3A_399], %parallel_loop3A_407 : memref<4x8x129xf32, #tpu.memory_space<vmem>>[vector<16xi32>, vector<16xi32>, vector<16xi32>], vector<16xf32>,
          %parallel_loop3A_423 = arith.constant 1 : i32
          %parallel_loop3A_424 = arith.constant 2 : i32
          %parallel_loop3A_425 = arith.constant 0 : i32
          %parallel_loop3A_426 = arith.constant 0 : i32
          %parallel_loop3A_427 = arith.constant 0 : i32
          %parallel_loop3A_428 = tpu.memref_slice %arg8[%parallel_loop3A_423, %parallel_loop3A_424, %parallel_loop3A_425, %parallel_loop3A_426, %parallel_loop3A_427] : memref<3x4x4x8x129xf32, #tpu.memory_space<vmem>> -> memref<1x1x4x8x129xf32, #tpu.memory_space<vmem>>
          %parallel_loop3A_429 = tpu.memref_squeeze %parallel_loop3A_428 : memref<1x1x4x8x129xf32, #tpu.memory_space<vmem>> -> memref<4x8x129xf32, #tpu.memory_space<vmem>>
          tpu.vector_store_idx %parallel_loop3A_429[%add3A_7, %and3A_4, %parallel_loop3A_399], %parallel_loop3A_415 : memref<4x8x129xf32, #tpu.memory_space<vmem>>[vector<16xi32>, vector<16xi32>, vector<16xi32>], vector<16xf32>,
        } {sc.loop_unroll_factor = 8 : i64, sc.parallel_access}
        %parallel_loop3A_330 = arith.constant 0 : i32
        %parallel_loop3A_331 = arith.constant 128 : i32
        %parallel_loop3A_332 = arith.constant 1 : i32
        scf.for %parallel_loop3A_396 = %parallel_loop3A_330 to %parallel_loop3A_331 step %parallel_loop3A_332  : i32 {
          %parallel_loop3A_397 = arith.constant 384 : i32
          %parallel_loop3A_398 = arith.addi %parallel_loop3A_397, %parallel_loop3A_396 : i32
          %parallel_loop3A_399 = vector.broadcast %parallel_loop3A_396 : i32 to vector<16xi32>
          %parallel_loop3A_400 = arith.constant 1 : i32
          %parallel_loop3A_401 = arith.index_cast %parallel_loop3A_400 : i32 to index
          %parallel_loop3A_402 = arith.index_cast %parallel_loop3A_398 : i32 to index
          %parallel_loop3A_403 = arith.constant 0 : index
          %parallel_loop3A_404 = tpu.vector_load %arg7[%parallel_loop3A_401, %parallel_loop3A_402, %parallel_loop3A_403] {strides = array<i32>} : memref<3x512x32xf32, #tpu.memory_space<vmem>>, vector<16xf32>,
          %parallel_loop3A_405 = arith.constant 5.65685415 : f32
          %parallel_loop3A_406 = vector.broadcast %parallel_loop3A_405 : f32 to vector<16xf32>
          %parallel_loop3A_407 = arith.mulf %parallel_loop3A_404, %parallel_loop3A_406 : vector<16xf32>
          %parallel_loop3A_408 = arith.constant 1 : i32
          %parallel_loop3A_409 = arith.index_cast %parallel_loop3A_408 : i32 to index
          %parallel_loop3A_410 = arith.index_cast %parallel_loop3A_398 : i32 to index
          %parallel_loop3A_411 = arith.constant 16 : index
          %parallel_loop3A_412 = tpu.vector_load %arg7[%parallel_loop3A_409, %parallel_loop3A_410, %parallel_loop3A_411] {strides = array<i32>} : memref<3x512x32xf32, #tpu.memory_space<vmem>>, vector<16xf32>,
          %parallel_loop3A_413 = arith.constant 5.65685415 : f32
          %parallel_loop3A_414 = vector.broadcast %parallel_loop3A_413 : f32 to vector<16xf32>
          %parallel_loop3A_415 = arith.mulf %parallel_loop3A_412, %parallel_loop3A_414 : vector<16xf32>
          %parallel_loop3A_416 = arith.constant 1 : i32
          %parallel_loop3A_417 = arith.constant 3 : i32
          %parallel_loop3A_418 = arith.constant 0 : i32
          %parallel_loop3A_419 = arith.constant 0 : i32
          %parallel_loop3A_420 = arith.constant 0 : i32
          %parallel_loop3A_421 = tpu.memref_slice %arg8[%parallel_loop3A_416, %parallel_loop3A_417, %parallel_loop3A_418, %parallel_loop3A_419, %parallel_loop3A_420] : memref<3x4x4x8x129xf32, #tpu.memory_space<vmem>> -> memref<1x1x4x8x129xf32, #tpu.memory_space<vmem>>
          %parallel_loop3A_422 = tpu.memref_squeeze %parallel_loop3A_421 : memref<1x1x4x8x129xf32, #tpu.memory_space<vmem>> -> memref<4x8x129xf32, #tpu.memory_space<vmem>>
          tpu.vector_store_idx %parallel_loop3A_422[%shift_right_arithmetic3A_2, %and3A_4, %parallel_loop3A_399], %parallel_loop3A_407 : memref<4x8x129xf32, #tpu.memory_space<vmem>>[vector<16xi32>, vector<16xi32>, vector<16xi32>], vector<16xf32>,
          %parallel_loop3A_423 = arith.constant 1 : i32
          %parallel_loop3A_424 = arith.constant 3 : i32
          %parallel_loop3A_425 = arith.constant 0 : i32
          %parallel_loop3A_426 = arith.constant 0 : i32
          %parallel_loop3A_427 = arith.constant 0 : i32
          %parallel_loop3A_428 = tpu.memref_slice %arg8[%parallel_loop3A_423, %parallel_loop3A_424, %parallel_loop3A_425, %parallel_loop3A_426, %parallel_loop3A_427] : memref<3x4x4x8x129xf32, #tpu.memory_space<vmem>> -> memref<1x1x4x8x129xf32, #tpu.memory_space<vmem>>
          %parallel_loop3A_429 = tpu.memref_squeeze %parallel_loop3A_428 : memref<1x1x4x8x129xf32, #tpu.memory_space<vmem>> -> memref<4x8x129xf32, #tpu.memory_space<vmem>>
          tpu.vector_store_idx %parallel_loop3A_429[%add3A_7, %and3A_4, %parallel_loop3A_399], %parallel_loop3A_415 : memref<4x8x129xf32, #tpu.memory_space<vmem>>[vector<16xi32>, vector<16xi32>, vector<16xi32>], vector<16xf32>,
        } {sc.loop_unroll_factor = 8 : i64, sc.parallel_access}
        %jit3A = arith.constant 50 : i32
        %div3A = arith.divsi %add3A_281, %jit3A : i32
        %sign3A = arith.constant 0 : i32
        %sign3A_333 = arith.cmpi sgt, %add3A_281, %sign3A : i32
        %sign3A_334 = arith.extui %sign3A_333 : i1 to i32
        %sign3A_335 = arith.constant 0 : i32
        %sign3A_336 = arith.cmpi slt, %add3A_281, %sign3A_335 : i32
        %sign3A_337 = arith.extui %sign3A_336 : i1 to i32
        %sign3A_338 = arith.subi %sign3A_334, %sign3A_337 : i32
        %sign3A_339 = arith.constant 0 : i32
        %sign3A_340 = arith.cmpi sgt, %jit3A, %sign3A_339 : i32
        %sign3A_341 = arith.extui %sign3A_340 : i1 to i32
        %sign3A_342 = arith.constant 0 : i32
        %sign3A_343 = arith.cmpi slt, %jit3A, %sign3A_342 : i32
        %sign3A_344 = arith.extui %sign3A_343 : i1 to i32
        %sign3A_345 = arith.subi %sign3A_341, %sign3A_344 : i32
        %ne3A = arith.cmpi ne, %sign3A_338, %sign3A_345 : i32
        %rem3A = arith.remsi %add3A_281, %jit3A : i32
        %ne3A_346 = arith.constant 0 : i32
        %ne3A_347 = arith.cmpi ne, %rem3A, %ne3A_346 : i32
        %and3A_348 = arith.andi %ne3A, %ne3A_347 : i1
        %sub3A = arith.constant 1 : i32
        %sub3A_349 = arith.subi %div3A, %sub3A : i32
        %select_n3A = arith.select %and3A_348, %sub3A_349, %div3A : i32
        %jit3A_350 = arith.constant 50 : i32
        %eq3A = arith.constant 0 : i32
        %eq3A_351 = arith.cmpi eq, %jit3A_350, %eq3A : i32
        %jit3A_352 = arith.constant 1 : i32
        %select_n3A_353 = arith.select %eq3A_351, %jit3A_352, %jit3A_350 : i32
        %rem3A_354 = arith.remsi %add3A_281, %select_n3A_353 : i32
        %ne3A_355 = arith.constant 0 : i32
        %ne3A_356 = arith.cmpi ne, %rem3A_354, %ne3A_355 : i32
        %lt3A_357 = arith.constant 0 : i32
        %lt3A_358 = arith.cmpi slt, %rem3A_354, %lt3A_357 : i32
        %lt3A_359 = arith.constant 0 : i32
        %lt3A_360 = arith.cmpi slt, %select_n3A_353, %lt3A_359 : i32
        %ne3A_361 = arith.xori %lt3A_358, %lt3A_360 : i1
        %and3A_362 = arith.andi %ne3A_361, %ne3A_356 : i1
        %add3A_363 = arith.addi %rem3A_354, %select_n3A_353 : i32
        %select_n3A_364 = arith.select %and3A_362, %add3A_363, %rem3A_354 : i32
        %mul3A_365 = arith.constant 4 : i32
        %mul3A_366 = arith.muli %select_n3A_364, %mul3A_365 : i32
        %mul3A_367 = arith.constant 4 : i32
        %mul3A_368 = arith.muli %add3A, %mul3A_367 : i32
        %add3A_369 = arith.addi %mul3A_368, %select_n3A : i32
        %dma_start3A_370 = arith.constant 1 : i32
        %dma_start3A_371 = arith.constant 1 : i32
        %dma_start3A_372 = arith.constant 0 : i32
        %dma_start3A_373 = arith.constant 0 : i32
        %dma_start3A_374 = arith.constant 0 : i32
        %dma_start3A_375 = arith.constant 0 : i32
        %dma_start3A_376 = tpu.memref_slice %arg8[%dma_start3A_370, %dma_start3A_372, %dma_start3A_373, %dma_start3A_374, %dma_start3A_375] : memref<3x4x4x8x129xf32, #tpu.memory_space<vmem>> -> memref<1x4x4x8x128xf32, #tpu.memory_space<vmem>>
        %dma_start3A_377 = tpu.memref_squeeze %dma_start3A_376 : memref<1x4x4x8x128xf32, #tpu.memory_space<vmem>> -> memref<4x4x8x128xf32, #tpu.memory_space<vmem>>
        %dma_start3A_378 = arith.constant 0 : i32
        %dma_start3A_379 = arith.constant 0 : i32
        %dma_start3A_380 = arith.constant 0 : i32
        %dma_start3A_381 = tpu.memref_slice %arg4[%mul3A_366, %dma_start3A_378, %add3A_369, %dma_start3A_379, %dma_start3A_380] : memref<200x4x128x8x128xf32, #tpu.memory_space<hbm>> -> memref<4x4x1x8x128xf32, #tpu.memory_space<hbm>>
        %dma_start3A_382 = tpu.memref_squeeze %dma_start3A_381 : memref<4x4x1x8x128xf32, #tpu.memory_space<hbm>> -> memref<4x4x8x128xf32, #tpu.memory_space<hbm>>
        %dma_start3A_383 = tpu.memref_slice %arg10[%dma_start3A_371] : memref<3x!tpu.dma_semaphore, #tpu.memory_space<semaphore_mem>> -> memref<1x!tpu.dma_semaphore, #tpu.memory_space<semaphore_mem>>
        %dma_start3A_384 = tpu.memref_squeeze %dma_start3A_383 : memref<1x!tpu.dma_semaphore, #tpu.memory_space<semaphore_mem>> -> memref<!tpu.dma_semaphore, #tpu.memory_space<semaphore_mem>>
        %dma_start3A_385 = arith.constant 0 : i32
        %dma_start3A_386 = arith.constant 0 : i32
        %dma_start3A_387 = arith.constant 0 : i32
        %dma_start3A_388 = tpu.memref_slice %arg4[%mul3A_366, %dma_start3A_385, %add3A_369, %dma_start3A_386, %dma_start3A_387] : memref<200x4x128x8x128xf32, #tpu.memory_space<hbm>> -> memref<4x4x1x8x128xf32, #tpu.memory_space<hbm>>
        %dma_start3A_389 = tpu.memref_squeeze %dma_start3A_388 : memref<4x4x1x8x128xf32, #tpu.memory_space<hbm>> -> memref<4x4x8x128xf32, #tpu.memory_space<hbm>>
        %dma_start3A_390 = arith.constant 0 : i32
        %dma_start3A_391 = arith.constant 0 : i32
        %dma_start3A_392 = arith.constant 0 : i32
        %dma_start3A_393 = arith.constant 0 : i32
        %dma_start3A_394 = tpu.memref_slice %arg8[%dma_start3A_370, %dma_start3A_390, %dma_start3A_391, %dma_start3A_392, %dma_start3A_393] : memref<3x4x4x8x129xf32, #tpu.memory_space<vmem>> -> memref<1x4x4x8x128xf32, #tpu.memory_space<vmem>>
        %dma_start3A_395 = tpu.memref_squeeze %dma_start3A_394 : memref<1x4x4x8x128xf32, #tpu.memory_space<vmem>> -> memref<4x4x8x128xf32, #tpu.memory_space<vmem>>
        tpu.enqueue_dma source(%dma_start3A_395 : memref<4x4x8x128xf32, #tpu.memory_space<vmem>>) target(%dma_start3A_389 : memref<4x4x8x128xf32, #tpu.memory_space<hbm>>) target_semaphore(%dma_start3A_384 : memref<!tpu.dma_semaphore, #tpu.memory_space<semaphore_mem>>)
      } else {
      }
      %mul3A_287 = arith.constant 3 : i32
      %mul3A_288 = arith.muli %add3A_271, %mul3A_287 : i32
      %add3A_289 = arith.constant 2 : i32
      %add3A_290 = arith.addi %mul3A_288, %add3A_289 : i32
      %lt3A_291 = arith.constant 200 : i32
      %lt3A_292 = arith.cmpi slt, %add3A_290, %lt3A_291 : i32
      %convert_element_type3A_293 = arith.extui %lt3A_292 : i1 to i32
      %cond3A_294 = arith.constant 0 : i32
      %cond3A_295 = arith.cmpi ne, %convert_element_type3A_293, %cond3A_294 : i32
      scf.if %cond3A_295 {
        %dma_wait3A_296 = arith.constant 2 : i32
        %dma_wait3A_297 = arith.constant 2 : i32
        %dma_wait3A_298 = arith.constant 0 : i32
        %dma_wait3A_299 = arith.constant 0 : i32
        %dma_wait3A_300 = tpu.memref_slice %arg7[%dma_wait3A_296, %dma_wait3A_298, %dma_wait3A_299] : memref<3x512x32xf32, #tpu.memory_space<vmem>> -> memref<1x512x32xf32, #tpu.memory_space<vmem>>
        %dma_wait3A_301 = tpu.memref_squeeze %dma_wait3A_300 : memref<1x512x32xf32, #tpu.memory_space<vmem>> -> memref<512x32xf32, #tpu.memory_space<vmem>>
        %dma_wait3A_302 = arith.constant 0 : i32
        %dma_wait3A_303 = arith.constant 0 : i32
        %dma_wait3A_304 = tpu.memref_slice %arg2[%dma_wait3A_302, %dma_wait3A_303] : memref<1000000x32xf32, #tpu.memory_space<hbm>> -> memref<512x32xf32, #tpu.memory_space<hbm>>
        %dma_wait3A_305 = tpu.memref_slice %arg9[%dma_wait3A_297] : memref<3x!tpu.dma_semaphore, #tpu.memory_space<semaphore_mem>> -> memref<1x!tpu.dma_semaphore, #tpu.memory_space<semaphore_mem>>
        %dma_wait3A_306 = tpu.memref_squeeze %dma_wait3A_305 : memref<1x!tpu.dma_semaphore, #tpu.memory_space<semaphore_mem>> -> memref<!tpu.dma_semaphore, #tpu.memory_space<semaphore_mem>>
        %dma_wait3A_307 = arith.constant 0 : i32
        %dma_wait3A_308 = arith.constant 0 : i32
        %dma_wait3A_309 = tpu.memref_slice %arg7[%dma_wait3A_296, %dma_wait3A_307, %dma_wait3A_308] : memref<3x512x32xf32, #tpu.memory_space<vmem>> -> memref<1x512x32xf32, #tpu.memory_space<vmem>>
        %dma_wait3A_310 = tpu.memref_squeeze %dma_wait3A_309 : memref<1x512x32xf32, #tpu.memory_space<vmem>> -> memref<512x32xf32, #tpu.memory_space<vmem>>
        %dma_wait3A_311 = arith.constant 0 : i32
        %dma_wait3A_312 = arith.constant 0 : i32
        %dma_wait3A_313 = tpu.memref_slice %arg2[%dma_wait3A_311, %dma_wait3A_312] : memref<1000000x32xf32, #tpu.memory_space<hbm>> -> memref<512x32xf32, #tpu.memory_space<hbm>>
        tpu.wait_dma2 semaphore(%dma_wait3A_306 : memref<!tpu.dma_semaphore, #tpu.memory_space<semaphore_mem>>) src(%dma_wait3A_313 : memref<512x32xf32, #tpu.memory_space<hbm>>) dst(%dma_wait3A_310 : memref<512x32xf32, #tpu.memory_space<vmem>>)
        %add3A_314 = arith.constant 2 : i32
        %add3A_315 = arith.addi %add3A_290, %add3A_314 : i32
        %lt3A_316 = arith.constant 200 : i32
        %lt3A_317 = arith.cmpi slt, %add3A_315, %lt3A_316 : i32
        %convert_element_type3A_318 = arith.extui %lt3A_317 : i1 to i32
        %cond3A_319 = arith.constant 0 : i32
        %cond3A_320 = arith.cmpi ne, %convert_element_type3A_318, %cond3A_319 : i32
        scf.if %cond3A_320 {
          %add3A_396 = arith.constant 2 : i32
          %add3A_397 = arith.addi %add3A_290, %add3A_396 : i32
          %ge3A = arith.constant 3 : i32
          %ge3A_398 = arith.cmpi sge, %add3A_397, %ge3A : i32
          %convert_element_type3A_399 = arith.extui %ge3A_398 : i1 to i32
          %cond3A_400 = arith.constant 0 : i32
          %cond3A_401 = arith.cmpi ne, %convert_element_type3A_399, %cond3A_400 : i32
          scf.if %cond3A_401 {
            %dma_wait3A_556 = arith.constant 1 : i32
            %dma_wait3A_557 = arith.constant 0 : i32
            %dma_wait3A_558 = arith.constant 1 : i32
            %dma_wait3A_559 = arith.constant 0 : i32
            %dma_wait3A_560 = arith.constant 0 : i32
            %dma_wait3A_561 = arith.constant 0 : i32
            %dma_wait3A_562 = arith.constant 0 : i32
            %dma_wait3A_563 = tpu.memref_slice %arg8[%dma_wait3A_556, %dma_wait3A_559, %dma_wait3A_560, %dma_wait3A_561, %dma_wait3A_562] : memref<3x4x4x8x129xf32, #tpu.memory_space<vmem>> -> memref<1x4x4x8x128xf32, #tpu.memory_space<vmem>>
            %dma_wait3A_564 = tpu.memref_squeeze %dma_wait3A_563 : memref<1x4x4x8x128xf32, #tpu.memory_space<vmem>> -> memref<4x4x8x128xf32, #tpu.memory_space<vmem>>
            %dma_wait3A_565 = arith.constant 0 : i32
            %dma_wait3A_566 = arith.constant 0 : i32
            %dma_wait3A_567 = arith.constant 0 : i32
            %dma_wait3A_568 = arith.constant 0 : i32
            %dma_wait3A_569 = tpu.memref_slice %arg4[%dma_wait3A_565, %dma_wait3A_566, %dma_wait3A_557, %dma_wait3A_567, %dma_wait3A_568] : memref<200x4x128x8x128xf32, #tpu.memory_space<hbm>> -> memref<4x4x1x8x128xf32, #tpu.memory_space<hbm>>
            %dma_wait3A_570 = tpu.memref_squeeze %dma_wait3A_569 : memref<4x4x1x8x128xf32, #tpu.memory_space<hbm>> -> memref<4x4x8x128xf32, #tpu.memory_space<hbm>>
            %dma_wait3A_571 = tpu.memref_slice %arg10[%dma_wait3A_558] : memref<3x!tpu.dma_semaphore, #tpu.memory_space<semaphore_mem>> -> memref<1x!tpu.dma_semaphore, #tpu.memory_space<semaphore_mem>>
            %dma_wait3A_572 = tpu.memref_squeeze %dma_wait3A_571 : memref<1x!tpu.dma_semaphore, #tpu.memory_space<semaphore_mem>> -> memref<!tpu.dma_semaphore, #tpu.memory_space<semaphore_mem>>
            %dma_wait3A_573 = arith.constant 0 : i32
            %dma_wait3A_574 = arith.constant 0 : i32
            %dma_wait3A_575 = arith.constant 0 : i32
            %dma_wait3A_576 = arith.constant 0 : i32
            %dma_wait3A_577 = tpu.memref_slice %arg4[%dma_wait3A_573, %dma_wait3A_574, %dma_wait3A_557, %dma_wait3A_575, %dma_wait3A_576] : memref<200x4x128x8x128xf32, #tpu.memory_space<hbm>> -> memref<4x4x1x8x128xf32, #tpu.memory_space<hbm>>
            %dma_wait3A_578 = tpu.memref_squeeze %dma_wait3A_577 : memref<4x4x1x8x128xf32, #tpu.memory_space<hbm>> -> memref<4x4x8x128xf32, #tpu.memory_space<hbm>>
            %dma_wait3A_579 = arith.constant 0 : i32
            %dma_wait3A_580 = arith.constant 0 : i32
            %dma_wait3A_581 = arith.constant 0 : i32
            %dma_wait3A_582 = arith.constant 0 : i32
            %dma_wait3A_583 = tpu.memref_slice %arg8[%dma_wait3A_556, %dma_wait3A_579, %dma_wait3A_580, %dma_wait3A_581, %dma_wait3A_582] : memref<3x4x4x8x129xf32, #tpu.memory_space<vmem>> -> memref<1x4x4x8x128xf32, #tpu.memory_space<vmem>>
            %dma_wait3A_584 = tpu.memref_squeeze %dma_wait3A_583 : memref<1x4x4x8x128xf32, #tpu.memory_space<vmem>> -> memref<4x4x8x128xf32, #tpu.memory_space<vmem>>
            tpu.wait_dma2 semaphore(%dma_wait3A_572 : memref<!tpu.dma_semaphore, #tpu.memory_space<semaphore_mem>>) src(%dma_wait3A_584 : memref<4x4x8x128xf32, #tpu.memory_space<vmem>>) dst(%dma_wait3A_578 : memref<4x4x8x128xf32, #tpu.memory_space<hbm>>)
          } else {
          }
          %add3A_402 = arith.constant 2 : i32
          %add3A_403 = arith.addi %add3A_290, %add3A_402 : i32
          %jit3A_404 = arith.constant 50 : i32
          %div3A_405 = arith.divsi %add3A_403, %jit3A_404 : i32
          %sign3A_406 = arith.constant 0 : i32
          %sign3A_407 = arith.cmpi sgt, %add3A_403, %sign3A_406 : i32
          %sign3A_408 = arith.extui %sign3A_407 : i1 to i32
          %sign3A_409 = arith.constant 0 : i32
          %sign3A_410 = arith.cmpi slt, %add3A_403, %sign3A_409 : i32
          %sign3A_411 = arith.extui %sign3A_410 : i1 to i32
          %sign3A_412 = arith.subi %sign3A_408, %sign3A_411 : i32
          %sign3A_413 = arith.constant 0 : i32
          %sign3A_414 = arith.cmpi sgt, %jit3A_404, %sign3A_413 : i32
          %sign3A_415 = arith.extui %sign3A_414 : i1 to i32
          %sign3A_416 = arith.constant 0 : i32
          %sign3A_417 = arith.cmpi slt, %jit3A_404, %sign3A_416 : i32
          %sign3A_418 = arith.extui %sign3A_417 : i1 to i32
          %sign3A_419 = arith.subi %sign3A_415, %sign3A_418 : i32
          %ne3A_420 = arith.cmpi ne, %sign3A_412, %sign3A_419 : i32
          %rem3A_421 = arith.remsi %add3A_403, %jit3A_404 : i32
          %ne3A_422 = arith.constant 0 : i32
          %ne3A_423 = arith.cmpi ne, %rem3A_421, %ne3A_422 : i32
          %and3A_424 = arith.andi %ne3A_420, %ne3A_423 : i1
          %sub3A_425 = arith.constant 1 : i32
          %sub3A_426 = arith.subi %div3A_405, %sub3A_425 : i32
          %select_n3A_427 = arith.select %and3A_424, %sub3A_426, %div3A_405 : i32
          %jit3A_428 = arith.constant 50 : i32
          %eq3A_429 = arith.constant 0 : i32
          %eq3A_430 = arith.cmpi eq, %jit3A_428, %eq3A_429 : i32
          %jit3A_431 = arith.constant 1 : i32
          %select_n3A_432 = arith.select %eq3A_430, %jit3A_431, %jit3A_428 : i32
          %rem3A_433 = arith.remsi %add3A_403, %select_n3A_432 : i32
          %ne3A_434 = arith.constant 0 : i32
          %ne3A_435 = arith.cmpi ne, %rem3A_433, %ne3A_434 : i32
          %lt3A_436 = arith.constant 0 : i32
          %lt3A_437 = arith.cmpi slt, %rem3A_433, %lt3A_436 : i32
          %lt3A_438 = arith.constant 0 : i32
          %lt3A_439 = arith.cmpi slt, %select_n3A_432, %lt3A_438 : i32
          %ne3A_440 = arith.xori %lt3A_437, %lt3A_439 : i1
          %and3A_441 = arith.andi %ne3A_440, %ne3A_435 : i1
          %add3A_442 = arith.addi %rem3A_433, %select_n3A_432 : i32
          %select_n3A_443 = arith.select %and3A_441, %add3A_442, %rem3A_433 : i32
          %mul3A_444 = arith.constant 4 : i32
          %mul3A_445 = arith.muli %select_n3A_443, %mul3A_444 : i32
          %mul3A_446 = arith.constant 4 : i32
          %mul3A_447 = arith.muli %add3A, %mul3A_446 : i32
          %add3A_448 = arith.addi %mul3A_447, %select_n3A_427 : i32
          %mul3A_449 = arith.constant 128 : i32
          %mul3A_450 = arith.muli %add3A_448, %mul3A_449 : i32
          %jit3A_451 = arith.constant 50 : i32
          %eq3A_452 = arith.constant 0 : i32
          %eq3A_453 = arith.cmpi eq, %jit3A_451, %eq3A_452 : i32
          %jit3A_454 = arith.constant 1 : i32
          %select_n3A_455 = arith.select %eq3A_453, %jit3A_454, %jit3A_451 : i32
          %rem3A_456 = arith.remsi %add3A_403, %select_n3A_455 : i32
          %ne3A_457 = arith.constant 0 : i32
          %ne3A_458 = arith.cmpi ne, %rem3A_456, %ne3A_457 : i32
          %lt3A_459 = arith.constant 0 : i32
          %lt3A_460 = arith.cmpi slt, %rem3A_456, %lt3A_459 : i32
          %lt3A_461 = arith.constant 0 : i32
          %lt3A_462 = arith.cmpi slt, %select_n3A_455, %lt3A_461 : i32
          %ne3A_463 = arith.xori %lt3A_460, %lt3A_462 : i1
          %and3A_464 = arith.andi %ne3A_463, %ne3A_458 : i1
          %add3A_465 = arith.addi %rem3A_456, %select_n3A_455 : i32
          %select_n3A_466 = arith.select %and3A_464, %add3A_465, %rem3A_456 : i32
          %eq3A_467 = arith.constant 0 : i32
          %eq3A_468 = arith.cmpi eq, %select_n3A_466, %eq3A_467 : i32
          %convert_element_type3A_469 = arith.extui %eq3A_468 : i1 to i32
          %cond3A_470 = arith.constant 0 : i32
          %cond3A_471 = arith.cmpi ne, %convert_element_type3A_469, %cond3A_470 : i32
          scf.if %cond3A_471 {
            "tpu.region"() ({
              %run_scoped3A = tpu.sem_alloc : memref<!tpu.dma_semaphore, #tpu.memory_space<semaphore_mem>>
              %dma_start3A_556 = arith.constant 0 : i32
              %dma_start3A_557 = arith.constant 0 : i32
              %dma_start3A_558 = tpu.memref_slice %arg5[%dma_start3A_556, %dma_start3A_557] : memref<128x201xi32, #tpu.memory_space<vmem>> -> memref<128x200xi32, #tpu.memory_space<vmem>>
              %dma_start3A_559 = arith.constant 0 : i32
              %dma_start3A_560 = tpu.memref_slice %arg3[%mul3A_450, %dma_start3A_559] : memref<16384x200xi32, #tpu.memory_space<hbm>> -> memref<128x200xi32, #tpu.memory_space<hbm>>
              %dma_start3A_561 = arith.constant 0 : i32
              %dma_start3A_562 = arith.constant 0 : i32
              %dma_start3A_563 = tpu.memref_slice %arg5[%dma_start3A_561, %dma_start3A_562] : memref<128x201xi32, #tpu.memory_space<vmem>> -> memref<128x200xi32, #tpu.memory_space<vmem>>
              %dma_start3A_564 = arith.constant 0 : i32
              %dma_start3A_565 = tpu.memref_slice %arg3[%mul3A_450, %dma_start3A_564] : memref<16384x200xi32, #tpu.memory_space<hbm>> -> memref<128x200xi32, #tpu.memory_space<hbm>>
              tpu.enqueue_dma source(%dma_start3A_565 : memref<128x200xi32, #tpu.memory_space<hbm>>) target(%dma_start3A_563 : memref<128x200xi32, #tpu.memory_space<vmem>>) target_semaphore(%run_scoped3A : memref<!tpu.dma_semaphore, #tpu.memory_space<semaphore_mem>>)
              %dma_wait3A_566 = arith.constant 0 : i32
              %dma_wait3A_567 = arith.constant 0 : i32
              %dma_wait3A_568 = tpu.memref_slice %arg5[%dma_wait3A_566, %dma_wait3A_567] : memref<128x201xi32, #tpu.memory_space<vmem>> -> memref<128x200xi32, #tpu.memory_space<vmem>>
              %dma_wait3A_569 = arith.constant 0 : i32
              %dma_wait3A_570 = tpu.memref_slice %arg3[%mul3A_450, %dma_wait3A_569] : memref<16384x200xi32, #tpu.memory_space<hbm>> -> memref<128x200xi32, #tpu.memory_space<hbm>>
              %dma_wait3A_571 = arith.constant 0 : i32
              %dma_wait3A_572 = arith.constant 0 : i32
              %dma_wait3A_573 = tpu.memref_slice %arg5[%dma_wait3A_571, %dma_wait3A_572] : memref<128x201xi32, #tpu.memory_space<vmem>> -> memref<128x200xi32, #tpu.memory_space<vmem>>
              %dma_wait3A_574 = arith.constant 0 : i32
              %dma_wait3A_575 = tpu.memref_slice %arg3[%mul3A_450, %dma_wait3A_574] : memref<16384x200xi32, #tpu.memory_space<hbm>> -> memref<128x200xi32, #tpu.memory_space<hbm>>
              tpu.wait_dma2 semaphore(%run_scoped3A : memref<!tpu.dma_semaphore, #tpu.memory_space<semaphore_mem>>) src(%dma_wait3A_575 : memref<128x200xi32, #tpu.memory_space<hbm>>) dst(%dma_wait3A_573 : memref<128x200xi32, #tpu.memory_space<vmem>>)
              tpu.yield
            }) : () -> ()
          } else {
          }
          %add3A_472 = arith.constant 0 : i32
          %add3A_473 = arith.addi %mul3A_445, %add3A_472 : i32
          %broadcast_in_dim3A_474 = vector.broadcast %add3A_473 : i32 to vector<16xi32>
          %parallel_loop3A_475 = arith.constant 0 : i32
          %parallel_loop3A_476 = arith.constant 8 : i32
          %parallel_loop3A_477 = arith.constant 1 : i32
          scf.for %parallel_loop3A_556 = %parallel_loop3A_475 to %parallel_loop3A_476 step %parallel_loop3A_477  : i32 {
            %parallel_loop3A_557 = arith.constant 16 : i32
            %parallel_loop3A_558 = arith.muli %parallel_loop3A_556, %parallel_loop3A_557 : i32
            %parallel_loop3A_559 = vector.broadcast %parallel_loop3A_558 : i32 to vector<16xi32>
            %parallel_loop3A_560 = arith.addi %parallel_loop3A_559, %iota3A : vector<16xi32>
            %parallel_loop3A_561 = tpu.vector_load_idx %arg5[%parallel_loop3A_560, %broadcast_in_dim3A_474] : memref<128x201xi32, #tpu.memory_space<vmem>>[vector<16xi32>, vector<16xi32>], vector<16xi32>,
            %parallel_loop3A_562 = arith.constant 16 : i32
            %parallel_loop3A_563 = arith.muli %parallel_loop3A_556, %parallel_loop3A_562 : i32
            %parallel_loop3A_564 = arith.constant 0 : i32
            %parallel_loop3A_565 = arith.addi %parallel_loop3A_564, %parallel_loop3A_563 : i32
            %parallel_loop3A_566 = arith.constant 1 : i32
            %parallel_loop3A_567 = arith.index_cast %parallel_loop3A_566 : i32 to index
            %parallel_loop3A_568 = arith.index_cast %parallel_loop3A_565 : i32 to index
            %parallel_loop3A_569 = tpu.vector_load %arg6[%parallel_loop3A_567, %parallel_loop3A_568] {strides = array<i32>} : memref<3x512xi32, #tpu.memory_space<vmem>>, vector<16xi32>,
            tpu.vector_store %arg6[%parallel_loop3A_567, %parallel_loop3A_568], %parallel_loop3A_561 {strides = array<i32>} : memref<3x512xi32, #tpu.memory_space<vmem>>, vector<16xi32>,
          } {sc.loop_unroll_factor = 8 : i64, sc.parallel_access}
          %add3A_478 = arith.constant 1 : i32
          %add3A_479 = arith.addi %mul3A_445, %add3A_478 : i32
          %broadcast_in_dim3A_480 = vector.broadcast %add3A_479 : i32 to vector<16xi32>
          %parallel_loop3A_481 = arith.constant 0 : i32
          %parallel_loop3A_482 = arith.constant 8 : i32
          %parallel_loop3A_483 = arith.constant 1 : i32
          scf.for %parallel_loop3A_556 = %parallel_loop3A_481 to %parallel_loop3A_482 step %parallel_loop3A_483  : i32 {
            %parallel_loop3A_557 = arith.constant 16 : i32
            %parallel_loop3A_558 = arith.muli %parallel_loop3A_556, %parallel_loop3A_557 : i32
            %parallel_loop3A_559 = vector.broadcast %parallel_loop3A_558 : i32 to vector<16xi32>
            %parallel_loop3A_560 = arith.addi %parallel_loop3A_559, %iota3A : vector<16xi32>
            %parallel_loop3A_561 = tpu.vector_load_idx %arg5[%parallel_loop3A_560, %broadcast_in_dim3A_480] : memref<128x201xi32, #tpu.memory_space<vmem>>[vector<16xi32>, vector<16xi32>], vector<16xi32>,
            %parallel_loop3A_562 = arith.constant 16 : i32
            %parallel_loop3A_563 = arith.muli %parallel_loop3A_556, %parallel_loop3A_562 : i32
            %parallel_loop3A_564 = arith.constant 128 : i32
            %parallel_loop3A_565 = arith.addi %parallel_loop3A_564, %parallel_loop3A_563 : i32
            %parallel_loop3A_566 = arith.constant 1 : i32
            %parallel_loop3A_567 = arith.index_cast %parallel_loop3A_566 : i32 to index
            %parallel_loop3A_568 = arith.index_cast %parallel_loop3A_565 : i32 to index
            %parallel_loop3A_569 = tpu.vector_load %arg6[%parallel_loop3A_567, %parallel_loop3A_568] {strides = array<i32>} : memref<3x512xi32, #tpu.memory_space<vmem>>, vector<16xi32>,
            tpu.vector_store %arg6[%parallel_loop3A_567, %parallel_loop3A_568], %parallel_loop3A_561 {strides = array<i32>} : memref<3x512xi32, #tpu.memory_space<vmem>>, vector<16xi32>,
          } {sc.loop_unroll_factor = 8 : i64, sc.parallel_access}
          %add3A_484 = arith.constant 2 : i32
          %add3A_485 = arith.addi %mul3A_445, %add3A_484 : i32
          %broadcast_in_dim3A_486 = vector.broadcast %add3A_485 : i32 to vector<16xi32>
          %parallel_loop3A_487 = arith.constant 0 : i32
          %parallel_loop3A_488 = arith.constant 8 : i32
          %parallel_loop3A_489 = arith.constant 1 : i32
          scf.for %parallel_loop3A_556 = %parallel_loop3A_487 to %parallel_loop3A_488 step %parallel_loop3A_489  : i32 {
            %parallel_loop3A_557 = arith.constant 16 : i32
            %parallel_loop3A_558 = arith.muli %parallel_loop3A_556, %parallel_loop3A_557 : i32
            %parallel_loop3A_559 = vector.broadcast %parallel_loop3A_558 : i32 to vector<16xi32>
            %parallel_loop3A_560 = arith.addi %parallel_loop3A_559, %iota3A : vector<16xi32>
            %parallel_loop3A_561 = tpu.vector_load_idx %arg5[%parallel_loop3A_560, %broadcast_in_dim3A_486] : memref<128x201xi32, #tpu.memory_space<vmem>>[vector<16xi32>, vector<16xi32>], vector<16xi32>,
            %parallel_loop3A_562 = arith.constant 16 : i32
            %parallel_loop3A_563 = arith.muli %parallel_loop3A_556, %parallel_loop3A_562 : i32
            %parallel_loop3A_564 = arith.constant 256 : i32
            %parallel_loop3A_565 = arith.addi %parallel_loop3A_564, %parallel_loop3A_563 : i32
            %parallel_loop3A_566 = arith.constant 1 : i32
            %parallel_loop3A_567 = arith.index_cast %parallel_loop3A_566 : i32 to index
            %parallel_loop3A_568 = arith.index_cast %parallel_loop3A_565 : i32 to index
            %parallel_loop3A_569 = tpu.vector_load %arg6[%parallel_loop3A_567, %parallel_loop3A_568] {strides = array<i32>} : memref<3x512xi32, #tpu.memory_space<vmem>>, vector<16xi32>,
            tpu.vector_store %arg6[%parallel_loop3A_567, %parallel_loop3A_568], %parallel_loop3A_561 {strides = array<i32>} : memref<3x512xi32, #tpu.memory_space<vmem>>, vector<16xi32>,
          } {sc.loop_unroll_factor = 8 : i64, sc.parallel_access}
          %add3A_490 = arith.constant 3 : i32
          %add3A_491 = arith.addi %mul3A_445, %add3A_490 : i32
          %broadcast_in_dim3A_492 = vector.broadcast %add3A_491 : i32 to vector<16xi32>
          %parallel_loop3A_493 = arith.constant 0 : i32
          %parallel_loop3A_494 = arith.constant 8 : i32
          %parallel_loop3A_495 = arith.constant 1 : i32
          scf.for %parallel_loop3A_556 = %parallel_loop3A_493 to %parallel_loop3A_494 step %parallel_loop3A_495  : i32 {
            %parallel_loop3A_557 = arith.constant 16 : i32
            %parallel_loop3A_558 = arith.muli %parallel_loop3A_556, %parallel_loop3A_557 : i32
            %parallel_loop3A_559 = vector.broadcast %parallel_loop3A_558 : i32 to vector<16xi32>
            %parallel_loop3A_560 = arith.addi %parallel_loop3A_559, %iota3A : vector<16xi32>
            %parallel_loop3A_561 = tpu.vector_load_idx %arg5[%parallel_loop3A_560, %broadcast_in_dim3A_492] : memref<128x201xi32, #tpu.memory_space<vmem>>[vector<16xi32>, vector<16xi32>], vector<16xi32>,
            %parallel_loop3A_562 = arith.constant 16 : i32
            %parallel_loop3A_563 = arith.muli %parallel_loop3A_556, %parallel_loop3A_562 : i32
            %parallel_loop3A_564 = arith.constant 384 : i32
            %parallel_loop3A_565 = arith.addi %parallel_loop3A_564, %parallel_loop3A_563 : i32
            %parallel_loop3A_566 = arith.constant 1 : i32
            %parallel_loop3A_567 = arith.index_cast %parallel_loop3A_566 : i32 to index
            %parallel_loop3A_568 = arith.index_cast %parallel_loop3A_565 : i32 to index
            %parallel_loop3A_569 = tpu.vector_load %arg6[%parallel_loop3A_567, %parallel_loop3A_568] {strides = array<i32>} : memref<3x512xi32, #tpu.memory_space<vmem>>, vector<16xi32>,
            tpu.vector_store %arg6[%parallel_loop3A_567, %parallel_loop3A_568], %parallel_loop3A_561 {strides = array<i32>} : memref<3x512xi32, #tpu.memory_space<vmem>>, vector<16xi32>,
          } {sc.loop_unroll_factor = 8 : i64, sc.parallel_access}
          %dma_start3A_496 = arith.constant 1 : i32
          %dma_start3A_497 = arith.constant 1 : i32
          %dma_start3A_498 = arith.constant 1 : i32
          %dma_start3A_499 = arith.constant 0 : i32
          %dma_start3A_500 = arith.constant 0 : i32
          %dma_start3A_501 = tpu.memref_slice %arg7[%dma_start3A_497, %dma_start3A_499, %dma_start3A_500] : memref<3x512x32xf32, #tpu.memory_space<vmem>> -> memref<1x128x32xf32, #tpu.memory_space<vmem>>
          %dma_start3A_502 = tpu.memref_squeeze %dma_start3A_501 : memref<1x128x32xf32, #tpu.memory_space<vmem>> -> memref<128x32xf32, #tpu.memory_space<vmem>>
          %dma_start3A_503 = arith.constant 0 : i32
          %dma_start3A_504 = tpu.memref_slice %arg6[%dma_start3A_496, %dma_start3A_503] : memref<3x512xi32, #tpu.memory_space<vmem>> -> memref<1x128xi32, #tpu.memory_space<vmem>>
          %dma_start3A_505 = tpu.memref_squeeze %dma_start3A_504 : memref<1x128xi32, #tpu.memory_space<vmem>> -> memref<128xi32, #tpu.memory_space<vmem>>
          %dma_start3A_506 = arith.constant 0 : i32
          %dma_start3A_507 = arith.constant 0 : i32
          %dma_start3A_508 = tpu.memref_slice %arg2[%dma_start3A_506, %dma_start3A_507] : memref<1000000x32xf32, #tpu.memory_space<hbm>> -> memref<1000000x32xf32, #tpu.memory_space<hbm>>
          %dma_start3A_509 = tpu.memref_slice %arg9[%dma_start3A_498] : memref<3x!tpu.dma_semaphore, #tpu.memory_space<semaphore_mem>> -> memref<1x!tpu.dma_semaphore, #tpu.memory_space<semaphore_mem>>
          %dma_start3A_510 = tpu.memref_squeeze %dma_start3A_509 : memref<1x!tpu.dma_semaphore, #tpu.memory_space<semaphore_mem>> -> memref<!tpu.dma_semaphore, #tpu.memory_space<semaphore_mem>>
          tpu.enqueue_indirect_dma source(%dma_start3A_508 : memref<1000000x32xf32, #tpu.memory_space<hbm>>) target(%dma_start3A_502 : memref<128x32xf32, #tpu.memory_space<vmem>>) offsets(%dma_start3A_505 : memref<128xi32, #tpu.memory_space<vmem>>) semaphore(%dma_start3A_510 : memref<!tpu.dma_semaphore, #tpu.memory_space<semaphore_mem>>)
          %dma_start3A_511 = arith.constant 1 : i32
          %dma_start3A_512 = arith.constant 1 : i32
          %dma_start3A_513 = arith.constant 1 : i32
          %dma_start3A_514 = arith.constant 128 : i32
          %dma_start3A_515 = arith.constant 0 : i32
          %dma_start3A_516 = tpu.memref_slice %arg7[%dma_start3A_512, %dma_start3A_514, %dma_start3A_515] : memref<3x512x32xf32, #tpu.memory_space<vmem>> -> memref<1x128x32xf32, #tpu.memory_space<vmem>>
          %dma_start3A_517 = tpu.memref_squeeze %dma_start3A_516 : memref<1x128x32xf32, #tpu.memory_space<vmem>> -> memref<128x32xf32, #tpu.memory_space<vmem>>
          %dma_start3A_518 = arith.constant 128 : i32
          %dma_start3A_519 = tpu.memref_slice %arg6[%dma_start3A_511, %dma_start3A_518] : memref<3x512xi32, #tpu.memory_space<vmem>> -> memref<1x128xi32, #tpu.memory_space<vmem>>
          %dma_start3A_520 = tpu.memref_squeeze %dma_start3A_519 : memref<1x128xi32, #tpu.memory_space<vmem>> -> memref<128xi32, #tpu.memory_space<vmem>>
          %dma_start3A_521 = arith.constant 0 : i32
          %dma_start3A_522 = arith.constant 0 : i32
          %dma_start3A_523 = tpu.memref_slice %arg2[%dma_start3A_521, %dma_start3A_522] : memref<1000000x32xf32, #tpu.memory_space<hbm>> -> memref<1000000x32xf32, #tpu.memory_space<hbm>>
          %dma_start3A_524 = tpu.memref_slice %arg9[%dma_start3A_513] : memref<3x!tpu.dma_semaphore, #tpu.memory_space<semaphore_mem>> -> memref<1x!tpu.dma_semaphore, #tpu.memory_space<semaphore_mem>>
          %dma_start3A_525 = tpu.memref_squeeze %dma_start3A_524 : memref<1x!tpu.dma_semaphore, #tpu.memory_space<semaphore_mem>> -> memref<!tpu.dma_semaphore, #tpu.memory_space<semaphore_mem>>
          tpu.enqueue_indirect_dma source(%dma_start3A_523 : memref<1000000x32xf32, #tpu.memory_space<hbm>>) target(%dma_start3A_517 : memref<128x32xf32, #tpu.memory_space<vmem>>) offsets(%dma_start3A_520 : memref<128xi32, #tpu.memory_space<vmem>>) semaphore(%dma_start3A_525 : memref<!tpu.dma_semaphore, #tpu.memory_space<semaphore_mem>>)
          %dma_start3A_526 = arith.constant 1 : i32
          %dma_start3A_527 = arith.constant 1 : i32
          %dma_start3A_528 = arith.constant 1 : i32
          %dma_start3A_529 = arith.constant 256 : i32
          %dma_start3A_530 = arith.constant 0 : i32
          %dma_start3A_531 = tpu.memref_slice %arg7[%dma_start3A_527, %dma_start3A_529, %dma_start3A_530] : memref<3x512x32xf32, #tpu.memory_space<vmem>> -> memref<1x128x32xf32, #tpu.memory_space<vmem>>
          %dma_start3A_532 = tpu.memref_squeeze %dma_start3A_531 : memref<1x128x32xf32, #tpu.memory_space<vmem>> -> memref<128x32xf32, #tpu.memory_space<vmem>>
          %dma_start3A_533 = arith.constant 256 : i32
          %dma_start3A_534 = tpu.memref_slice %arg6[%dma_start3A_526, %dma_start3A_533] : memref<3x512xi32, #tpu.memory_space<vmem>> -> memref<1x128xi32, #tpu.memory_space<vmem>>
          %dma_start3A_535 = tpu.memref_squeeze %dma_start3A_534 : memref<1x128xi32, #tpu.memory_space<vmem>> -> memref<128xi32, #tpu.memory_space<vmem>>
          %dma_start3A_536 = arith.constant 0 : i32
          %dma_start3A_537 = arith.constant 0 : i32
          %dma_start3A_538 = tpu.memref_slice %arg2[%dma_start3A_536, %dma_start3A_537] : memref<1000000x32xf32, #tpu.memory_space<hbm>> -> memref<1000000x32xf32, #tpu.memory_space<hbm>>
          %dma_start3A_539 = tpu.memref_slice %arg9[%dma_start3A_528] : memref<3x!tpu.dma_semaphore, #tpu.memory_space<semaphore_mem>> -> memref<1x!tpu.dma_semaphore, #tpu.memory_space<semaphore_mem>>
          %dma_start3A_540 = tpu.memref_squeeze %dma_start3A_539 : memref<1x!tpu.dma_semaphore, #tpu.memory_space<semaphore_mem>> -> memref<!tpu.dma_semaphore, #tpu.memory_space<semaphore_mem>>
          tpu.enqueue_indirect_dma source(%dma_start3A_538 : memref<1000000x32xf32, #tpu.memory_space<hbm>>) target(%dma_start3A_532 : memref<128x32xf32, #tpu.memory_space<vmem>>) offsets(%dma_start3A_535 : memref<128xi32, #tpu.memory_space<vmem>>) semaphore(%dma_start3A_540 : memref<!tpu.dma_semaphore, #tpu.memory_space<semaphore_mem>>)
          %dma_start3A_541 = arith.constant 1 : i32
          %dma_start3A_542 = arith.constant 1 : i32
          %dma_start3A_543 = arith.constant 1 : i32
          %dma_start3A_544 = arith.constant 384 : i32
          %dma_start3A_545 = arith.constant 0 : i32
          %dma_start3A_546 = tpu.memref_slice %arg7[%dma_start3A_542, %dma_start3A_544, %dma_start3A_545] : memref<3x512x32xf32, #tpu.memory_space<vmem>> -> memref<1x128x32xf32, #tpu.memory_space<vmem>>
          %dma_start3A_547 = tpu.memref_squeeze %dma_start3A_546 : memref<1x128x32xf32, #tpu.memory_space<vmem>> -> memref<128x32xf32, #tpu.memory_space<vmem>>
          %dma_start3A_548 = arith.constant 384 : i32
          %dma_start3A_549 = tpu.memref_slice %arg6[%dma_start3A_541, %dma_start3A_548] : memref<3x512xi32, #tpu.memory_space<vmem>> -> memref<1x128xi32, #tpu.memory_space<vmem>>
          %dma_start3A_550 = tpu.memref_squeeze %dma_start3A_549 : memref<1x128xi32, #tpu.memory_space<vmem>> -> memref<128xi32, #tpu.memory_space<vmem>>
          %dma_start3A_551 = arith.constant 0 : i32
          %dma_start3A_552 = arith.constant 0 : i32
          %dma_start3A_553 = tpu.memref_slice %arg2[%dma_start3A_551, %dma_start3A_552] : memref<1000000x32xf32, #tpu.memory_space<hbm>> -> memref<1000000x32xf32, #tpu.memory_space<hbm>>
          %dma_start3A_554 = tpu.memref_slice %arg9[%dma_start3A_543] : memref<3x!tpu.dma_semaphore, #tpu.memory_space<semaphore_mem>> -> memref<1x!tpu.dma_semaphore, #tpu.memory_space<semaphore_mem>>
          %dma_start3A_555 = tpu.memref_squeeze %dma_start3A_554 : memref<1x!tpu.dma_semaphore, #tpu.memory_space<semaphore_mem>> -> memref<!tpu.dma_semaphore, #tpu.memory_space<semaphore_mem>>
          tpu.enqueue_indirect_dma source(%dma_start3A_553 : memref<1000000x32xf32, #tpu.memory_space<hbm>>) target(%dma_start3A_547 : memref<128x32xf32, #tpu.memory_space<vmem>>) offsets(%dma_start3A_550 : memref<128xi32, #tpu.memory_space<vmem>>) semaphore(%dma_start3A_555 : memref<!tpu.dma_semaphore, #tpu.memory_space<semaphore_mem>>)
        } else {
        }
        %parallel_loop3A_321 = arith.constant 0 : i32
        %parallel_loop3A_322 = arith.constant 128 : i32
        %parallel_loop3A_323 = arith.constant 1 : i32
        scf.for %parallel_loop3A_396 = %parallel_loop3A_321 to %parallel_loop3A_322 step %parallel_loop3A_323  : i32 {
          %parallel_loop3A_397 = arith.constant 0 : i32
          %parallel_loop3A_398 = arith.addi %parallel_loop3A_397, %parallel_loop3A_396 : i32
          %parallel_loop3A_399 = vector.broadcast %parallel_loop3A_396 : i32 to vector<16xi32>
          %parallel_loop3A_400 = arith.constant 2 : i32
          %parallel_loop3A_401 = arith.index_cast %parallel_loop3A_400 : i32 to index
          %parallel_loop3A_402 = arith.index_cast %parallel_loop3A_398 : i32 to index
          %parallel_loop3A_403 = arith.constant 0 : index
          %parallel_loop3A_404 = tpu.vector_load %arg7[%parallel_loop3A_401, %parallel_loop3A_402, %parallel_loop3A_403] {strides = array<i32>} : memref<3x512x32xf32, #tpu.memory_space<vmem>>, vector<16xf32>,
          %parallel_loop3A_405 = arith.constant 5.65685415 : f32
          %parallel_loop3A_406 = vector.broadcast %parallel_loop3A_405 : f32 to vector<16xf32>
          %parallel_loop3A_407 = arith.mulf %parallel_loop3A_404, %parallel_loop3A_406 : vector<16xf32>
          %parallel_loop3A_408 = arith.constant 2 : i32
          %parallel_loop3A_409 = arith.index_cast %parallel_loop3A_408 : i32 to index
          %parallel_loop3A_410 = arith.index_cast %parallel_loop3A_398 : i32 to index
          %parallel_loop3A_411 = arith.constant 16 : index
          %parallel_loop3A_412 = tpu.vector_load %arg7[%parallel_loop3A_409, %parallel_loop3A_410, %parallel_loop3A_411] {strides = array<i32>} : memref<3x512x32xf32, #tpu.memory_space<vmem>>, vector<16xf32>,
          %parallel_loop3A_413 = arith.constant 5.65685415 : f32
          %parallel_loop3A_414 = vector.broadcast %parallel_loop3A_413 : f32 to vector<16xf32>
          %parallel_loop3A_415 = arith.mulf %parallel_loop3A_412, %parallel_loop3A_414 : vector<16xf32>
          %parallel_loop3A_416 = arith.constant 2 : i32
          %parallel_loop3A_417 = arith.constant 0 : i32
          %parallel_loop3A_418 = arith.constant 0 : i32
          %parallel_loop3A_419 = arith.constant 0 : i32
          %parallel_loop3A_420 = arith.constant 0 : i32
          %parallel_loop3A_421 = tpu.memref_slice %arg8[%parallel_loop3A_416, %parallel_loop3A_417, %parallel_loop3A_418, %parallel_loop3A_419, %parallel_loop3A_420] : memref<3x4x4x8x129xf32, #tpu.memory_space<vmem>> -> memref<1x1x4x8x129xf32, #tpu.memory_space<vmem>>
          %parallel_loop3A_422 = tpu.memref_squeeze %parallel_loop3A_421 : memref<1x1x4x8x129xf32, #tpu.memory_space<vmem>> -> memref<4x8x129xf32, #tpu.memory_space<vmem>>
          tpu.vector_store_idx %parallel_loop3A_422[%shift_right_arithmetic3A_2, %and3A_4, %parallel_loop3A_399], %parallel_loop3A_407 : memref<4x8x129xf32, #tpu.memory_space<vmem>>[vector<16xi32>, vector<16xi32>, vector<16xi32>], vector<16xf32>,
          %parallel_loop3A_423 = arith.constant 2 : i32
          %parallel_loop3A_424 = arith.constant 0 : i32
          %parallel_loop3A_425 = arith.constant 0 : i32
          %parallel_loop3A_426 = arith.constant 0 : i32
          %parallel_loop3A_427 = arith.constant 0 : i32
          %parallel_loop3A_428 = tpu.memref_slice %arg8[%parallel_loop3A_423, %parallel_loop3A_424, %parallel_loop3A_425, %parallel_loop3A_426, %parallel_loop3A_427] : memref<3x4x4x8x129xf32, #tpu.memory_space<vmem>> -> memref<1x1x4x8x129xf32, #tpu.memory_space<vmem>>
          %parallel_loop3A_429 = tpu.memref_squeeze %parallel_loop3A_428 : memref<1x1x4x8x129xf32, #tpu.memory_space<vmem>> -> memref<4x8x129xf32, #tpu.memory_space<vmem>>
          tpu.vector_store_idx %parallel_loop3A_429[%add3A_7, %and3A_4, %parallel_loop3A_399], %parallel_loop3A_415 : memref<4x8x129xf32, #tpu.memory_space<vmem>>[vector<16xi32>, vector<16xi32>, vector<16xi32>], vector<16xf32>,
        } {sc.loop_unroll_factor = 8 : i64, sc.parallel_access}
        %parallel_loop3A_324 = arith.constant 0 : i32
        %parallel_loop3A_325 = arith.constant 128 : i32
        %parallel_loop3A_326 = arith.constant 1 : i32
        scf.for %parallel_loop3A_396 = %parallel_loop3A_324 to %parallel_loop3A_325 step %parallel_loop3A_326  : i32 {
          %parallel_loop3A_397 = arith.constant 128 : i32
          %parallel_loop3A_398 = arith.addi %parallel_loop3A_397, %parallel_loop3A_396 : i32
          %parallel_loop3A_399 = vector.broadcast %parallel_loop3A_396 : i32 to vector<16xi32>
          %parallel_loop3A_400 = arith.constant 2 : i32
          %parallel_loop3A_401 = arith.index_cast %parallel_loop3A_400 : i32 to index
          %parallel_loop3A_402 = arith.index_cast %parallel_loop3A_398 : i32 to index
          %parallel_loop3A_403 = arith.constant 0 : index
          %parallel_loop3A_404 = tpu.vector_load %arg7[%parallel_loop3A_401, %parallel_loop3A_402, %parallel_loop3A_403] {strides = array<i32>} : memref<3x512x32xf32, #tpu.memory_space<vmem>>, vector<16xf32>,
          %parallel_loop3A_405 = arith.constant 5.65685415 : f32
          %parallel_loop3A_406 = vector.broadcast %parallel_loop3A_405 : f32 to vector<16xf32>
          %parallel_loop3A_407 = arith.mulf %parallel_loop3A_404, %parallel_loop3A_406 : vector<16xf32>
          %parallel_loop3A_408 = arith.constant 2 : i32
          %parallel_loop3A_409 = arith.index_cast %parallel_loop3A_408 : i32 to index
          %parallel_loop3A_410 = arith.index_cast %parallel_loop3A_398 : i32 to index
          %parallel_loop3A_411 = arith.constant 16 : index
          %parallel_loop3A_412 = tpu.vector_load %arg7[%parallel_loop3A_409, %parallel_loop3A_410, %parallel_loop3A_411] {strides = array<i32>} : memref<3x512x32xf32, #tpu.memory_space<vmem>>, vector<16xf32>,
          %parallel_loop3A_413 = arith.constant 5.65685415 : f32
          %parallel_loop3A_414 = vector.broadcast %parallel_loop3A_413 : f32 to vector<16xf32>
          %parallel_loop3A_415 = arith.mulf %parallel_loop3A_412, %parallel_loop3A_414 : vector<16xf32>
          %parallel_loop3A_416 = arith.constant 2 : i32
          %parallel_loop3A_417 = arith.constant 1 : i32
          %parallel_loop3A_418 = arith.constant 0 : i32
          %parallel_loop3A_419 = arith.constant 0 : i32
          %parallel_loop3A_420 = arith.constant 0 : i32
          %parallel_loop3A_421 = tpu.memref_slice %arg8[%parallel_loop3A_416, %parallel_loop3A_417, %parallel_loop3A_418, %parallel_loop3A_419, %parallel_loop3A_420] : memref<3x4x4x8x129xf32, #tpu.memory_space<vmem>> -> memref<1x1x4x8x129xf32, #tpu.memory_space<vmem>>
          %parallel_loop3A_422 = tpu.memref_squeeze %parallel_loop3A_421 : memref<1x1x4x8x129xf32, #tpu.memory_space<vmem>> -> memref<4x8x129xf32, #tpu.memory_space<vmem>>
          tpu.vector_store_idx %parallel_loop3A_422[%shift_right_arithmetic3A_2, %and3A_4, %parallel_loop3A_399], %parallel_loop3A_407 : memref<4x8x129xf32, #tpu.memory_space<vmem>>[vector<16xi32>, vector<16xi32>, vector<16xi32>], vector<16xf32>,
          %parallel_loop3A_423 = arith.constant 2 : i32
          %parallel_loop3A_424 = arith.constant 1 : i32
          %parallel_loop3A_425 = arith.constant 0 : i32
          %parallel_loop3A_426 = arith.constant 0 : i32
          %parallel_loop3A_427 = arith.constant 0 : i32
          %parallel_loop3A_428 = tpu.memref_slice %arg8[%parallel_loop3A_423, %parallel_loop3A_424, %parallel_loop3A_425, %parallel_loop3A_426, %parallel_loop3A_427] : memref<3x4x4x8x129xf32, #tpu.memory_space<vmem>> -> memref<1x1x4x8x129xf32, #tpu.memory_space<vmem>>
          %parallel_loop3A_429 = tpu.memref_squeeze %parallel_loop3A_428 : memref<1x1x4x8x129xf32, #tpu.memory_space<vmem>> -> memref<4x8x129xf32, #tpu.memory_space<vmem>>
          tpu.vector_store_idx %parallel_loop3A_429[%add3A_7, %and3A_4, %parallel_loop3A_399], %parallel_loop3A_415 : memref<4x8x129xf32, #tpu.memory_space<vmem>>[vector<16xi32>, vector<16xi32>, vector<16xi32>], vector<16xf32>,
        } {sc.loop_unroll_factor = 8 : i64, sc.parallel_access}
        %parallel_loop3A_327 = arith.constant 0 : i32
        %parallel_loop3A_328 = arith.constant 128 : i32
        %parallel_loop3A_329 = arith.constant 1 : i32
        scf.for %parallel_loop3A_396 = %parallel_loop3A_327 to %parallel_loop3A_328 step %parallel_loop3A_329  : i32 {
          %parallel_loop3A_397 = arith.constant 256 : i32
          %parallel_loop3A_398 = arith.addi %parallel_loop3A_397, %parallel_loop3A_396 : i32
          %parallel_loop3A_399 = vector.broadcast %parallel_loop3A_396 : i32 to vector<16xi32>
          %parallel_loop3A_400 = arith.constant 2 : i32
          %parallel_loop3A_401 = arith.index_cast %parallel_loop3A_400 : i32 to index
          %parallel_loop3A_402 = arith.index_cast %parallel_loop3A_398 : i32 to index
          %parallel_loop3A_403 = arith.constant 0 : index
          %parallel_loop3A_404 = tpu.vector_load %arg7[%parallel_loop3A_401, %parallel_loop3A_402, %parallel_loop3A_403] {strides = array<i32>} : memref<3x512x32xf32, #tpu.memory_space<vmem>>, vector<16xf32>,
          %parallel_loop3A_405 = arith.constant 5.65685415 : f32
          %parallel_loop3A_406 = vector.broadcast %parallel_loop3A_405 : f32 to vector<16xf32>
          %parallel_loop3A_407 = arith.mulf %parallel_loop3A_404, %parallel_loop3A_406 : vector<16xf32>
          %parallel_loop3A_408 = arith.constant 2 : i32
          %parallel_loop3A_409 = arith.index_cast %parallel_loop3A_408 : i32 to index
          %parallel_loop3A_410 = arith.index_cast %parallel_loop3A_398 : i32 to index
          %parallel_loop3A_411 = arith.constant 16 : index
          %parallel_loop3A_412 = tpu.vector_load %arg7[%parallel_loop3A_409, %parallel_loop3A_410, %parallel_loop3A_411] {strides = array<i32>} : memref<3x512x32xf32, #tpu.memory_space<vmem>>, vector<16xf32>,
          %parallel_loop3A_413 = arith.constant 5.65685415 : f32
          %parallel_loop3A_414 = vector.broadcast %parallel_loop3A_413 : f32 to vector<16xf32>
          %parallel_loop3A_415 = arith.mulf %parallel_loop3A_412, %parallel_loop3A_414 : vector<16xf32>
          %parallel_loop3A_416 = arith.constant 2 : i32
          %parallel_loop3A_417 = arith.constant 2 : i32
          %parallel_loop3A_418 = arith.constant 0 : i32
          %parallel_loop3A_419 = arith.constant 0 : i32
          %parallel_loop3A_420 = arith.constant 0 : i32
          %parallel_loop3A_421 = tpu.memref_slice %arg8[%parallel_loop3A_416, %parallel_loop3A_417, %parallel_loop3A_418, %parallel_loop3A_419, %parallel_loop3A_420] : memref<3x4x4x8x129xf32, #tpu.memory_space<vmem>> -> memref<1x1x4x8x129xf32, #tpu.memory_space<vmem>>
          %parallel_loop3A_422 = tpu.memref_squeeze %parallel_loop3A_421 : memref<1x1x4x8x129xf32, #tpu.memory_space<vmem>> -> memref<4x8x129xf32, #tpu.memory_space<vmem>>
          tpu.vector_store_idx %parallel_loop3A_422[%shift_right_arithmetic3A_2, %and3A_4, %parallel_loop3A_399], %parallel_loop3A_407 : memref<4x8x129xf32, #tpu.memory_space<vmem>>[vector<16xi32>, vector<16xi32>, vector<16xi32>], vector<16xf32>,
          %parallel_loop3A_423 = arith.constant 2 : i32
          %parallel_loop3A_424 = arith.constant 2 : i32
          %parallel_loop3A_425 = arith.constant 0 : i32
          %parallel_loop3A_426 = arith.constant 0 : i32
          %parallel_loop3A_427 = arith.constant 0 : i32
          %parallel_loop3A_428 = tpu.memref_slice %arg8[%parallel_loop3A_423, %parallel_loop3A_424, %parallel_loop3A_425, %parallel_loop3A_426, %parallel_loop3A_427] : memref<3x4x4x8x129xf32, #tpu.memory_space<vmem>> -> memref<1x1x4x8x129xf32, #tpu.memory_space<vmem>>
          %parallel_loop3A_429 = tpu.memref_squeeze %parallel_loop3A_428 : memref<1x1x4x8x129xf32, #tpu.memory_space<vmem>> -> memref<4x8x129xf32, #tpu.memory_space<vmem>>
          tpu.vector_store_idx %parallel_loop3A_429[%add3A_7, %and3A_4, %parallel_loop3A_399], %parallel_loop3A_415 : memref<4x8x129xf32, #tpu.memory_space<vmem>>[vector<16xi32>, vector<16xi32>, vector<16xi32>], vector<16xf32>,
        } {sc.loop_unroll_factor = 8 : i64, sc.parallel_access}
        %parallel_loop3A_330 = arith.constant 0 : i32
        %parallel_loop3A_331 = arith.constant 128 : i32
        %parallel_loop3A_332 = arith.constant 1 : i32
        scf.for %parallel_loop3A_396 = %parallel_loop3A_330 to %parallel_loop3A_331 step %parallel_loop3A_332  : i32 {
          %parallel_loop3A_397 = arith.constant 384 : i32
          %parallel_loop3A_398 = arith.addi %parallel_loop3A_397, %parallel_loop3A_396 : i32
          %parallel_loop3A_399 = vector.broadcast %parallel_loop3A_396 : i32 to vector<16xi32>
          %parallel_loop3A_400 = arith.constant 2 : i32
          %parallel_loop3A_401 = arith.index_cast %parallel_loop3A_400 : i32 to index
          %parallel_loop3A_402 = arith.index_cast %parallel_loop3A_398 : i32 to index
          %parallel_loop3A_403 = arith.constant 0 : index
          %parallel_loop3A_404 = tpu.vector_load %arg7[%parallel_loop3A_401, %parallel_loop3A_402, %parallel_loop3A_403] {strides = array<i32>} : memref<3x512x32xf32, #tpu.memory_space<vmem>>, vector<16xf32>,
          %parallel_loop3A_405 = arith.constant 5.65685415 : f32
          %parallel_loop3A_406 = vector.broadcast %parallel_loop3A_405 : f32 to vector<16xf32>
          %parallel_loop3A_407 = arith.mulf %parallel_loop3A_404, %parallel_loop3A_406 : vector<16xf32>
          %parallel_loop3A_408 = arith.constant 2 : i32
          %parallel_loop3A_409 = arith.index_cast %parallel_loop3A_408 : i32 to index
          %parallel_loop3A_410 = arith.index_cast %parallel_loop3A_398 : i32 to index
          %parallel_loop3A_411 = arith.constant 16 : index
          %parallel_loop3A_412 = tpu.vector_load %arg7[%parallel_loop3A_409, %parallel_loop3A_410, %parallel_loop3A_411] {strides = array<i32>} : memref<3x512x32xf32, #tpu.memory_space<vmem>>, vector<16xf32>,
          %parallel_loop3A_413 = arith.constant 5.65685415 : f32
          %parallel_loop3A_414 = vector.broadcast %parallel_loop3A_413 : f32 to vector<16xf32>
          %parallel_loop3A_415 = arith.mulf %parallel_loop3A_412, %parallel_loop3A_414 : vector<16xf32>
          %parallel_loop3A_416 = arith.constant 2 : i32
          %parallel_loop3A_417 = arith.constant 3 : i32
          %parallel_loop3A_418 = arith.constant 0 : i32
          %parallel_loop3A_419 = arith.constant 0 : i32
          %parallel_loop3A_420 = arith.constant 0 : i32
          %parallel_loop3A_421 = tpu.memref_slice %arg8[%parallel_loop3A_416, %parallel_loop3A_417, %parallel_loop3A_418, %parallel_loop3A_419, %parallel_loop3A_420] : memref<3x4x4x8x129xf32, #tpu.memory_space<vmem>> -> memref<1x1x4x8x129xf32, #tpu.memory_space<vmem>>
          %parallel_loop3A_422 = tpu.memref_squeeze %parallel_loop3A_421 : memref<1x1x4x8x129xf32, #tpu.memory_space<vmem>> -> memref<4x8x129xf32, #tpu.memory_space<vmem>>
          tpu.vector_store_idx %parallel_loop3A_422[%shift_right_arithmetic3A_2, %and3A_4, %parallel_loop3A_399], %parallel_loop3A_407 : memref<4x8x129xf32, #tpu.memory_space<vmem>>[vector<16xi32>, vector<16xi32>, vector<16xi32>], vector<16xf32>,
          %parallel_loop3A_423 = arith.constant 2 : i32
          %parallel_loop3A_424 = arith.constant 3 : i32
          %parallel_loop3A_425 = arith.constant 0 : i32
          %parallel_loop3A_426 = arith.constant 0 : i32
          %parallel_loop3A_427 = arith.constant 0 : i32
          %parallel_loop3A_428 = tpu.memref_slice %arg8[%parallel_loop3A_423, %parallel_loop3A_424, %parallel_loop3A_425, %parallel_loop3A_426, %parallel_loop3A_427] : memref<3x4x4x8x129xf32, #tpu.memory_space<vmem>> -> memref<1x1x4x8x129xf32, #tpu.memory_space<vmem>>
          %parallel_loop3A_429 = tpu.memref_squeeze %parallel_loop3A_428 : memref<1x1x4x8x129xf32, #tpu.memory_space<vmem>> -> memref<4x8x129xf32, #tpu.memory_space<vmem>>
          tpu.vector_store_idx %parallel_loop3A_429[%add3A_7, %and3A_4, %parallel_loop3A_399], %parallel_loop3A_415 : memref<4x8x129xf32, #tpu.memory_space<vmem>>[vector<16xi32>, vector<16xi32>, vector<16xi32>], vector<16xf32>,
        } {sc.loop_unroll_factor = 8 : i64, sc.parallel_access}
        %jit3A = arith.constant 50 : i32
        %div3A = arith.divsi %add3A_290, %jit3A : i32
        %sign3A = arith.constant 0 : i32
        %sign3A_333 = arith.cmpi sgt, %add3A_290, %sign3A : i32
        %sign3A_334 = arith.extui %sign3A_333 : i1 to i32
        %sign3A_335 = arith.constant 0 : i32
        %sign3A_336 = arith.cmpi slt, %add3A_290, %sign3A_335 : i32
        %sign3A_337 = arith.extui %sign3A_336 : i1 to i32
        %sign3A_338 = arith.subi %sign3A_334, %sign3A_337 : i32
        %sign3A_339 = arith.constant 0 : i32
        %sign3A_340 = arith.cmpi sgt, %jit3A, %sign3A_339 : i32
        %sign3A_341 = arith.extui %sign3A_340 : i1 to i32
        %sign3A_342 = arith.constant 0 : i32
        %sign3A_343 = arith.cmpi slt, %jit3A, %sign3A_342 : i32
        %sign3A_344 = arith.extui %sign3A_343 : i1 to i32
        %sign3A_345 = arith.subi %sign3A_341, %sign3A_344 : i32
        %ne3A = arith.cmpi ne, %sign3A_338, %sign3A_345 : i32
        %rem3A = arith.remsi %add3A_290, %jit3A : i32
        %ne3A_346 = arith.constant 0 : i32
        %ne3A_347 = arith.cmpi ne, %rem3A, %ne3A_346 : i32
        %and3A_348 = arith.andi %ne3A, %ne3A_347 : i1
        %sub3A = arith.constant 1 : i32
        %sub3A_349 = arith.subi %div3A, %sub3A : i32
        %select_n3A = arith.select %and3A_348, %sub3A_349, %div3A : i32
        %jit3A_350 = arith.constant 50 : i32
        %eq3A = arith.constant 0 : i32
        %eq3A_351 = arith.cmpi eq, %jit3A_350, %eq3A : i32
        %jit3A_352 = arith.constant 1 : i32
        %select_n3A_353 = arith.select %eq3A_351, %jit3A_352, %jit3A_350 : i32
        %rem3A_354 = arith.remsi %add3A_290, %select_n3A_353 : i32
        %ne3A_355 = arith.constant 0 : i32
        %ne3A_356 = arith.cmpi ne, %rem3A_354, %ne3A_355 : i32
        %lt3A_357 = arith.constant 0 : i32
        %lt3A_358 = arith.cmpi slt, %rem3A_354, %lt3A_357 : i32
        %lt3A_359 = arith.constant 0 : i32
        %lt3A_360 = arith.cmpi slt, %select_n3A_353, %lt3A_359 : i32
        %ne3A_361 = arith.xori %lt3A_358, %lt3A_360 : i1
        %and3A_362 = arith.andi %ne3A_361, %ne3A_356 : i1
        %add3A_363 = arith.addi %rem3A_354, %select_n3A_353 : i32
        %select_n3A_364 = arith.select %and3A_362, %add3A_363, %rem3A_354 : i32
        %mul3A_365 = arith.constant 4 : i32
        %mul3A_366 = arith.muli %select_n3A_364, %mul3A_365 : i32
        %mul3A_367 = arith.constant 4 : i32
        %mul3A_368 = arith.muli %add3A, %mul3A_367 : i32
        %add3A_369 = arith.addi %mul3A_368, %select_n3A : i32
        %dma_start3A_370 = arith.constant 2 : i32
        %dma_start3A_371 = arith.constant 2 : i32
        %dma_start3A_372 = arith.constant 0 : i32
        %dma_start3A_373 = arith.constant 0 : i32
        %dma_start3A_374 = arith.constant 0 : i32
        %dma_start3A_375 = arith.constant 0 : i32
        %dma_start3A_376 = tpu.memref_slice %arg8[%dma_start3A_370, %dma_start3A_372, %dma_start3A_373, %dma_start3A_374, %dma_start3A_375] : memref<3x4x4x8x129xf32, #tpu.memory_space<vmem>> -> memref<1x4x4x8x128xf32, #tpu.memory_space<vmem>>
        %dma_start3A_377 = tpu.memref_squeeze %dma_start3A_376 : memref<1x4x4x8x128xf32, #tpu.memory_space<vmem>> -> memref<4x4x8x128xf32, #tpu.memory_space<vmem>>
        %dma_start3A_378 = arith.constant 0 : i32
        %dma_start3A_379 = arith.constant 0 : i32
        %dma_start3A_380 = arith.constant 0 : i32
        %dma_start3A_381 = tpu.memref_slice %arg4[%mul3A_366, %dma_start3A_378, %add3A_369, %dma_start3A_379, %dma_start3A_380] : memref<200x4x128x8x128xf32, #tpu.memory_space<hbm>> -> memref<4x4x1x8x128xf32, #tpu.memory_space<hbm>>
        %dma_start3A_382 = tpu.memref_squeeze %dma_start3A_381 : memref<4x4x1x8x128xf32, #tpu.memory_space<hbm>> -> memref<4x4x8x128xf32, #tpu.memory_space<hbm>>
        %dma_start3A_383 = tpu.memref_slice %arg10[%dma_start3A_371] : memref<3x!tpu.dma_semaphore, #tpu.memory_space<semaphore_mem>> -> memref<1x!tpu.dma_semaphore, #tpu.memory_space<semaphore_mem>>
        %dma_start3A_384 = tpu.memref_squeeze %dma_start3A_383 : memref<1x!tpu.dma_semaphore, #tpu.memory_space<semaphore_mem>> -> memref<!tpu.dma_semaphore, #tpu.memory_space<semaphore_mem>>
        %dma_start3A_385 = arith.constant 0 : i32
        %dma_start3A_386 = arith.constant 0 : i32
        %dma_start3A_387 = arith.constant 0 : i32
        %dma_start3A_388 = tpu.memref_slice %arg4[%mul3A_366, %dma_start3A_385, %add3A_369, %dma_start3A_386, %dma_start3A_387] : memref<200x4x128x8x128xf32, #tpu.memory_space<hbm>> -> memref<4x4x1x8x128xf32, #tpu.memory_space<hbm>>
        %dma_start3A_389 = tpu.memref_squeeze %dma_start3A_388 : memref<4x4x1x8x128xf32, #tpu.memory_space<hbm>> -> memref<4x4x8x128xf32, #tpu.memory_space<hbm>>
        %dma_start3A_390 = arith.constant 0 : i32
        %dma_start3A_391 = arith.constant 0 : i32
        %dma_start3A_392 = arith.constant 0 : i32
        %dma_start3A_393 = arith.constant 0 : i32
        %dma_start3A_394 = tpu.memref_slice %arg8[%dma_start3A_370, %dma_start3A_390, %dma_start3A_391, %dma_start3A_392, %dma_start3A_393] : memref<3x4x4x8x129xf32, #tpu.memory_space<vmem>> -> memref<1x4x4x8x128xf32, #tpu.memory_space<vmem>>
        %dma_start3A_395 = tpu.memref_squeeze %dma_start3A_394 : memref<1x4x4x8x128xf32, #tpu.memory_space<vmem>> -> memref<4x4x8x128xf32, #tpu.memory_space<vmem>>
        tpu.enqueue_dma source(%dma_start3A_395 : memref<4x4x8x128xf32, #tpu.memory_space<vmem>>) target(%dma_start3A_389 : memref<4x4x8x128xf32, #tpu.memory_space<hbm>>) target_semaphore(%dma_start3A_384 : memref<!tpu.dma_semaphore, #tpu.memory_space<semaphore_mem>>)
      } else {
      }
    }
    %scan3A_180 = arith.constant 67 : i32
    %dma_wait3A = arith.constant 2 : i32
    %dma_wait3A_181 = arith.constant 0 : i32
    %dma_wait3A_182 = arith.constant 2 : i32
    %dma_wait3A_183 = arith.constant 0 : i32
    %dma_wait3A_184 = arith.constant 0 : i32
    %dma_wait3A_185 = arith.constant 0 : i32
    %dma_wait3A_186 = arith.constant 0 : i32
    %dma_wait3A_187 = tpu.memref_slice %arg8[%dma_wait3A, %dma_wait3A_183, %dma_wait3A_184, %dma_wait3A_185, %dma_wait3A_186] : memref<3x4x4x8x129xf32, #tpu.memory_space<vmem>> -> memref<1x4x4x8x128xf32, #tpu.memory_space<vmem>>
    %dma_wait3A_188 = tpu.memref_squeeze %dma_wait3A_187 : memref<1x4x4x8x128xf32, #tpu.memory_space<vmem>> -> memref<4x4x8x128xf32, #tpu.memory_space<vmem>>
    %dma_wait3A_189 = arith.constant 0 : i32
    %dma_wait3A_190 = arith.constant 0 : i32
    %dma_wait3A_191 = arith.constant 0 : i32
    %dma_wait3A_192 = arith.constant 0 : i32
    %dma_wait3A_193 = tpu.memref_slice %arg4[%dma_wait3A_189, %dma_wait3A_190, %dma_wait3A_181, %dma_wait3A_191, %dma_wait3A_192] : memref<200x4x128x8x128xf32, #tpu.memory_space<hbm>> -> memref<4x4x1x8x128xf32, #tpu.memory_space<hbm>>
    %dma_wait3A_194 = tpu.memref_squeeze %dma_wait3A_193 : memref<4x4x1x8x128xf32, #tpu.memory_space<hbm>> -> memref<4x4x8x128xf32, #tpu.memory_space<hbm>>
    %dma_wait3A_195 = tpu.memref_slice %arg10[%dma_wait3A_182] : memref<3x!tpu.dma_semaphore, #tpu.memory_space<semaphore_mem>> -> memref<1x!tpu.dma_semaphore, #tpu.memory_space<semaphore_mem>>
    %dma_wait3A_196 = tpu.memref_squeeze %dma_wait3A_195 : memref<1x!tpu.dma_semaphore, #tpu.memory_space<semaphore_mem>> -> memref<!tpu.dma_semaphore, #tpu.memory_space<semaphore_mem>>
    %dma_wait3A_197 = arith.constant 0 : i32
    %dma_wait3A_198 = arith.constant 0 : i32
    %dma_wait3A_199 = arith.constant 0 : i32
    %dma_wait3A_200 = arith.constant 0 : i32
    %dma_wait3A_201 = tpu.memref_slice %arg4[%dma_wait3A_197, %dma_wait3A_198, %dma_wait3A_181, %dma_wait3A_199, %dma_wait3A_200] : memref<200x4x128x8x128xf32, #tpu.memory_space<hbm>> -> memref<4x4x1x8x128xf32, #tpu.memory_space<hbm>>
    %dma_wait3A_202 = tpu.memref_squeeze %dma_wait3A_201 : memref<4x4x1x8x128xf32, #tpu.memory_space<hbm>> -> memref<4x4x8x128xf32, #tpu.memory_space<hbm>>
    %dma_wait3A_203 = arith.constant 0 : i32
    %dma_wait3A_204 = arith.constant 0 : i32
    %dma_wait3A_205 = arith.constant 0 : i32
    %dma_wait3A_206 = arith.constant 0 : i32
    %dma_wait3A_207 = tpu.memref_slice %arg8[%dma_wait3A, %dma_wait3A_203, %dma_wait3A_204, %dma_wait3A_205, %dma_wait3A_206] : memref<3x4x4x8x129xf32, #tpu.memory_space<vmem>> -> memref<1x4x4x8x128xf32, #tpu.memory_space<vmem>>
    %dma_wait3A_208 = tpu.memref_squeeze %dma_wait3A_207 : memref<1x4x4x8x128xf32, #tpu.memory_space<vmem>> -> memref<4x4x8x128xf32, #tpu.memory_space<vmem>>
    tpu.wait_dma2 semaphore(%dma_wait3A_196 : memref<!tpu.dma_semaphore, #tpu.memory_space<semaphore_mem>>) src(%dma_wait3A_208 : memref<4x4x8x128xf32, #tpu.memory_space<vmem>>) dst(%dma_wait3A_202 : memref<4x4x8x128xf32, #tpu.memory_space<hbm>>)
    %dma_wait3A_209 = arith.constant 0 : i32
    %dma_wait3A_210 = arith.constant 0 : i32
    %dma_wait3A_211 = arith.constant 0 : i32
    %dma_wait3A_212 = arith.constant 0 : i32
    %dma_wait3A_213 = arith.constant 0 : i32
    %dma_wait3A_214 = arith.constant 0 : i32
    %dma_wait3A_215 = arith.constant 0 : i32
    %dma_wait3A_216 = tpu.memref_slice %arg8[%dma_wait3A_209, %dma_wait3A_212, %dma_wait3A_213, %dma_wait3A_214, %dma_wait3A_215] : memref<3x4x4x8x129xf32, #tpu.memory_space<vmem>> -> memref<1x4x4x8x128xf32, #tpu.memory_space<vmem>>
    %dma_wait3A_217 = tpu.memref_squeeze %dma_wait3A_216 : memref<1x4x4x8x128xf32, #tpu.memory_space<vmem>> -> memref<4x4x8x128xf32, #tpu.memory_space<vmem>>
    %dma_wait3A_218 = arith.constant 0 : i32
    %dma_wait3A_219 = arith.constant 0 : i32
    %dma_wait3A_220 = arith.constant 0 : i32
    %dma_wait3A_221 = arith.constant 0 : i32
    %dma_wait3A_222 = tpu.memref_slice %arg4[%dma_wait3A_218, %dma_wait3A_219, %dma_wait3A_210, %dma_wait3A_220, %dma_wait3A_221] : memref<200x4x128x8x128xf32, #tpu.memory_space<hbm>> -> memref<4x4x1x8x128xf32, #tpu.memory_space<hbm>>
    %dma_wait3A_223 = tpu.memref_squeeze %dma_wait3A_222 : memref<4x4x1x8x128xf32, #tpu.memory_space<hbm>> -> memref<4x4x8x128xf32, #tpu.memory_space<hbm>>
    %dma_wait3A_224 = tpu.memref_slice %arg10[%dma_wait3A_211] : memref<3x!tpu.dma_semaphore, #tpu.memory_space<semaphore_mem>> -> memref<1x!tpu.dma_semaphore, #tpu.memory_space<semaphore_mem>>
    %dma_wait3A_225 = tpu.memref_squeeze %dma_wait3A_224 : memref<1x!tpu.dma_semaphore, #tpu.memory_space<semaphore_mem>> -> memref<!tpu.dma_semaphore, #tpu.memory_space<semaphore_mem>>
    %dma_wait3A_226 = arith.constant 0 : i32
    %dma_wait3A_227 = arith.constant 0 : i32
    %dma_wait3A_228 = arith.constant 0 : i32
    %dma_wait3A_229 = arith.constant 0 : i32
    %dma_wait3A_230 = tpu.memref_slice %arg4[%dma_wait3A_226, %dma_wait3A_227, %dma_wait3A_210, %dma_wait3A_228, %dma_wait3A_229] : memref<200x4x128x8x128xf32, #tpu.memory_space<hbm>> -> memref<4x4x1x8x128xf32, #tpu.memory_space<hbm>>
    %dma_wait3A_231 = tpu.memref_squeeze %dma_wait3A_230 : memref<4x4x1x8x128xf32, #tpu.memory_space<hbm>> -> memref<4x4x8x128xf32, #tpu.memory_space<hbm>>
    %dma_wait3A_232 = arith.constant 0 : i32
    %dma_wait3A_233 = arith.constant 0 : i32
    %dma_wait3A_234 = arith.constant 0 : i32
    %dma_wait3A_235 = arith.constant 0 : i32
    %dma_wait3A_236 = tpu.memref_slice %arg8[%dma_wait3A_209, %dma_wait3A_232, %dma_wait3A_233, %dma_wait3A_234, %dma_wait3A_235] : memref<3x4x4x8x129xf32, #tpu.memory_space<vmem>> -> memref<1x4x4x8x128xf32, #tpu.memory_space<vmem>>
    %dma_wait3A_237 = tpu.memref_squeeze %dma_wait3A_236 : memref<1x4x4x8x128xf32, #tpu.memory_space<vmem>> -> memref<4x4x8x128xf32, #tpu.memory_space<vmem>>
    tpu.wait_dma2 semaphore(%dma_wait3A_225 : memref<!tpu.dma_semaphore, #tpu.memory_space<semaphore_mem>>) src(%dma_wait3A_237 : memref<4x4x8x128xf32, #tpu.memory_space<vmem>>) dst(%dma_wait3A_231 : memref<4x4x8x128xf32, #tpu.memory_space<hbm>>)
    %dma_wait3A_238 = arith.constant 1 : i32
    %dma_wait3A_239 = arith.constant 0 : i32
    %dma_wait3A_240 = arith.constant 1 : i32
    %dma_wait3A_241 = arith.constant 0 : i32
    %dma_wait3A_242 = arith.constant 0 : i32
    %dma_wait3A_243 = arith.constant 0 : i32
    %dma_wait3A_244 = arith.constant 0 : i32
    %dma_wait3A_245 = tpu.memref_slice %arg8[%dma_wait3A_238, %dma_wait3A_241, %dma_wait3A_242, %dma_wait3A_243, %dma_wait3A_244] : memref<3x4x4x8x129xf32, #tpu.memory_space<vmem>> -> memref<1x4x4x8x128xf32, #tpu.memory_space<vmem>>
    %dma_wait3A_246 = tpu.memref_squeeze %dma_wait3A_245 : memref<1x4x4x8x128xf32, #tpu.memory_space<vmem>> -> memref<4x4x8x128xf32, #tpu.memory_space<vmem>>
    %dma_wait3A_247 = arith.constant 0 : i32
    %dma_wait3A_248 = arith.constant 0 : i32
    %dma_wait3A_249 = arith.constant 0 : i32
    %dma_wait3A_250 = arith.constant 0 : i32
    %dma_wait3A_251 = tpu.memref_slice %arg4[%dma_wait3A_247, %dma_wait3A_248, %dma_wait3A_239, %dma_wait3A_249, %dma_wait3A_250] : memref<200x4x128x8x128xf32, #tpu.memory_space<hbm>> -> memref<4x4x1x8x128xf32, #tpu.memory_space<hbm>>
    %dma_wait3A_252 = tpu.memref_squeeze %dma_wait3A_251 : memref<4x4x1x8x128xf32, #tpu.memory_space<hbm>> -> memref<4x4x8x128xf32, #tpu.memory_space<hbm>>
    %dma_wait3A_253 = tpu.memref_slice %arg10[%dma_wait3A_240] : memref<3x!tpu.dma_semaphore, #tpu.memory_space<semaphore_mem>> -> memref<1x!tpu.dma_semaphore, #tpu.memory_space<semaphore_mem>>
    %dma_wait3A_254 = tpu.memref_squeeze %dma_wait3A_253 : memref<1x!tpu.dma_semaphore, #tpu.memory_space<semaphore_mem>> -> memref<!tpu.dma_semaphore, #tpu.memory_space<semaphore_mem>>
    %dma_wait3A_255 = arith.constant 0 : i32
    %dma_wait3A_256 = arith.constant 0 : i32
    %dma_wait3A_257 = arith.constant 0 : i32
    %dma_wait3A_258 = arith.constant 0 : i32
    %dma_wait3A_259 = tpu.memref_slice %arg4[%dma_wait3A_255, %dma_wait3A_256, %dma_wait3A_239, %dma_wait3A_257, %dma_wait3A_258] : memref<200x4x128x8x128xf32, #tpu.memory_space<hbm>> -> memref<4x4x1x8x128xf32, #tpu.memory_space<hbm>>
    %dma_wait3A_260 = tpu.memref_squeeze %dma_wait3A_259 : memref<4x4x1x8x128xf32, #tpu.memory_space<hbm>> -> memref<4x4x8x128xf32, #tpu.memory_space<hbm>>
    %dma_wait3A_261 = arith.constant 0 : i32
    %dma_wait3A_262 = arith.constant 0 : i32
    %dma_wait3A_263 = arith.constant 0 : i32
    %dma_wait3A_264 = arith.constant 0 : i32
    %dma_wait3A_265 = tpu.memref_slice %arg8[%dma_wait3A_238, %dma_wait3A_261, %dma_wait3A_262, %dma_wait3A_263, %dma_wait3A_264] : memref<3x4x4x8x129xf32, #tpu.memory_space<vmem>> -> memref<1x4x4x8x128xf32, #tpu.memory_space<vmem>>
    %dma_wait3A_266 = tpu.memref_squeeze %dma_wait3A_265 : memref<1x4x4x8x128xf32, #tpu.memory_space<vmem>> -> memref<4x4x8x128xf32, #tpu.memory_space<vmem>>
    tpu.wait_dma2 semaphore(%dma_wait3A_254 : memref<!tpu.dma_semaphore, #tpu.memory_space<semaphore_mem>>) src(%dma_wait3A_266 : memref<4x4x8x128xf32, #tpu.memory_space<vmem>>) dst(%dma_wait3A_260 : memref<4x4x8x128xf32, #tpu.memory_space<hbm>>)
    return
  }
}

</mosaic_0001>

<sc_bundles>
// kernel: kernel.3.cloned.1.call-start
scs
__scs_entry_jumppad:
0x0: {  	(pc) =	sbr.rel $0x88, $3  }
0x1: {  	(tag) =	ssettag $0x0;
	lr =	simm.s32 $0x1  }
0x2: {  	[smem:$0x3F9F] =	sst lr;
	_ =	strace $0xD0000000  }
0x3: {  	_ = 	snop  }
0x4: {  	_ = 	snop  }
0x5: {  	_ = 	snop  }
0x6: {  	_ = 	snop  }
0x7: {  	_ = 	snop  }
__scs_overlays_trampoline_lowered:
0x8: {  	[smem:$0x3FAE] =	sst s0  }
0x9: {  	[smem:$0x3FAF] =	sst s1  }
0xa: {  	[smem:$0x3FB0] =	sst s2  }
0xb: {  	[smem:$0x3FB1] =	sst s3  }
0xc: {  	[smem:$0x3FB2] =	sst s4  }
0xd: {  	[smem:$0x3FB3] =	sst s5  }
0xe: {  	[smem:$0x3FB4] =	sst s6  }
0xf: {  	[smem:$0x3FB5] =	sst s7  }
0x10: {  	[smem:$0x3FB6] =	sst s8  }
0x11: {  	[smem:$0x3FB7] =	sst s9;
	s0 =	simm.s32 @!p0 $0x0  }
0x12: {  	s1 =	sld [smem:$0x3F9D];
	s0 =	simm.s32 @p0 $0x1  }
0x13: {  	[smem:$0x3FB8] =	sst s0;
	s0 =	simm.s32 @!p1 $0x0  }
0x14: {  	s2 =	sld [smem:$0x3F9C];
	s0 =	simm.s32 @p1 $0x1  }
0x15: {  	[smem:$0x3FB9] =	sst s0;
	s0 =	simm.s32 @!p2 $0x0  }
0x16: {  	s3 =	sld [smem:$0x3FDB];
	s0 =	simm.s32 @p2 $0x1  }
0x17: {  	s4 =	simm.s32 $0x1BF5;
	[smem:$0x3FBB] =	sst s0  }
0x18: {  	s0 =	sld [smem:$0x3F9E];
	_ =	swait.ge [sflag:s4], $0x0  }
0x19: {  	s7 =	sld [smem:$0x3F9F]  }
0x1a: {  	s8 =	sadd.s32 $0xFFFFE003, lr  }
0x1b: {  	s9 =	sadd.s32 $0xFFFFFEF7, lr;
	s5 =	simm.s32 $0xFFFFFFFF;
	p2 =	slt.u32 s8, $0xFFFFF086  }
0x1c: {  	p1 =	slt.u32 s9, $0xF7A;
	s5 =	simm.s32 @!p2 $0x0  }
0x1d: {  	s5 =	simm.s32 @p1 $0x1;
	p0 =	seq.s32 s7, s2  }
0x1e: {  	s7 =	smul.u32 @!p0 $0xF7A, s2;
	p2 =	seq.s32 @!p0 s5, $0x0  }
0x1f: {  	s9 =	smul.u32 $0xF7A, s1;
	s8 =	simm.s32 @!p0 $0x1BF5;
	p2 =	por !p2, p0  }
0x20: {  	[sflag:s8] =	ssyncset.s32 @!p0 $0xFFFFF086;
	s6 =	sadd.s32 @!p0 s3, s7;
	s7 =	simm.s32 @!p0 $0x108  }
0x21: {  	s3 =	sadd.s32 s3, s9;
	s6 =	sadd.s32 @!p0 $0x88, s6;
	s7 =	simm.s32 @p2 $0x1082  }
0x22: {  	[simem:s7], [sflag:s8] =	dma.local @!p0 [hbm:s6], $0xF7A  }
0x23: {  	s9 =	sor.u32 $0xD0000000, s2;
	s6 =	simm.s32 $0x108;
	_ =	swait.ge @!p0 [sflag:s8], $0x0  }
0x24: {  	s3 =	sadd.s32 $0x88, s3;
	s6 =	simm.s32 @!p1 $0x1082;
	[sflag:s4] =	ssyncset.s32 $0xFFFFF086  }
0x25: {  	[simem:s6], [sflag:s4] =	dma.local [hbm:s3], $0xF7A  }
0x26: {  	[smem:$0x3F9F] =	sst s1;
	(tag) =	ssettag s2;
	_ =	strace s9  }
0x27: {  	s1 =	sld [smem:$0x3FAF]  }
0x28: {  	s2 =	sld [smem:$0x3FB0]  }
0x29: {  	s4 =	sld [smem:$0x3FB2]  }
0x2a: {  	p0 =	seq.s32 s5, $0x0;
	s5 =	sld [smem:$0x3FB3]  }
0x2b: {  	s6 =	sld [smem:$0x3FB4]  }
0x2c: {  	s7 =	sld [smem:$0x3FB5]  }
0x2d: {  	s3 =	simm.s32 $0x108;
	s8 =	sld [smem:$0x3FB6]  }
0x2e: {  	s3 =	simm.s32 @!p0 $0x1082;
	s9 =	sld [smem:$0x3FB7]  }
0x2f: {  	lr =	sadd.s32 s0, s3;
	s0 =	sld [smem:$0x3FAE]  }
0x30: {  	s3 =	sld [smem:$0x3FB1]  }
0x31: {  	[smem:$0x3FBA] =	sst s10  }
0x32: {  	s10 =	sld [smem:$0x3FB8];
	_ =	sdelay $0x3  }
0x33: {  	p0 =	seq.s32 s10, $0x1;
	s10 =	sld [smem:$0x3FBA];
	_ =	sdelay $0x3  }
0x34: {  	[smem:$0x3FBA] =	sst s10  }
0x35: {  	s10 =	sld [smem:$0x3FB9];
	_ =	sdelay $0x3  }
0x36: {  	p1 =	seq.s32 s10, $0x1;
	s10 =	sld [smem:$0x3FBA];
	_ =	sdelay $0x3  }
0x37: {  	[smem:$0x3FBA] =	sst s10  }
0x38: {  	s10 =	sld [smem:$0x3FBB]  }
0x39: {  	_ = 	snop;
	(pc) =	sbr.ind lr, $3  }
0x3a: {  	_ = 	snop  }
0x3b: {  	_ = 	snop  }
0x3c: {  	p2 =	seq.s32 s10, $0x1;
	s10 =	sld [smem:$0x3FBA]  }
0x3d: {  	_ =	shalt  }
0x3e: {  	_ =	shalt  }
0x3f: {  	_ =	shalt  }
0x40: {  	_ =	shalt  }
0x41: {  	_ =	shalt  }
0x42: {  	_ =	shalt  }
0x43: {  	_ =	shalt  }
0x44: {  	_ =	shalt  }
0x45: {  	_ =	shalt  }
0x46: {  	_ =	shalt  }
0x47: {  	_ =	shalt  }
0x48: {  	_ =	shalt  }
0x49: {  	_ =	shalt  }
0x4a: {  	_ =	shalt  }
0x4b: {  	_ =	shalt  }
0x4c: {  	_ =	shalt  }
0x4d: {  	_ =	shalt  }
0x4e: {  	_ =	shalt  }
0x4f: {  	_ =	shalt  }
0x50: {  	_ =	shalt  }
0x51: {  	_ =	shalt  }
0x52: {  	_ =	shalt  }
0x53: {  	_ =	shalt  }
0x54: {  	_ =	shalt  }
0x55: {  	_ =	shalt  }
0x56: {  	_ =	shalt  }
0x57: {  	_ =	shalt  }
0x58: {  	_ =	shalt  }
0x59: {  	_ =	shalt  }
0x5a: {  	_ =	shalt  }
0x5b: {  	_ =	shalt  }
0x5c: {  	_ =	shalt  }
0x5d: {  	_ =	shalt  }
0x5e: {  	_ =	shalt  }
0x5f: {  	_ =	shalt  }
0x60: {  	_ =	shalt  }
0x61: {  	_ =	shalt  }
0x62: {  	_ =	shalt  }
0x63: {  	_ =	shalt  }
0x64: {  	_ =	shalt  }
0x65: {  	_ =	shalt  }
0x66: {  	_ =	shalt  }
0x67: {  	_ =	shalt  }
0x68: {  	_ =	shalt  }
0x69: {  	_ =	shalt  }
0x6a: {  	_ =	shalt  }
0x6b: {  	_ =	shalt  }
0x6c: {  	_ =	shalt  }
0x6d: {  	_ =	shalt  }
0x6e: {  	_ =	shalt  }
0x6f: {  	_ =	shalt  }
0x70: {  	_ =	shalt  }
0x71: {  	_ =	shalt  }
0x72: {  	_ =	shalt  }
0x73: {  	_ =	shalt  }
0x74: {  	_ =	shalt  }
0x75: {  	_ =	shalt  }
0x76: {  	_ =	shalt  }
0x77: {  	_ =	shalt  }
0x78: {  	_ =	shalt  }
0x79: {  	_ =	shalt  }
0x7a: {  	_ =	shalt  }
0x7b: {  	_ =	shalt  }
0x7c: {  	_ =	shalt  }
0x7d: {  	_ =	shalt  }
0x7e: {  	_ =	shalt  }
0x7f: {  	_ =	shalt  }
0x80: {  	_ =	shalt  }
0x81: {  	_ =	shalt  }
0x82: {  	_ =	shalt  }
0x83: {  	_ =	shalt  }
0x84: {  	_ =	shalt  }
0x85: {  	_ =	shalt  }
0x86: {  	_ =	shalt  }
0x87: {  	_ =	shalt  }
.Lfunc_end0:
.L_simem_size_0:
called_computation_lowered:
.L_overlay_start_0:
0x88: {  	s2 =	sld [smem:$0x3FD9]  }
0x89: {  	s3 =	sld [smem:$0x3FFE];
	_ =	sdelay $0x1  }
0x8a: {  	s1 =	srdreg.scid  }
0x8b: {  	s0 =	sand.u32 $0x1, s1  }
0x8c: {  	s17 =	sshll.u32 s0, $0xA;
	s2 =	sadd.s32 s3, s2  }
0x8d: {  	s2 =	sadd.s32 s2, s17  }
0x8e: {  	[smem:$0x3FC6] =	sst s2  }
0x8f: {  	_ = 	snop  }
0x90: {  	s2 =	sld [smem:$0x3FD0];
	(tm) =	ssettm $0x1  }
0x91: {  	s18 =	sld [smem:$0x3FFB];
	_ =	sdelay $0x3  }
0x92: {  	_ =	strace s18  }
0x93: {  	s3 =	sld [smem:$0x3FFC];
	_ =	sdelay $0x3  }
0x94: {  	_ =	strace s3  }
0x95: {  	s3 =	sld [smem:$0x3FFD];
	_ =	sdelay $0x3  }
0x96: {  	_ =	strace s3  }
0x97: {  	_ =	strace $0x8FFFFFFF  }
0x98: {  	s19 =	sld [smem:$0x3FDB];
	_ =	sdelay $0x1  }
0x99: {  	s4 =	simm.s32 $_scs_section_size  }
0x9a: {  	s5 =	simm.s32 $_size__tile_overlayer_lowered;
	s6 =	simm.s32 $_tile_overlayer_lowered  }
0x9b: {  	s22 =	simm.s32 $0x1BFF;
	s21 =	sshll.u32 s6, $0x1;
	s3 =	sadd.s32 s4, s19  }
0x9c: {  	s7 =	simm.s32 $0x0;
	s20 =	sshll.u32 s5, $0x1;
	s5 =	sadd.s32 s21, s3  }
0x9d: {  	[timem:s7], [sflag:s22] =	dma.local [hbm:s5], s20  }
0x9e: {  	_ =	swait.ge [sflag:s22], s20  }
0x9f: {  	s4 =	ssub.s32 $0x0, s20;
	[sflag:s22] =	ssyncset.done $0x0  }
0xa0: {  	[sflag:s22] =	ssyncadd.s32 s4;
	_ =	sdelay $0x1  }
0xa1: {  	s23 =	simm.s32 $0x1B8B  }
0xa2: {  	_ =	swait.ge [sflag:s23], $0x1  }
0xa3: {  	[sflag:s23] =	ssyncset.done $0x0  }
0xa4: {  	s25 =	simm.s32 $0x1B8E;
	s24 =	sld [smem:$0x3FFE];
	[sflag:s23] =	ssyncadd.s32 $0xFFFFFFFF  }
0xa5: {  	s26 =	simm.s32 $execute0_lowered;
	[smem:$0x3FD2] =	sst s25  }
0xa6: {  	s5 =	sshll.u32 s26, $0x1;
	_ =	strace $0x80000046;
	[dreg:$0x1] =	wrdreg $0xFFFFFFFF  }
0xa7: {  	s28 =	simm.s32 $_size_execute0_lowered;
	s3 =	sadd.s32 s3, s5;
	[dreg:$0x0] =	wrdreg $0x0  }
0xa8: {  	s5 =	sshll.u32 s28, $0x1;
	[dreg:$0x2] =	wrdreg s3  }
0xa9: {  	[dreg:$0x3] =	wrdreg s5  }
0xaa: {  	[dreg:$0x4] =	wrdreg $0xC0  }
0xab: {  	_ =	task [dreg:s7], $0x5FFFF  }
0xac: {  	[dreg:$0x1] =	wrdreg $0xFFFFFFFF  }
0xad: {  	[dreg:$0x0] =	wrdreg $0x60  }
0xae: {  	[dreg:$0x2] =	wrdreg s24  }
0xaf: {  	[dreg:$0x3] =	wrdreg s2  }
0xb0: {  	[dreg:$0x4] =	wrdreg $0x9  }
0xb1: {  	_ =	task.clear_ibuf [dreg:s7], $0x5FFFF;
	_ =	strace $0x90000046  }
0xb2: {  	s29 =	simm.s32 $0x9;
	_ =	strace $0x80000048  }
0xb3: {  	_ =	swait.ge [sflag:s29], $0x1  }
0xb4: {  	[sflag:s29] =	ssyncadd.s32 $0xFFFFFFFF  }
0xb5: {  	_ =	strace $0x90000048  }
0xb6: {  	_ =	sfence  }
0xb7: {  	s30 =	sld [smem:$0x0];
	_ =	sdelay $0x2  }
0xb8: {  	s31 =	sshll.u32 s1, $0xD;
	s1 =	sshrl.u32 s1, $0x2  }
0xb9: {  	s3 =	sand.u32 $0x4000, s31;
	s1 =	sadd.s32 s1, s30  }
0xba: {  	s0 =	sor.u32 s3, s0;
	s1 =	sshll.u32 s1, $0x11  }
0xbb: {  	s0 =	sor.u32 s1, s0  }
0xbc: {  	s0 =	sadd.s32 $0x8F2B, s0  }
0xbd: {  	[sflag:s0] =	ssyncadd.remote.s32 $0x1  }
0xbe: {  	_ =	sfence.sel $0xFFFF  }
0xbf: {  	[dreg:$0x0] =	wrdreg $0xFFFFFFFF;
	(pc) =	sbr.abs _section_cstart, $3  }
0xc0: {  	[dreg:$0x1] =	wrdreg $0xFFFFFFFF  }
0xc1: {  	_ =	task.clear_ibuf [dreg:s7], $0x2FFFF;
	_ =	strace $0x9FFFFFFF  }
0xc2: {  	(tm) =	ssettm $0x7FFFFFFF  }
0xc3: {  	_ =	shalt  }
tec
execute0_lowered:
.L_overlay_start_1:
0x0: {  	(tag) =	ssettag $0x1  }
0x1: {  	v0 =	vlaneseq.u32  }
0x2: {  	v1 =	vmul.u32 $0xD0, v0;
	_ =	sdelay $0x1  }
0x3: {  	v9 =	vor.u32 $0x1, v1  }
0x4: {  	s0 =	rddreg [dreg:$0x0];
	s2 =	simm.s32 $0x0;
	[tilespmem:$0x1FD60] =	vst v9;
	v9 =	vadd.s32 $0xD01, v1  }
0x5: {  	[smem:$0x7FF] =	sst s2;
	[tilespmem:$0x1FD70] =	vst v9;
	v9 =	vadd.s32 $0x1A01, v1  }
0x6: {  	s1 =	rddreg [dreg:$0x1];
	_ =	strace $0x80000047;
	[tilespmem:$0x1FD80] =	vst v9;
	v9 =	vadd.s32 $0x2701, v1  }
0x7: {  	[tilespmem:$0x1FD90] =	vst v9;
	v9 =	vadd.s32 $0x3401, v1  }
0x8: {  	[tilespmem:$0x1FDA0] =	vst v9;
	v9 =	vadd.s32 $0x4101, v1  }
0x9: {  	[tilespmem:$0x1FDB0] =	vst v9;
	v9 =	vadd.s32 $0x4E01, v1  }
0xa: {  	[tilespmem:$0x1FDC0] =	vst v9;
	v9 =	vadd.s32 $0x5B01, v1  }
0xb: {  	[tilespmem:$0x1FDD0] =	vst v9;
	v9 =	vor.u32 $0x2, v1  }
0xc: {  	[tilespmem:$0x1FDE0] =	vst v9;
	v9 =	vadd.s32 $0xD02, v1  }
0xd: {  	[tilespmem:$0x1FDF0] =	vst v9;
	v9 =	vadd.s32 $0x1A02, v1  }
0xe: {  	[tilespmem:$0x1FE00] =	vst v9;
	v9 =	vadd.s32 $0x2702, v1  }
0xf: {  	[tilespmem:$0x1FE10] =	vst v9;
	v9 =	vadd.s32 $0x3402, v1  }
0x10: {  	[tilespmem:$0x1FE20] =	vst v9;
	v9 =	vadd.s32 $0x4102, v1  }
0x11: {  	[tilespmem:$0x1FE30] =	vst v9;
	v9 =	vadd.s32 $0x4E02, v1  }
0x12: {  	[tilespmem:$0x1FE40] =	vst v9;
	v9 =	vadd.s32 $0x5B02, v1  }
0x13: {  	[tilespmem:$0x1FE50] =	vst v9;
	v9 =	vor.u32 $0x3, v1  }
0x14: {  	[tilespmem:$0x1FE60] =	vst v9;
	v9 =	vadd.s32 $0xD03, v1  }
0x15: {  	[tilespmem:$0x1FE70] =	vst v9;
	v9 =	vadd.s32 $0x1A03, v1  }
0x16: {  	[tilespmem:$0x1FE80] =	vst v9;
	v9 =	vadd.s32 $0x2703, v1  }
0x17: {  	[tilespmem:$0x1FE90] =	vst v9;
	v9 =	vadd.s32 $0x3403, v1  }
0x18: {  	[tilespmem:$0x1FEA0] =	vst v9;
	v9 =	vadd.s32 $0x4103, v1  }
0x19: {  	[tilespmem:$0x1FEB0] =	vst v9;
	v9 =	vadd.s32 $0x4E03, v1  }
0x1a: {  	[tilespmem:$0x1FEC0] =	vst v9;
	v9 =	vadd.s32 $0x5B03, v1  }
0x1b: {  	[tilespmem:$0x1FED0] =	vst v9;
	v9 =	vor.u32 $0x4, v1  }
0x1c: {  	[tilespmem:$0x1FEE0] =	vst v9;
	v9 =	vadd.s32 $0xD04, v1  }
0x1d: {  	[tilespmem:$0x1FEF0] =	vst v9;
	v9 =	vadd.s32 $0x1A04, v1  }
0x1e: {  	[tilespmem:$0x1FF00] =	vst v9;
	v9 =	vadd.s32 $0x2704, v1  }
0x1f: {  	[tilespmem:$0x1FF10] =	vst v9;
	v9 =	vadd.s32 $0x3404, v1  }
0x20: {  	[tilespmem:$0x1FF20] =	vst v9;
	v9 =	vadd.s32 $0x4104, v1  }
0x21: {  	[tilespmem:$0x1FF30] =	vst v9;
	v9 =	vadd.s32 $0x4E04, v1  }
0x22: {  	s3 =	srdreg.scid;
	[tilespmem:$0x1FF40] =	vst v9;
	v9 =	vadd.s32 $0x5B04, v1  }
0x23: {  	s4 =	stileid.u32;
	s13 =	simm.s32 $0x12E00;
	s14 =	simm.s32 $0x13F00;
	[tilespmem:$0x1FF50] =	vst v9;
	v9 =	vor.u32 $0x5, v1  }
0x24: {  	s10 =	simm.s32 $0x80;
	s15 =	simm.s32 $0x15000;
	s16 =	simm.s32 $0x16100;
	vm0 =	vcmask $0x300;
	v2 =	vadd.s32 $0xD00, v1;
	[tilespmem:$0x1FF60] =	vst v9;
	v9 =	vadd.s32 $0xD05, v1  }
0x25: {  	s28 =	simm.s32 $0x1;
	s18 =	simm.s32 $0x17200;
	s29 =	simm.s32 $0x18300;
	v3 =	vadd.s32 $0x1A00, v1;
	v4 =	vadd.s32 $0x2700, v1;
	[tilespmem:$0x1FF70] =	vst v9;
	v9 =	vadd.s32 $0x1A05, v1  }
0x26: {  	s17 =	simm.s32 $0x2;
	s30 =	simm.s32 $0x19400;
	s31 =	simm.s32 $0x1A500;
	v5 =	vadd.s32 $0x3400, v1;
	v6 =	vadd.s32 $0x4100, v1;
	[tilespmem:$0x1FF80] =	vst v9;
	v9 =	vadd.s32 $0x2705, v1  }
0x27: {  	s12 =	simm.s32 $0x1B600;
	s3 =	sand.u32 $0x1, s3;
	s4 =	sshll.u32 s4, $0x1;
	v7 =	vadd.s32 $0x4E00, v1;
	v8 =	vadd.s32 $0x5B00, v1;
	[tilespmem:$0x1FF90] =	vst v9;
	v9 =	vadd.s32 $0x3405, v1  }
0x28: {  	s19 =	simm.s32 $0x1C700;
	s20 =	simm.s32 $0x1D800;
	s4 =	sor.u32 s3, s4;
	v51 =	vadd.s32 $0x1A06, v1;
	v52 =	vadd.s32 $0x2706, v1;
	[tilespmem:$0x1FFA0] =	vst v9;
	v9 =	vadd.s32 $0x4105, v1  }
0x29: {  	s11 =	simm.s32 $0x3;
	s21 =	simm.s32 $0x1E900;
	s7 =	smul.u32 $0x3200, s4;
	v53 =	vadd.s32 $0x3406, v1;
	v54 =	vadd.s32 $0x4106, v1;
	[tilespmem:$0x1FFB0] =	vst v9;
	v9 =	vadd.s32 $0x4E05, v1  }
.Ltmp0:
0x2a: {  	s8 =	sadd.s32 $0x600, s0;
	s5 =	ssub.s32 $0x2, s3;
	v55 =	vadd.s32 $0x4E06, v1;
	v56 =	vadd.s32 $0x5B06, v1;
	[tilespmem:$0x1FFC0] =	vst v9;
	v9 =	vadd.s32 $0x5B05, v1;
	(pc) =	sbr.rel .LBB2_1-.Ltmp0, $4  }
0x2b: {  	s3 =	sadd.s32 $0xF42A00, s0;
	s6 =	sshrl.u32 s5, $0x1;
	s4 =	sshll.u32 s4, $0x9;
	v57 =	vor.u32 $0x7, v1;
	v58 =	vadd.s32 $0xD07, v1;
	[tilespmem:$0x1FFD0] =	vst v9;
	v9 =	vor.u32 $0x6, v1  }
0x2c: {  	v59 =	vadd.s32 $0x1A07, v1;
	v60 =	vadd.s32 $0x2707, v1;
	s26 =	ssub.s32 s5, s6;
	s6 =	sadd.s32 s8, s7;
	[dreg:$0x3] =	wrdreg s8;
	[tilespmem:$0x1FFE0] =	vst v9;
	v9 =	vadd.s32 $0xD06, v1  }
0x2d: {  	v61 =	vadd.s32 $0x3407, v1;
	v62 =	vadd.s32 $0x4107, v1;
	s7 =	sadd.s32 s1, s4;
	s0 =	smax.u32 s26, $0x1;
	[dreg:$0x4] =	wrdreg s4;
	[tilespmem:$0x1FFF0] =	vst v9;
	v9 =	vimm.s32 $0x0  }
0x2e: {  	v10 =	vadd.s32 $0x5B07, v1;
	s1 =	simm.s32 $0x0;
	[dreg:$0x5] =	wrdreg s0;
	s8 =	simm.s32 $0x5;
	v63 =	vsel vm0, $0x3, v9;
	v9 =	vadd.s32 $0x4E07, v1  }
.LBB2_54:
0x2f: {  	s0 =	simm.s32 $0x6  }
0x30: {  	_ =	swait.ge [sflag:s0], $0x4000  }
0x31: {  	[sflag:s0] =	ssyncset.done $0x0  }
0x32: {  	s25 =	simm.s32 $0x4;
	[sflag:s0] =	ssyncadd.s32 $0xFFFFC000  }
0x33: {  	_ =	swait.ge [sflag:s25], $0x4000  }
0x34: {  	[sflag:s25] =	ssyncset.done $0x0  }
0x35: {  	[sflag:s25] =	ssyncadd.s32 $0xFFFFC000  }
0x36: {  	_ =	swait.ge [sflag:s8], $0x4000  }
0x37: {  	s1 =	rddreg [dreg:$0x6]  }
0x38: {  	s26 =	rddreg [dreg:$0x5];
	s1 =	sadd.s32 $0x1, s1  }
0x39: {  	p0 =	sne.s32 s1, s26  }
.Ltmp1:
0x3a: {  	_ = 	snop;
	(pc) =	sbr.rel @!p0 .LBB2_55-.Ltmp1, $3  }
0x3b: {  	_ =	sdelay $0x1  }
0x3c: {  	[sflag:s8] =	ssyncset.done $0x0  }
0x3d: {  	[sflag:s8] =	ssyncadd.s32 $0xFFFFC000  }
.LBB2_1:
0x3e: {  	[dreg:$0x6] =	wrdreg s1;
	s0 =	simm.s32 $0x19  }
0x3f: {  	s22 =	sadd.s32 $0x0, s6;
	s4 =	simm.s32 $0xD0;
	s5 =	simm.s32 $0x0  }
.LBB2_2:
0x40: {  	[tilespmem:s5], [sflag:$0x7] =	stream.linear.gather [hbm4b:s22+s2], $0xC8, $0x38;
	[tilespmem:$0x1FA00] =	vst v63  }
0x41: {  	s1 =	smov.u32 s0;
	s5 =	smov.u32 s4;
	p0 =	sne.s32 s0, $0xC67  }
.Ltmp2:
0x42: {  	s0 =	sadd.s32 $0x19, s0;
	(pc) =	sbr.rel @p0 .LBB2_2-.Ltmp2, $2  }
0x43: {  	_ =	sdelay $0x2  }
0x44: {  	s4 =	sadd.s32 $0xD0, s4;
	s22 =	sadd.s32 s1, s6  }
0x45: {  	[tilespmem:s5], [sflag:$0x7] =	stream.linear.gather [hbm4b:s22+s2], $0xC8, $0x38;
	[tilespmem:$0x1FA00] =	vst v63  }
0x46: {  	s0 =	simm.s32 $0x7  }
0x47: {  	_ =	swait.ge [sflag:s0], $0x6400  }
0x48: {  	[sflag:s0] =	ssyncset.done $0x0  }
0x49: {  	s22 =	simm.s32 $0x0;
	[sflag:s0] =	ssyncadd.s32 $0xFFFF9C00  }
0x4a: {  	v11 =	vld.idx.msk [tilespmem:v1+s22+$0x0], $0xffff;
	_ =	sdelay $0x4  }
0x4b: {  	[tilespmem:$0x6800] =	vst v11;
	v11 =	vld.idx.msk [tilespmem:v6+s22+$0x0], $0xffff  }
0x4c: {  	v12 =	vld.idx.msk [tilespmem:v2+s22+$0x0], $0xffff  }
0x4d: {  	v13 =	vld.idx.msk [tilespmem:v3+s22+$0x0], $0xffff  }
0x4e: {  	v14 =	vld.idx.msk [tilespmem:v4+s22+$0x0], $0xffff  }
0x4f: {  	v15 =	vld.idx.msk [tilespmem:v5+s22+$0x0], $0xffff  }
0x50: {  	[tilespmem:$0x6850] =	vst v11;
	v11 =	vld [tilespmem:$0x1FD60]  }
0x51: {  	v49 =	vld.idx.msk [tilespmem:v7+s22+$0x0], $0xffff  }
0x52: {  	v50 =	vld.idx.msk [tilespmem:v8+s22+$0x0], $0xffff;
	[tilespmem:$0x6810] =	vst v12  }
0x53: {  	[tilespmem:$0x6820] =	vst v13  }
0x54: {  	[tilespmem:$0x6830] =	vst v14  }
0x55: {  	[tilespmem:$0x6840] =	vst v15  }
0x56: {  	[tilespmem:$0x6860] =	vst v49  }
0x57: {  	[tilespmem:$0x6870] =	vst v50  }
0x58: {  	v11 =	vld.idx.msk [tilespmem:v11+s22+$0x0], $0xffff;
	_ =	sdelay $0x4  }
0x59: {  	[tilespmem:$0x6880] =	vst v11;
	v11 =	vld [tilespmem:$0x1FDB0]  }
0x5a: {  	v16 =	vld [tilespmem:$0x1FD70]  }
0x5b: {  	v17 =	vld [tilespmem:$0x1FD80]  }
0x5c: {  	v18 =	vld [tilespmem:$0x1FD90]  }
0x5d: {  	v19 =	vld [tilespmem:$0x1FDA0];
	_ =	sdelay $0x1  }
0x5e: {  	v20 =	vld [tilespmem:$0x1FDC0]  }
0x5f: {  	v21 =	vld [tilespmem:$0x1FDD0]  }
0x60: {  	v11 =	vld.idx.msk [tilespmem:v11+s22+$0x0], $0xffff  }
0x61: {  	v12 =	vld.idx.msk [tilespmem:v16+s22+$0x0], $0xffff  }
0x62: {  	v13 =	vld.idx.msk [tilespmem:v17+s22+$0x0], $0xffff  }
0x63: {  	v14 =	vld.idx.msk [tilespmem:v18+s22+$0x0], $0xffff  }
0x64: {  	v15 =	vld.idx.msk [tilespmem:v19+s22+$0x0], $0xffff  }
0x65: {  	[tilespmem:$0x68D0] =	vst v11;
	v11 =	vld [tilespmem:$0x1FDE0]  }
0x66: {  	[tilespmem:$0x6890] =	vst v12;
	v12 =	vld.idx.msk [tilespmem:v20+s22+$0x0], $0xffff  }
0x67: {  	[tilespmem:$0x68A0] =	vst v13;
	v13 =	vld.idx.msk [tilespmem:v21+s22+$0x0], $0xffff;
	_ =	sdelay $0x1  }
0x68: {  	[tilespmem:$0x68B0] =	vst v14  }
0x69: {  	[tilespmem:$0x68C0] =	vst v15  }
0x6a: {  	[tilespmem:$0x68E0] =	vst v12  }
0x6b: {  	[tilespmem:$0x68F0] =	vst v13  }
0x6c: {  	v11 =	vld.idx.msk [tilespmem:v11+s22+$0x0], $0xffff;
	_ =	sdelay $0x4  }
0x6d: {  	[tilespmem:$0x6900] =	vst v11;
	v11 =	vld [tilespmem:$0x1FE30]  }
0x6e: {  	v22 =	vld [tilespmem:$0x1FDF0]  }
0x6f: {  	v23 =	vld [tilespmem:$0x1FE00]  }
0x70: {  	v24 =	vld [tilespmem:$0x1FE10]  }
0x71: {  	v25 =	vld [tilespmem:$0x1FE20];
	_ =	sdelay $0x1  }
0x72: {  	v26 =	vld [tilespmem:$0x1FE40]  }
0x73: {  	v27 =	vld [tilespmem:$0x1FE50]  }
0x74: {  	v11 =	vld.idx.msk [tilespmem:v11+s22+$0x0], $0xffff  }
0x75: {  	v12 =	vld.idx.msk [tilespmem:v22+s22+$0x0], $0xffff  }
0x76: {  	v13 =	vld.idx.msk [tilespmem:v23+s22+$0x0], $0xffff  }
0x77: {  	v14 =	vld.idx.msk [tilespmem:v24+s22+$0x0], $0xffff  }
0x78: {  	v15 =	vld.idx.msk [tilespmem:v25+s22+$0x0], $0xffff  }
0x79: {  	[tilespmem:$0x6950] =	vst v11;
	v11 =	vld [tilespmem:$0x1FE60]  }
0x7a: {  	[tilespmem:$0x6910] =	vst v12;
	v12 =	vld.idx.msk [tilespmem:v26+s22+$0x0], $0xffff  }
0x7b: {  	[tilespmem:$0x6920] =	vst v13;
	v13 =	vld.idx.msk [tilespmem:v27+s22+$0x0], $0xffff;
	_ =	sdelay $0x1  }
0x7c: {  	[tilespmem:$0x6930] =	vst v14  }
0x7d: {  	[tilespmem:$0x6940] =	vst v15  }
0x7e: {  	v28 =	vld [tilespmem:$0x1FE70];
	[tilespmem:$0x6960] =	vst v12  }
0x7f: {  	v29 =	vld [tilespmem:$0x1FE80];
	[tilespmem:$0x6970] =	vst v13  }
0x80: {  	v11 =	vld.idx.msk [tilespmem:v11+s22+$0x0], $0xffff  }
0x81: {  	v30 =	vld [tilespmem:$0x1FE90]  }
0x82: {  	v31 =	vld [tilespmem:$0x1FEA0]  }
0x83: {  	v32 =	vld [tilespmem:$0x1FEC0]  }
0x84: {  	v33 =	vld [tilespmem:$0x1FED0]  }
0x85: {  	[tilespmem:$0x6980] =	vst v11;
	v11 =	vld [tilespmem:$0x1FEB0]  }
0x86: {  	v12 =	vld.idx.msk [tilespmem:v28+s22+$0x0], $0xffff  }
0x87: {  	v13 =	vld.idx.msk [tilespmem:v29+s22+$0x0], $0xffff;
	_ =	sdelay $0x1  }
0x88: {  	v14 =	vld.idx.msk [tilespmem:v30+s22+$0x0], $0xffff  }
0x89: {  	v15 =	vld.idx.msk [tilespmem:v31+s22+$0x0], $0xffff  }
0x8a: {  	[tilespmem:$0x6990] =	vst v12;
	v12 =	vld.idx.msk [tilespmem:v32+s22+$0x0], $0xffff  }
0x8b: {  	[tilespmem:$0x69A0] =	vst v13;
	v13 =	vld.idx.msk [tilespmem:v33+s22+$0x0], $0xffff  }
0x8c: {  	v11 =	vld.idx.msk [tilespmem:v11+s22+$0x0], $0xffff  }
0x8d: {  	[tilespmem:$0x69B0] =	vst v14  }
0x8e: {  	[tilespmem:$0x69C0] =	vst v15  }
0x8f: {  	[tilespmem:$0x69E0] =	vst v12  }
0x90: {  	[tilespmem:$0x69F0] =	vst v13  }
0x91: {  	s4 =	simm.s32 $0x6800;
	s1 =	simm.s32 $0x6E00;
	[tilespmem:$0x69D0] =	vst v11;
	v11 =	vld [tilespmem:$0x1FEE0]  }
0x92: {  	[tilespmem:s1], [sflag:$0x1] =	stream.indirect.gather [hbm4b:s3+s10], $0x20, s4, s10, $0xb8;
	[tilespmem:$0x1FA00] =	vst v63  }
0x93: {  	s5 =	simm.s32 $0x6880;
	s9 =	simm.s32 $0x7E00  }
0x94: {  	[tilespmem:s9], [sflag:$0x1] =	stream.indirect.gather [hbm4b:s3+s10], $0x20, s5, s10, $0xb8;
	[tilespmem:$0x1FA00] =	vst v63  }
0x95: {  	s23 =	simm.s32 $0x6900;
	s24 =	simm.s32 $0x8E00  }
0x96: {  	[tilespmem:s24], [sflag:$0x1] =	stream.indirect.gather [hbm4b:s3+s10], $0x20, s23, s10, $0xb8;
	[tilespmem:$0x1FA00] =	vst v63  }
0x97: {  	s25 =	simm.s32 $0x6980;
	s26 =	simm.s32 $0x9E00  }
0x98: {  	[tilespmem:s26], [sflag:$0x1] =	stream.indirect.gather [hbm4b:s3+s10], $0x20, s25, s10, $0xb8;
	[tilespmem:$0x1FA00] =	vst v63  }
0x99: {  	v11 =	vld.idx.msk [tilespmem:v11+s22+$0x0], $0xffff;
	_ =	sdelay $0x4  }
0x9a: {  	[tilespmem:$0x6A00] =	vst v11;
	v11 =	vld [tilespmem:$0x1FF30]  }
0x9b: {  	v34 =	vld [tilespmem:$0x1FEF0]  }
0x9c: {  	v35 =	vld [tilespmem:$0x1FF00]  }
0x9d: {  	v36 =	vld [tilespmem:$0x1FF10]  }
0x9e: {  	v37 =	vld [tilespmem:$0x1FF20];
	_ =	sdelay $0x1  }
0x9f: {  	v38 =	vld [tilespmem:$0x1FF40]  }
0xa0: {  	v39 =	vld [tilespmem:$0x1FF50]  }
0xa1: {  	v11 =	vld.idx.msk [tilespmem:v11+s22+$0x0], $0xffff  }
0xa2: {  	v12 =	vld.idx.msk [tilespmem:v34+s22+$0x0], $0xffff  }
0xa3: {  	v13 =	vld.idx.msk [tilespmem:v35+s22+$0x0], $0xffff  }
0xa4: {  	v14 =	vld.idx.msk [tilespmem:v36+s22+$0x0], $0xffff  }
0xa5: {  	v15 =	vld.idx.msk [tilespmem:v37+s22+$0x0], $0xffff  }
0xa6: {  	[tilespmem:$0x6A50] =	vst v11;
	v11 =	vld [tilespmem:$0x1FF60]  }
0xa7: {  	[tilespmem:$0x6A10] =	vst v12;
	v12 =	vld.idx.msk [tilespmem:v38+s22+$0x0], $0xffff  }
0xa8: {  	[tilespmem:$0x6A20] =	vst v13;
	v13 =	vld.idx.msk [tilespmem:v39+s22+$0x0], $0xffff;
	_ =	sdelay $0x1  }
0xa9: {  	[tilespmem:$0x6A30] =	vst v14  }
0xaa: {  	[tilespmem:$0x6A40] =	vst v15  }
0xab: {  	[tilespmem:$0x6A60] =	vst v12  }
0xac: {  	[tilespmem:$0x6A70] =	vst v13  }
0xad: {  	v11 =	vld.idx.msk [tilespmem:v11+s22+$0x0], $0xffff;
	_ =	sdelay $0x2  }
0xae: {  	v40 =	vld [tilespmem:$0x1FF70]  }
0xaf: {  	v41 =	vld [tilespmem:$0x1FF80]  }
0xb0: {  	[tilespmem:$0x6A80] =	vst v11;
	v11 =	vld [tilespmem:$0x1FFB0]  }
0xb1: {  	v42 =	vld [tilespmem:$0x1FF90]  }
0xb2: {  	v43 =	vld [tilespmem:$0x1FFA0]  }
0xb3: {  	v44 =	vld [tilespmem:$0x1FFC0]  }
0xb4: {  	v45 =	vld [tilespmem:$0x1FFD0]  }
0xb5: {  	v46 =	vld [tilespmem:$0x1FFF0]  }
0xb6: {  	v12 =	vld.idx.msk [tilespmem:v40+s22+$0x0], $0xffff  }
0xb7: {  	v13 =	vld.idx.msk [tilespmem:v41+s22+$0x0], $0xffff  }
0xb8: {  	v11 =	vld.idx.msk [tilespmem:v11+s22+$0x0], $0xffff  }
0xb9: {  	v14 =	vld.idx.msk [tilespmem:v42+s22+$0x0], $0xffff  }
0xba: {  	v15 =	vld.idx.msk [tilespmem:v43+s22+$0x0], $0xffff  }
0xbb: {  	[tilespmem:$0x6A90] =	vst v12;
	v12 =	vld.idx.msk [tilespmem:v44+s22+$0x0], $0xffff  }
0xbc: {  	[tilespmem:$0x6AA0] =	vst v13;
	v13 =	vld.idx.msk [tilespmem:v45+s22+$0x0], $0xffff  }
0xbd: {  	[tilespmem:$0x6AD0] =	vst v11;
	v11 =	vld [tilespmem:$0x1FFE0];
	_ =	sdelay $0x1  }
0xbe: {  	[tilespmem:$0x6AB0] =	vst v14  }
0xbf: {  	[tilespmem:$0x6AC0] =	vst v15  }
0xc0: {  	[tilespmem:$0x6AE0] =	vst v12  }
0xc1: {  	[tilespmem:$0x6AF0] =	vst v13  }
0xc2: {  	v12 =	vld.idx.msk [tilespmem:v46+s22+$0x0], $0xffff  }
0xc3: {  	v13 =	vld.idx.msk [tilespmem:v51+s22+$0x0], $0xffff  }
0xc4: {  	v11 =	vld.idx.msk [tilespmem:v11+s22+$0x0], $0xffff  }
0xc5: {  	v14 =	vld.idx.msk [tilespmem:v52+s22+$0x0], $0xffff  }
0xc6: {  	v15 =	vld.idx.msk [tilespmem:v53+s22+$0x0], $0xffff  }
0xc7: {  	v47 =	vld.idx.msk [tilespmem:v55+s22+$0x0], $0xffff;
	[tilespmem:$0x6B10] =	vst v12  }
0xc8: {  	v48 =	vld.idx.msk [tilespmem:v56+s22+$0x0], $0xffff;
	[tilespmem:$0x6B20] =	vst v13  }
0xc9: {  	[tilespmem:$0x6B00] =	vst v11;
	v11 =	vld.idx.msk [tilespmem:v54+s22+$0x0], $0xffff  }
0xca: {  	[tilespmem:$0x6B30] =	vst v14  }
0xcb: {  	[tilespmem:$0x6B40] =	vst v15  }
0xcc: {  	[tilespmem:$0x6B60] =	vst v47  }
0xcd: {  	[tilespmem:$0x6B70] =	vst v48  }
0xce: {  	[tilespmem:$0x6B50] =	vst v11  }
0xcf: {  	v11 =	vld.idx.msk [tilespmem:v57+s22+$0x0], $0xffff  }
0xd0: {  	v12 =	vld.idx.msk [tilespmem:v58+s22+$0x0], $0xffff  }
0xd1: {  	v13 =	vld.idx.msk [tilespmem:v59+s22+$0x0], $0xffff  }
0xd2: {  	v14 =	vld.idx.msk [tilespmem:v60+s22+$0x0], $0xffff  }
0xd3: {  	v15 =	vld.idx.msk [tilespmem:v61+s22+$0x0], $0xffff  }
0xd4: {  	v49 =	vld.idx.msk [tilespmem:v9+s22+$0x0], $0xffff;
	[tilespmem:$0x6B80] =	vst v11  }
0xd5: {  	v50 =	vld.idx.msk [tilespmem:v10+s22+$0x0], $0xffff;
	[tilespmem:$0x6B90] =	vst v12  }
0xd6: {  	v11 =	vld.idx.msk [tilespmem:v62+s22+$0x0], $0xffff;
	[tilespmem:$0x6BA0] =	vst v13  }
0xd7: {  	[tilespmem:$0x6BB0] =	vst v14  }
0xd8: {  	[tilespmem:$0x6BC0] =	vst v15  }
0xd9: {  	[tilespmem:$0x6BE0] =	vst v49  }
0xda: {  	[tilespmem:$0x6BF0] =	vst v50  }
0xdb: {  	s1 =	simm.s32 $0x6A00;
	s4 =	simm.s32 $0xAE00;
	[tilespmem:$0x6BD0] =	vst v11  }
0xdc: {  	[tilespmem:s4], [sflag:$0x2] =	stream.indirect.gather [hbm4b:s3+s10], $0x20, s1, s10, $0xb8;
	[tilespmem:$0x1FA00] =	vst v63  }
0xdd: {  	s5 =	simm.s32 $0x6A80;
	s9 =	simm.s32 $0xBE00  }
0xde: {  	[tilespmem:s9], [sflag:$0x2] =	stream.indirect.gather [hbm4b:s3+s10], $0x20, s5, s10, $0xb8;
	[tilespmem:$0x1FA00] =	vst v63  }
0xdf: {  	s23 =	simm.s32 $0x6B00;
	s24 =	simm.s32 $0xCE00  }
0xe0: {  	[tilespmem:s24], [sflag:$0x2] =	stream.indirect.gather [hbm4b:s3+s10], $0x20, s23, s10, $0xb8;
	[tilespmem:$0x1FA00] =	vst v63  }
0xe1: {  	s25 =	simm.s32 $0x6B80;
	s26 =	simm.s32 $0xDE00  }
0xe2: {  	[tilespmem:s26], [sflag:$0x2] =	stream.indirect.gather [hbm4b:s3+s10], $0x20, s25, s10, $0xb8;
	[tilespmem:$0x1FA00] =	vst v63  }
.LBB2_4:
0xe3: {  	p0 =	seq.s32 s22, $0x0  }
.Ltmp3:
0xe4: {  	_ = 	snop;
	(pc) =	sbr.rel @p0 .LBB2_7-.Ltmp3, $4  }
0xe5: {  	_ = 	snop  }
0xe6: {  	s24 =	smul.u32 $0x3, s22;
	_ =	swait.ge [sflag:s28], $0x4000  }
0xe7: {  	[sflag:s28] =	ssyncset.done $0x0  }
0xe8: {  	[sflag:s28] =	ssyncadd.s32 $0xFFFFC000;
	s23 =	sadd.s32 $0x2, s24  }
0xe9: {  	p0 =	seq.s32 s22, $0x42  }
.Ltmp4:
0xea: {  	_ = 	snop;
	(pc) =	sbr.rel @p0 .LBB2_12-.Ltmp4, $1  }
0xeb: {  	_ =	sdelay $0x3  }
0xec: {  	s0 =	simm.s32 $0x6  }
0xed: {  	_ =	swait.ge [sflag:s0], $0x4000  }
0xee: {  	[sflag:s0] =	ssyncset.done $0x0  }
0xef: {  	[sflag:s0] =	ssyncadd.s32 $0xFFFFC000  }
.LBB2_7:
0xf0: {  	s0 =	sand.u32 $0xFF, s23  }
0xf1: {  	s0 =	smul.u32 $0x29, s0;
	_ =	sdelay $0x1  }
0xf2: {  	s1 =	sshrl.u32 s0, $0xB  }
0xf3: {  	s0 =	smul.u32 $0x32, s1;
	_ =	sdelay $0x1  }
0xf4: {  	s0 =	ssub.s32 s23, s0  }
0xf5: {  	s4 =	sand.u32 $0xFF, s0  }
0xf6: {  	p0 =	sne.s32 s4, $0x0  }
.Ltmp5:
0xf7: {  	_ = 	snop;
	(pc) =	sbr.rel @p0 .LBB2_11-.Ltmp5, $1  }
0xf8: {  	_ =	sdelay $0x3  }
0xf9: {  	s1 =	smul.u32 $0xC80, s1;
	_ =	sdelay $0x1  }
0xfa: {  	s5 =	simm.s32 $0x0;
	s4 =	sadd.s32 s6, s1  }
0xfb: {  	s25 =	simm.s32 $0x19;
	s26 =	simm.s32 $0xD0;
	s1 =	sadd.s32 $0x0, s4  }
.LBB2_9:
0xfc: {  	[tilespmem:s5], [sflag:$0x7] =	stream.linear.gather [hbm4b:s1+s2], $0xC8, $0x38;
	[tilespmem:$0x1FA00] =	vst v63  }
0xfd: {  	s1 =	smov.u32 s25;
	s5 =	smov.u32 s26;
	p0 =	sne.s32 s25, $0xC67  }
.Ltmp6:
0xfe: {  	s25 =	sadd.s32 $0x19, s25;
	(pc) =	sbr.rel @p0 .LBB2_9-.Ltmp6, $2  }
0xff: {  	_ =	sdelay $0x2  }
0x100: {  	s26 =	sadd.s32 $0xD0, s26;
	s1 =	sadd.s32 s1, s4  }
0x101: {  	[tilespmem:s5], [sflag:$0x7] =	stream.linear.gather [hbm4b:s1+s2], $0xC8, $0x38;
	[tilespmem:$0x1FA00] =	vst v63  }
0x102: {  	s26 =	simm.s32 $0x7  }
0x103: {  	_ =	swait.ge [sflag:s26], $0x6400  }
0x104: {  	[sflag:s26] =	ssyncset.done $0x0  }
0x105: {  	[sflag:s26] =	ssyncadd.s32 $0xFFFF9C00  }
.LBB2_11:
0x106: {  	s0 =	sshll.u32 s0, $0x2  }
0x107: {  	s0 =	sand.u32 $0xFC, s0  }
0x108: {  	v11 =	vmov s0  }
0x109: {  	v11 =	vand.u32 $0xFC, v11  }
0x10a: {  	v12 =	vadd.s32 v1, v11  }
0x10b: {  	v13 =	vadd.s32 v2, v11  }
0x10c: {  	v14 =	vadd.s32 v3, v11  }
0x10d: {  	v15 =	vadd.s32 v4, v11  }
0x10e: {  	v16 =	vadd.s32 v5, v11  }
0x10f: {  	v17 =	vadd.s32 v6, v11;
	v12 =	vld.idx.msk [tilespmem:v12+s2+$0x0], $0xffff  }
0x110: {  	v18 =	vadd.s32 v7, v11;
	v13 =	vld.idx.msk [tilespmem:v13+s2+$0x0], $0xffff  }
0x111: {  	v11 =	vadd.s32 v8, v11;
	v14 =	vld.idx.msk [tilespmem:v14+s2+$0x0], $0xffff  }
0x112: {  	v15 =	vld.idx.msk [tilespmem:v15+s2+$0x0], $0xffff  }
0x113: {  	v16 =	vld.idx.msk [tilespmem:v16+s2+$0x0], $0xffff  }
0x114: {  	s1 =	sor.u32 $0x1, s0;
	v21 =	vld.idx.msk [tilespmem:v17+s2+$0x0], $0xffff;
	[tilespmem:$0x6C00] =	vst v12  }
0x115: {  	v23 =	vmov s1;
	v22 =	vld.idx.msk [tilespmem:v18+s2+$0x0], $0xffff;
	[tilespmem:$0x6C10] =	vst v13  }
0x116: {  	v24 =	vand.u32 $0xFD, v23;
	v11 =	vld.idx.msk [tilespmem:v11+s2+$0x0], $0xffff;
	[tilespmem:$0x6C20] =	vst v14  }
0x117: {  	v25 =	vadd.s32 v1, v24;
	[tilespmem:$0x6C30] =	vst v15  }
0x118: {  	v26 =	vadd.s32 v2, v24;
	[tilespmem:$0x6C40] =	vst v16  }
0x119: {  	v27 =	vadd.s32 v3, v24;
	[tilespmem:$0x6C50] =	vst v21  }
0x11a: {  	v28 =	vadd.s32 v4, v24;
	[tilespmem:$0x6C60] =	vst v22  }
0x11b: {  	v17 =	vadd.s32 v6, v24;
	[tilespmem:$0x6C70] =	vst v11  }
0x11c: {  	v11 =	vadd.s32 v5, v24;
	v15 =	vld.idx.msk [tilespmem:v25+s2+$0x0], $0xffff  }
0x11d: {  	v29 =	vadd.s32 v7, v24;
	v16 =	vld.idx.msk [tilespmem:v26+s2+$0x0], $0xffff  }
0x11e: {  	v14 =	vadd.s32 v8, v24;
	v12 =	vld.idx.msk [tilespmem:v27+s2+$0x0], $0xffff  }
0x11f: {  	v13 =	vld.idx.msk [tilespmem:v28+s2+$0x0], $0xffff  }
0x120: {  	v30 =	vld.idx.msk [tilespmem:v17+s2+$0x0], $0xffff  }
0x121: {  	s9 =	sor.u32 $0x2, s0;
	v11 =	vld.idx.msk [tilespmem:v11+s2+$0x0], $0xffff;
	[tilespmem:$0x6C80] =	vst v15  }
0x122: {  	v32 =	vmov s9;
	v31 =	vld.idx.msk [tilespmem:v29+s2+$0x0], $0xffff;
	[tilespmem:$0x6C90] =	vst v16  }
0x123: {  	v34 =	vand.u32 $0xFE, v32;
	v33 =	vld.idx.msk [tilespmem:v14+s2+$0x0], $0xffff;
	[tilespmem:$0x6CA0] =	vst v12  }
0x124: {  	v35 =	vadd.s32 v1, v34;
	[tilespmem:$0x6CB0] =	vst v13  }
0x125: {  	v36 =	vadd.s32 v3, v34;
	[tilespmem:$0x6CD0] =	vst v30  }
0x126: {  	[tilespmem:$0x6CC0] =	vst v11;
	v11 =	vadd.s32 v2, v34  }
0x127: {  	v37 =	vadd.s32 v4, v34;
	[tilespmem:$0x6CE0] =	vst v31  }
0x128: {  	v38 =	vadd.s32 v5, v34;
	[tilespmem:$0x6CF0] =	vst v33  }
0x129: {  	v17 =	vadd.s32 v6, v34;
	v13 =	vld.idx.msk [tilespmem:v35+s2+$0x0], $0xffff  }
0x12a: {  	v14 =	vadd.s32 v8, v34;
	v15 =	vld.idx.msk [tilespmem:v36+s2+$0x0], $0xffff  }
0x12b: {  	v39 =	vadd.s32 v7, v34;
	v11 =	vld.idx.msk [tilespmem:v11+s2+$0x0], $0xffff  }
0x12c: {  	v16 =	vld.idx.msk [tilespmem:v37+s2+$0x0], $0xffff  }
0x12d: {  	v12 =	vld.idx.msk [tilespmem:v38+s2+$0x0], $0xffff  }
0x12e: {  	v40 =	vld.idx.msk [tilespmem:v17+s2+$0x0], $0xffff;
	[tilespmem:$0x6D00] =	vst v13  }
0x12f: {  	v14 =	vld.idx.msk [tilespmem:v14+s2+$0x0], $0xffff;
	[tilespmem:$0x6D20] =	vst v15  }
0x130: {  	s0 =	sor.u32 $0x3, s0;
	[tilespmem:$0x6D10] =	vst v11;
	v11 =	vld.idx.msk [tilespmem:v39+s2+$0x0], $0xffff  }
0x131: {  	v41 =	vadd.s32 s0, v1;
	[tilespmem:$0x6D30] =	vst v16  }
0x132: {  	v42 =	vadd.s32 s0, v2;
	[tilespmem:$0x6D40] =	vst v12  }
0x133: {  	v43 =	vadd.s32 s0, v3;
	[tilespmem:$0x6D50] =	vst v40  }
0x134: {  	v44 =	vadd.s32 s0, v5;
	[tilespmem:$0x6D70] =	vst v14  }
0x135: {  	v45 =	vadd.s32 s0, v6;
	[tilespmem:$0x6D60] =	vst v11  }
0x136: {  	v46 =	vadd.s32 s0, v7;
	v15 =	vld.idx.msk [tilespmem:v41+s2+$0x0], $0xffff  }
0x137: {  	v47 =	vadd.s32 s0, v8;
	v12 =	vld.idx.msk [tilespmem:v42+s2+$0x0], $0xffff  }
0x138: {  	v11 =	vadd.s32 s0, v4;
	v13 =	vld.idx.msk [tilespmem:v43+s2+$0x0], $0xffff  }
0x139: {  	v14 =	vld.idx.msk [tilespmem:v44+s2+$0x0], $0xffff  }
0x13a: {  	v48 =	vld.idx.msk [tilespmem:v45+s2+$0x0], $0xffff  }
0x13b: {  	v49 =	vld.idx.msk [tilespmem:v46+s2+$0x0], $0xffff;
	[tilespmem:$0x6D80] =	vst v15  }
0x13c: {  	v50 =	vld.idx.msk [tilespmem:v47+s2+$0x0], $0xffff;
	[tilespmem:$0x6D90] =	vst v12  }
0x13d: {  	v11 =	vld.idx.msk [tilespmem:v11+s2+$0x0], $0xffff;
	[tilespmem:$0x6DA0] =	vst v13  }
0x13e: {  	[tilespmem:$0x6DC0] =	vst v14  }
0x13f: {  	[tilespmem:$0x6DD0] =	vst v48  }
0x140: {  	[tilespmem:$0x6DE0] =	vst v49  }
0x141: {  	[tilespmem:$0x6DF0] =	vst v50  }
0x142: {  	s25 =	simm.s32 $0x6C00;
	s26 =	simm.s32 $0xEE00;
	[tilespmem:$0x6DB0] =	vst v11  }
0x143: {  	[tilespmem:s26], [sflag:$0x3] =	stream.indirect.gather [hbm4b:s3+s10], $0x20, s25, s10, $0xb8;
	[tilespmem:$0x1FA00] =	vst v63  }
0x144: {  	s4 =	simm.s32 $0xFE00;
	s1 =	simm.s32 $0x6C80  }
0x145: {  	[tilespmem:s4], [sflag:$0x3] =	stream.indirect.gather [hbm4b:s3+s10], $0x20, s1, s10, $0xb8;
	[tilespmem:$0x1FA00] =	vst v63  }
0x146: {  	s5 =	simm.s32 $0x6D00;
	s9 =	simm.s32 $0x10E00  }
0x147: {  	[tilespmem:s9], [sflag:$0x3] =	stream.indirect.gather [hbm4b:s3+s10], $0x20, s5, s10, $0xb8;
	[tilespmem:$0x1FA00] =	vst v63  }
0x148: {  	s25 =	simm.s32 $0x6D80;
	s26 =	simm.s32 $0x11E00  }
0x149: {  	[tilespmem:s26], [sflag:$0x3] =	stream.indirect.gather [hbm4b:s3+s10], $0x20, s25, s10, $0xb8;
	[tilespmem:$0x1FA00] =	vst v63  }
.LBB2_12:
0x14a: {  	s0 =	simm.s32 $0x0  }
0x14b: {  	s9 =	simm.s32 $0x1;
	s1 =	simm.s32 $0x2;
	s25 =	simm.s32 $0x3;
	v11 =	vmov s0  }
0x14c: {  	s26 =	simm.s32 $0x4;
	s4 =	simm.s32 $0x5;
	v12 =	vmov s9;
	v13 =	vmov s1;
	v14 =	vmov s25  }
0x14d: {  	v15 =	vmov s26;
	v16 =	vmov s4;
	s1 =	simm.s32 $0x6;
	v11 =	vshrl.u32 v11, $0x3  }
0x14e: {  	v17 =	vmov s1;
	v12 =	vshrl.u32 v12, $0x3;
	v13 =	vshrl.u32 v13, $0x3  }
0x14f: {  	v14 =	vshrl.u32 v14, $0x3;
	v15 =	vshrl.u32 v15, $0x3;
	v16 =	vshrl.u32 v16, $0x3  }
0x150: {  	v11 =	vshll.u32 v11, v63;
	v12 =	vshll.u32 v12, v63;
	v13 =	vshll.u32 v13, v63  }
0x151: {  	v14 =	vshll.u32 v14, v63;
	v15 =	vshll.u32 v15, v63;
	v17 =	vshrl.u32 v17, $0x3  }
0x152: {  	s4 =	simm.s32 $0x7;
	v16 =	vshll.u32 v16, v63;
	v28 =	vbroadcast v11, $0x0;
	v17 =	vshll.u32 v17, v63  }
0x153: {  	v29 =	vbroadcast v12, $0x0;
	v30 =	vbroadcast v13, $0x0;
	v11 =	vmov s4  }
0x154: {  	v31 =	vbroadcast v14, $0x0;
	v32 =	vbroadcast v15, $0x0;
	s4 =	simm.s32 $0x6E80;
	v12 =	vshrl.u32 v11, $0x3  }
0x155: {  	v33 =	vbroadcast v16, $0x0;
	v11 =	vmul.u32 $0x88, v0;
	v24 =	vld [tilespmem:s4+$0x60];
	v12 =	vshll.u32 v12, v63  }
0x156: {  	v34 =	vbroadcast v17, $0x0;
	v26 =	vld [tilespmem:s4+$0x70];
	v19 =	vbroadcast v12, $0x0  }
0x157: {  	v27 =	vld [tilespmem:s4+$0xFFFFFF80];
	v12 =	vadd.s32 $0x880, v11;
	v13 =	vor.u32 $0x1, v11;
	v14 =	vor.u32 $0x7, v11  }
0x158: {  	v36 =	vld [tilespmem:s4+$0xFFFFFF90];
	v15 =	vadd.s32 $0x881, v11;
	v16 =	vadd.s32 $0x887, v11;
	v17 =	vor.u32 $0x2, v11  }
0x159: {  	v38 =	vld [tilespmem:s4+$0xFFFFFFA0];
	v18 =	vadd.s32 $0x882, v11;
	v20 =	vadd.s32 $0x883, v11;
	v21 =	vor.u32 $0x4, v11  }
0x15a: {  	v22 =	vadd.s32 $0x884, v11;
	v23 =	vor.u32 $0x5, v11;
	v25 =	vor.u32 $0x6, v11  }
0x15b: {  	v39 =	vld [tilespmem:s4+$0xFFFFFFB0];
	v49 =	vadd.s32 v11, v28;
	v44 =	vadd.s32 v13, v29;
	v29 =	vadd.s32 v15, v29  }
0x15c: {  	v45 =	vld [tilespmem:s4+$0xFFFFFFD0];
	v35 =	vadd.s32 v14, v19;
	v37 =	vadd.s32 v16, v19;
	v40 =	vmul.f32 $5.656854150e+00, v24  }
0x15d: {  	v41 =	vld [tilespmem:s4+$0xFFFFFFC0];
	v19 =	vor.u32 $0x3, v11;
	v42 =	vmul.f32 $5.656854150e+00, v26;
	v43 =	vmul.f32 $5.656854150e+00, v27  }
0x15e: {  	v26 =	vadd.s32 $0x886, v11;
	v27 =	vmul.f32 $5.656854150e+00, v36;
	v38 =	vmul.f32 $5.656854150e+00, v38  }
0x15f: {  	v46 =	vld [tilespmem:s4+$0xFFFFFFE0];
	v36 =	vadd.s32 v17, v30;
	v30 =	vadd.s32 v18, v30;
	v48 =	vadd.s32 v19, v31  }
0x160: {  	v47 =	vld [tilespmem:s4+$0xFFFFFFF0];
	v24 =	vadd.s32 $0x885, v11;
	v31 =	vadd.s32 v20, v31;
	v50 =	vadd.s32 v26, v34;
	[tilespmem:v44+s13+$0x0] =	vst.idx.msk $0xffff, v38  }
0x161: {  	s5 =	simm.s32 $0x8;
	v38 =	vmul.f32 $5.656854150e+00, v45;
	v45 =	vadd.s32 v25, v34;
	[tilespmem:v35+s13+$0x0] =	vst.idx.msk $0xffff, v40;
	v35 =	vmul.f32 $5.656854150e+00, v39;
	v39 =	vld [tilespmem:s4+$0x0]  }
0x162: {  	v44 =	vld [tilespmem:s4+$0x20];
	v34 =	vmov s5;
	v40 =	vadd.s32 v21, v32;
	[tilespmem:v37+s13+$0x0] =	vst.idx.msk $0xffff, v42;
	v37 =	vmul.f32 $5.656854150e+00, v41  }
0x163: {  	v32 =	vadd.s32 v22, v32;
	v34 =	vshrl.u32 v34, $0x3;
	v41 =	vld [tilespmem:s4+$0x10];
	v42 =	vadd.s32 v23, v33;
	[tilespmem:v29+s13+$0x0] =	vst.idx.msk $0xffff, v35  }
0x164: {  	s9 =	simm.s32 $0x9;
	s26 =	simm.s32 $0xB;
	v33 =	vadd.s32 v24, v33;
	v35 =	vmul.f32 $5.656854150e+00, v46;
	v46 =	vld [tilespmem:s4+$0x30];
	v29 =	vadd.s32 v12, v28;
	[tilespmem:v36+s13+$0x0] =	vst.idx.msk $0xffff, v37  }
0x165: {  	s25 =	simm.s32 $0xA;
	v28 =	vmul.f32 $5.656854150e+00, v47;
	v47 =	vmov s26;
	v36 =	vld [tilespmem:s4+$0x40];
	v37 =	vmov s9;
	s9 =	simm.s32 $0xD;
	[tilespmem:v30+s13+$0x0] =	vst.idx.msk $0xffff, v38  }
0x166: {  	[tilespmem:v48+s13+$0x0] =	vst.idx.msk $0xffff, v35;
	v48 =	vmov s9;
	v30 =	vmul.f32 $5.656854150e+00, v39;
	v39 =	vmov s25  }
0x167: {  	s5 =	simm.s32 $0xC;
	v38 =	vld [tilespmem:s4+$0x50];
	s25 =	simm.s32 $0xE;
	[tilespmem:v31+s13+$0x0] =	vst.idx.msk $0xffff, v28;
	v28 =	vmul.f32 $5.656854150e+00, v44;
	v31 =	vshll.u32 v34, v63;
	v48 =	vshrl.u32 v48, $0x3  }
0x168: {  	v35 =	vmul.f32 $5.656854150e+00, v41;
	v41 =	vmov s5;
	v44 =	vmov s25;
	[tilespmem:v40+s13+$0x0] =	vst.idx.msk $0xffff, v30  }
0x169: {  	v30 =	vmul.f32 $5.656854150e+00, v46;
	v40 =	vshrl.u32 v37, $0x3;
	v37 =	vshrl.u32 v39, $0x3;
	[tilespmem:v42+s13+$0x0] =	vst.idx.msk $0xffff, v28  }
0x16a: {  	v46 =	vshrl.u32 v41, $0x3;
	v28 =	vbroadcast v31, $0x0;
	[tilespmem:v32+s13+$0x0] =	vst.idx.msk $0xffff, v35;
	v32 =	vmul.f32 $5.656854150e+00, v36  }
0x16b: {  	[tilespmem:v49+s13+$0x0] =	vst.idx.msk $0xffff, v43;
	s26 =	simm.s32 $0xF;
	v35 =	vshrl.u32 v47, $0x3;
	v47 =	vshll.u32 v40, v63;
	v37 =	vshll.u32 v37, v63  }
0x16c: {  	v34 =	vshll.u32 v46, v63;
	v36 =	vmov s26;
	v38 =	vmul.f32 $5.656854150e+00, v38;
	[tilespmem:v33+s13+$0x0] =	vst.idx.msk $0xffff, v30  }
0x16d: {  	v35 =	vshll.u32 v35, v63;
	v30 =	vshrl.u32 v44, $0x3;
	v33 =	vshll.u32 v48, v63;
	[tilespmem:v45+s13+$0x0] =	vst.idx.msk $0xffff, v32  }
0x16e: {  	s0 =	simm.s32 $0x10;
	v31 =	vshll.u32 v30, v63;
	v32 =	vbroadcast v47, $0x0;
	v30 =	vbroadcast v37, $0x0;
	[tilespmem:v50+s13+$0x0] =	vst.idx.msk $0xffff, v38  }
.LBB2_13:
0x16f: {  	p0 =	slt.u32 s0, $0x78;
	v35 =	vbroadcast v35, $0x0;
	v34 =	vbroadcast v34, $0x0;
	v36 =	vshrl.u32 v36, $0x3;
	[tilespmem:v29+s13+$0x0] =	vst.idx.msk $0xffff, v27  }
0x170: {  	v29 =	vbroadcast v33, $0x0;
	s4 =	sadd.s32 $0x100, s4;
	v27 =	vshll.u32 v36, v63  }
0x171: {  	v31 =	vbroadcast v31, $0x0;
	v33 =	vld [tilespmem:s4+$0x60];
	v27 =	vbroadcast v27, $0x0  }
0x172: {  	v36 =	vld [tilespmem:s4+$0x70]  }
0x173: {  	v37 =	vld [tilespmem:s4+$0xFFFFFF80];
	v38 =	vadd.s32 v14, v27  }
0x174: {  	v40 =	vadd.s32 v16, v27;
	v39 =	vld [tilespmem:s4+$0xFFFFFF90]  }
0x175: {  	v41 =	vld [tilespmem:s4+$0xFFFFFFA0]  }
0x176: {  	v42 =	vld [tilespmem:s4+$0xFFFFFFB0];
	v27 =	vmul.f32 $5.656854150e+00, v33  }
0x177: {  	v33 =	vld [tilespmem:s4+$0xFFFFFFC0];
	v36 =	vmul.f32 $5.656854150e+00, v36  }
0x178: {  	v43 =	vadd.s32 v13, v32;
	v37 =	vmul.f32 $5.656854150e+00, v37;
	v44 =	vld [tilespmem:s4+$0xFFFFFFD0];
	[tilespmem:v38+s13+$0x0] =	vst.idx.msk $0xffff, v27  }
0x179: {  	v32 =	vadd.s32 v15, v32;
	v38 =	vadd.s32 v17, v30;
	v27 =	vmul.f32 $5.656854150e+00, v39;
	v39 =	vld [tilespmem:s4+$0xFFFFFFE0];
	[tilespmem:v40+s13+$0x0] =	vst.idx.msk $0xffff, v36  }
0x17a: {  	v30 =	vadd.s32 v18, v30;
	v36 =	vmul.f32 $5.656854150e+00, v41;
	v40 =	vld [tilespmem:s4+$0xFFFFFFF0];
	v41 =	vadd.s32 v19, v35  }
0x17b: {  	v46 =	vadd.s32 v21, v34;
	v35 =	vadd.s32 v20, v35;
	v42 =	vmul.f32 $5.656854150e+00, v42;
	v45 =	vld [tilespmem:s4+$0x0]  }
0x17c: {  	v34 =	vadd.s32 v22, v34;
	v48 =	vadd.s32 v23, v29;
	v33 =	vmul.f32 $5.656854150e+00, v33;
	v47 =	vld [tilespmem:s4+$0x10]  }
0x17d: {  	v49 =	vadd.s32 v25, v31;
	[tilespmem:v43+s13+$0x0] =	vst.idx.msk $0xffff, v36;
	v36 =	vmul.f32 $5.656854150e+00, v44;
	v43 =	vld [tilespmem:s4+$0x20];
	v44 =	vadd.s32 v24, v29  }
0x17e: {  	v50 =	vadd.s32 v11, v28;
	[tilespmem:v32+s13+$0x0] =	vst.idx.msk $0xffff, v42;
	v32 =	vmul.f32 $5.656854150e+00, v39;
	v39 =	vld [tilespmem:s4+$0x30];
	v42 =	vadd.s32 v26, v31  }
0x17f: {  	s1 =	sadd.s32 $0x1, s0;
	v29 =	vadd.s32 v12, v28;
	v31 =	vmov s0;
	[tilespmem:v38+s13+$0x0] =	vst.idx.msk $0xffff, v33;
	v28 =	vmul.f32 $5.656854150e+00, v40;
	v33 =	vld [tilespmem:s4+$0x40]  }
0x180: {  	s5 =	sadd.s32 $0x3, s0;
	v31 =	vshrl.u32 v31, $0x3;
	v38 =	vmov s1;
	s1 =	sadd.s32 $0x2, s0;
	[tilespmem:v30+s13+$0x0] =	vst.idx.msk $0xffff, v36;
	v30 =	vmul.f32 $5.656854150e+00, v45;
	v36 =	vld [tilespmem:s4+$0x50]  }
0x181: {  	v40 =	vmov s1;
	v45 =	vmov s5;
	s1 =	sadd.s32 $0x4, s0;
	s5 =	sadd.s32 $0x5, s0;
	[tilespmem:v41+s13+$0x0] =	vst.idx.msk $0xffff, v32;
	v32 =	vmul.f32 $5.656854150e+00, v47  }
0x182: {  	v41 =	vmov s1;
	v47 =	vmov s5;
	s1 =	sadd.s32 $0x6, s0;
	[tilespmem:v35+s13+$0x0] =	vst.idx.msk $0xffff, v28;
	v28 =	vmul.f32 $5.656854150e+00, v43  }
0x183: {  	v31 =	vshll.u32 v31, v63;
	v43 =	vmov s1;
	[tilespmem:v46+s13+$0x0] =	vst.idx.msk $0xffff, v30;
	v30 =	vmul.f32 $5.656854150e+00, v39  }
0x184: {  	v35 =	vshrl.u32 v38, $0x3;
	v38 =	vshrl.u32 v40, $0x3;
	[tilespmem:v34+s13+$0x0] =	vst.idx.msk $0xffff, v32;
	v32 =	vmul.f32 $5.656854150e+00, v33  }
.Ltmp7:
0x185: {  	v33 =	vshrl.u32 v45, $0x3;
	v34 =	vshrl.u32 v41, $0x3;
	[tilespmem:v48+s13+$0x0] =	vst.idx.msk $0xffff, v28;
	v36 =	vmul.f32 $5.656854150e+00, v36;
	(pc) =	sbr.rel @p0 .LBB2_13-.Ltmp7, $4  }
0x186: {  	v40 =	vshrl.u32 v47, $0x3;
	v39 =	vshll.u32 v35, v63;
	v38 =	vshll.u32 v38, v63;
	[tilespmem:v44+s13+$0x0] =	vst.idx.msk $0xffff, v30  }
0x187: {  	v35 =	vshll.u32 v33, v63;
	v34 =	vshll.u32 v34, v63;
	v30 =	vshrl.u32 v43, $0x3;
	[tilespmem:v49+s13+$0x0] =	vst.idx.msk $0xffff, v32  }
0x188: {  	s1 =	sadd.s32 $0x7, s0;
	v28 =	vbroadcast v31, $0x0;
	v33 =	vshll.u32 v40, v63;
	v31 =	vshll.u32 v30, v63;
	[tilespmem:v42+s13+$0x0] =	vst.idx.msk $0xffff, v36  }
0x189: {  	s0 =	sadd.s32 $0x8, s0;
	v32 =	vbroadcast v39, $0x0;
	v30 =	vbroadcast v38, $0x0;
	v36 =	vmov s1;
	[tilespmem:v50+s13+$0x0] =	vst.idx.msk $0xffff, v37  }
0x18a: {  	v36 =	vshrl.u32 v36, $0x3;
	s0 =	sadd.s32 $0x100, s4  }
0x18b: {  	v36 =	vshll.u32 v36, v63;
	v37 =	vld [tilespmem:s0+$0x60]  }
0x18c: {  	v38 =	vld [tilespmem:s0+$0x70];
	v36 =	vbroadcast v36, $0x0  }
0x18d: {  	v40 =	vld [tilespmem:s0+$0xFFFFFFA0]  }
0x18e: {  	v41 =	vld [tilespmem:s0+$0xFFFFFFB0];
	v39 =	vadd.s32 v14, v36  }
0x18f: {  	v42 =	vld [tilespmem:s0+$0xFFFFFFC0];
	v43 =	vadd.s32 v13, v32  }
0x190: {  	v44 =	vld [tilespmem:s0+$0xFFFFFFD0];
	v36 =	vadd.s32 v16, v36  }
0x191: {  	[tilespmem:v29+s13+$0x0] =	vst.idx.msk $0xffff, v27;
	v32 =	vadd.s32 v15, v32;
	v37 =	vmul.f32 $5.656854150e+00, v37;
	v27 =	vmul.f32 $5.656854150e+00, v38;
	v38 =	vld [tilespmem:s0+$0xFFFFFFE0]  }
0x192: {  	v34 =	vbroadcast v34, $0x0;
	v29 =	vadd.s32 v17, v30;
	v47 =	vmul.f32 $5.656854150e+00, v40;
	v40 =	vld [tilespmem:s0+$0x0]  }
0x193: {  	v35 =	vbroadcast v35, $0x0;
	v30 =	vadd.s32 v18, v30;
	[tilespmem:v39+s13+$0x0] =	vst.idx.msk $0xffff, v37;
	v39 =	vld [tilespmem:s0+$0xFFFFFFF0]  }
0x194: {  	v48 =	vmul.f32 $5.656854150e+00, v41;
	v49 =	vmul.f32 $5.656854150e+00, v42;
	v42 =	vld [tilespmem:s0+$0x10];
	[tilespmem:v43+s13+$0x0] =	vst.idx.msk $0xffff, v47;
	v37 =	vadd.s32 v21, v34  }
0x195: {  	[tilespmem:v36+s13+$0x0] =	vst.idx.msk $0xffff, v27;
	v27 =	vadd.s32 v19, v35  }
0x196: {  	v33 =	vbroadcast v33, $0x0;
	v50 =	vmul.f32 $5.656854150e+00, v44;
	v44 =	vld [tilespmem:s0+$0x20];
	[tilespmem:v32+s13+$0x0] =	vst.idx.msk $0xffff, v48;
	v32 =	vadd.s32 v22, v34  }
0x197: {  	[tilespmem:v29+s13+$0x0] =	vst.idx.msk $0xffff, v49;
	v29 =	vbroadcast v31, $0x0;
	v35 =	vadd.s32 v20, v35;
	v36 =	vld [tilespmem:s0+$0x30];
	v49 =	vmul.f32 $5.656854150e+00, v40  }
0x198: {  	v31 =	vadd.s32 v23, v33;
	[tilespmem:v30+s13+$0x0] =	vst.idx.msk $0xffff, v50;
	v47 =	vmul.f32 $5.656854150e+00, v38;
	v48 =	vmul.f32 $5.656854150e+00, v39;
	v39 =	vld [tilespmem:s0+$0x40]  }
0x199: {  	v30 =	vadd.s32 v24, v33;
	v40 =	vld [tilespmem:s0+$0x50];
	v45 =	vmul.f32 $5.656854150e+00, v42;
	[tilespmem:v37+s13+$0x0] =	vst.idx.msk $0xffff, v49  }
0x19a: {  	v50 =	vadd.s32 v25, v29;
	[tilespmem:v27+s13+$0x0] =	vst.idx.msk $0xffff, v47;
	v27 =	vld [tilespmem:s0+$0xFFFFFF80]  }
0x19b: {  	v46 =	vld [tilespmem:s0+$0xFFFFFF90];
	v29 =	vadd.s32 v26, v29;
	v47 =	vmul.f32 $5.656854150e+00, v44;
	[tilespmem:v32+s13+$0x0] =	vst.idx.msk $0xffff, v45  }
0x19c: {  	v36 =	vmul.f32 $5.656854150e+00, v36;
	[tilespmem:v35+s13+$0x0] =	vst.idx.msk $0xffff, v48;
	v48 =	vadd.s32 v11, v28  }
0x19d: {  	v28 =	vadd.s32 v12, v28;
	[tilespmem:v31+s13+$0x0] =	vst.idx.msk $0xffff, v47;
	v49 =	vmul.f32 $5.656854150e+00, v39  }
0x19e: {  	v31 =	vmul.f32 $5.656854150e+00, v40;
	[tilespmem:v30+s13+$0x0] =	vst.idx.msk $0xffff, v36  }
0x19f: {  	s5 =	simm.s32 $0x0;
	v27 =	vmul.f32 $5.656854150e+00, v27;
	[tilespmem:v50+s13+$0x0] =	vst.idx.msk $0xffff, v49  }
0x1a0: {  	v30 =	vmul.f32 $5.656854150e+00, v46;
	[tilespmem:v29+s13+$0x0] =	vst.idx.msk $0xffff, v31;
	v29 =	vmov s5  }
0x1a1: {  	[tilespmem:v48+s13+$0x0] =	vst.idx.msk $0xffff, v27;
	v27 =	vshrl.u32 v29, $0x3  }
0x1a2: {  	s4 =	simm.s32 $0x7EF0;
	[tilespmem:v28+s13+$0x0] =	vst.idx.msk $0xffff, v30;
	v27 =	vshll.u32 v27, $0x3  }
0x1a3: {  	v28 =	vld [tilespmem:s4+$0xFFFFFFF0];
	v27 =	vbroadcast v27, $0x0  }
0x1a4: {  	v30 =	vld [tilespmem:s4+$0xFFFFFF10]  }
0x1a5: {  	v29 =	vld [tilespmem:s4+$0x0];
	v31 =	vadd.s32 v14, v27  }
0x1a6: {  	v42 =	vld [tilespmem:s4+$0xFFFFFF30];
	v41 =	vadd.s32 v11, v27  }
0x1a7: {  	v50 =	vld [tilespmem:s4+$0xFFFFFF20];
	v40 =	vadd.s32 v16, v27  }
0x1a8: {  	v44 =	vld [tilespmem:s4+$0xFFFFFF40];
	v45 =	vadd.s32 v13, v27;
	v28 =	vmul.f32 $5.656854150e+00, v28  }
0x1a9: {  	p0 =	por $0x1, $0x1;
	v46 =	vld [tilespmem:s4+$0xFFFFFF50];
	v43 =	vadd.s32 v12, v27;
	v37 =	vadd.s32 v15, v27;
	v47 =	vmul.f32 $5.656854150e+00, v30  }
.Ltmp8:
0x1aa: {  	v38 =	vld [tilespmem:s4+$0xFFFFFF60];
	v36 =	vadd.s32 v17, v27;
	v35 =	vadd.s32 v18, v27;
	v29 =	vmul.f32 $5.656854150e+00, v29;
	[tilespmem:v31+s14+$0x0] =	vst.idx.msk $0xffff, v28;
	(pc) =	sbr.rel @!p0 .LBB2_16-.Ltmp8, $4  }
0x1ab: {  	v39 =	vld [tilespmem:s4+$0xFFFFFF70];
	v34 =	vadd.s32 v19, v27;
	v32 =	vadd.s32 v20, v27;
	v42 =	vmul.f32 $5.656854150e+00, v42;
	[tilespmem:v41+s14+$0x0] =	vst.idx.msk $0xffff, v47  }
0x1ac: {  	v33 =	vadd.s32 v21, v27;
	v48 =	vmul.f32 $5.656854150e+00, v50;
	v30 =	vadd.s32 v23, v27;
	[tilespmem:v40+s14+$0x0] =	vst.idx.msk $0xffff, v29;
	v40 =	vld [tilespmem:s4+$0xFFFFFF80]  }
0x1ad: {  	v44 =	vmul.f32 $5.656854150e+00, v44;
	v31 =	vadd.s32 v22, v27;
	v28 =	vadd.s32 v25, v27;
	v41 =	vld [tilespmem:s4+$0xFFFFFF90];
	[tilespmem:v45+s14+$0x0] =	vst.idx.msk $0xffff, v42  }
0x1ae: {  	s25 =	simm.s32 $0xFFFFFFF8;
	s26 =	simm.s32 $0x8EF0;
	v42 =	vld [tilespmem:s4+$0xFFFFFFA0];
	v29 =	vadd.s32 v24, v27;
	[tilespmem:v43+s14+$0x0] =	vst.idx.msk $0xffff, v48;
	v27 =	vadd.s32 v26, v27;
	v43 =	vmul.f32 $5.656854150e+00, v46  }
.LBB2_15:
0x1af: {  	s5 =	sadd.s32 $0x8, s5;
	[tilespmem:v37+s14+$0x0] =	vst.idx.msk $0xffff, v44;
	v37 =	vmul.f32 $5.656854150e+00, v38;
	v38 =	vld [tilespmem:s4+$0xFFFFFFB0]  }
0x1b0: {  	v44 =	vmov s5;
	p0 =	slt.u32 s5, $0x78;
	[tilespmem:v36+s14+$0x0] =	vst.idx.msk $0xffff, v43;
	v36 =	vmul.f32 $5.656854150e+00, v39;
	v39 =	vld [tilespmem:s4+$0xFFFFFFC0]  }
0x1b1: {  	v43 =	vshrl.u32 v44, $0x3;
	[tilespmem:v35+s14+$0x0] =	vst.idx.msk $0xffff, v37;
	v35 =	vmul.f32 $5.656854150e+00, v40;
	v37 =	vld [tilespmem:s4+$0xFFFFFFD0]  }
0x1b2: {  	v40 =	vshll.u32 v43, $0x3;
	[tilespmem:v34+s14+$0x0] =	vst.idx.msk $0xffff, v36;
	v34 =	vmul.f32 $5.656854150e+00, v41;
	v36 =	vld [tilespmem:s4+$0xFFFFFFE0];
	s4 =	sadd.s32 $0x100, s4  }
0x1b3: {  	v41 =	vbroadcast v40, $0x0;
	v40 =	vld [tilespmem:s4+$0xFFFFFFF0];
	[tilespmem:v32+s14+$0x0] =	vst.idx.msk $0xffff, v35;
	v32 =	vmul.f32 $5.656854150e+00, v42  }
0x1b4: {  	v42 =	vld [tilespmem:s4+$0x0];
	[tilespmem:v33+s14+$0x0] =	vst.idx.msk $0xffff, v34;
	v33 =	vmul.f32 $5.656854150e+00, v38  }
0x1b5: {  	v38 =	vld [tilespmem:s4+$0xFFFFFF10];
	v43 =	vadd.s32 v11, v41;
	v44 =	vadd.s32 v14, v41;
	[tilespmem:v31+s14+$0x0] =	vst.idx.msk $0xffff, v32;
	v31 =	vmul.f32 $5.656854150e+00, v39  }
0x1b6: {  	v45 =	vadd.s32 v12, v41;
	v46 =	vadd.s32 v16, v41;
	v39 =	vld [tilespmem:s4+$0xFFFFFF20];
	[tilespmem:v30+s14+$0x0] =	vst.idx.msk $0xffff, v33;
	v30 =	vmul.f32 $5.656854150e+00, v37  }
0x1b7: {  	v48 =	vadd.s32 v13, v41;
	v37 =	vadd.s32 v15, v41;
	v47 =	vld [tilespmem:s4+$0xFFFFFF30];
	[tilespmem:v29+s14+$0x0] =	vst.idx.msk $0xffff, v31;
	v29 =	vmul.f32 $5.656854150e+00, v36  }
0x1b8: {  	v35 =	vadd.s32 v18, v41;
	v36 =	vadd.s32 v17, v41;
	v49 =	vld [tilespmem:s4+$0xFFFFFF40];
	v40 =	vmul.f32 $5.656854150e+00, v40;
	[tilespmem:v28+s14+$0x0] =	vst.idx.msk $0xffff, v30  }
0x1b9: {  	v34 =	vadd.s32 v19, v41;
	v32 =	vadd.s32 v20, v41;
	v50 =	vld [tilespmem:s4+$0xFFFFFF50];
	v28 =	vmul.f32 $5.656854150e+00, v42;
	[tilespmem:v27+s14+$0x0] =	vst.idx.msk $0xffff, v29  }
.Ltmp9:
0x1ba: {  	v33 =	vadd.s32 v21, v41;
	v31 =	vadd.s32 v22, v41;
	v27 =	vmul.f32 $5.656854150e+00, v38;
	v38 =	vld [tilespmem:s4+$0xFFFFFF60];
	[tilespmem:v44+s14+$0x0] =	vst.idx.msk $0xffff, v40;
	(pc) =	sbr.rel @p0 .LBB2_15-.Ltmp9, $4  }
0x1bb: {  	v30 =	vadd.s32 v23, v41;
	v29 =	vadd.s32 v24, v41;
	v42 =	vmul.f32 $5.656854150e+00, v39;
	v39 =	vld [tilespmem:s4+$0xFFFFFF70];
	[tilespmem:v46+s14+$0x0] =	vst.idx.msk $0xffff, v28  }
0x1bc: {  	v28 =	vadd.s32 v25, v41;
	[tilespmem:v43+s14+$0x0] =	vst.idx.msk $0xffff, v27;
	v43 =	vmul.f32 $5.656854150e+00, v47;
	v40 =	vld [tilespmem:s4+$0xFFFFFF80];
	v27 =	vadd.s32 v26, v41  }
0x1bd: {  	[tilespmem:v45+s14+$0x0] =	vst.idx.msk $0xffff, v42;
	v44 =	vmul.f32 $5.656854150e+00, v49;
	v41 =	vld [tilespmem:s4+$0xFFFFFF90]  }
0x1be: {  	[tilespmem:v48+s14+$0x0] =	vst.idx.msk $0xffff, v43;
	v43 =	vmul.f32 $5.656854150e+00, v50;
	v42 =	vld [tilespmem:s4+$0xFFFFFFA0]  }
.LBB2_16:
0x1bf: {  	_ =	sdelay $0x3  }
0x1c0: {  	[tilespmem:v37+s14+$0x0] =	vst.idx.msk $0xffff, v44;
	v48 =	vmul.f32 $5.656854150e+00, v38;
	v49 =	vld [tilespmem:s4+$0xFFFFFFB0]  }
0x1c1: {  	[tilespmem:v36+s14+$0x0] =	vst.idx.msk $0xffff, v43;
	v50 =	vmul.f32 $5.656854150e+00, v39;
	v43 =	vld [tilespmem:s4+$0xFFFFFFC0]  }
0x1c2: {  	v45 =	vld [tilespmem:s4+$0xFFFFFFD0];
	[tilespmem:v35+s14+$0x0] =	vst.idx.msk $0xffff, v48;
	v44 =	vmul.f32 $5.656854150e+00, v40  }
0x1c3: {  	v47 =	vld [tilespmem:s4+$0xFFFFFFE0];
	[tilespmem:v34+s14+$0x0] =	vst.idx.msk $0xffff, v50;
	v46 =	vmul.f32 $5.656854150e+00, v41  }
0x1c4: {  	[tilespmem:v32+s14+$0x0] =	vst.idx.msk $0xffff, v44;
	v48 =	vmul.f32 $5.656854150e+00, v42  }
0x1c5: {  	[tilespmem:v33+s14+$0x0] =	vst.idx.msk $0xffff, v46;
	v49 =	vmul.f32 $5.656854150e+00, v49  }
0x1c6: {  	[tilespmem:v31+s14+$0x0] =	vst.idx.msk $0xffff, v48;
	v31 =	vmul.f32 $5.656854150e+00, v43  }
0x1c7: {  	s0 =	simm.s32 $0x0;
	[tilespmem:v30+s14+$0x0] =	vst.idx.msk $0xffff, v49;
	v30 =	vmul.f32 $5.656854150e+00, v45  }
0x1c8: {  	[tilespmem:v29+s14+$0x0] =	vst.idx.msk $0xffff, v31;
	v29 =	vmul.f32 $5.656854150e+00, v47;
	v31 =	vmov s0  }
0x1c9: {  	[tilespmem:v28+s14+$0x0] =	vst.idx.msk $0xffff, v30;
	v28 =	vshrl.u32 v31, $0x3  }
0x1ca: {  	[tilespmem:v27+s14+$0x0] =	vst.idx.msk $0xffff, v29;
	v27 =	vshll.u32 v28, $0x3  }
0x1cb: {  	v27 =	vbroadcast v27, $0x0;
	v28 =	vld [tilespmem:s26+$0xFFFFFFF0]  }
0x1cc: {  	v30 =	vld [tilespmem:s26+$0xFFFFFF10]  }
0x1cd: {  	v29 =	vld [tilespmem:s26+$0x0];
	v31 =	vadd.s32 v14, v27  }
0x1ce: {  	v42 =	vld [tilespmem:s26+$0xFFFFFF30];
	v41 =	vadd.s32 v11, v27  }
0x1cf: {  	v50 =	vld [tilespmem:s26+$0xFFFFFF20];
	v40 =	vadd.s32 v16, v27  }
0x1d0: {  	v44 =	vld [tilespmem:s26+$0xFFFFFF40];
	v45 =	vadd.s32 v13, v27;
	v28 =	vmul.f32 $5.656854150e+00, v28  }
0x1d1: {  	p0 =	por $0x1, $0x1;
	v46 =	vld [tilespmem:s26+$0xFFFFFF50];
	v43 =	vadd.s32 v12, v27;
	v37 =	vadd.s32 v15, v27;
	v47 =	vmul.f32 $5.656854150e+00, v30  }
.Ltmp10:
0x1d2: {  	v38 =	vld [tilespmem:s26+$0xFFFFFF60];
	v36 =	vadd.s32 v17, v27;
	v35 =	vadd.s32 v18, v27;
	v29 =	vmul.f32 $5.656854150e+00, v29;
	[tilespmem:v31+s15+$0x0] =	vst.idx.msk $0xffff, v28;
	(pc) =	sbr.rel @!p0 .LBB2_18-.Ltmp10, $4  }
0x1d3: {  	v39 =	vld [tilespmem:s26+$0xFFFFFF70];
	v34 =	vadd.s32 v19, v27;
	v32 =	vadd.s32 v20, v27;
	v42 =	vmul.f32 $5.656854150e+00, v42;
	[tilespmem:v41+s15+$0x0] =	vst.idx.msk $0xffff, v47  }
0x1d4: {  	v33 =	vadd.s32 v21, v27;
	v48 =	vmul.f32 $5.656854150e+00, v50;
	v30 =	vadd.s32 v23, v27;
	[tilespmem:v40+s15+$0x0] =	vst.idx.msk $0xffff, v29;
	v40 =	vld [tilespmem:s26+$0xFFFFFF80]  }
0x1d5: {  	v44 =	vmul.f32 $5.656854150e+00, v44;
	v31 =	vadd.s32 v22, v27;
	v28 =	vadd.s32 v25, v27;
	v41 =	vld [tilespmem:s26+$0xFFFFFF90];
	[tilespmem:v45+s15+$0x0] =	vst.idx.msk $0xffff, v42  }
0x1d6: {  	s4 =	simm.s32 $0x9EF0;
	v42 =	vld [tilespmem:s26+$0xFFFFFFA0];
	v29 =	vadd.s32 v24, v27;
	[tilespmem:v43+s15+$0x0] =	vst.idx.msk $0xffff, v48;
	v27 =	vadd.s32 v26, v27;
	v43 =	vmul.f32 $5.656854150e+00, v46  }
.LBB2_17:
0x1d7: {  	s0 =	sadd.s32 $0x8, s0;
	[tilespmem:v37+s15+$0x0] =	vst.idx.msk $0xffff, v44;
	v37 =	vmul.f32 $5.656854150e+00, v38;
	v38 =	vld [tilespmem:s26+$0xFFFFFFB0]  }
0x1d8: {  	v44 =	vmov s0;
	p0 =	slt.u32 s0, $0x78;
	[tilespmem:v36+s15+$0x0] =	vst.idx.msk $0xffff, v43;
	v36 =	vmul.f32 $5.656854150e+00, v39;
	v39 =	vld [tilespmem:s26+$0xFFFFFFC0]  }
0x1d9: {  	v43 =	vshrl.u32 v44, $0x3;
	[tilespmem:v35+s15+$0x0] =	vst.idx.msk $0xffff, v37;
	v35 =	vmul.f32 $5.656854150e+00, v40;
	v37 =	vld [tilespmem:s26+$0xFFFFFFD0]  }
0x1da: {  	v40 =	vshll.u32 v43, $0x3;
	[tilespmem:v34+s15+$0x0] =	vst.idx.msk $0xffff, v36;
	v34 =	vmul.f32 $5.656854150e+00, v41;
	v36 =	vld [tilespmem:s26+$0xFFFFFFE0];
	s26 =	sadd.s32 $0x100, s26  }
0x1db: {  	v41 =	vbroadcast v40, $0x0;
	v40 =	vld [tilespmem:s26+$0xFFFFFFF0];
	[tilespmem:v32+s15+$0x0] =	vst.idx.msk $0xffff, v35;
	v32 =	vmul.f32 $5.656854150e+00, v42  }
0x1dc: {  	v42 =	vld [tilespmem:s26+$0x0];
	[tilespmem:v33+s15+$0x0] =	vst.idx.msk $0xffff, v34;
	v33 =	vmul.f32 $5.656854150e+00, v38  }
0x1dd: {  	v38 =	vld [tilespmem:s26+$0xFFFFFF10];
	v43 =	vadd.s32 v11, v41;
	v44 =	vadd.s32 v14, v41;
	[tilespmem:v31+s15+$0x0] =	vst.idx.msk $0xffff, v32;
	v31 =	vmul.f32 $5.656854150e+00, v39  }
0x1de: {  	v45 =	vadd.s32 v12, v41;
	v46 =	vadd.s32 v16, v41;
	v39 =	vld [tilespmem:s26+$0xFFFFFF20];
	[tilespmem:v30+s15+$0x0] =	vst.idx.msk $0xffff, v33;
	v30 =	vmul.f32 $5.656854150e+00, v37  }
0x1df: {  	v48 =	vadd.s32 v13, v41;
	v37 =	vadd.s32 v15, v41;
	v47 =	vld [tilespmem:s26+$0xFFFFFF30];
	[tilespmem:v29+s15+$0x0] =	vst.idx.msk $0xffff, v31;
	v29 =	vmul.f32 $5.656854150e+00, v36  }
0x1e0: {  	v35 =	vadd.s32 v18, v41;
	v36 =	vadd.s32 v17, v41;
	v49 =	vld [tilespmem:s26+$0xFFFFFF40];
	v40 =	vmul.f32 $5.656854150e+00, v40;
	[tilespmem:v28+s15+$0x0] =	vst.idx.msk $0xffff, v30  }
0x1e1: {  	v34 =	vadd.s32 v19, v41;
	v32 =	vadd.s32 v20, v41;
	v50 =	vld [tilespmem:s26+$0xFFFFFF50];
	v28 =	vmul.f32 $5.656854150e+00, v42;
	[tilespmem:v27+s15+$0x0] =	vst.idx.msk $0xffff, v29  }
.Ltmp11:
0x1e2: {  	v33 =	vadd.s32 v21, v41;
	v31 =	vadd.s32 v22, v41;
	v27 =	vmul.f32 $5.656854150e+00, v38;
	v38 =	vld [tilespmem:s26+$0xFFFFFF60];
	[tilespmem:v44+s15+$0x0] =	vst.idx.msk $0xffff, v40;
	(pc) =	sbr.rel @p0 .LBB2_17-.Ltmp11, $4  }
0x1e3: {  	v30 =	vadd.s32 v23, v41;
	v29 =	vadd.s32 v24, v41;
	v42 =	vmul.f32 $5.656854150e+00, v39;
	v39 =	vld [tilespmem:s26+$0xFFFFFF70];
	[tilespmem:v46+s15+$0x0] =	vst.idx.msk $0xffff, v28  }
0x1e4: {  	v28 =	vadd.s32 v25, v41;
	[tilespmem:v43+s15+$0x0] =	vst.idx.msk $0xffff, v27;
	v43 =	vmul.f32 $5.656854150e+00, v47;
	v40 =	vld [tilespmem:s26+$0xFFFFFF80];
	v27 =	vadd.s32 v26, v41  }
0x1e5: {  	[tilespmem:v45+s15+$0x0] =	vst.idx.msk $0xffff, v42;
	v44 =	vmul.f32 $5.656854150e+00, v49;
	v41 =	vld [tilespmem:s26+$0xFFFFFF90]  }
0x1e6: {  	[tilespmem:v48+s15+$0x0] =	vst.idx.msk $0xffff, v43;
	v43 =	vmul.f32 $5.656854150e+00, v50;
	v42 =	vld [tilespmem:s26+$0xFFFFFFA0]  }
.LBB2_18:
0x1e7: {  	_ =	sdelay $0x3  }
0x1e8: {  	[tilespmem:v37+s15+$0x0] =	vst.idx.msk $0xffff, v44;
	v47 =	vmul.f32 $5.656854150e+00, v38;
	v48 =	vld [tilespmem:s26+$0xFFFFFFB0]  }
0x1e9: {  	v50 =	vld [tilespmem:s26+$0xFFFFFFC0];
	[tilespmem:v36+s15+$0x0] =	vst.idx.msk $0xffff, v43;
	v49 =	vmul.f32 $5.656854150e+00, v39  }
0x1ea: {  	v44 =	vld [tilespmem:s26+$0xFFFFFFD0];
	[tilespmem:v35+s15+$0x0] =	vst.idx.msk $0xffff, v47;
	v43 =	vmul.f32 $5.656854150e+00, v40  }
0x1eb: {  	v46 =	vld [tilespmem:s26+$0xFFFFFFE0];
	[tilespmem:v34+s15+$0x0] =	vst.idx.msk $0xffff, v49;
	v45 =	vmul.f32 $5.656854150e+00, v41  }
0x1ec: {  	[tilespmem:v32+s15+$0x0] =	vst.idx.msk $0xffff, v43;
	v47 =	vmul.f32 $5.656854150e+00, v42  }
0x1ed: {  	[tilespmem:v33+s15+$0x0] =	vst.idx.msk $0xffff, v45;
	v48 =	vmul.f32 $5.656854150e+00, v48  }
0x1ee: {  	[tilespmem:v31+s15+$0x0] =	vst.idx.msk $0xffff, v47;
	v31 =	vmul.f32 $5.656854150e+00, v50  }
0x1ef: {  	s0 =	sadd.s32 $0x8, s25;
	[tilespmem:v30+s15+$0x0] =	vst.idx.msk $0xffff, v48;
	v30 =	vmul.f32 $5.656854150e+00, v44  }
0x1f0: {  	[tilespmem:v29+s15+$0x0] =	vst.idx.msk $0xffff, v31;
	v29 =	vmul.f32 $5.656854150e+00, v46;
	v31 =	vmov s0  }
0x1f1: {  	[tilespmem:v28+s15+$0x0] =	vst.idx.msk $0xffff, v30;
	v28 =	vshrl.u32 v31, $0x3  }
0x1f2: {  	[tilespmem:v27+s15+$0x0] =	vst.idx.msk $0xffff, v29;
	v27 =	vshll.u32 v28, $0x3  }
0x1f3: {  	v27 =	vbroadcast v27, $0x0;
	v28 =	vld [tilespmem:s4+$0xFFFFFFF0]  }
0x1f4: {  	v30 =	vld [tilespmem:s4+$0xFFFFFF10]  }
0x1f5: {  	v29 =	vld [tilespmem:s4+$0x0];
	v31 =	vadd.s32 v14, v27  }
0x1f6: {  	v42 =	vld [tilespmem:s4+$0xFFFFFF30];
	v41 =	vadd.s32 v11, v27  }
0x1f7: {  	v49 =	vld [tilespmem:s4+$0xFFFFFF20];
	v40 =	vadd.s32 v16, v27  }
0x1f8: {  	v44 =	vld [tilespmem:s4+$0xFFFFFF40];
	v45 =	vadd.s32 v13, v27;
	v28 =	vmul.f32 $5.656854150e+00, v28  }
0x1f9: {  	p0 =	slt.u32 s0, $0x78;
	v46 =	vld [tilespmem:s4+$0xFFFFFF50];
	v43 =	vadd.s32 v12, v27;
	v37 =	vadd.s32 v15, v27;
	v47 =	vmul.f32 $5.656854150e+00, v30  }
.Ltmp12:
0x1fa: {  	v38 =	vld [tilespmem:s4+$0xFFFFFF60];
	v36 =	vadd.s32 v17, v27;
	v35 =	vadd.s32 v18, v27;
	v29 =	vmul.f32 $5.656854150e+00, v29;
	[tilespmem:v31+s16+$0x0] =	vst.idx.msk $0xffff, v28;
	(pc) =	sbr.rel @!p0 .LBB2_20-.Ltmp12, $4  }
0x1fb: {  	v39 =	vld [tilespmem:s4+$0xFFFFFF70];
	v34 =	vadd.s32 v19, v27;
	v32 =	vadd.s32 v20, v27;
	v50 =	vmul.f32 $5.656854150e+00, v42;
	[tilespmem:v41+s16+$0x0] =	vst.idx.msk $0xffff, v47  }
0x1fc: {  	v33 =	vadd.s32 v21, v27;
	v48 =	vmul.f32 $5.656854150e+00, v49;
	v30 =	vadd.s32 v23, v27;
	[tilespmem:v40+s16+$0x0] =	vst.idx.msk $0xffff, v29;
	v40 =	vld [tilespmem:s4+$0xFFFFFF80]  }
0x1fd: {  	v42 =	vld [tilespmem:s4+$0xFFFFFF90];
	v44 =	vmul.f32 $5.656854150e+00, v44;
	v31 =	vadd.s32 v22, v27;
	v28 =	vadd.s32 v25, v27;
	[tilespmem:v45+s16+$0x0] =	vst.idx.msk $0xffff, v50  }
0x1fe: {  	v41 =	vld [tilespmem:s4+$0xFFFFFFA0];
	v29 =	vadd.s32 v24, v27;
	[tilespmem:v43+s16+$0x0] =	vst.idx.msk $0xffff, v48;
	v27 =	vadd.s32 v26, v27;
	v43 =	vmul.f32 $5.656854150e+00, v46  }
.LBB2_19:
0x1ff: {  	s0 =	sadd.s32 $0x8, s0;
	[tilespmem:v37+s16+$0x0] =	vst.idx.msk $0xffff, v44;
	v37 =	vmul.f32 $5.656854150e+00, v38;
	v38 =	vld [tilespmem:s4+$0xFFFFFFB0]  }
0x200: {  	v44 =	vmov s0;
	p0 =	slt.u32 s0, $0x78;
	[tilespmem:v36+s16+$0x0] =	vst.idx.msk $0xffff, v43;
	v36 =	vmul.f32 $5.656854150e+00, v39;
	v39 =	vld [tilespmem:s4+$0xFFFFFFC0]  }
0x201: {  	v43 =	vshrl.u32 v44, $0x3;
	[tilespmem:v35+s16+$0x0] =	vst.idx.msk $0xffff, v37;
	v35 =	vmul.f32 $5.656854150e+00, v40;
	v37 =	vld [tilespmem:s4+$0xFFFFFFD0]  }
0x202: {  	v40 =	vshll.u32 v43, $0x3;
	[tilespmem:v34+s16+$0x0] =	vst.idx.msk $0xffff, v36;
	v34 =	vmul.f32 $5.656854150e+00, v42;
	v36 =	vld [tilespmem:s4+$0xFFFFFFE0];
	s4 =	sadd.s32 $0x100, s4  }
0x203: {  	v42 =	vbroadcast v40, $0x0;
	v40 =	vld [tilespmem:s4+$0xFFFFFFF0];
	[tilespmem:v32+s16+$0x0] =	vst.idx.msk $0xffff, v35;
	v32 =	vmul.f32 $5.656854150e+00, v41  }
0x204: {  	v41 =	vld [tilespmem:s4+$0x0];
	[tilespmem:v33+s16+$0x0] =	vst.idx.msk $0xffff, v34;
	v33 =	vmul.f32 $5.656854150e+00, v38  }
0x205: {  	v38 =	vld [tilespmem:s4+$0xFFFFFF10];
	v43 =	vadd.s32 v11, v42;
	v44 =	vadd.s32 v14, v42;
	[tilespmem:v31+s16+$0x0] =	vst.idx.msk $0xffff, v32;
	v31 =	vmul.f32 $5.656854150e+00, v39  }
0x206: {  	v45 =	vadd.s32 v12, v42;
	v46 =	vadd.s32 v16, v42;
	v39 =	vld [tilespmem:s4+$0xFFFFFF20];
	[tilespmem:v30+s16+$0x0] =	vst.idx.msk $0xffff, v33;
	v30 =	vmul.f32 $5.656854150e+00, v37  }
0x207: {  	v48 =	vadd.s32 v13, v42;
	v37 =	vadd.s32 v15, v42;
	v47 =	vld [tilespmem:s4+$0xFFFFFF30];
	[tilespmem:v29+s16+$0x0] =	vst.idx.msk $0xffff, v31;
	v29 =	vmul.f32 $5.656854150e+00, v36  }
0x208: {  	v35 =	vadd.s32 v18, v42;
	v36 =	vadd.s32 v17, v42;
	v49 =	vld [tilespmem:s4+$0xFFFFFF40];
	v40 =	vmul.f32 $5.656854150e+00, v40;
	[tilespmem:v28+s16+$0x0] =	vst.idx.msk $0xffff, v30  }
0x209: {  	v34 =	vadd.s32 v19, v42;
	v32 =	vadd.s32 v20, v42;
	v50 =	vld [tilespmem:s4+$0xFFFFFF50];
	v28 =	vmul.f32 $5.656854150e+00, v41;
	[tilespmem:v27+s16+$0x0] =	vst.idx.msk $0xffff, v29  }
.Ltmp13:
0x20a: {  	v33 =	vadd.s32 v21, v42;
	v31 =	vadd.s32 v22, v42;
	v27 =	vmul.f32 $5.656854150e+00, v38;
	v38 =	vld [tilespmem:s4+$0xFFFFFF60];
	[tilespmem:v44+s16+$0x0] =	vst.idx.msk $0xffff, v40;
	(pc) =	sbr.rel @p0 .LBB2_19-.Ltmp13, $4  }
0x20b: {  	v30 =	vadd.s32 v23, v42;
	v29 =	vadd.s32 v24, v42;
	v41 =	vmul.f32 $5.656854150e+00, v39;
	v39 =	vld [tilespmem:s4+$0xFFFFFF70];
	[tilespmem:v46+s16+$0x0] =	vst.idx.msk $0xffff, v28  }
0x20c: {  	v28 =	vadd.s32 v25, v42;
	[tilespmem:v43+s16+$0x0] =	vst.idx.msk $0xffff, v27;
	v43 =	vmul.f32 $5.656854150e+00, v47;
	v40 =	vld [tilespmem:s4+$0xFFFFFF80];
	v27 =	vadd.s32 v26, v42  }
0x20d: {  	[tilespmem:v45+s16+$0x0] =	vst.idx.msk $0xffff, v41;
	v44 =	vmul.f32 $5.656854150e+00, v49;
	v42 =	vld [tilespmem:s4+$0xFFFFFF90]  }
0x20e: {  	[tilespmem:v48+s16+$0x0] =	vst.idx.msk $0xffff, v43;
	v43 =	vmul.f32 $5.656854150e+00, v50;
	v41 =	vld [tilespmem:s4+$0xFFFFFFA0]  }
.LBB2_20:
0x20f: {  	_ =	sdelay $0x3  }
0x210: {  	[tilespmem:v37+s16+$0x0] =	vst.idx.msk $0xffff, v44;
	v47 =	vmul.f32 $5.656854150e+00, v38;
	v48 =	vld [tilespmem:s4+$0xFFFFFFB0]  }
0x211: {  	v50 =	vld [tilespmem:s4+$0xFFFFFFC0];
	[tilespmem:v36+s16+$0x0] =	vst.idx.msk $0xffff, v43;
	v49 =	vmul.f32 $5.656854150e+00, v39  }
0x212: {  	v43 =	vld [tilespmem:s4+$0xFFFFFFD0];
	[tilespmem:v35+s16+$0x0] =	vst.idx.msk $0xffff, v47;
	v40 =	vmul.f32 $5.656854150e+00, v40  }
0x213: {  	v45 =	vld [tilespmem:s4+$0xFFFFFFE0];
	s0 =	smulhi.u32 $0x51EB851F, s24;
	[tilespmem:v34+s16+$0x0] =	vst.idx.msk $0xffff, v49;
	v44 =	vmul.f32 $5.656854150e+00, v42  }
0x214: {  	[tilespmem:v32+s16+$0x0] =	vst.idx.msk $0xffff, v40;
	v46 =	vmul.f32 $5.656854150e+00, v41  }
0x215: {  	s0 =	sshrl.u32 s0, $0x4;
	[tilespmem:v33+s16+$0x0] =	vst.idx.msk $0xffff, v44;
	v47 =	vmul.f32 $5.656854150e+00, v48  }
0x216: {  	s1 =	smul.u32 $0x32, s0;
	v48 =	vmul.f32 $5.656854150e+00, v50;
	[tilespmem:v31+s16+$0x0] =	vst.idx.msk $0xffff, v46  }
0x217: {  	v49 =	vmul.f32 $5.656854150e+00, v43;
	[tilespmem:v30+s16+$0x0] =	vst.idx.msk $0xffff, v47  }
0x218: {  	s0 =	sshll.u32 s0, $0x7;
	v50 =	vmul.f32 $5.656854150e+00, v45;
	s1 =	ssub.s32 s24, s1;
	[tilespmem:v29+s16+$0x0] =	vst.idx.msk $0xffff, v48  }
0x219: {  	s0 =	sadd.s32 s0, s7;
	s1 =	sshll.u32 s1, $0x12;
	[tilespmem:v28+s16+$0x0] =	vst.idx.msk $0xffff, v49  }
0x21a: {  	s4 =	simm.s32 $0x12E00;
	s1 =	sadd.s32 s1, s0;
	[tilespmem:v27+s16+$0x0] =	vst.idx.msk $0xffff, v50  }
0x21b: {  	[hbm4b:s1+s2] =	stream.linear.scatter [tilespmem:s4], [sflag:$0x4], $0x80, $0x38;
	[tilespmem:$0x1FA00] =	vst v63  }
0x21c: {  	s5 =	simm.s32 $0x12E88;
	s9 =	sadd.s32 $0x10, s1  }
0x21d: {  	[hbm4b:s9+s2] =	stream.linear.scatter [tilespmem:s5], [sflag:$0x4], $0x80, $0x38;
	[tilespmem:$0x1FA00] =	vst v63  }
0x21e: {  	s25 =	simm.s32 $0x12F10;
	s26 =	sadd.s32 $0x20, s1  }
0x21f: {  	[hbm4b:s26+s2] =	stream.linear.scatter [tilespmem:s25], [sflag:$0x4], $0x80, $0x38;
	[tilespmem:$0x1FA00] =	vst v63  }
0x220: {  	s5 =	simm.s32 $0x12F98;
	s9 =	sadd.s32 $0x30, s1  }
0x221: {  	[hbm4b:s9+s2] =	stream.linear.scatter [tilespmem:s5], [sflag:$0x4], $0x80, $0x38;
	[tilespmem:$0x1FA00] =	vst v63  }
0x222: {  	s25 =	simm.s32 $0x13020;
	s26 =	sadd.s32 $0x40, s1  }
0x223: {  	[hbm4b:s26+s2] =	stream.linear.scatter [tilespmem:s25], [sflag:$0x4], $0x80, $0x38;
	[tilespmem:$0x1FA00] =	vst v63  }
0x224: {  	s0 =	simm.s32 $0x440;
	s5 =	simm.s32 $0x130A8;
	s9 =	sadd.s32 $0x50, s1  }
0x225: {  	[hbm4b:s9+s2] =	stream.linear.scatter [tilespmem:s5], [sflag:$0x4], $0x80, $0x38;
	[tilespmem:$0x1FA00] =	vst v63  }
0x226: {  	s4 =	sadd.s32 $0x4000, s1;
	s25 =	simm.s32 $0x13130;
	s26 =	sadd.s32 $0x60, s1  }
0x227: {  	[hbm4b:s26+s2] =	stream.linear.scatter [tilespmem:s25], [sflag:$0x4], $0x80, $0x38;
	[tilespmem:$0x1FA00] =	vst v63  }
0x228: {  	s5 =	simm.s32 $0x2200;
	s25 =	simm.s32 $0x131B8;
	s26 =	sadd.s32 $0x70, s1  }
.LBB2_21:
0x229: {  	[hbm4b:s26+s2] =	stream.linear.scatter [tilespmem:s25], [sflag:$0x4], $0x80, $0x38;
	[tilespmem:$0x1FA00] =	vst v63  }
0x22a: {  	s1 =	smov.u32 s0;
	s0 =	smov.u32 s5  }
0x22b: {  	s9 =	sadd.s32 $0x1100, s5;
	s0 =	sshra.s32 s0, $0x2;
	s25 =	sadd.s32 $0x12E00, s1  }
0x22c: {  	[hbm4b:s4+s2] =	stream.linear.scatter [tilespmem:s25], [sflag:$0x4], $0x80, $0x38;
	[tilespmem:$0x1FA00] =	vst v63  }
0x22d: {  	p0 =	sne.s32 s5, $0xFF00;
	s5 =	sadd.s32 $0x12E88, s1;
	s25 =	sadd.s32 $0x10, s4  }
0x22e: {  	[hbm4b:s25+s2] =	stream.linear.scatter [tilespmem:s5], [sflag:$0x4], $0x80, $0x38;
	[tilespmem:$0x1FA00] =	vst v63  }
0x22f: {  	s5 =	sadd.s32 $0x12F10, s1;
	s25 =	sadd.s32 $0x20, s4  }
0x230: {  	[hbm4b:s25+s2] =	stream.linear.scatter [tilespmem:s5], [sflag:$0x4], $0x80, $0x38;
	[tilespmem:$0x1FA00] =	vst v63  }
0x231: {  	s5 =	sadd.s32 $0x12F98, s1;
	s25 =	sadd.s32 $0x30, s4  }
0x232: {  	[hbm4b:s25+s2] =	stream.linear.scatter [tilespmem:s5], [sflag:$0x4], $0x80, $0x38;
	[tilespmem:$0x1FA00] =	vst v63  }
0x233: {  	s5 =	sadd.s32 $0x13020, s1;
	s25 =	sadd.s32 $0x40, s4  }
0x234: {  	[hbm4b:s25+s2] =	stream.linear.scatter [tilespmem:s5], [sflag:$0x4], $0x80, $0x38;
	[tilespmem:$0x1FA00] =	vst v63  }
.Ltmp14:
0x235: {  	s5 =	sadd.s32 $0x130A8, s1;
	s25 =	sadd.s32 $0x50, s4;
	(pc) =	sbr.rel @p0 .LBB2_21-.Ltmp14, $4  }
0x236: {  	[hbm4b:s25+s2] =	stream.linear.scatter [tilespmem:s5], [sflag:$0x4], $0x80, $0x38;
	[tilespmem:$0x1FA00] =	vst v63  }
0x237: {  	s26 =	sadd.s32 $0x70, s4;
	s5 =	sadd.s32 $0x13130, s1;
	s25 =	sadd.s32 $0x60, s4  }
0x238: {  	[hbm4b:s25+s2] =	stream.linear.scatter [tilespmem:s5], [sflag:$0x4], $0x80, $0x38;
	[tilespmem:$0x1FA00] =	vst v63  }
0x239: {  	s4 =	sadd.s32 $0x4000, s4;
	s25 =	sadd.s32 $0x131B8, s1;
	s5 =	smov.u32 s9  }
0x23a: {  	[hbm4b:s26+s2] =	stream.linear.scatter [tilespmem:s25], [sflag:$0x4], $0x80, $0x38;
	[tilespmem:$0x1FA00] =	vst v63  }
0x23b: {  	s1 =	sadd.s32 $0x12E00, s0  }
0x23c: {  	[hbm4b:s4+s2] =	stream.linear.scatter [tilespmem:s1], [sflag:$0x4], $0x80, $0x38;
	[tilespmem:$0x1FA00] =	vst v63  }
0x23d: {  	s26 =	sadd.s32 $0x12E88, s0;
	s5 =	sadd.s32 $0x10, s4  }
0x23e: {  	[hbm4b:s5+s2] =	stream.linear.scatter [tilespmem:s26], [sflag:$0x4], $0x80, $0x38;
	[tilespmem:$0x1FA00] =	vst v63  }
0x23f: {  	s9 =	sadd.s32 $0x20, s4;
	s5 =	sadd.s32 $0x12F10, s0  }
0x240: {  	[hbm4b:s9+s2] =	stream.linear.scatter [tilespmem:s5], [sflag:$0x4], $0x80, $0x38;
	[tilespmem:$0x1FA00] =	vst v63  }
0x241: {  	s25 =	sadd.s32 $0x12F98, s0;
	s26 =	sadd.s32 $0x30, s4  }
0x242: {  	[hbm4b:s26+s2] =	stream.linear.scatter [tilespmem:s25], [sflag:$0x4], $0x80, $0x38;
	[tilespmem:$0x1FA00] =	vst v63  }
0x243: {  	s5 =	sadd.s32 $0x13020, s0;
	s9 =	sadd.s32 $0x40, s4  }
0x244: {  	[hbm4b:s9+s2] =	stream.linear.scatter [tilespmem:s5], [sflag:$0x4], $0x80, $0x38;
	[tilespmem:$0x1FA00] =	vst v63  }
0x245: {  	s25 =	sadd.s32 $0x130A8, s0;
	s26 =	sadd.s32 $0x50, s4  }
0x246: {  	[hbm4b:s26+s2] =	stream.linear.scatter [tilespmem:s25], [sflag:$0x4], $0x80, $0x38;
	[tilespmem:$0x1FA00] =	vst v63  }
0x247: {  	p0 =	seq.s32 s22, $0x42;
	s5 =	sadd.s32 $0x13130, s0;
	s9 =	sadd.s32 $0x60, s4  }
0x248: {  	[hbm4b:s9+s2] =	stream.linear.scatter [tilespmem:s5], [sflag:$0x4], $0x80, $0x38;
	[tilespmem:$0x1FA00] =	vst v63  }
.Ltmp15:
0x249: {  	s25 =	sadd.s32 $0x131B8, s0;
	s26 =	sadd.s32 $0x70, s4;
	(pc) =	sbr.rel @p0 .LBB2_28-.Ltmp15, $4  }
0x24a: {  	[hbm4b:s26+s2] =	stream.linear.scatter [tilespmem:s25], [sflag:$0x4], $0x80, $0x38;
	[tilespmem:$0x1FA00] =	vst v63  }
0x24b: {  	_ =	swait.ge [sflag:s17], $0x4000  }
0x24c: {  	[sflag:s17] =	ssyncset.done $0x0  }
0x24d: {  	[sflag:s17] =	ssyncadd.s32 $0xFFFFC000  }
0x24e: {  	s0 =	sadd.s32 $0x3, s24  }
0x24f: {  	s4 =	smulhi.u32 $0x51EB851F, s0;
	_ =	sdelay $0x1  }
0x250: {  	s1 =	sshrl.u32 s4, $0x4  }
0x251: {  	s1 =	smul.u32 $0x32, s1;
	_ =	sdelay $0x1  }
0x252: {  	s0 =	ssub.s32 s0, s1  }
0x253: {  	p1 =	sne.s32 s0, $0x0  }
.Ltmp16:
0x254: {  	_ = 	snop;
	(pc) =	sbr.rel @p1 .LBB2_27-.Ltmp16, $4  }
0x255: {  	s5 =	simm.s32 $0x4  }
0x256: {  	_ =	swait.ge [sflag:s5], $0x4000  }
0x257: {  	[sflag:s5] =	ssyncset.done $0x0  }
0x258: {  	[sflag:s5] =	ssyncadd.s32 $0xFFFFC000  }
0x259: {  	s1 =	sshll.u32 s4, $0x3  }
0x25a: {  	s25 =	rddreg [dreg:$0x4];
	s1 =	sand.u32 $0xFFFFFF80, s1  }
0x25b: {  	s1 =	sadd.s32 s25, s1  }
0x25c: {  	s1 =	smul.u32 $0x19, s1  }
0x25d: {  	s26 =	rddreg [dreg:$0x3]  }
0x25e: {  	s5 =	simm.s32 $0x0;
	s4 =	sadd.s32 s26, s1  }
0x25f: {  	s25 =	simm.s32 $0x19;
	s26 =	simm.s32 $0xD0;
	s1 =	sadd.s32 $0x0, s4  }
.LBB2_25:
0x260: {  	[tilespmem:s5], [sflag:$0x7] =	stream.linear.gather [hbm4b:s1+s2], $0xC8, $0x38;
	[tilespmem:$0x1FA00] =	vst v63  }
0x261: {  	s1 =	smov.u32 s25;
	s5 =	smov.u32 s26;
	p1 =	sne.s32 s25, $0xC67  }
.Ltmp17:
0x262: {  	s25 =	sadd.s32 $0x19, s25;
	(pc) =	sbr.rel @p1 .LBB2_25-.Ltmp17, $2  }
0x263: {  	_ =	sdelay $0x2  }
0x264: {  	s26 =	sadd.s32 $0xD0, s26;
	s1 =	sadd.s32 s1, s4  }
0x265: {  	[tilespmem:s5], [sflag:$0x7] =	stream.linear.gather [hbm4b:s1+s2], $0xC8, $0x38;
	[tilespmem:$0x1FA00] =	vst v63  }
0x266: {  	s26 =	simm.s32 $0x7  }
0x267: {  	_ =	swait.ge [sflag:s26], $0x6400  }
0x268: {  	[sflag:s26] =	ssyncset.done $0x0  }
0x269: {  	[sflag:s26] =	ssyncadd.s32 $0xFFFF9C00  }
.LBB2_27:
0x26a: {  	s0 =	sshll.u32 s0, $0x2  }
0x26b: {  	v27 =	vmov s0  }
0x26c: {  	v27 =	vand.u32 $0xFC, v27  }
0x26d: {  	v28 =	vadd.s32 v1, v27  }
0x26e: {  	v29 =	vadd.s32 v2, v27  }
0x26f: {  	v30 =	vadd.s32 v3, v27  }
0x270: {  	v31 =	vadd.s32 v4, v27  }
0x271: {  	v32 =	vadd.s32 v5, v27  }
0x272: {  	v33 =	vadd.s32 v6, v27;
	v28 =	vld.idx.msk [tilespmem:v28+s2+$0x0], $0xffff  }
0x273: {  	v34 =	vadd.s32 v7, v27;
	v29 =	vld.idx.msk [tilespmem:v29+s2+$0x0], $0xffff  }
0x274: {  	v27 =	vadd.s32 v8, v27;
	v30 =	vld.idx.msk [tilespmem:v30+s2+$0x0], $0xffff  }
0x275: {  	v31 =	vld.idx.msk [tilespmem:v31+s2+$0x0], $0xffff  }
0x276: {  	v32 =	vld.idx.msk [tilespmem:v32+s2+$0x0], $0xffff  }
0x277: {  	s1 =	sor.u32 $0x1, s0;
	v36 =	vld.idx.msk [tilespmem:v33+s2+$0x0], $0xffff;
	[tilespmem:$0x6800] =	vst v28  }
0x278: {  	v38 =	vmov s1;
	v37 =	vld.idx.msk [tilespmem:v34+s2+$0x0], $0xffff;
	[tilespmem:$0x6810] =	vst v29  }
0x279: {  	v39 =	vand.u32 $0xFD, v38;
	v27 =	vld.idx.msk [tilespmem:v27+s2+$0x0], $0xffff;
	[tilespmem:$0x6820] =	vst v30  }
0x27a: {  	v40 =	vadd.s32 v1, v39;
	[tilespmem:$0x6830] =	vst v31  }
0x27b: {  	v41 =	vadd.s32 v2, v39;
	[tilespmem:$0x6840] =	vst v32  }
0x27c: {  	v42 =	vadd.s32 v3, v39;
	[tilespmem:$0x6850] =	vst v36  }
0x27d: {  	v43 =	vadd.s32 v4, v39;
	[tilespmem:$0x6860] =	vst v37  }
0x27e: {  	v33 =	vadd.s32 v6, v39;
	[tilespmem:$0x6870] =	vst v27  }
0x27f: {  	v27 =	vadd.s32 v5, v39;
	v31 =	vld.idx.msk [tilespmem:v40+s2+$0x0], $0xffff  }
0x280: {  	v44 =	vadd.s32 v7, v39;
	v32 =	vld.idx.msk [tilespmem:v41+s2+$0x0], $0xffff  }
0x281: {  	v30 =	vadd.s32 v8, v39;
	v28 =	vld.idx.msk [tilespmem:v42+s2+$0x0], $0xffff  }
0x282: {  	v29 =	vld.idx.msk [tilespmem:v43+s2+$0x0], $0xffff  }
0x283: {  	v45 =	vld.idx.msk [tilespmem:v33+s2+$0x0], $0xffff  }
0x284: {  	s9 =	sor.u32 $0x2, s0;
	v27 =	vld.idx.msk [tilespmem:v27+s2+$0x0], $0xffff;
	[tilespmem:$0x6880] =	vst v31  }
0x285: {  	v47 =	vmov s9;
	v46 =	vld.idx.msk [tilespmem:v44+s2+$0x0], $0xffff;
	[tilespmem:$0x6890] =	vst v32  }
0x286: {  	v49 =	vand.u32 $0xFE, v47;
	v48 =	vld.idx.msk [tilespmem:v30+s2+$0x0], $0xffff;
	[tilespmem:$0x68A0] =	vst v28  }
0x287: {  	v50 =	vadd.s32 v1, v49;
	[tilespmem:$0x68B0] =	vst v29  }
0x288: {  	v36 =	vadd.s32 v3, v49;
	[tilespmem:$0x68D0] =	vst v45  }
0x289: {  	[tilespmem:$0x68C0] =	vst v27;
	v27 =	vadd.s32 v2, v49  }
0x28a: {  	v37 =	vadd.s32 v4, v49;
	[tilespmem:$0x68E0] =	vst v46  }
0x28b: {  	v38 =	vadd.s32 v5, v49;
	[tilespmem:$0x68F0] =	vst v48  }
0x28c: {  	v33 =	vadd.s32 v6, v49;
	v29 =	vld.idx.msk [tilespmem:v50+s2+$0x0], $0xffff  }
0x28d: {  	v30 =	vadd.s32 v8, v49;
	v31 =	vld.idx.msk [tilespmem:v36+s2+$0x0], $0xffff  }
0x28e: {  	v39 =	vadd.s32 v7, v49;
	v27 =	vld.idx.msk [tilespmem:v27+s2+$0x0], $0xffff  }
0x28f: {  	v32 =	vld.idx.msk [tilespmem:v37+s2+$0x0], $0xffff  }
0x290: {  	v28 =	vld.idx.msk [tilespmem:v38+s2+$0x0], $0xffff  }
0x291: {  	s0 =	sor.u32 $0x3, s0;
	v40 =	vld.idx.msk [tilespmem:v33+s2+$0x0], $0xffff;
	[tilespmem:$0x6900] =	vst v29  }
0x292: {  	v41 =	vmov s0;
	v30 =	vld.idx.msk [tilespmem:v30+s2+$0x0], $0xffff;
	[tilespmem:$0x6920] =	vst v31  }
0x293: {  	v42 =	vand.u32 $0xFF, v41;
	[tilespmem:$0x6910] =	vst v27;
	v27 =	vld.idx.msk [tilespmem:v39+s2+$0x0], $0xffff  }
0x294: {  	v43 =	vadd.s32 v1, v42;
	[tilespmem:$0x6930] =	vst v32  }
0x295: {  	v44 =	vadd.s32 v2, v42;
	[tilespmem:$0x6940] =	vst v28  }
0x296: {  	v45 =	vadd.s32 v3, v42;
	[tilespmem:$0x6950] =	vst v40  }
0x297: {  	v46 =	vadd.s32 v5, v42;
	[tilespmem:$0x6970] =	vst v30  }
0x298: {  	v33 =	vadd.s32 v6, v42;
	[tilespmem:$0x6960] =	vst v27  }
0x299: {  	v47 =	vadd.s32 v7, v42;
	v32 =	vld.idx.msk [tilespmem:v43+s2+$0x0], $0xffff  }
0x29a: {  	v31 =	vadd.s32 v8, v42;
	v28 =	vld.idx.msk [tilespmem:v44+s2+$0x0], $0xffff  }
0x29b: {  	v27 =	vadd.s32 v4, v42;
	v29 =	vld.idx.msk [tilespmem:v45+s2+$0x0], $0xffff  }
0x29c: {  	v30 =	vld.idx.msk [tilespmem:v46+s2+$0x0], $0xffff  }
0x29d: {  	v48 =	vld.idx.msk [tilespmem:v33+s2+$0x0], $0xffff  }
0x29e: {  	v49 =	vld.idx.msk [tilespmem:v47+s2+$0x0], $0xffff;
	[tilespmem:$0x6980] =	vst v32  }
0x29f: {  	v50 =	vld.idx.msk [tilespmem:v31+s2+$0x0], $0xffff;
	[tilespmem:$0x6990] =	vst v28  }
0x2a0: {  	v27 =	vld.idx.msk [tilespmem:v27+s2+$0x0], $0xffff;
	[tilespmem:$0x69A0] =	vst v29  }
0x2a1: {  	[tilespmem:$0x69C0] =	vst v30  }
0x2a2: {  	[tilespmem:$0x69D0] =	vst v48  }
0x2a3: {  	[tilespmem:$0x69E0] =	vst v49  }
0x2a4: {  	[tilespmem:$0x69F0] =	vst v50  }
0x2a5: {  	s25 =	simm.s32 $0x6800;
	s26 =	simm.s32 $0x6E00;
	[tilespmem:$0x69B0] =	vst v27  }
0x2a6: {  	[tilespmem:s26], [sflag:$0x1] =	stream.indirect.gather [hbm4b:s3+s10], $0x20, s25, s10, $0xb8;
	[tilespmem:$0x1FA00] =	vst v63  }
0x2a7: {  	s4 =	simm.s32 $0x7E00;
	s1 =	simm.s32 $0x6880  }
0x2a8: {  	[tilespmem:s4], [sflag:$0x1] =	stream.indirect.gather [hbm4b:s3+s10], $0x20, s1, s10, $0xb8;
	[tilespmem:$0x1FA00] =	vst v63  }
0x2a9: {  	s5 =	simm.s32 $0x6900;
	s9 =	simm.s32 $0x8E00  }
0x2aa: {  	[tilespmem:s9], [sflag:$0x1] =	stream.indirect.gather [hbm4b:s3+s10], $0x20, s5, s10, $0xb8;
	[tilespmem:$0x1FA00] =	vst v63  }
0x2ab: {  	s25 =	simm.s32 $0x6980;
	s26 =	simm.s32 $0x9E00  }
0x2ac: {  	[tilespmem:s26], [sflag:$0x1] =	stream.indirect.gather [hbm4b:s3+s10], $0x20, s25, s10, $0xb8;
	[tilespmem:$0x1FA00] =	vst v63  }
.LBB2_28:
0x2ad: {  	s0 =	simm.s32 $0x0;
	s25 =	simm.s32 $0x1  }
0x2ae: {  	s1 =	simm.s32 $0x7;
	s26 =	simm.s32 $0x2;
	s4 =	simm.s32 $0x3;
	v27 =	vmov s0;
	v28 =	vmov s25  }
0x2af: {  	s5 =	simm.s32 $0x4;
	s9 =	simm.s32 $0x5;
	v29 =	vmov s1;
	v30 =	vmov s26;
	v31 =	vmov s4  }
0x2b0: {  	s4 =	simm.s32 $0xAEF0;
	v32 =	vmov s5;
	v33 =	vmov s9;
	s25 =	simm.s32 $0x6;
	v29 =	vshrl.u32 v29, $0x3  }
0x2b1: {  	v27 =	vshrl.u32 v27, $0x3;
	v34 =	vmov s25;
	v35 =	vld [tilespmem:s4+$0xFFFFFFF0];
	v29 =	vshll.u32 v29, v63  }
0x2b2: {  	v28 =	vshrl.u32 v28, $0x3;
	v36 =	vld [tilespmem:s4+$0x0];
	v27 =	vshll.u32 v27, v63;
	v29 =	vbroadcast v29, $0x0  }
0x2b3: {  	v30 =	vshrl.u32 v30, $0x3;
	v31 =	vshrl.u32 v31, $0x3;
	v37 =	vld [tilespmem:s4+$0xFFFFFF10];
	v27 =	vbroadcast v27, $0x0  }
0x2b4: {  	v32 =	vshrl.u32 v32, $0x3;
	v39 =	vld [tilespmem:s4+$0xFFFFFF20];
	v33 =	vshrl.u32 v33, $0x3;
	v38 =	vadd.s32 v14, v29  }
0x2b5: {  	v41 =	vld [tilespmem:s4+$0xFFFFFF30];
	v28 =	vshll.u32 v28, v63;
	v34 =	vshrl.u32 v34, $0x3;
	v40 =	vadd.s32 v11, v27  }
0x2b6: {  	v42 =	vld [tilespmem:s4+$0xFFFFFF40];
	v30 =	vshll.u32 v30, v63;
	v28 =	vbroadcast v28, $0x0;
	v29 =	vadd.s32 v16, v29  }
0x2b7: {  	v44 =	vld [tilespmem:s4+$0xFFFFFF50];
	v31 =	vshll.u32 v31, v63;
	v27 =	vadd.s32 v12, v27;
	v35 =	vmul.f32 $5.656854150e+00, v35  }
0x2b8: {  	v45 =	vld [tilespmem:s4+$0xFFFFFF60];
	v30 =	vbroadcast v30, $0x0;
	v43 =	vadd.s32 v13, v28;
	v37 =	vmul.f32 $5.656854150e+00, v37  }
0x2b9: {  	v46 =	vld [tilespmem:s4+$0xFFFFFF70];
	v32 =	vshll.u32 v32, v63;
	v28 =	vadd.s32 v15, v28;
	v36 =	vmul.f32 $5.656854150e+00, v36;
	[tilespmem:v38+s18+$0x0] =	vst.idx.msk $0xffff, v35  }
0x2ba: {  	v48 =	vld [tilespmem:s4+$0xFFFFFF90];
	v31 =	vbroadcast v31, $0x0;
	v50 =	vmul.f32 $5.656854150e+00, v39;
	v38 =	vadd.s32 v17, v30;
	[tilespmem:v40+s18+$0x0] =	vst.idx.msk $0xffff, v37  }
0x2bb: {  	v47 =	vld [tilespmem:s4+$0xFFFFFF80];
	v32 =	vbroadcast v32, $0x0;
	v30 =	vadd.s32 v18, v30;
	[tilespmem:v29+s18+$0x0] =	vst.idx.msk $0xffff, v36;
	v29 =	vmul.f32 $5.656854150e+00, v41  }
0x2bc: {  	v33 =	vshll.u32 v33, v63;
	v35 =	vadd.s32 v19, v31;
	[tilespmem:v27+s18+$0x0] =	vst.idx.msk $0xffff, v50;
	v27 =	vmul.f32 $5.656854150e+00, v42  }
0x2bd: {  	v49 =	vld [tilespmem:s4+$0xFFFFFFA0];
	v34 =	vshll.u32 v34, v63;
	v41 =	vadd.s32 v21, v32;
	[tilespmem:v43+s18+$0x0] =	vst.idx.msk $0xffff, v29;
	v29 =	vmul.f32 $5.656854150e+00, v44  }
0x2be: {  	v31 =	vadd.s32 v20, v31;
	v50 =	vld [tilespmem:s4+$0xFFFFFFB0];
	[tilespmem:v28+s18+$0x0] =	vst.idx.msk $0xffff, v27;
	v27 =	vmul.f32 $5.656854150e+00, v45;
	v28 =	vbroadcast v33, $0x0  }
0x2bf: {  	v48 =	vmul.f32 $5.656854150e+00, v48;
	v32 =	vadd.s32 v22, v32;
	v45 =	vld [tilespmem:s4+$0xFFFFFFC0];
	[tilespmem:v38+s18+$0x0] =	vst.idx.msk $0xffff, v29;
	v29 =	vmul.f32 $5.656854150e+00, v46  }
0x2c0: {  	[tilespmem:v30+s18+$0x0] =	vst.idx.msk $0xffff, v27;
	v27 =	vmul.f32 $5.656854150e+00, v47;
	v46 =	vadd.s32 v23, v28;
	v47 =	vld [tilespmem:s4+$0xFFFFFFD0];
	v30 =	vbroadcast v34, $0x0  }
0x2c1: {  	[tilespmem:v35+s18+$0x0] =	vst.idx.msk $0xffff, v29;
	v29 =	vadd.s32 v24, v28;
	v35 =	vld [tilespmem:s4+$0xFFFFFFE0]  }
0x2c2: {  	s9 =	simm.s32 $0xF;
	v49 =	vmul.f32 $5.656854150e+00, v49;
	[tilespmem:v41+s18+$0x0] =	vst.idx.msk $0xffff, v48;
	v28 =	vadd.s32 v25, v30  }
0x2c3: {  	s5 =	simm.s32 $0x8;
	s1 =	simm.s32 $0xA;
	v36 =	vmov s9;
	v50 =	vmul.f32 $5.656854150e+00, v50;
	[tilespmem:v31+s18+$0x0] =	vst.idx.msk $0xffff, v27;
	v27 =	vadd.s32 v26, v30  }
0x2c4: {  	s26 =	simm.s32 $0x9;
	[tilespmem:v32+s18+$0x0] =	vst.idx.msk $0xffff, v49;
	v32 =	vmov s1;
	v31 =	vmov s5;
	v33 =	vmul.f32 $5.656854150e+00, v45  }
0x2c5: {  	s0 =	simm.s32 $0x10;
	s25 =	sadd.s32 $0x1, s24;
	v30 =	vmov s26;
	s26 =	simm.s32 $0xB;
	v31 =	vshrl.u32 v31, $0x3;
	[tilespmem:v46+s18+$0x0] =	vst.idx.msk $0xffff, v50;
	v34 =	vmul.f32 $5.656854150e+00, v47  }
.LBB2_29:
0x2c6: {  	p1 =	slt.u32 s0, $0x78;
	v37 =	vmov s26;
	s1 =	sadd.s32 $0x4, s5;
	s9 =	sadd.s32 $0x5, s5;
	v36 =	vshrl.u32 v36, $0x3;
	[tilespmem:v29+s18+$0x0] =	vst.idx.msk $0xffff, v33;
	v29 =	vmul.f32 $5.656854150e+00, v35  }
0x2c7: {  	s4 =	sadd.s32 $0x100, s4;
	v33 =	vmov s1;
	v35 =	vmov s9;
	s1 =	sadd.s32 $0x6, s5;
	v36 =	vshll.u32 v36, v63;
	[tilespmem:v28+s18+$0x0] =	vst.idx.msk $0xffff, v34;
	s5 =	smov.u32 s0  }
0x2c8: {  	v28 =	vshll.u32 v31, v63;
	v31 =	vmov s1;
	v34 =	vld [tilespmem:s4+$0xFFFFFFF0];
	v36 =	vbroadcast v36, $0x0;
	[tilespmem:v27+s18+$0x0] =	vst.idx.msk $0xffff, v29  }
0x2c9: {  	v27 =	vshrl.u32 v30, $0x3;
	v29 =	vshrl.u32 v32, $0x3;
	v30 =	vshrl.u32 v37, $0x3;
	v32 =	vld [tilespmem:s4+$0x0]  }
0x2ca: {  	v28 =	vbroadcast v28, $0x0;
	v33 =	vshrl.u32 v33, $0x3;
	v37 =	vld [tilespmem:s4+$0xFFFFFF10];
	v38 =	vadd.s32 v14, v36  }
0x2cb: {  	v35 =	vshrl.u32 v35, $0x3;
	v27 =	vshll.u32 v27, v63;
	v36 =	vadd.s32 v16, v36;
	v39 =	vld [tilespmem:s4+$0xFFFFFF20]  }
0x2cc: {  	v31 =	vshrl.u32 v31, $0x3;
	v40 =	vadd.s32 v11, v28;
	v27 =	vbroadcast v27, $0x0;
	v41 =	vld [tilespmem:s4+$0xFFFFFF30]  }
0x2cd: {  	v29 =	vshll.u32 v29, v63;
	v28 =	vadd.s32 v12, v28;
	v42 =	vld [tilespmem:s4+$0xFFFFFF40];
	v34 =	vmul.f32 $5.656854150e+00, v34  }
0x2ce: {  	v29 =	vbroadcast v29, $0x0;
	v43 =	vadd.s32 v13, v27;
	v44 =	vld [tilespmem:s4+$0xFFFFFF50];
	v32 =	vmul.f32 $5.656854150e+00, v32  }
0x2cf: {  	v30 =	vshll.u32 v30, v63;
	v27 =	vadd.s32 v15, v27;
	v37 =	vmul.f32 $5.656854150e+00, v37;
	v45 =	vld [tilespmem:s4+$0xFFFFFF60];
	[tilespmem:v38+s18+$0x0] =	vst.idx.msk $0xffff, v34  }
0x2d0: {  	v30 =	vbroadcast v30, $0x0;
	v38 =	vadd.s32 v17, v29;
	v34 =	vmul.f32 $5.656854150e+00, v39;
	v39 =	vld [tilespmem:s4+$0xFFFFFF70];
	[tilespmem:v36+s18+$0x0] =	vst.idx.msk $0xffff, v32  }
0x2d1: {  	v33 =	vshll.u32 v33, v63;
	v29 =	vadd.s32 v18, v29;
	[tilespmem:v40+s18+$0x0] =	vst.idx.msk $0xffff, v37;
	v32 =	vmul.f32 $5.656854150e+00, v41;
	v36 =	vld [tilespmem:s4+$0xFFFFFF80]  }
0x2d2: {  	v33 =	vbroadcast v33, $0x0;
	[tilespmem:v28+s18+$0x0] =	vst.idx.msk $0xffff, v34;
	v28 =	vmul.f32 $5.656854150e+00, v42;
	v34 =	vadd.s32 v19, v30;
	v37 =	vld [tilespmem:s4+$0xFFFFFF90]  }
0x2d3: {  	v35 =	vshll.u32 v35, v63;
	v30 =	vadd.s32 v20, v30;
	[tilespmem:v43+s18+$0x0] =	vst.idx.msk $0xffff, v32;
	v32 =	vmul.f32 $5.656854150e+00, v44;
	v40 =	vld [tilespmem:s4+$0xFFFFFFA0]  }
0x2d4: {  	v41 =	vadd.s32 v21, v33;
	[tilespmem:v27+s18+$0x0] =	vst.idx.msk $0xffff, v28;
	v27 =	vmul.f32 $5.656854150e+00, v45;
	v42 =	vld [tilespmem:s4+$0xFFFFFFB0];
	v28 =	vbroadcast v35, $0x0  }
0x2d5: {  	v31 =	vshll.u32 v31, v63;
	v33 =	vadd.s32 v22, v33;
	[tilespmem:v38+s18+$0x0] =	vst.idx.msk $0xffff, v32;
	v32 =	vmul.f32 $5.656854150e+00, v39;
	v38 =	vld [tilespmem:s4+$0xFFFFFFC0]  }
0x2d6: {  	v31 =	vbroadcast v31, $0x0;
	[tilespmem:v29+s18+$0x0] =	vst.idx.msk $0xffff, v27;
	v27 =	vmul.f32 $5.656854150e+00, v36;
	v39 =	vadd.s32 v23, v28;
	v43 =	vld [tilespmem:s4+$0xFFFFFFD0]  }
.Ltmp18:
0x2d7: {  	v29 =	vadd.s32 v24, v28;
	[tilespmem:v34+s18+$0x0] =	vst.idx.msk $0xffff, v32;
	v32 =	vmul.f32 $5.656854150e+00, v37;
	v35 =	vld [tilespmem:s4+$0xFFFFFFE0];
	(pc) =	sbr.rel @p1 .LBB2_29-.Ltmp18, $4  }
0x2d8: {  	v28 =	vadd.s32 v25, v31;
	[tilespmem:v30+s18+$0x0] =	vst.idx.msk $0xffff, v27;
	v34 =	vmul.f32 $5.656854150e+00, v40  }
0x2d9: {  	s1 =	sadd.s32 $0x1, s0;
	v30 =	vmov s0;
	v27 =	vadd.s32 v26, v31;
	[tilespmem:v41+s18+$0x0] =	vst.idx.msk $0xffff, v32;
	v37 =	vmul.f32 $5.656854150e+00, v42  }
0x2da: {  	s9 =	sadd.s32 $0x7, s0;
	v31 =	vshrl.u32 v30, $0x3;
	v30 =	vmov s1;
	s1 =	sadd.s32 $0x2, s0;
	[tilespmem:v33+s18+$0x0] =	vst.idx.msk $0xffff, v34;
	v33 =	vmul.f32 $5.656854150e+00, v38  }
0x2db: {  	s26 =	sadd.s32 $0x3, s5;
	v36 =	vmov s9;
	s0 =	sadd.s32 $0x8, s0;
	v32 =	vmov s1;
	[tilespmem:v39+s18+$0x0] =	vst.idx.msk $0xffff, v37;
	v34 =	vmul.f32 $5.656854150e+00, v43  }
0x2dc: {  	v37 =	vmov s26;
	v36 =	vshrl.u32 v36, $0x3;
	v35 =	vmul.f32 $5.656854150e+00, v35  }
0x2dd: {  	s0 =	sadd.s32 $0x4, s5;
	s26 =	sadd.s32 $0x100, s4;
	v31 =	vshll.u32 v31, v63;
	v30 =	vshrl.u32 v30, $0x3;
	v32 =	vshrl.u32 v32, $0x3  }
0x2de: {  	s1 =	sadd.s32 $0x5, s5;
	s9 =	sadd.s32 $0x6, s5;
	v38 =	vmov s0;
	v36 =	vshll.u32 v36, v63;
	v43 =	vld [tilespmem:s26+$0xFFFFFF10];
	v31 =	vbroadcast v31, $0x0  }
0x2df: {  	v39 =	vmov s1;
	v40 =	vmov s9;
	v41 =	vld [tilespmem:s26+$0xFFFFFFF0];
	v36 =	vbroadcast v36, $0x0  }
0x2e0: {  	[tilespmem:v29+s18+$0x0] =	vst.idx.msk $0xffff, v33;
	v37 =	vshrl.u32 v37, $0x3;
	v42 =	vld [tilespmem:s26+$0x0];
	v30 =	vshll.u32 v30, v63;
	v29 =	vadd.s32 v11, v31  }
0x2e1: {  	v45 =	vld [tilespmem:s26+$0xFFFFFF20];
	v32 =	vshll.u32 v32, v63;
	v38 =	vshrl.u32 v38, $0x3;
	v44 =	vadd.s32 v14, v36  }
0x2e2: {  	v33 =	vld [tilespmem:s26+$0xFFFFFF30];
	v39 =	vshrl.u32 v39, $0x3;
	v30 =	vbroadcast v30, $0x0;
	v36 =	vadd.s32 v16, v36  }
0x2e3: {  	[tilespmem:v28+s18+$0x0] =	vst.idx.msk $0xffff, v34;
	v40 =	vshrl.u32 v40, $0x3;
	v28 =	vadd.s32 v12, v31;
	v31 =	vld [tilespmem:s26+$0xFFFFFF40];
	v49 =	vmul.f32 $5.656854150e+00, v43  }
0x2e4: {  	[tilespmem:v27+s18+$0x0] =	vst.idx.msk $0xffff, v35;
	v35 =	vld [tilespmem:s26+$0xFFFFFF50];
	v32 =	vbroadcast v32, $0x0;
	v27 =	vadd.s32 v13, v30;
	v47 =	vmul.f32 $5.656854150e+00, v41  }
0x2e5: {  	v37 =	vshll.u32 v37, v63;
	v30 =	vadd.s32 v15, v30;
	v48 =	vmul.f32 $5.656854150e+00, v42;
	v43 =	vld [tilespmem:s26+$0xFFFFFF60];
	[tilespmem:v29+s18+$0x0] =	vst.idx.msk $0xffff, v49  }
0x2e6: {  	v37 =	vbroadcast v37, $0x0;
	v50 =	vmul.f32 $5.656854150e+00, v45;
	v45 =	vld [tilespmem:s26+$0xFFFFFF70];
	[tilespmem:v44+s18+$0x0] =	vst.idx.msk $0xffff, v47;
	v44 =	vadd.s32 v17, v32  }
0x2e7: {  	v29 =	vmul.f32 $5.656854150e+00, v33;
	v32 =	vadd.s32 v18, v32;
	v47 =	vld [tilespmem:s26+$0xFFFFFF80];
	[tilespmem:v36+s18+$0x0] =	vst.idx.msk $0xffff, v48;
	v48 =	vshll.u32 v38, v63  }
0x2e8: {  	v34 =	vld [tilespmem:s26+$0xFFFFFF90];
	[tilespmem:v28+s18+$0x0] =	vst.idx.msk $0xffff, v50;
	v28 =	vmul.f32 $5.656854150e+00, v31;
	v31 =	vadd.s32 v19, v37;
	v36 =	vbroadcast v48, $0x0  }
0x2e9: {  	v49 =	vshll.u32 v39, v63;
	[tilespmem:v27+s18+$0x0] =	vst.idx.msk $0xffff, v29;
	v27 =	vmul.f32 $5.656854150e+00, v35;
	v29 =	vadd.s32 v20, v37;
	v35 =	vld [tilespmem:s26+$0xFFFFFFA0]  }
0x2ea: {  	v50 =	vld [tilespmem:s26+$0xFFFFFFB0];
	v37 =	vbroadcast v49, $0x0;
	[tilespmem:v30+s18+$0x0] =	vst.idx.msk $0xffff, v28;
	v28 =	vmul.f32 $5.656854150e+00, v43;
	v30 =	vadd.s32 v21, v36  }
0x2eb: {  	v46 =	vld [tilespmem:s26+$0xFFFFFFC0];
	v40 =	vshll.u32 v40, v63;
	v36 =	vadd.s32 v22, v36;
	[tilespmem:v44+s18+$0x0] =	vst.idx.msk $0xffff, v27;
	v27 =	vmul.f32 $5.656854150e+00, v45  }
0x2ec: {  	v40 =	vbroadcast v40, $0x0;
	v48 =	vld [tilespmem:s26+$0xFFFFFFD0];
	[tilespmem:v32+s18+$0x0] =	vst.idx.msk $0xffff, v28;
	v28 =	vmul.f32 $5.656854150e+00, v47;
	v47 =	vadd.s32 v23, v37  }
0x2ed: {  	v49 =	vld [tilespmem:s26+$0xFFFFFFE0];
	[tilespmem:v31+s18+$0x0] =	vst.idx.msk $0xffff, v27;
	v27 =	vmul.f32 $5.656854150e+00, v34;
	v31 =	vadd.s32 v24, v37  }
0x2ee: {  	[tilespmem:v29+s18+$0x0] =	vst.idx.msk $0xffff, v28;
	v28 =	vmul.f32 $5.656854150e+00, v35;
	v29 =	vadd.s32 v25, v40  }
0x2ef: {  	[tilespmem:v30+s18+$0x0] =	vst.idx.msk $0xffff, v27;
	v27 =	vmul.f32 $5.656854150e+00, v50;
	v30 =	vadd.s32 v26, v40  }
0x2f0: {  	[tilespmem:v36+s18+$0x0] =	vst.idx.msk $0xffff, v28;
	v28 =	vmul.f32 $5.656854150e+00, v46  }
0x2f1: {  	s0 =	simm.s32 $0x0;
	[tilespmem:v47+s18+$0x0] =	vst.idx.msk $0xffff, v27;
	v27 =	vmul.f32 $5.656854150e+00, v48  }
0x2f2: {  	[tilespmem:v31+s18+$0x0] =	vst.idx.msk $0xffff, v28;
	v28 =	vmul.f32 $5.656854150e+00, v49;
	v31 =	vmov s0  }
0x2f3: {  	[tilespmem:v29+s18+$0x0] =	vst.idx.msk $0xffff, v27;
	v27 =	vshrl.u32 v31, $0x3  }
0x2f4: {  	s5 =	simm.s32 $0xBE00;
	[tilespmem:v30+s18+$0x0] =	vst.idx.msk $0xffff, v28;
	v27 =	vshll.u32 v27, $0x3  }
0x2f5: {  	v27 =	vbroadcast v27, $0x0;
	v28 =	vld [tilespmem:s5+$0xE0]  }
0x2f6: {  	v30 =	vld [tilespmem:s5+$0x0]  }
0x2f7: {  	v29 =	vld [tilespmem:s5+$0xF0];
	v31 =	vadd.s32 v14, v27  }
0x2f8: {  	v42 =	vld [tilespmem:s5+$0x20];
	v41 =	vadd.s32 v11, v27  }
0x2f9: {  	v50 =	vld [tilespmem:s5+$0x10];
	v40 =	vadd.s32 v16, v27  }
0x2fa: {  	v44 =	vld [tilespmem:s5+$0x30];
	v45 =	vadd.s32 v13, v27;
	v28 =	vmul.f32 $5.656854150e+00, v28  }
0x2fb: {  	p1 =	por $0x1, $0x1;
	v46 =	vld [tilespmem:s5+$0x40];
	v43 =	vadd.s32 v12, v27;
	v37 =	vadd.s32 v15, v27;
	v47 =	vmul.f32 $5.656854150e+00, v30  }
.Ltmp19:
0x2fc: {  	v38 =	vld [tilespmem:s5+$0x50];
	v36 =	vadd.s32 v17, v27;
	v35 =	vadd.s32 v18, v27;
	v29 =	vmul.f32 $5.656854150e+00, v29;
	[tilespmem:v31+s29+$0x0] =	vst.idx.msk $0xffff, v28;
	(pc) =	sbr.rel @!p1 .LBB2_32-.Ltmp19, $4  }
0x2fd: {  	v39 =	vld [tilespmem:s5+$0x60];
	v34 =	vadd.s32 v19, v27;
	v32 =	vadd.s32 v20, v27;
	v42 =	vmul.f32 $5.656854150e+00, v42;
	[tilespmem:v41+s29+$0x0] =	vst.idx.msk $0xffff, v47  }
0x2fe: {  	v33 =	vadd.s32 v21, v27;
	v48 =	vmul.f32 $5.656854150e+00, v50;
	v30 =	vadd.s32 v23, v27;
	[tilespmem:v40+s29+$0x0] =	vst.idx.msk $0xffff, v29;
	v40 =	vld [tilespmem:s5+$0x70]  }
0x2ff: {  	v44 =	vmul.f32 $5.656854150e+00, v44;
	v31 =	vadd.s32 v22, v27;
	v28 =	vadd.s32 v25, v27;
	v41 =	vld [tilespmem:s5+$0x80];
	[tilespmem:v45+s29+$0x0] =	vst.idx.msk $0xffff, v42  }
0x300: {  	s4 =	simm.s32 $0xCE00;
	s26 =	simm.s32 $0xFFFFFFF8;
	v42 =	vld [tilespmem:s5+$0x90];
	v29 =	vadd.s32 v24, v27;
	[tilespmem:v43+s29+$0x0] =	vst.idx.msk $0xffff, v48;
	v27 =	vadd.s32 v26, v27;
	v43 =	vmul.f32 $5.656854150e+00, v46  }
.LBB2_31:
0x301: {  	s0 =	sadd.s32 $0x8, s0;
	[tilespmem:v37+s29+$0x0] =	vst.idx.msk $0xffff, v44;
	v37 =	vmul.f32 $5.656854150e+00, v38;
	v38 =	vld [tilespmem:s5+$0xA0]  }
0x302: {  	v44 =	vmov s0;
	p1 =	slt.u32 s0, $0x78;
	[tilespmem:v36+s29+$0x0] =	vst.idx.msk $0xffff, v43;
	v36 =	vmul.f32 $5.656854150e+00, v39;
	v39 =	vld [tilespmem:s5+$0xB0]  }
0x303: {  	v43 =	vshrl.u32 v44, $0x3;
	[tilespmem:v35+s29+$0x0] =	vst.idx.msk $0xffff, v37;
	v35 =	vmul.f32 $5.656854150e+00, v40;
	v37 =	vld [tilespmem:s5+$0xC0]  }
0x304: {  	v40 =	vshll.u32 v43, $0x3;
	[tilespmem:v34+s29+$0x0] =	vst.idx.msk $0xffff, v36;
	v34 =	vmul.f32 $5.656854150e+00, v41;
	v36 =	vld [tilespmem:s5+$0xD0];
	s5 =	sadd.s32 $0x100, s5  }
0x305: {  	v41 =	vbroadcast v40, $0x0;
	v40 =	vld [tilespmem:s5+$0xE0];
	[tilespmem:v32+s29+$0x0] =	vst.idx.msk $0xffff, v35;
	v32 =	vmul.f32 $5.656854150e+00, v42  }
0x306: {  	v42 =	vld [tilespmem:s5+$0xF0];
	[tilespmem:v33+s29+$0x0] =	vst.idx.msk $0xffff, v34;
	v33 =	vmul.f32 $5.656854150e+00, v38  }
0x307: {  	v38 =	vld [tilespmem:s5+$0x0];
	v43 =	vadd.s32 v11, v41;
	v44 =	vadd.s32 v14, v41;
	[tilespmem:v31+s29+$0x0] =	vst.idx.msk $0xffff, v32;
	v31 =	vmul.f32 $5.656854150e+00, v39  }
0x308: {  	v45 =	vadd.s32 v12, v41;
	v46 =	vadd.s32 v16, v41;
	v39 =	vld [tilespmem:s5+$0x10];
	[tilespmem:v30+s29+$0x0] =	vst.idx.msk $0xffff, v33;
	v30 =	vmul.f32 $5.656854150e+00, v37  }
0x309: {  	v48 =	vadd.s32 v13, v41;
	v37 =	vadd.s32 v15, v41;
	v47 =	vld [tilespmem:s5+$0x20];
	[tilespmem:v29+s29+$0x0] =	vst.idx.msk $0xffff, v31;
	v29 =	vmul.f32 $5.656854150e+00, v36  }
0x30a: {  	v35 =	vadd.s32 v18, v41;
	v36 =	vadd.s32 v17, v41;
	v49 =	vld [tilespmem:s5+$0x30];
	v40 =	vmul.f32 $5.656854150e+00, v40;
	[tilespmem:v28+s29+$0x0] =	vst.idx.msk $0xffff, v30  }
0x30b: {  	v34 =	vadd.s32 v19, v41;
	v32 =	vadd.s32 v20, v41;
	v50 =	vld [tilespmem:s5+$0x40];
	v28 =	vmul.f32 $5.656854150e+00, v42;
	[tilespmem:v27+s29+$0x0] =	vst.idx.msk $0xffff, v29  }
.Ltmp20:
0x30c: {  	v33 =	vadd.s32 v21, v41;
	v31 =	vadd.s32 v22, v41;
	v27 =	vmul.f32 $5.656854150e+00, v38;
	v38 =	vld [tilespmem:s5+$0x50];
	[tilespmem:v44+s29+$0x0] =	vst.idx.msk $0xffff, v40;
	(pc) =	sbr.rel @p1 .LBB2_31-.Ltmp20, $4  }
0x30d: {  	v30 =	vadd.s32 v23, v41;
	v29 =	vadd.s32 v24, v41;
	v42 =	vmul.f32 $5.656854150e+00, v39;
	v39 =	vld [tilespmem:s5+$0x60];
	[tilespmem:v46+s29+$0x0] =	vst.idx.msk $0xffff, v28  }
0x30e: {  	v28 =	vadd.s32 v25, v41;
	[tilespmem:v43+s29+$0x0] =	vst.idx.msk $0xffff, v27;
	v43 =	vmul.f32 $5.656854150e+00, v47;
	v40 =	vld [tilespmem:s5+$0x70];
	v27 =	vadd.s32 v26, v41  }
0x30f: {  	[tilespmem:v45+s29+$0x0] =	vst.idx.msk $0xffff, v42;
	v44 =	vmul.f32 $5.656854150e+00, v49;
	v41 =	vld [tilespmem:s5+$0x80]  }
0x310: {  	[tilespmem:v48+s29+$0x0] =	vst.idx.msk $0xffff, v43;
	v43 =	vmul.f32 $5.656854150e+00, v50;
	v42 =	vld [tilespmem:s5+$0x90]  }
.LBB2_32:
0x311: {  	_ =	sdelay $0x3  }
0x312: {  	[tilespmem:v37+s29+$0x0] =	vst.idx.msk $0xffff, v44;
	v48 =	vmul.f32 $5.656854150e+00, v38;
	v49 =	vld [tilespmem:s5+$0xA0]  }
0x313: {  	[tilespmem:v36+s29+$0x0] =	vst.idx.msk $0xffff, v43;
	v50 =	vmul.f32 $5.656854150e+00, v39;
	v43 =	vld [tilespmem:s5+$0xB0]  }
0x314: {  	v45 =	vld [tilespmem:s5+$0xC0];
	[tilespmem:v35+s29+$0x0] =	vst.idx.msk $0xffff, v48;
	v44 =	vmul.f32 $5.656854150e+00, v40  }
0x315: {  	v47 =	vld [tilespmem:s5+$0xD0];
	[tilespmem:v34+s29+$0x0] =	vst.idx.msk $0xffff, v50;
	v46 =	vmul.f32 $5.656854150e+00, v41  }
0x316: {  	[tilespmem:v32+s29+$0x0] =	vst.idx.msk $0xffff, v44;
	v48 =	vmul.f32 $5.656854150e+00, v42  }
0x317: {  	[tilespmem:v33+s29+$0x0] =	vst.idx.msk $0xffff, v46;
	v49 =	vmul.f32 $5.656854150e+00, v49  }
0x318: {  	[tilespmem:v31+s29+$0x0] =	vst.idx.msk $0xffff, v48;
	v31 =	vmul.f32 $5.656854150e+00, v43  }
0x319: {  	s0 =	simm.s32 $0x0;
	[tilespmem:v30+s29+$0x0] =	vst.idx.msk $0xffff, v49;
	v30 =	vmul.f32 $5.656854150e+00, v45  }
0x31a: {  	[tilespmem:v29+s29+$0x0] =	vst.idx.msk $0xffff, v31;
	v29 =	vmul.f32 $5.656854150e+00, v47;
	v31 =	vmov s0  }
0x31b: {  	[tilespmem:v28+s29+$0x0] =	vst.idx.msk $0xffff, v30;
	v28 =	vshrl.u32 v31, $0x3  }
0x31c: {  	[tilespmem:v27+s29+$0x0] =	vst.idx.msk $0xffff, v29;
	v27 =	vshll.u32 v28, $0x3  }
0x31d: {  	v27 =	vbroadcast v27, $0x0;
	v28 =	vld [tilespmem:s4+$0xE0]  }
0x31e: {  	v30 =	vld [tilespmem:s4+$0x0]  }
0x31f: {  	v29 =	vld [tilespmem:s4+$0xF0];
	v31 =	vadd.s32 v14, v27  }
0x320: {  	v42 =	vld [tilespmem:s4+$0x20];
	v41 =	vadd.s32 v11, v27  }
0x321: {  	v50 =	vld [tilespmem:s4+$0x10];
	v40 =	vadd.s32 v16, v27  }
0x322: {  	v44 =	vld [tilespmem:s4+$0x30];
	v45 =	vadd.s32 v13, v27;
	v28 =	vmul.f32 $5.656854150e+00, v28  }
0x323: {  	p1 =	por $0x1, $0x1;
	v46 =	vld [tilespmem:s4+$0x40];
	v43 =	vadd.s32 v12, v27;
	v37 =	vadd.s32 v15, v27;
	v47 =	vmul.f32 $5.656854150e+00, v30  }
.Ltmp21:
0x324: {  	v38 =	vld [tilespmem:s4+$0x50];
	v36 =	vadd.s32 v17, v27;
	v35 =	vadd.s32 v18, v27;
	v29 =	vmul.f32 $5.656854150e+00, v29;
	[tilespmem:v31+s30+$0x0] =	vst.idx.msk $0xffff, v28;
	(pc) =	sbr.rel @!p1 .LBB2_34-.Ltmp21, $4  }
0x325: {  	v39 =	vld [tilespmem:s4+$0x60];
	v34 =	vadd.s32 v19, v27;
	v32 =	vadd.s32 v20, v27;
	v42 =	vmul.f32 $5.656854150e+00, v42;
	[tilespmem:v41+s30+$0x0] =	vst.idx.msk $0xffff, v47  }
0x326: {  	v33 =	vadd.s32 v21, v27;
	v48 =	vmul.f32 $5.656854150e+00, v50;
	v30 =	vadd.s32 v23, v27;
	[tilespmem:v40+s30+$0x0] =	vst.idx.msk $0xffff, v29;
	v40 =	vld [tilespmem:s4+$0x70]  }
0x327: {  	v44 =	vmul.f32 $5.656854150e+00, v44;
	v31 =	vadd.s32 v22, v27;
	v28 =	vadd.s32 v25, v27;
	v41 =	vld [tilespmem:s4+$0x80];
	[tilespmem:v45+s30+$0x0] =	vst.idx.msk $0xffff, v42  }
0x328: {  	s5 =	simm.s32 $0xDE00;
	v42 =	vld [tilespmem:s4+$0x90];
	v29 =	vadd.s32 v24, v27;
	[tilespmem:v43+s30+$0x0] =	vst.idx.msk $0xffff, v48;
	v27 =	vadd.s32 v26, v27;
	v43 =	vmul.f32 $5.656854150e+00, v46  }
.LBB2_33:
0x329: {  	s0 =	sadd.s32 $0x8, s0;
	[tilespmem:v37+s30+$0x0] =	vst.idx.msk $0xffff, v44;
	v37 =	vmul.f32 $5.656854150e+00, v38;
	v38 =	vld [tilespmem:s4+$0xA0]  }
0x32a: {  	v44 =	vmov s0;
	p1 =	slt.u32 s0, $0x78;
	[tilespmem:v36+s30+$0x0] =	vst.idx.msk $0xffff, v43;
	v36 =	vmul.f32 $5.656854150e+00, v39;
	v39 =	vld [tilespmem:s4+$0xB0]  }
0x32b: {  	v43 =	vshrl.u32 v44, $0x3;
	[tilespmem:v35+s30+$0x0] =	vst.idx.msk $0xffff, v37;
	v35 =	vmul.f32 $5.656854150e+00, v40;
	v37 =	vld [tilespmem:s4+$0xC0]  }
0x32c: {  	v40 =	vshll.u32 v43, $0x3;
	[tilespmem:v34+s30+$0x0] =	vst.idx.msk $0xffff, v36;
	v34 =	vmul.f32 $5.656854150e+00, v41;
	v36 =	vld [tilespmem:s4+$0xD0];
	s4 =	sadd.s32 $0x100, s4  }
0x32d: {  	v41 =	vbroadcast v40, $0x0;
	v40 =	vld [tilespmem:s4+$0xE0];
	[tilespmem:v32+s30+$0x0] =	vst.idx.msk $0xffff, v35;
	v32 =	vmul.f32 $5.656854150e+00, v42  }
0x32e: {  	v42 =	vld [tilespmem:s4+$0xF0];
	[tilespmem:v33+s30+$0x0] =	vst.idx.msk $0xffff, v34;
	v33 =	vmul.f32 $5.656854150e+00, v38  }
0x32f: {  	v38 =	vld [tilespmem:s4+$0x0];
	v43 =	vadd.s32 v11, v41;
	v44 =	vadd.s32 v14, v41;
	[tilespmem:v31+s30+$0x0] =	vst.idx.msk $0xffff, v32;
	v31 =	vmul.f32 $5.656854150e+00, v39  }
0x330: {  	v45 =	vadd.s32 v12, v41;
	v46 =	vadd.s32 v16, v41;
	v39 =	vld [tilespmem:s4+$0x10];
	[tilespmem:v30+s30+$0x0] =	vst.idx.msk $0xffff, v33;
	v30 =	vmul.f32 $5.656854150e+00, v37  }
0x331: {  	v48 =	vadd.s32 v13, v41;
	v37 =	vadd.s32 v15, v41;
	v47 =	vld [tilespmem:s4+$0x20];
	[tilespmem:v29+s30+$0x0] =	vst.idx.msk $0xffff, v31;
	v29 =	vmul.f32 $5.656854150e+00, v36  }
0x332: {  	v35 =	vadd.s32 v18, v41;
	v36 =	vadd.s32 v17, v41;
	v49 =	vld [tilespmem:s4+$0x30];
	v40 =	vmul.f32 $5.656854150e+00, v40;
	[tilespmem:v28+s30+$0x0] =	vst.idx.msk $0xffff, v30  }
0x333: {  	v34 =	vadd.s32 v19, v41;
	v32 =	vadd.s32 v20, v41;
	v50 =	vld [tilespmem:s4+$0x40];
	v28 =	vmul.f32 $5.656854150e+00, v42;
	[tilespmem:v27+s30+$0x0] =	vst.idx.msk $0xffff, v29  }
.Ltmp22:
0x334: {  	v33 =	vadd.s32 v21, v41;
	v31 =	vadd.s32 v22, v41;
	v27 =	vmul.f32 $5.656854150e+00, v38;
	v38 =	vld [tilespmem:s4+$0x50];
	[tilespmem:v44+s30+$0x0] =	vst.idx.msk $0xffff, v40;
	(pc) =	sbr.rel @p1 .LBB2_33-.Ltmp22, $4  }
0x335: {  	v30 =	vadd.s32 v23, v41;
	v29 =	vadd.s32 v24, v41;
	v42 =	vmul.f32 $5.656854150e+00, v39;
	v39 =	vld [tilespmem:s4+$0x60];
	[tilespmem:v46+s30+$0x0] =	vst.idx.msk $0xffff, v28  }
0x336: {  	v28 =	vadd.s32 v25, v41;
	[tilespmem:v43+s30+$0x0] =	vst.idx.msk $0xffff, v27;
	v43 =	vmul.f32 $5.656854150e+00, v47;
	v40 =	vld [tilespmem:s4+$0x70];
	v27 =	vadd.s32 v26, v41  }
0x337: {  	[tilespmem:v45+s30+$0x0] =	vst.idx.msk $0xffff, v42;
	v44 =	vmul.f32 $5.656854150e+00, v49;
	v41 =	vld [tilespmem:s4+$0x80]  }
0x338: {  	[tilespmem:v48+s30+$0x0] =	vst.idx.msk $0xffff, v43;
	v43 =	vmul.f32 $5.656854150e+00, v50;
	v42 =	vld [tilespmem:s4+$0x90]  }
.LBB2_34:
0x339: {  	_ =	sdelay $0x3  }
0x33a: {  	[tilespmem:v37+s30+$0x0] =	vst.idx.msk $0xffff, v44;
	v47 =	vmul.f32 $5.656854150e+00, v38;
	v48 =	vld [tilespmem:s4+$0xA0]  }
0x33b: {  	v50 =	vld [tilespmem:s4+$0xB0];
	[tilespmem:v36+s30+$0x0] =	vst.idx.msk $0xffff, v43;
	v49 =	vmul.f32 $5.656854150e+00, v39  }
0x33c: {  	v44 =	vld [tilespmem:s4+$0xC0];
	[tilespmem:v35+s30+$0x0] =	vst.idx.msk $0xffff, v47;
	v43 =	vmul.f32 $5.656854150e+00, v40  }
0x33d: {  	v46 =	vld [tilespmem:s4+$0xD0];
	[tilespmem:v34+s30+$0x0] =	vst.idx.msk $0xffff, v49;
	v45 =	vmul.f32 $5.656854150e+00, v41  }
0x33e: {  	[tilespmem:v32+s30+$0x0] =	vst.idx.msk $0xffff, v43;
	v47 =	vmul.f32 $5.656854150e+00, v42  }
0x33f: {  	[tilespmem:v33+s30+$0x0] =	vst.idx.msk $0xffff, v45;
	v48 =	vmul.f32 $5.656854150e+00, v48  }
0x340: {  	[tilespmem:v31+s30+$0x0] =	vst.idx.msk $0xffff, v47;
	v31 =	vmul.f32 $5.656854150e+00, v50  }
0x341: {  	s0 =	sadd.s32 $0x8, s26;
	[tilespmem:v30+s30+$0x0] =	vst.idx.msk $0xffff, v48;
	v30 =	vmul.f32 $5.656854150e+00, v44  }
0x342: {  	[tilespmem:v29+s30+$0x0] =	vst.idx.msk $0xffff, v31;
	v29 =	vmul.f32 $5.656854150e+00, v46;
	v31 =	vmov s0  }
0x343: {  	[tilespmem:v28+s30+$0x0] =	vst.idx.msk $0xffff, v30;
	v28 =	vshrl.u32 v31, $0x3  }
0x344: {  	[tilespmem:v27+s30+$0x0] =	vst.idx.msk $0xffff, v29;
	v27 =	vshll.u32 v28, $0x3  }
0x345: {  	v27 =	vbroadcast v27, $0x0;
	v28 =	vld [tilespmem:s5+$0xE0]  }
0x346: {  	v30 =	vld [tilespmem:s5+$0x0]  }
0x347: {  	v29 =	vld [tilespmem:s5+$0xF0];
	v31 =	vadd.s32 v14, v27  }
0x348: {  	v42 =	vld [tilespmem:s5+$0x20];
	v41 =	vadd.s32 v11, v27  }
0x349: {  	v49 =	vld [tilespmem:s5+$0x10];
	v40 =	vadd.s32 v16, v27  }
0x34a: {  	v44 =	vld [tilespmem:s5+$0x30];
	v45 =	vadd.s32 v13, v27;
	v28 =	vmul.f32 $5.656854150e+00, v28  }
0x34b: {  	p1 =	slt.u32 s0, $0x78;
	v46 =	vld [tilespmem:s5+$0x40];
	v43 =	vadd.s32 v12, v27;
	v37 =	vadd.s32 v15, v27;
	v47 =	vmul.f32 $5.656854150e+00, v30  }
.Ltmp23:
0x34c: {  	v38 =	vld [tilespmem:s5+$0x50];
	v36 =	vadd.s32 v17, v27;
	v35 =	vadd.s32 v18, v27;
	v29 =	vmul.f32 $5.656854150e+00, v29;
	[tilespmem:v31+s31+$0x0] =	vst.idx.msk $0xffff, v28;
	(pc) =	sbr.rel @!p1 .LBB2_36-.Ltmp23, $4  }
0x34d: {  	v39 =	vld [tilespmem:s5+$0x60];
	v34 =	vadd.s32 v19, v27;
	v32 =	vadd.s32 v20, v27;
	v50 =	vmul.f32 $5.656854150e+00, v42;
	[tilespmem:v41+s31+$0x0] =	vst.idx.msk $0xffff, v47  }
0x34e: {  	v33 =	vadd.s32 v21, v27;
	v48 =	vmul.f32 $5.656854150e+00, v49;
	v30 =	vadd.s32 v23, v27;
	[tilespmem:v40+s31+$0x0] =	vst.idx.msk $0xffff, v29;
	v40 =	vld [tilespmem:s5+$0x70]  }
0x34f: {  	v42 =	vld [tilespmem:s5+$0x80];
	v44 =	vmul.f32 $5.656854150e+00, v44;
	v31 =	vadd.s32 v22, v27;
	v28 =	vadd.s32 v25, v27;
	[tilespmem:v45+s31+$0x0] =	vst.idx.msk $0xffff, v50  }
0x350: {  	v41 =	vld [tilespmem:s5+$0x90];
	v29 =	vadd.s32 v24, v27;
	[tilespmem:v43+s31+$0x0] =	vst.idx.msk $0xffff, v48;
	v27 =	vadd.s32 v26, v27;
	v43 =	vmul.f32 $5.656854150e+00, v46  }
.LBB2_35:
0x351: {  	s0 =	sadd.s32 $0x8, s0;
	[tilespmem:v37+s31+$0x0] =	vst.idx.msk $0xffff, v44;
	v37 =	vmul.f32 $5.656854150e+00, v38;
	v38 =	vld [tilespmem:s5+$0xA0]  }
0x352: {  	v44 =	vmov s0;
	p1 =	slt.u32 s0, $0x78;
	[tilespmem:v36+s31+$0x0] =	vst.idx.msk $0xffff, v43;
	v36 =	vmul.f32 $5.656854150e+00, v39;
	v39 =	vld [tilespmem:s5+$0xB0]  }
0x353: {  	v43 =	vshrl.u32 v44, $0x3;
	[tilespmem:v35+s31+$0x0] =	vst.idx.msk $0xffff, v37;
	v35 =	vmul.f32 $5.656854150e+00, v40;
	v37 =	vld [tilespmem:s5+$0xC0]  }
0x354: {  	v40 =	vshll.u32 v43, $0x3;
	[tilespmem:v34+s31+$0x0] =	vst.idx.msk $0xffff, v36;
	v34 =	vmul.f32 $5.656854150e+00, v42;
	v36 =	vld [tilespmem:s5+$0xD0];
	s5 =	sadd.s32 $0x100, s5  }
0x355: {  	v42 =	vbroadcast v40, $0x0;
	v40 =	vld [tilespmem:s5+$0xE0];
	[tilespmem:v32+s31+$0x0] =	vst.idx.msk $0xffff, v35;
	v32 =	vmul.f32 $5.656854150e+00, v41  }
0x356: {  	v41 =	vld [tilespmem:s5+$0xF0];
	[tilespmem:v33+s31+$0x0] =	vst.idx.msk $0xffff, v34;
	v33 =	vmul.f32 $5.656854150e+00, v38  }
0x357: {  	v38 =	vld [tilespmem:s5+$0x0];
	v43 =	vadd.s32 v11, v42;
	v44 =	vadd.s32 v14, v42;
	[tilespmem:v31+s31+$0x0] =	vst.idx.msk $0xffff, v32;
	v31 =	vmul.f32 $5.656854150e+00, v39  }
0x358: {  	v45 =	vadd.s32 v12, v42;
	v46 =	vadd.s32 v16, v42;
	v39 =	vld [tilespmem:s5+$0x10];
	[tilespmem:v30+s31+$0x0] =	vst.idx.msk $0xffff, v33;
	v30 =	vmul.f32 $5.656854150e+00, v37  }
0x359: {  	v48 =	vadd.s32 v13, v42;
	v37 =	vadd.s32 v15, v42;
	v47 =	vld [tilespmem:s5+$0x20];
	[tilespmem:v29+s31+$0x0] =	vst.idx.msk $0xffff, v31;
	v29 =	vmul.f32 $5.656854150e+00, v36  }
0x35a: {  	v35 =	vadd.s32 v18, v42;
	v36 =	vadd.s32 v17, v42;
	v49 =	vld [tilespmem:s5+$0x30];
	v40 =	vmul.f32 $5.656854150e+00, v40;
	[tilespmem:v28+s31+$0x0] =	vst.idx.msk $0xffff, v30  }
0x35b: {  	v34 =	vadd.s32 v19, v42;
	v32 =	vadd.s32 v20, v42;
	v50 =	vld [tilespmem:s5+$0x40];
	v28 =	vmul.f32 $5.656854150e+00, v41;
	[tilespmem:v27+s31+$0x0] =	vst.idx.msk $0xffff, v29  }
.Ltmp24:
0x35c: {  	v33 =	vadd.s32 v21, v42;
	v31 =	vadd.s32 v22, v42;
	v27 =	vmul.f32 $5.656854150e+00, v38;
	v38 =	vld [tilespmem:s5+$0x50];
	[tilespmem:v44+s31+$0x0] =	vst.idx.msk $0xffff, v40;
	(pc) =	sbr.rel @p1 .LBB2_35-.Ltmp24, $4  }
0x35d: {  	v30 =	vadd.s32 v23, v42;
	v29 =	vadd.s32 v24, v42;
	v41 =	vmul.f32 $5.656854150e+00, v39;
	v39 =	vld [tilespmem:s5+$0x60];
	[tilespmem:v46+s31+$0x0] =	vst.idx.msk $0xffff, v28  }
0x35e: {  	v28 =	vadd.s32 v25, v42;
	[tilespmem:v43+s31+$0x0] =	vst.idx.msk $0xffff, v27;
	v43 =	vmul.f32 $5.656854150e+00, v47;
	v40 =	vld [tilespmem:s5+$0x70];
	v27 =	vadd.s32 v26, v42  }
0x35f: {  	[tilespmem:v45+s31+$0x0] =	vst.idx.msk $0xffff, v41;
	v44 =	vmul.f32 $5.656854150e+00, v49;
	v42 =	vld [tilespmem:s5+$0x80]  }
0x360: {  	[tilespmem:v48+s31+$0x0] =	vst.idx.msk $0xffff, v43;
	v43 =	vmul.f32 $5.656854150e+00, v50;
	v41 =	vld [tilespmem:s5+$0x90]  }
.LBB2_36:
0x361: {  	_ =	sdelay $0x3  }
0x362: {  	[tilespmem:v37+s31+$0x0] =	vst.idx.msk $0xffff, v44;
	v47 =	vmul.f32 $5.656854150e+00, v38;
	v48 =	vld [tilespmem:s5+$0xA0]  }
0x363: {  	v50 =	vld [tilespmem:s5+$0xB0];
	[tilespmem:v36+s31+$0x0] =	vst.idx.msk $0xffff, v43;
	v49 =	vmul.f32 $5.656854150e+00, v39  }
0x364: {  	v43 =	vld [tilespmem:s5+$0xC0];
	[tilespmem:v35+s31+$0x0] =	vst.idx.msk $0xffff, v47;
	v40 =	vmul.f32 $5.656854150e+00, v40  }
0x365: {  	v45 =	vld [tilespmem:s5+$0xD0];
	s0 =	smulhi.u32 $0x51EB851F, s25;
	[tilespmem:v34+s31+$0x0] =	vst.idx.msk $0xffff, v49;
	v44 =	vmul.f32 $5.656854150e+00, v42  }
0x366: {  	[tilespmem:v32+s31+$0x0] =	vst.idx.msk $0xffff, v40;
	v46 =	vmul.f32 $5.656854150e+00, v41  }
0x367: {  	s0 =	sshrl.u32 s0, $0x4;
	[tilespmem:v33+s31+$0x0] =	vst.idx.msk $0xffff, v44;
	v47 =	vmul.f32 $5.656854150e+00, v48  }
0x368: {  	s1 =	smul.u32 $0x32, s0;
	v48 =	vmul.f32 $5.656854150e+00, v50;
	[tilespmem:v31+s31+$0x0] =	vst.idx.msk $0xffff, v46  }
0x369: {  	v49 =	vmul.f32 $5.656854150e+00, v43;
	[tilespmem:v30+s31+$0x0] =	vst.idx.msk $0xffff, v47  }
0x36a: {  	s0 =	sshll.u32 s0, $0x7;
	v50 =	vmul.f32 $5.656854150e+00, v45;
	s1 =	ssub.s32 s25, s1;
	[tilespmem:v29+s31+$0x0] =	vst.idx.msk $0xffff, v48  }
0x36b: {  	s0 =	sadd.s32 s0, s7;
	s1 =	sshll.u32 s1, $0x12;
	[tilespmem:v28+s31+$0x0] =	vst.idx.msk $0xffff, v49  }
0x36c: {  	s5 =	simm.s32 $0x17200;
	s1 =	sadd.s32 s1, s0;
	[tilespmem:v27+s31+$0x0] =	vst.idx.msk $0xffff, v50  }
0x36d: {  	[hbm4b:s1+s2] =	stream.linear.scatter [tilespmem:s5], [sflag:$0x5], $0x80, $0x38;
	[tilespmem:$0x1FA00] =	vst v63  }
0x36e: {  	s9 =	simm.s32 $0x17288;
	s4 =	sadd.s32 $0x10, s1  }
0x36f: {  	[hbm4b:s4+s2] =	stream.linear.scatter [tilespmem:s9], [sflag:$0x5], $0x80, $0x38;
	[tilespmem:$0x1FA00] =	vst v63  }
0x370: {  	s25 =	simm.s32 $0x17310;
	s26 =	sadd.s32 $0x20, s1  }
0x371: {  	[hbm4b:s26+s2] =	stream.linear.scatter [tilespmem:s25], [sflag:$0x5], $0x80, $0x38;
	[tilespmem:$0x1FA00] =	vst v63  }
0x372: {  	s5 =	simm.s32 $0x17398;
	s9 =	sadd.s32 $0x30, s1  }
0x373: {  	[hbm4b:s9+s2] =	stream.linear.scatter [tilespmem:s5], [sflag:$0x5], $0x80, $0x38;
	[tilespmem:$0x1FA00] =	vst v63  }
0x374: {  	s25 =	simm.s32 $0x17420;
	s26 =	sadd.s32 $0x40, s1  }
0x375: {  	[hbm4b:s26+s2] =	stream.linear.scatter [tilespmem:s25], [sflag:$0x5], $0x80, $0x38;
	[tilespmem:$0x1FA00] =	vst v63  }
0x376: {  	s0 =	simm.s32 $0x440;
	s5 =	simm.s32 $0x174A8;
	s9 =	sadd.s32 $0x50, s1  }
0x377: {  	[hbm4b:s9+s2] =	stream.linear.scatter [tilespmem:s5], [sflag:$0x5], $0x80, $0x38;
	[tilespmem:$0x1FA00] =	vst v63  }
0x378: {  	s4 =	sadd.s32 $0x4000, s1;
	s25 =	simm.s32 $0x17530;
	s26 =	sadd.s32 $0x60, s1  }
0x379: {  	[hbm4b:s26+s2] =	stream.linear.scatter [tilespmem:s25], [sflag:$0x5], $0x80, $0x38;
	[tilespmem:$0x1FA00] =	vst v63  }
0x37a: {  	s5 =	simm.s32 $0x2200;
	s25 =	simm.s32 $0x175B8;
	s26 =	sadd.s32 $0x70, s1  }
.LBB2_37:
0x37b: {  	[hbm4b:s26+s2] =	stream.linear.scatter [tilespmem:s25], [sflag:$0x5], $0x80, $0x38;
	[tilespmem:$0x1FA00] =	vst v63  }
0x37c: {  	s1 =	smov.u32 s0;
	s0 =	smov.u32 s5  }
0x37d: {  	s9 =	sadd.s32 $0x1100, s5;
	s0 =	sshra.s32 s0, $0x2;
	s25 =	sadd.s32 $0x17200, s1  }
0x37e: {  	[hbm4b:s4+s2] =	stream.linear.scatter [tilespmem:s25], [sflag:$0x5], $0x80, $0x38;
	[tilespmem:$0x1FA00] =	vst v63  }
0x37f: {  	p1 =	sne.s32 s5, $0xFF00;
	s5 =	sadd.s32 $0x17288, s1;
	s25 =	sadd.s32 $0x10, s4  }
0x380: {  	[hbm4b:s25+s2] =	stream.linear.scatter [tilespmem:s5], [sflag:$0x5], $0x80, $0x38;
	[tilespmem:$0x1FA00] =	vst v63  }
0x381: {  	s5 =	sadd.s32 $0x17310, s1;
	s25 =	sadd.s32 $0x20, s4  }
0x382: {  	[hbm4b:s25+s2] =	stream.linear.scatter [tilespmem:s5], [sflag:$0x5], $0x80, $0x38;
	[tilespmem:$0x1FA00] =	vst v63  }
0x383: {  	s5 =	sadd.s32 $0x17398, s1;
	s25 =	sadd.s32 $0x30, s4  }
0x384: {  	[hbm4b:s25+s2] =	stream.linear.scatter [tilespmem:s5], [sflag:$0x5], $0x80, $0x38;
	[tilespmem:$0x1FA00] =	vst v63  }
0x385: {  	s5 =	sadd.s32 $0x17420, s1;
	s25 =	sadd.s32 $0x40, s4  }
0x386: {  	[hbm4b:s25+s2] =	stream.linear.scatter [tilespmem:s5], [sflag:$0x5], $0x80, $0x38;
	[tilespmem:$0x1FA00] =	vst v63  }
.Ltmp25:
0x387: {  	s5 =	sadd.s32 $0x174A8, s1;
	s25 =	sadd.s32 $0x50, s4;
	(pc) =	sbr.rel @p1 .LBB2_37-.Ltmp25, $4  }
0x388: {  	[hbm4b:s25+s2] =	stream.linear.scatter [tilespmem:s5], [sflag:$0x5], $0x80, $0x38;
	[tilespmem:$0x1FA00] =	vst v63  }
0x389: {  	s26 =	sadd.s32 $0x70, s4;
	s5 =	sadd.s32 $0x17530, s1;
	s25 =	sadd.s32 $0x60, s4  }
0x38a: {  	[hbm4b:s25+s2] =	stream.linear.scatter [tilespmem:s5], [sflag:$0x5], $0x80, $0x38;
	[tilespmem:$0x1FA00] =	vst v63  }
0x38b: {  	s4 =	sadd.s32 $0x4000, s4;
	s25 =	sadd.s32 $0x175B8, s1;
	s5 =	smov.u32 s9  }
0x38c: {  	[hbm4b:s26+s2] =	stream.linear.scatter [tilespmem:s25], [sflag:$0x5], $0x80, $0x38;
	[tilespmem:$0x1FA00] =	vst v63  }
0x38d: {  	s1 =	sadd.s32 $0x17200, s0  }
0x38e: {  	[hbm4b:s4+s2] =	stream.linear.scatter [tilespmem:s1], [sflag:$0x5], $0x80, $0x38;
	[tilespmem:$0x1FA00] =	vst v63  }
0x38f: {  	s26 =	sadd.s32 $0x17288, s0;
	s5 =	sadd.s32 $0x10, s4  }
0x390: {  	[hbm4b:s5+s2] =	stream.linear.scatter [tilespmem:s26], [sflag:$0x5], $0x80, $0x38;
	[tilespmem:$0x1FA00] =	vst v63  }
0x391: {  	s9 =	sadd.s32 $0x20, s4;
	s5 =	sadd.s32 $0x17310, s0  }
0x392: {  	[hbm4b:s9+s2] =	stream.linear.scatter [tilespmem:s5], [sflag:$0x5], $0x80, $0x38;
	[tilespmem:$0x1FA00] =	vst v63  }
0x393: {  	s25 =	sadd.s32 $0x17398, s0;
	s26 =	sadd.s32 $0x30, s4  }
0x394: {  	[hbm4b:s26+s2] =	stream.linear.scatter [tilespmem:s25], [sflag:$0x5], $0x80, $0x38;
	[tilespmem:$0x1FA00] =	vst v63  }
0x395: {  	s5 =	sadd.s32 $0x17420, s0;
	s9 =	sadd.s32 $0x40, s4  }
0x396: {  	[hbm4b:s9+s2] =	stream.linear.scatter [tilespmem:s5], [sflag:$0x5], $0x80, $0x38;
	[tilespmem:$0x1FA00] =	vst v63  }
0x397: {  	s25 =	sadd.s32 $0x174A8, s0;
	s26 =	sadd.s32 $0x50, s4  }
0x398: {  	[hbm4b:s26+s2] =	stream.linear.scatter [tilespmem:s25], [sflag:$0x5], $0x80, $0x38;
	[tilespmem:$0x1FA00] =	vst v63  }
.Ltmp26:
0x399: {  	_ = 	snop;
	(pc) =	sbr.rel @p0 .LBB2_54-.Ltmp26, $4  }
0x39a: {  	s5 =	sadd.s32 $0x17530, s0;
	s9 =	sadd.s32 $0x60, s4  }
0x39b: {  	[hbm4b:s9+s2] =	stream.linear.scatter [tilespmem:s5], [sflag:$0x5], $0x80, $0x38;
	[tilespmem:$0x1FA00] =	vst v63  }
0x39c: {  	s25 =	sadd.s32 $0x175B8, s0;
	s26 =	sadd.s32 $0x70, s4  }
0x39d: {  	[hbm4b:s26+s2] =	stream.linear.scatter [tilespmem:s25], [sflag:$0x5], $0x80, $0x38;
	[tilespmem:$0x1FA00] =	vst v63  }
0x39e: {  	s0 =	sadd.s32 $0x4, s24  }
0x39f: {  	s4 =	smulhi.u32 $0x51EB851F, s0;
	_ =	sdelay $0x1  }
0x3a0: {  	s1 =	sshrl.u32 s4, $0x4  }
0x3a1: {  	s1 =	smul.u32 $0x32, s1;
	_ =	sdelay $0x1  }
0x3a2: {  	s0 =	ssub.s32 s0, s1  }
0x3a3: {  	_ =	swait.ge [sflag:s11], $0x4000;
	p0 =	sne.s32 s0, $0x0  }
.Ltmp27:
0x3a4: {  	[sflag:s11] =	ssyncset.done $0x0;
	(pc) =	sbr.rel @p0 .LBB2_43-.Ltmp27, $4  }
0x3a5: {  	[sflag:s11] =	ssyncadd.s32 $0xFFFFC000  }
0x3a6: {  	_ =	swait.ge [sflag:s8], $0x4000  }
0x3a7: {  	[sflag:s8] =	ssyncset.done $0x0  }
0x3a8: {  	[sflag:s8] =	ssyncadd.s32 $0xFFFFC000  }
0x3a9: {  	s1 =	sshll.u32 s4, $0x3  }
0x3aa: {  	s25 =	rddreg [dreg:$0x4];
	s1 =	sand.u32 $0xFFFFFF80, s1  }
0x3ab: {  	s1 =	sadd.s32 s25, s1  }
0x3ac: {  	s1 =	smul.u32 $0x19, s1  }
0x3ad: {  	s26 =	rddreg [dreg:$0x3]  }
0x3ae: {  	s5 =	simm.s32 $0x0;
	s4 =	sadd.s32 s26, s1  }
0x3af: {  	s24 =	simm.s32 $0x19;
	s25 =	simm.s32 $0xD0;
	s1 =	sadd.s32 $0x0, s4  }
.LBB2_41:
0x3b0: {  	[tilespmem:s5], [sflag:$0x7] =	stream.linear.gather [hbm4b:s1+s2], $0xC8, $0x38;
	[tilespmem:$0x1FA00] =	vst v63  }
0x3b1: {  	s1 =	smov.u32 s24;
	s5 =	smov.u32 s25;
	p0 =	sne.s32 s24, $0xC67  }
.Ltmp28:
0x3b2: {  	s24 =	sadd.s32 $0x19, s24;
	(pc) =	sbr.rel @p0 .LBB2_41-.Ltmp28, $2  }
0x3b3: {  	_ =	sdelay $0x2  }
0x3b4: {  	s25 =	sadd.s32 $0xD0, s25;
	s1 =	sadd.s32 s1, s4  }
0x3b5: {  	[tilespmem:s5], [sflag:$0x7] =	stream.linear.gather [hbm4b:s1+s2], $0xC8, $0x38;
	[tilespmem:$0x1FA00] =	vst v63  }
0x3b6: {  	s26 =	simm.s32 $0x7  }
0x3b7: {  	_ =	swait.ge [sflag:s26], $0x6400  }
0x3b8: {  	[sflag:s26] =	ssyncset.done $0x0  }
0x3b9: {  	[sflag:s26] =	ssyncadd.s32 $0xFFFF9C00  }
.LBB2_43:
0x3ba: {  	s4 =	sshll.u32 s0, $0x2  }
0x3bb: {  	v27 =	vmov s4  }
0x3bc: {  	v27 =	vand.u32 $0xFC, v27  }
0x3bd: {  	v28 =	vadd.s32 v1, v27  }
0x3be: {  	v29 =	vadd.s32 v2, v27  }
0x3bf: {  	v30 =	vadd.s32 v3, v27  }
0x3c0: {  	v31 =	vadd.s32 v4, v27  }
0x3c1: {  	s0 =	simm.s32 $0x0;
	v32 =	vadd.s32 v5, v27  }
0x3c2: {  	v33 =	vadd.s32 v6, v27;
	v28 =	vld.idx.msk [tilespmem:v28+s0+$0x0], $0xffff  }
0x3c3: {  	v34 =	vadd.s32 v7, v27;
	v29 =	vld.idx.msk [tilespmem:v29+s0+$0x0], $0xffff  }
0x3c4: {  	v27 =	vadd.s32 v8, v27;
	v30 =	vld.idx.msk [tilespmem:v30+s0+$0x0], $0xffff  }
0x3c5: {  	v31 =	vld.idx.msk [tilespmem:v31+s0+$0x0], $0xffff  }
0x3c6: {  	v32 =	vld.idx.msk [tilespmem:v32+s0+$0x0], $0xffff  }
0x3c7: {  	s1 =	sor.u32 $0x1, s4;
	[tilespmem:$0x6A00] =	vst v28;
	v28 =	vld.idx.msk [tilespmem:v33+s0+$0x0], $0xffff  }
0x3c8: {  	v36 =	vmov s1;
	[tilespmem:$0x6A10] =	vst v29;
	v29 =	vld.idx.msk [tilespmem:v34+s0+$0x0], $0xffff  }
0x3c9: {  	v27 =	vld.idx.msk [tilespmem:v27+s0+$0x0], $0xffff;
	[tilespmem:$0x6A20] =	vst v30;
	v30 =	vand.u32 $0xFD, v36  }
0x3ca: {  	[tilespmem:$0x6A30] =	vst v31;
	v31 =	vadd.s32 v1, v30  }
0x3cb: {  	[tilespmem:$0x6A40] =	vst v32;
	v37 =	vadd.s32 v2, v30  }
0x3cc: {  	[tilespmem:$0x6A50] =	vst v28;
	v28 =	vadd.s32 v3, v30  }
0x3cd: {  	[tilespmem:$0x6A60] =	vst v29;
	v29 =	vadd.s32 v4, v30  }
0x3ce: {  	[tilespmem:$0x6A70] =	vst v27;
	v27 =	vadd.s32 v5, v30  }
0x3cf: {  	v33 =	vadd.s32 v6, v30;
	v31 =	vld.idx.msk [tilespmem:v31+s0+$0x0], $0xffff  }
0x3d0: {  	v38 =	vadd.s32 v7, v30;
	v32 =	vld.idx.msk [tilespmem:v37+s0+$0x0], $0xffff  }
0x3d1: {  	v30 =	vadd.s32 v8, v30;
	v28 =	vld.idx.msk [tilespmem:v28+s0+$0x0], $0xffff  }
0x3d2: {  	v29 =	vld.idx.msk [tilespmem:v29+s0+$0x0], $0xffff  }
0x3d3: {  	v27 =	vld.idx.msk [tilespmem:v27+s0+$0x0], $0xffff  }
0x3d4: {  	s25 =	sor.u32 $0x2, s4;
	[tilespmem:$0x6A80] =	vst v31;
	v31 =	vld.idx.msk [tilespmem:v33+s0+$0x0], $0xffff  }
0x3d5: {  	v40 =	vmov s25;
	v39 =	vld.idx.msk [tilespmem:v38+s0+$0x0], $0xffff;
	[tilespmem:$0x6A90] =	vst v32  }
0x3d6: {  	[tilespmem:$0x6AA0] =	vst v28;
	v28 =	vld.idx.msk [tilespmem:v30+s0+$0x0], $0xffff;
	v30 =	vand.u32 $0xFE, v40  }
0x3d7: {  	[tilespmem:$0x6AB0] =	vst v29;
	v29 =	vadd.s32 v1, v30  }
0x3d8: {  	[tilespmem:$0x6AC0] =	vst v27;
	v27 =	vadd.s32 v2, v30  }
0x3d9: {  	[tilespmem:$0x6AD0] =	vst v31;
	v31 =	vadd.s32 v3, v30  }
0x3da: {  	[tilespmem:$0x6AE0] =	vst v39;
	v41 =	vadd.s32 v4, v30  }
0x3db: {  	[tilespmem:$0x6AF0] =	vst v28;
	v28 =	vadd.s32 v5, v30  }
0x3dc: {  	v33 =	vadd.s32 v6, v30;
	v29 =	vld.idx.msk [tilespmem:v29+s0+$0x0], $0xffff  }
0x3dd: {  	v42 =	vadd.s32 v7, v30;
	v30 =	vadd.s32 v8, v30;
	v27 =	vld.idx.msk [tilespmem:v27+s0+$0x0], $0xffff  }
0x3de: {  	v31 =	vld.idx.msk [tilespmem:v31+s0+$0x0], $0xffff  }
0x3df: {  	v32 =	vld.idx.msk [tilespmem:v41+s0+$0x0], $0xffff  }
0x3e0: {  	v28 =	vld.idx.msk [tilespmem:v28+s0+$0x0], $0xffff  }
0x3e1: {  	s26 =	sor.u32 $0x3, s4;
	[tilespmem:$0x6B00] =	vst v29;
	v29 =	vld.idx.msk [tilespmem:v33+s0+$0x0], $0xffff  }
0x3e2: {  	v43 =	vmov s26;
	v30 =	vld.idx.msk [tilespmem:v30+s0+$0x0], $0xffff;
	[tilespmem:$0x6B10] =	vst v27  }
0x3e3: {  	v27 =	vld.idx.msk [tilespmem:v42+s0+$0x0], $0xffff;
	[tilespmem:$0x6B20] =	vst v31;
	v31 =	vand.u32 $0xFF, v43  }
0x3e4: {  	[tilespmem:$0x6B30] =	vst v32;
	v44 =	vadd.s32 v1, v31  }
0x3e5: {  	[tilespmem:$0x6B40] =	vst v28;
	v28 =	vadd.s32 v2, v31  }
0x3e6: {  	[tilespmem:$0x6B50] =	vst v29;
	v29 =	vadd.s32 v3, v31  }
0x3e7: {  	v33 =	vadd.s32 v6, v31;
	[tilespmem:$0x6B70] =	vst v30  }
0x3e8: {  	v30 =	vadd.s32 v5, v31;
	[tilespmem:$0x6B60] =	vst v27  }
0x3e9: {  	v27 =	vadd.s32 v4, v31;
	v32 =	vld.idx.msk [tilespmem:v44+s0+$0x0], $0xffff  }
0x3ea: {  	v45 =	vadd.s32 v7, v31;
	v28 =	vld.idx.msk [tilespmem:v28+s0+$0x0], $0xffff  }
0x3eb: {  	v31 =	vadd.s32 v8, v31;
	v29 =	vld.idx.msk [tilespmem:v29+s0+$0x0], $0xffff  }
0x3ec: {  	v46 =	vld.idx.msk [tilespmem:v33+s0+$0x0], $0xffff  }
0x3ed: {  	v30 =	vld.idx.msk [tilespmem:v30+s0+$0x0], $0xffff  }
0x3ee: {  	v27 =	vld.idx.msk [tilespmem:v27+s0+$0x0], $0xffff;
	[tilespmem:$0x6B80] =	vst v32  }
0x3ef: {  	[tilespmem:$0x6B90] =	vst v28;
	v28 =	vld.idx.msk [tilespmem:v45+s0+$0x0], $0xffff  }
0x3f0: {  	[tilespmem:$0x6BA0] =	vst v29;
	v29 =	vld.idx.msk [tilespmem:v31+s0+$0x0], $0xffff  }
0x3f1: {  	[tilespmem:$0x6BD0] =	vst v46  }
0x3f2: {  	[tilespmem:$0x6BC0] =	vst v30  }
0x3f3: {  	[tilespmem:$0x6BB0] =	vst v27  }
0x3f4: {  	[tilespmem:$0x6BE0] =	vst v28  }
0x3f5: {  	s5 =	simm.s32 $0xAE00;
	s4 =	simm.s32 $0x6A00;
	[tilespmem:$0x6BF0] =	vst v29  }
0x3f6: {  	[tilespmem:s5], [sflag:$0x2] =	stream.indirect.gather [hbm4b:s3+s10], $0x20, s4, s10, $0xb8;
	[tilespmem:$0x1FA00] =	vst v63  }
0x3f7: {  	s9 =	simm.s32 $0x6A80;
	s24 =	simm.s32 $0xBE00  }
0x3f8: {  	[tilespmem:s24], [sflag:$0x2] =	stream.indirect.gather [hbm4b:s3+s10], $0x20, s9, s10, $0xb8;
	[tilespmem:$0x1FA00] =	vst v63  }
0x3f9: {  	s25 =	simm.s32 $0x6B00;
	s26 =	simm.s32 $0xCE00;
	s1 =	simm.s32 $0x4  }
0x3fa: {  	v27 =	vmov s0;
	[tilespmem:s26], [sflag:$0x2] =	stream.indirect.gather [hbm4b:s3+s10], $0x20, s25, s10, $0xb8;
	[tilespmem:$0x1FA00] =	vst v63  }
0x3fb: {  	v47 =	vmov s1;
	v27 =	vshrl.u32 v27, $0x3;
	s4 =	simm.s32 $0x6B80;
	s5 =	simm.s32 $0xDE00;
	s24 =	simm.s32 $0x7  }
0x3fc: {  	v32 =	vshrl.u32 v47, $0x3;
	v27 =	vshll.u32 v27, v63;
	v29 =	vmov s24;
	[tilespmem:s5], [sflag:$0x2] =	stream.indirect.gather [hbm4b:s3+s10], $0x20, s4, s10, $0xb8;
	[tilespmem:$0x1FA00] =	vst v63  }
0x3fd: {  	v32 =	vshll.u32 v32, v63;
	v27 =	vbroadcast v27, $0x0;
	v29 =	vshrl.u32 v29, $0x3;
	s4 =	simm.s32 $0xEEF0  }
0x3fe: {  	v32 =	vbroadcast v32, $0x0;
	s9 =	simm.s32 $0x1;
	v29 =	vshll.u32 v29, v63;
	v35 =	vld [tilespmem:s4+$0xFFFFFFF0]  }
0x3ff: {  	v40 =	vadd.s32 v11, v27;
	v28 =	vmov s9;
	s9 =	simm.s32 $0x6;
	v29 =	vbroadcast v29, $0x0;
	v36 =	vld [tilespmem:s4+$0x0]  }
0x400: {  	v27 =	vadd.s32 v12, v27;
	s25 =	simm.s32 $0x2;
	s26 =	simm.s32 $0x3;
	v49 =	vmov s9;
	v28 =	vshrl.u32 v28, $0x3;
	v37 =	vld [tilespmem:s4+$0xFFFFFF10]  }
0x401: {  	v30 =	vmov s25;
	v31 =	vmov s26;
	v39 =	vld [tilespmem:s4+$0xFFFFFF20];
	v38 =	vadd.s32 v14, v29  }
0x402: {  	v28 =	vshll.u32 v28, v63;
	s5 =	simm.s32 $0x5;
	v30 =	vshrl.u32 v30, $0x3;
	v31 =	vshrl.u32 v31, $0x3;
	v41 =	vld [tilespmem:s4+$0xFFFFFF30]  }
0x403: {  	v28 =	vbroadcast v28, $0x0;
	v48 =	vmov s5;
	v42 =	vld [tilespmem:s4+$0xFFFFFF40];
	v29 =	vadd.s32 v16, v29  }
0x404: {  	v30 =	vshll.u32 v30, v63;
	v44 =	vld [tilespmem:s4+$0xFFFFFF50];
	v31 =	vshll.u32 v31, v63;
	v35 =	vmul.f32 $5.656854150e+00, v35  }
0x405: {  	v45 =	vld [tilespmem:s4+$0xFFFFFF60];
	v43 =	vadd.s32 v13, v28;
	v30 =	vbroadcast v30, $0x0;
	v37 =	vmul.f32 $5.656854150e+00, v37  }
0x406: {  	v46 =	vld [tilespmem:s4+$0xFFFFFF70];
	v33 =	vshrl.u32 v48, $0x3;
	v28 =	vadd.s32 v15, v28;
	v36 =	vmul.f32 $5.656854150e+00, v36;
	[tilespmem:v38+s12+$0x0] =	vst.idx.msk $0xffff, v35  }
0x407: {  	v31 =	vbroadcast v31, $0x0;
	v48 =	vld [tilespmem:s4+$0xFFFFFF90];
	v50 =	vmul.f32 $5.656854150e+00, v39;
	v38 =	vadd.s32 v17, v30;
	[tilespmem:v40+s12+$0x0] =	vst.idx.msk $0xffff, v37  }
0x408: {  	v34 =	vshrl.u32 v49, $0x3;
	v47 =	vld [tilespmem:s4+$0xFFFFFF80];
	v30 =	vadd.s32 v18, v30;
	[tilespmem:v29+s12+$0x0] =	vst.idx.msk $0xffff, v36;
	v29 =	vmul.f32 $5.656854150e+00, v41  }
0x409: {  	v34 =	vshll.u32 v34, v63;
	v35 =	vadd.s32 v19, v31;
	[tilespmem:v27+s12+$0x0] =	vst.idx.msk $0xffff, v50;
	v27 =	vmul.f32 $5.656854150e+00, v42  }
0x40a: {  	v49 =	vld [tilespmem:s4+$0xFFFFFFA0];
	v33 =	vshll.u32 v33, v63;
	v41 =	vadd.s32 v21, v32;
	[tilespmem:v43+s12+$0x0] =	vst.idx.msk $0xffff, v29;
	v29 =	vmul.f32 $5.656854150e+00, v44  }
0x40b: {  	v31 =	vadd.s32 v20, v31;
	v50 =	vld [tilespmem:s4+$0xFFFFFFB0];
	[tilespmem:v28+s12+$0x0] =	vst.idx.msk $0xffff, v27;
	v27 =	vmul.f32 $5.656854150e+00, v45;
	v28 =	vbroadcast v33, $0x0  }
0x40c: {  	v48 =	vmul.f32 $5.656854150e+00, v48;
	v32 =	vadd.s32 v22, v32;
	v45 =	vld [tilespmem:s4+$0xFFFFFFC0];
	[tilespmem:v38+s12+$0x0] =	vst.idx.msk $0xffff, v29;
	v29 =	vmul.f32 $5.656854150e+00, v46  }
0x40d: {  	[tilespmem:v30+s12+$0x0] =	vst.idx.msk $0xffff, v27;
	v27 =	vmul.f32 $5.656854150e+00, v47;
	v46 =	vadd.s32 v23, v28;
	v47 =	vld [tilespmem:s4+$0xFFFFFFD0];
	v30 =	vbroadcast v34, $0x0  }
0x40e: {  	[tilespmem:v35+s12+$0x0] =	vst.idx.msk $0xffff, v29;
	v29 =	vadd.s32 v24, v28;
	v35 =	vld [tilespmem:s4+$0xFFFFFFE0]  }
0x40f: {  	s26 =	simm.s32 $0xF;
	v49 =	vmul.f32 $5.656854150e+00, v49;
	[tilespmem:v41+s12+$0x0] =	vst.idx.msk $0xffff, v48;
	v28 =	vadd.s32 v25, v30  }
0x410: {  	s25 =	simm.s32 $0xA;
	s5 =	simm.s32 $0x8;
	v36 =	vmov s26;
	v50 =	vmul.f32 $5.656854150e+00, v50;
	[tilespmem:v31+s12+$0x0] =	vst.idx.msk $0xffff, v27;
	v27 =	vadd.s32 v26, v30  }
0x411: {  	s24 =	simm.s32 $0x9;
	[tilespmem:v32+s12+$0x0] =	vst.idx.msk $0xffff, v49;
	v32 =	vmov s25;
	v31 =	vmov s5;
	v33 =	vmul.f32 $5.656854150e+00, v45  }
0x412: {  	s0 =	simm.s32 $0x10;
	v30 =	vmov s24;
	s24 =	simm.s32 $0xB;
	v31 =	vshrl.u32 v31, $0x3;
	[tilespmem:v46+s12+$0x0] =	vst.idx.msk $0xffff, v50;
	v34 =	vmul.f32 $5.656854150e+00, v47  }
.LBB2_44:
0x413: {  	p0 =	slt.u32 s0, $0x78;
	v37 =	vmov s24;
	s1 =	sadd.s32 $0x4, s5;
	s9 =	sadd.s32 $0x5, s5;
	v36 =	vshrl.u32 v36, $0x3;
	[tilespmem:v29+s12+$0x0] =	vst.idx.msk $0xffff, v33;
	v29 =	vmul.f32 $5.656854150e+00, v35  }
0x414: {  	s4 =	sadd.s32 $0x100, s4;
	v33 =	vmov s1;
	v35 =	vmov s9;
	s1 =	sadd.s32 $0x6, s5;
	v36 =	vshll.u32 v36, v63;
	[tilespmem:v28+s12+$0x0] =	vst.idx.msk $0xffff, v34;
	s5 =	smov.u32 s0  }
0x415: {  	v28 =	vshll.u32 v31, v63;
	v31 =	vmov s1;
	v34 =	vld [tilespmem:s4+$0xFFFFFFF0];
	v36 =	vbroadcast v36, $0x0;
	[tilespmem:v27+s12+$0x0] =	vst.idx.msk $0xffff, v29  }
0x416: {  	v27 =	vshrl.u32 v30, $0x3;
	v29 =	vshrl.u32 v32, $0x3;
	v30 =	vshrl.u32 v37, $0x3;
	v32 =	vld [tilespmem:s4+$0x0]  }
0x417: {  	v28 =	vbroadcast v28, $0x0;
	v33 =	vshrl.u32 v33, $0x3;
	v37 =	vld [tilespmem:s4+$0xFFFFFF10];
	v38 =	vadd.s32 v14, v36  }
0x418: {  	v35 =	vshrl.u32 v35, $0x3;
	v27 =	vshll.u32 v27, v63;
	v36 =	vadd.s32 v16, v36;
	v39 =	vld [tilespmem:s4+$0xFFFFFF20]  }
0x419: {  	v31 =	vshrl.u32 v31, $0x3;
	v40 =	vadd.s32 v11, v28;
	v27 =	vbroadcast v27, $0x0;
	v41 =	vld [tilespmem:s4+$0xFFFFFF30]  }
0x41a: {  	v29 =	vshll.u32 v29, v63;
	v28 =	vadd.s32 v12, v28;
	v42 =	vld [tilespmem:s4+$0xFFFFFF40];
	v34 =	vmul.f32 $5.656854150e+00, v34  }
0x41b: {  	v29 =	vbroadcast v29, $0x0;
	v43 =	vadd.s32 v13, v27;
	v44 =	vld [tilespmem:s4+$0xFFFFFF50];
	v32 =	vmul.f32 $5.656854150e+00, v32  }
0x41c: {  	v30 =	vshll.u32 v30, v63;
	v27 =	vadd.s32 v15, v27;
	v37 =	vmul.f32 $5.656854150e+00, v37;
	v45 =	vld [tilespmem:s4+$0xFFFFFF60];
	[tilespmem:v38+s12+$0x0] =	vst.idx.msk $0xffff, v34  }
0x41d: {  	v30 =	vbroadcast v30, $0x0;
	v38 =	vadd.s32 v17, v29;
	v34 =	vmul.f32 $5.656854150e+00, v39;
	v39 =	vld [tilespmem:s4+$0xFFFFFF70];
	[tilespmem:v36+s12+$0x0] =	vst.idx.msk $0xffff, v32  }
0x41e: {  	v33 =	vshll.u32 v33, v63;
	v29 =	vadd.s32 v18, v29;
	[tilespmem:v40+s12+$0x0] =	vst.idx.msk $0xffff, v37;
	v32 =	vmul.f32 $5.656854150e+00, v41;
	v36 =	vld [tilespmem:s4+$0xFFFFFF80]  }
0x41f: {  	v33 =	vbroadcast v33, $0x0;
	[tilespmem:v28+s12+$0x0] =	vst.idx.msk $0xffff, v34;
	v28 =	vmul.f32 $5.656854150e+00, v42;
	v34 =	vadd.s32 v19, v30;
	v37 =	vld [tilespmem:s4+$0xFFFFFF90]  }
0x420: {  	v35 =	vshll.u32 v35, v63;
	v30 =	vadd.s32 v20, v30;
	[tilespmem:v43+s12+$0x0] =	vst.idx.msk $0xffff, v32;
	v32 =	vmul.f32 $5.656854150e+00, v44;
	v40 =	vld [tilespmem:s4+$0xFFFFFFA0]  }
0x421: {  	v41 =	vadd.s32 v21, v33;
	[tilespmem:v27+s12+$0x0] =	vst.idx.msk $0xffff, v28;
	v27 =	vmul.f32 $5.656854150e+00, v45;
	v42 =	vld [tilespmem:s4+$0xFFFFFFB0];
	v28 =	vbroadcast v35, $0x0  }
0x422: {  	v31 =	vshll.u32 v31, v63;
	v33 =	vadd.s32 v22, v33;
	[tilespmem:v38+s12+$0x0] =	vst.idx.msk $0xffff, v32;
	v32 =	vmul.f32 $5.656854150e+00, v39;
	v38 =	vld [tilespmem:s4+$0xFFFFFFC0]  }
0x423: {  	v31 =	vbroadcast v31, $0x0;
	[tilespmem:v29+s12+$0x0] =	vst.idx.msk $0xffff, v27;
	v27 =	vmul.f32 $5.656854150e+00, v36;
	v39 =	vadd.s32 v23, v28;
	v43 =	vld [tilespmem:s4+$0xFFFFFFD0]  }
.Ltmp29:
0x424: {  	v29 =	vadd.s32 v24, v28;
	[tilespmem:v34+s12+$0x0] =	vst.idx.msk $0xffff, v32;
	v32 =	vmul.f32 $5.656854150e+00, v37;
	v35 =	vld [tilespmem:s4+$0xFFFFFFE0];
	(pc) =	sbr.rel @p0 .LBB2_44-.Ltmp29, $4  }
0x425: {  	v28 =	vadd.s32 v25, v31;
	[tilespmem:v30+s12+$0x0] =	vst.idx.msk $0xffff, v27;
	v34 =	vmul.f32 $5.656854150e+00, v40  }
0x426: {  	s1 =	sadd.s32 $0x1, s0;
	v30 =	vmov s0;
	v27 =	vadd.s32 v26, v31;
	[tilespmem:v41+s12+$0x0] =	vst.idx.msk $0xffff, v32;
	v37 =	vmul.f32 $5.656854150e+00, v42  }
0x427: {  	s9 =	sadd.s32 $0x7, s0;
	v31 =	vshrl.u32 v30, $0x3;
	v30 =	vmov s1;
	s1 =	sadd.s32 $0x2, s0;
	[tilespmem:v33+s12+$0x0] =	vst.idx.msk $0xffff, v34;
	v33 =	vmul.f32 $5.656854150e+00, v38  }
0x428: {  	s24 =	sadd.s32 $0x3, s5;
	v36 =	vmov s9;
	s0 =	sadd.s32 $0x8, s0;
	v32 =	vmov s1;
	[tilespmem:v39+s12+$0x0] =	vst.idx.msk $0xffff, v37;
	v34 =	vmul.f32 $5.656854150e+00, v43  }
0x429: {  	v37 =	vmov s24;
	v36 =	vshrl.u32 v36, $0x3;
	v35 =	vmul.f32 $5.656854150e+00, v35  }
0x42a: {  	s0 =	sadd.s32 $0x4, s5;
	s26 =	sadd.s32 $0x100, s4;
	v31 =	vshll.u32 v31, v63;
	v30 =	vshrl.u32 v30, $0x3;
	v32 =	vshrl.u32 v32, $0x3  }
0x42b: {  	s1 =	sadd.s32 $0x5, s5;
	s25 =	sadd.s32 $0x6, s5;
	v38 =	vmov s0;
	v36 =	vshll.u32 v36, v63;
	v43 =	vld [tilespmem:s26+$0xFFFFFF10];
	v31 =	vbroadcast v31, $0x0  }
0x42c: {  	v39 =	vmov s1;
	v40 =	vmov s25;
	v41 =	vld [tilespmem:s26+$0xFFFFFFF0];
	v36 =	vbroadcast v36, $0x0  }
0x42d: {  	[tilespmem:v29+s12+$0x0] =	vst.idx.msk $0xffff, v33;
	v37 =	vshrl.u32 v37, $0x3;
	v42 =	vld [tilespmem:s26+$0x0];
	v30 =	vshll.u32 v30, v63;
	v29 =	vadd.s32 v11, v31  }
0x42e: {  	v45 =	vld [tilespmem:s26+$0xFFFFFF20];
	v32 =	vshll.u32 v32, v63;
	v38 =	vshrl.u32 v38, $0x3;
	v44 =	vadd.s32 v14, v36  }
0x42f: {  	v33 =	vld [tilespmem:s26+$0xFFFFFF30];
	v39 =	vshrl.u32 v39, $0x3;
	v30 =	vbroadcast v30, $0x0;
	v36 =	vadd.s32 v16, v36  }
0x430: {  	[tilespmem:v28+s12+$0x0] =	vst.idx.msk $0xffff, v34;
	v40 =	vshrl.u32 v40, $0x3;
	v28 =	vadd.s32 v12, v31;
	v31 =	vld [tilespmem:s26+$0xFFFFFF40];
	v49 =	vmul.f32 $5.656854150e+00, v43  }
0x431: {  	[tilespmem:v27+s12+$0x0] =	vst.idx.msk $0xffff, v35;
	v35 =	vld [tilespmem:s26+$0xFFFFFF50];
	v32 =	vbroadcast v32, $0x0;
	v27 =	vadd.s32 v13, v30;
	v47 =	vmul.f32 $5.656854150e+00, v41  }
0x432: {  	v37 =	vshll.u32 v37, v63;
	v30 =	vadd.s32 v15, v30;
	v48 =	vmul.f32 $5.656854150e+00, v42;
	v43 =	vld [tilespmem:s26+$0xFFFFFF60];
	[tilespmem:v29+s12+$0x0] =	vst.idx.msk $0xffff, v49  }
0x433: {  	v37 =	vbroadcast v37, $0x0;
	v50 =	vmul.f32 $5.656854150e+00, v45;
	v45 =	vld [tilespmem:s26+$0xFFFFFF70];
	[tilespmem:v44+s12+$0x0] =	vst.idx.msk $0xffff, v47;
	v44 =	vadd.s32 v17, v32  }
0x434: {  	v29 =	vmul.f32 $5.656854150e+00, v33;
	v32 =	vadd.s32 v18, v32;
	v47 =	vld [tilespmem:s26+$0xFFFFFF80];
	[tilespmem:v36+s12+$0x0] =	vst.idx.msk $0xffff, v48;
	v48 =	vshll.u32 v38, v63  }
0x435: {  	v34 =	vld [tilespmem:s26+$0xFFFFFF90];
	[tilespmem:v28+s12+$0x0] =	vst.idx.msk $0xffff, v50;
	v28 =	vmul.f32 $5.656854150e+00, v31;
	v31 =	vadd.s32 v19, v37;
	v36 =	vbroadcast v48, $0x0  }
0x436: {  	v49 =	vshll.u32 v39, v63;
	[tilespmem:v27+s12+$0x0] =	vst.idx.msk $0xffff, v29;
	v27 =	vmul.f32 $5.656854150e+00, v35;
	v29 =	vadd.s32 v20, v37;
	v35 =	vld [tilespmem:s26+$0xFFFFFFA0]  }
0x437: {  	v50 =	vld [tilespmem:s26+$0xFFFFFFB0];
	v37 =	vbroadcast v49, $0x0;
	[tilespmem:v30+s12+$0x0] =	vst.idx.msk $0xffff, v28;
	v28 =	vmul.f32 $5.656854150e+00, v43;
	v30 =	vadd.s32 v21, v36  }
0x438: {  	v46 =	vld [tilespmem:s26+$0xFFFFFFC0];
	v40 =	vshll.u32 v40, v63;
	v36 =	vadd.s32 v22, v36;
	[tilespmem:v44+s12+$0x0] =	vst.idx.msk $0xffff, v27;
	v27 =	vmul.f32 $5.656854150e+00, v45  }
0x439: {  	v40 =	vbroadcast v40, $0x0;
	v48 =	vld [tilespmem:s26+$0xFFFFFFD0];
	[tilespmem:v32+s12+$0x0] =	vst.idx.msk $0xffff, v28;
	v28 =	vmul.f32 $5.656854150e+00, v47;
	v47 =	vadd.s32 v23, v37  }
0x43a: {  	v49 =	vld [tilespmem:s26+$0xFFFFFFE0];
	[tilespmem:v31+s12+$0x0] =	vst.idx.msk $0xffff, v27;
	v27 =	vmul.f32 $5.656854150e+00, v34;
	v31 =	vadd.s32 v24, v37  }
0x43b: {  	[tilespmem:v29+s12+$0x0] =	vst.idx.msk $0xffff, v28;
	v28 =	vmul.f32 $5.656854150e+00, v35;
	v29 =	vadd.s32 v25, v40  }
0x43c: {  	[tilespmem:v30+s12+$0x0] =	vst.idx.msk $0xffff, v27;
	v27 =	vmul.f32 $5.656854150e+00, v50;
	v30 =	vadd.s32 v26, v40  }
0x43d: {  	[tilespmem:v36+s12+$0x0] =	vst.idx.msk $0xffff, v28;
	v28 =	vmul.f32 $5.656854150e+00, v46  }
0x43e: {  	s0 =	simm.s32 $0x0;
	[tilespmem:v47+s12+$0x0] =	vst.idx.msk $0xffff, v27;
	v27 =	vmul.f32 $5.656854150e+00, v48  }
0x43f: {  	[tilespmem:v31+s12+$0x0] =	vst.idx.msk $0xffff, v28;
	v28 =	vmul.f32 $5.656854150e+00, v49;
	v31 =	vmov s0  }
0x440: {  	[tilespmem:v29+s12+$0x0] =	vst.idx.msk $0xffff, v27;
	v27 =	vshrl.u32 v31, $0x3  }
0x441: {  	s5 =	simm.s32 $0xFE00;
	[tilespmem:v30+s12+$0x0] =	vst.idx.msk $0xffff, v28;
	v27 =	vshll.u32 v27, $0x3  }
0x442: {  	v27 =	vbroadcast v27, $0x0;
	v28 =	vld [tilespmem:s5+$0xE0]  }
0x443: {  	v30 =	vld [tilespmem:s5+$0x0]  }
0x444: {  	v29 =	vld [tilespmem:s5+$0xF0];
	v31 =	vadd.s32 v14, v27  }
0x445: {  	v42 =	vld [tilespmem:s5+$0x20];
	v41 =	vadd.s32 v11, v27  }
0x446: {  	v50 =	vld [tilespmem:s5+$0x10];
	v40 =	vadd.s32 v16, v27  }
0x447: {  	v44 =	vld [tilespmem:s5+$0x30];
	v45 =	vadd.s32 v13, v27;
	v28 =	vmul.f32 $5.656854150e+00, v28  }
0x448: {  	p0 =	por $0x1, $0x1;
	v46 =	vld [tilespmem:s5+$0x40];
	v43 =	vadd.s32 v12, v27;
	v37 =	vadd.s32 v15, v27;
	v47 =	vmul.f32 $5.656854150e+00, v30  }
.Ltmp30:
0x449: {  	v38 =	vld [tilespmem:s5+$0x50];
	v36 =	vadd.s32 v17, v27;
	v35 =	vadd.s32 v18, v27;
	v29 =	vmul.f32 $5.656854150e+00, v29;
	[tilespmem:v31+s19+$0x0] =	vst.idx.msk $0xffff, v28;
	(pc) =	sbr.rel @!p0 .LBB2_47-.Ltmp30, $4  }
0x44a: {  	v39 =	vld [tilespmem:s5+$0x60];
	v34 =	vadd.s32 v19, v27;
	v32 =	vadd.s32 v20, v27;
	v42 =	vmul.f32 $5.656854150e+00, v42;
	[tilespmem:v41+s19+$0x0] =	vst.idx.msk $0xffff, v47  }
0x44b: {  	v33 =	vadd.s32 v21, v27;
	v48 =	vmul.f32 $5.656854150e+00, v50;
	v30 =	vadd.s32 v23, v27;
	[tilespmem:v40+s19+$0x0] =	vst.idx.msk $0xffff, v29;
	v40 =	vld [tilespmem:s5+$0x70]  }
0x44c: {  	v44 =	vmul.f32 $5.656854150e+00, v44;
	v31 =	vadd.s32 v22, v27;
	v28 =	vadd.s32 v25, v27;
	v41 =	vld [tilespmem:s5+$0x80];
	[tilespmem:v45+s19+$0x0] =	vst.idx.msk $0xffff, v42  }
0x44d: {  	s24 =	simm.s32 $0xFFFFFFF8;
	s4 =	simm.s32 $0x10E00;
	v42 =	vld [tilespmem:s5+$0x90];
	v29 =	vadd.s32 v24, v27;
	[tilespmem:v43+s19+$0x0] =	vst.idx.msk $0xffff, v48;
	v27 =	vadd.s32 v26, v27;
	v43 =	vmul.f32 $5.656854150e+00, v46  }
.LBB2_46:
0x44e: {  	s0 =	sadd.s32 $0x8, s0;
	[tilespmem:v37+s19+$0x0] =	vst.idx.msk $0xffff, v44;
	v37 =	vmul.f32 $5.656854150e+00, v38;
	v38 =	vld [tilespmem:s5+$0xA0]  }
0x44f: {  	v44 =	vmov s0;
	p0 =	slt.u32 s0, $0x78;
	[tilespmem:v36+s19+$0x0] =	vst.idx.msk $0xffff, v43;
	v36 =	vmul.f32 $5.656854150e+00, v39;
	v39 =	vld [tilespmem:s5+$0xB0]  }
0x450: {  	v43 =	vshrl.u32 v44, $0x3;
	[tilespmem:v35+s19+$0x0] =	vst.idx.msk $0xffff, v37;
	v35 =	vmul.f32 $5.656854150e+00, v40;
	v37 =	vld [tilespmem:s5+$0xC0]  }
0x451: {  	v40 =	vshll.u32 v43, $0x3;
	[tilespmem:v34+s19+$0x0] =	vst.idx.msk $0xffff, v36;
	v34 =	vmul.f32 $5.656854150e+00, v41;
	v36 =	vld [tilespmem:s5+$0xD0];
	s5 =	sadd.s32 $0x100, s5  }
0x452: {  	v41 =	vbroadcast v40, $0x0;
	v40 =	vld [tilespmem:s5+$0xE0];
	[tilespmem:v32+s19+$0x0] =	vst.idx.msk $0xffff, v35;
	v32 =	vmul.f32 $5.656854150e+00, v42  }
0x453: {  	v42 =	vld [tilespmem:s5+$0xF0];
	[tilespmem:v33+s19+$0x0] =	vst.idx.msk $0xffff, v34;
	v33 =	vmul.f32 $5.656854150e+00, v38  }
0x454: {  	v38 =	vld [tilespmem:s5+$0x0];
	v43 =	vadd.s32 v11, v41;
	v44 =	vadd.s32 v14, v41;
	[tilespmem:v31+s19+$0x0] =	vst.idx.msk $0xffff, v32;
	v31 =	vmul.f32 $5.656854150e+00, v39  }
0x455: {  	v45 =	vadd.s32 v12, v41;
	v46 =	vadd.s32 v16, v41;
	v39 =	vld [tilespmem:s5+$0x10];
	[tilespmem:v30+s19+$0x0] =	vst.idx.msk $0xffff, v33;
	v30 =	vmul.f32 $5.656854150e+00, v37  }
0x456: {  	v48 =	vadd.s32 v13, v41;
	v37 =	vadd.s32 v15, v41;
	v47 =	vld [tilespmem:s5+$0x20];
	[tilespmem:v29+s19+$0x0] =	vst.idx.msk $0xffff, v31;
	v29 =	vmul.f32 $5.656854150e+00, v36  }
0x457: {  	v35 =	vadd.s32 v18, v41;
	v36 =	vadd.s32 v17, v41;
	v49 =	vld [tilespmem:s5+$0x30];
	v40 =	vmul.f32 $5.656854150e+00, v40;
	[tilespmem:v28+s19+$0x0] =	vst.idx.msk $0xffff, v30  }
0x458: {  	v34 =	vadd.s32 v19, v41;
	v32 =	vadd.s32 v20, v41;
	v50 =	vld [tilespmem:s5+$0x40];
	v28 =	vmul.f32 $5.656854150e+00, v42;
	[tilespmem:v27+s19+$0x0] =	vst.idx.msk $0xffff, v29  }
.Ltmp31:
0x459: {  	v33 =	vadd.s32 v21, v41;
	v31 =	vadd.s32 v22, v41;
	v27 =	vmul.f32 $5.656854150e+00, v38;
	v38 =	vld [tilespmem:s5+$0x50];
	[tilespmem:v44+s19+$0x0] =	vst.idx.msk $0xffff, v40;
	(pc) =	sbr.rel @p0 .LBB2_46-.Ltmp31, $4  }
0x45a: {  	v30 =	vadd.s32 v23, v41;
	v29 =	vadd.s32 v24, v41;
	v42 =	vmul.f32 $5.656854150e+00, v39;
	v39 =	vld [tilespmem:s5+$0x60];
	[tilespmem:v46+s19+$0x0] =	vst.idx.msk $0xffff, v28  }
0x45b: {  	v28 =	vadd.s32 v25, v41;
	[tilespmem:v43+s19+$0x0] =	vst.idx.msk $0xffff, v27;
	v43 =	vmul.f32 $5.656854150e+00, v47;
	v40 =	vld [tilespmem:s5+$0x70];
	v27 =	vadd.s32 v26, v41  }
0x45c: {  	[tilespmem:v45+s19+$0x0] =	vst.idx.msk $0xffff, v42;
	v44 =	vmul.f32 $5.656854150e+00, v49;
	v41 =	vld [tilespmem:s5+$0x80]  }
0x45d: {  	[tilespmem:v48+s19+$0x0] =	vst.idx.msk $0xffff, v43;
	v43 =	vmul.f32 $5.656854150e+00, v50;
	v42 =	vld [tilespmem:s5+$0x90]  }
.LBB2_47:
0x45e: {  	_ =	sdelay $0x3  }
0x45f: {  	[tilespmem:v37+s19+$0x0] =	vst.idx.msk $0xffff, v44;
	v48 =	vmul.f32 $5.656854150e+00, v38;
	v49 =	vld [tilespmem:s5+$0xA0]  }
0x460: {  	[tilespmem:v36+s19+$0x0] =	vst.idx.msk $0xffff, v43;
	v50 =	vmul.f32 $5.656854150e+00, v39;
	v43 =	vld [tilespmem:s5+$0xB0]  }
0x461: {  	v45 =	vld [tilespmem:s5+$0xC0];
	[tilespmem:v35+s19+$0x0] =	vst.idx.msk $0xffff, v48;
	v44 =	vmul.f32 $5.656854150e+00, v40  }
0x462: {  	v47 =	vld [tilespmem:s5+$0xD0];
	[tilespmem:v34+s19+$0x0] =	vst.idx.msk $0xffff, v50;
	v46 =	vmul.f32 $5.656854150e+00, v41  }
0x463: {  	[tilespmem:v32+s19+$0x0] =	vst.idx.msk $0xffff, v44;
	v48 =	vmul.f32 $5.656854150e+00, v42  }
0x464: {  	[tilespmem:v33+s19+$0x0] =	vst.idx.msk $0xffff, v46;
	v49 =	vmul.f32 $5.656854150e+00, v49  }
0x465: {  	[tilespmem:v31+s19+$0x0] =	vst.idx.msk $0xffff, v48;
	v31 =	vmul.f32 $5.656854150e+00, v43  }
0x466: {  	s0 =	simm.s32 $0x0;
	[tilespmem:v30+s19+$0x0] =	vst.idx.msk $0xffff, v49;
	v30 =	vmul.f32 $5.656854150e+00, v45  }
0x467: {  	[tilespmem:v29+s19+$0x0] =	vst.idx.msk $0xffff, v31;
	v29 =	vmul.f32 $5.656854150e+00, v47;
	v31 =	vmov s0  }
0x468: {  	[tilespmem:v28+s19+$0x0] =	vst.idx.msk $0xffff, v30;
	v28 =	vshrl.u32 v31, $0x3  }
0x469: {  	[tilespmem:v27+s19+$0x0] =	vst.idx.msk $0xffff, v29;
	v27 =	vshll.u32 v28, $0x3  }
0x46a: {  	v27 =	vbroadcast v27, $0x0;
	v28 =	vld [tilespmem:s4+$0xE0]  }
0x46b: {  	v30 =	vld [tilespmem:s4+$0x0]  }
0x46c: {  	v29 =	vld [tilespmem:s4+$0xF0];
	v31 =	vadd.s32 v14, v27  }
0x46d: {  	v42 =	vld [tilespmem:s4+$0x20];
	v41 =	vadd.s32 v11, v27  }
0x46e: {  	v50 =	vld [tilespmem:s4+$0x10];
	v40 =	vadd.s32 v16, v27  }
0x46f: {  	v44 =	vld [tilespmem:s4+$0x30];
	v45 =	vadd.s32 v13, v27;
	v28 =	vmul.f32 $5.656854150e+00, v28  }
0x470: {  	p0 =	por $0x1, $0x1;
	v46 =	vld [tilespmem:s4+$0x40];
	v43 =	vadd.s32 v12, v27;
	v37 =	vadd.s32 v15, v27;
	v47 =	vmul.f32 $5.656854150e+00, v30  }
.Ltmp32:
0x471: {  	v38 =	vld [tilespmem:s4+$0x50];
	v36 =	vadd.s32 v17, v27;
	v35 =	vadd.s32 v18, v27;
	v29 =	vmul.f32 $5.656854150e+00, v29;
	[tilespmem:v31+s20+$0x0] =	vst.idx.msk $0xffff, v28;
	(pc) =	sbr.rel @!p0 .LBB2_49-.Ltmp32, $4  }
0x472: {  	v39 =	vld [tilespmem:s4+$0x60];
	v34 =	vadd.s32 v19, v27;
	v32 =	vadd.s32 v20, v27;
	v42 =	vmul.f32 $5.656854150e+00, v42;
	[tilespmem:v41+s20+$0x0] =	vst.idx.msk $0xffff, v47  }
0x473: {  	v33 =	vadd.s32 v21, v27;
	v48 =	vmul.f32 $5.656854150e+00, v50;
	v30 =	vadd.s32 v23, v27;
	[tilespmem:v40+s20+$0x0] =	vst.idx.msk $0xffff, v29;
	v40 =	vld [tilespmem:s4+$0x70]  }
0x474: {  	v44 =	vmul.f32 $5.656854150e+00, v44;
	v31 =	vadd.s32 v22, v27;
	v28 =	vadd.s32 v25, v27;
	v41 =	vld [tilespmem:s4+$0x80];
	[tilespmem:v45+s20+$0x0] =	vst.idx.msk $0xffff, v42  }
0x475: {  	s5 =	simm.s32 $0x11E00;
	v42 =	vld [tilespmem:s4+$0x90];
	v29 =	vadd.s32 v24, v27;
	[tilespmem:v43+s20+$0x0] =	vst.idx.msk $0xffff, v48;
	v27 =	vadd.s32 v26, v27;
	v43 =	vmul.f32 $5.656854150e+00, v46  }
.LBB2_48:
0x476: {  	s0 =	sadd.s32 $0x8, s0;
	[tilespmem:v37+s20+$0x0] =	vst.idx.msk $0xffff, v44;
	v37 =	vmul.f32 $5.656854150e+00, v38;
	v38 =	vld [tilespmem:s4+$0xA0]  }
0x477: {  	v44 =	vmov s0;
	p0 =	slt.u32 s0, $0x78;
	[tilespmem:v36+s20+$0x0] =	vst.idx.msk $0xffff, v43;
	v36 =	vmul.f32 $5.656854150e+00, v39;
	v39 =	vld [tilespmem:s4+$0xB0]  }
0x478: {  	v43 =	vshrl.u32 v44, $0x3;
	[tilespmem:v35+s20+$0x0] =	vst.idx.msk $0xffff, v37;
	v35 =	vmul.f32 $5.656854150e+00, v40;
	v37 =	vld [tilespmem:s4+$0xC0]  }
0x479: {  	v40 =	vshll.u32 v43, $0x3;
	[tilespmem:v34+s20+$0x0] =	vst.idx.msk $0xffff, v36;
	v34 =	vmul.f32 $5.656854150e+00, v41;
	v36 =	vld [tilespmem:s4+$0xD0];
	s4 =	sadd.s32 $0x100, s4  }
0x47a: {  	v41 =	vbroadcast v40, $0x0;
	v40 =	vld [tilespmem:s4+$0xE0];
	[tilespmem:v32+s20+$0x0] =	vst.idx.msk $0xffff, v35;
	v32 =	vmul.f32 $5.656854150e+00, v42  }
0x47b: {  	v42 =	vld [tilespmem:s4+$0xF0];
	[tilespmem:v33+s20+$0x0] =	vst.idx.msk $0xffff, v34;
	v33 =	vmul.f32 $5.656854150e+00, v38  }
0x47c: {  	v38 =	vld [tilespmem:s4+$0x0];
	v43 =	vadd.s32 v11, v41;
	v44 =	vadd.s32 v14, v41;
	[tilespmem:v31+s20+$0x0] =	vst.idx.msk $0xffff, v32;
	v31 =	vmul.f32 $5.656854150e+00, v39  }
0x47d: {  	v45 =	vadd.s32 v12, v41;
	v46 =	vadd.s32 v16, v41;
	v39 =	vld [tilespmem:s4+$0x10];
	[tilespmem:v30+s20+$0x0] =	vst.idx.msk $0xffff, v33;
	v30 =	vmul.f32 $5.656854150e+00, v37  }
0x47e: {  	v48 =	vadd.s32 v13, v41;
	v37 =	vadd.s32 v15, v41;
	v47 =	vld [tilespmem:s4+$0x20];
	[tilespmem:v29+s20+$0x0] =	vst.idx.msk $0xffff, v31;
	v29 =	vmul.f32 $5.656854150e+00, v36  }
0x47f: {  	v35 =	vadd.s32 v18, v41;
	v36 =	vadd.s32 v17, v41;
	v49 =	vld [tilespmem:s4+$0x30];
	v40 =	vmul.f32 $5.656854150e+00, v40;
	[tilespmem:v28+s20+$0x0] =	vst.idx.msk $0xffff, v30  }
0x480: {  	v34 =	vadd.s32 v19, v41;
	v32 =	vadd.s32 v20, v41;
	v50 =	vld [tilespmem:s4+$0x40];
	v28 =	vmul.f32 $5.656854150e+00, v42;
	[tilespmem:v27+s20+$0x0] =	vst.idx.msk $0xffff, v29  }
.Ltmp33:
0x481: {  	v33 =	vadd.s32 v21, v41;
	v31 =	vadd.s32 v22, v41;
	v27 =	vmul.f32 $5.656854150e+00, v38;
	v38 =	vld [tilespmem:s4+$0x50];
	[tilespmem:v44+s20+$0x0] =	vst.idx.msk $0xffff, v40;
	(pc) =	sbr.rel @p0 .LBB2_48-.Ltmp33, $4  }
0x482: {  	v30 =	vadd.s32 v23, v41;
	v29 =	vadd.s32 v24, v41;
	v42 =	vmul.f32 $5.656854150e+00, v39;
	v39 =	vld [tilespmem:s4+$0x60];
	[tilespmem:v46+s20+$0x0] =	vst.idx.msk $0xffff, v28  }
0x483: {  	v28 =	vadd.s32 v25, v41;
	[tilespmem:v43+s20+$0x0] =	vst.idx.msk $0xffff, v27;
	v43 =	vmul.f32 $5.656854150e+00, v47;
	v40 =	vld [tilespmem:s4+$0x70];
	v27 =	vadd.s32 v26, v41  }
0x484: {  	[tilespmem:v45+s20+$0x0] =	vst.idx.msk $0xffff, v42;
	v44 =	vmul.f32 $5.656854150e+00, v49;
	v41 =	vld [tilespmem:s4+$0x80]  }
0x485: {  	[tilespmem:v48+s20+$0x0] =	vst.idx.msk $0xffff, v43;
	v43 =	vmul.f32 $5.656854150e+00, v50;
	v42 =	vld [tilespmem:s4+$0x90]  }
.LBB2_49:
0x486: {  	_ =	sdelay $0x3  }
0x487: {  	[tilespmem:v37+s20+$0x0] =	vst.idx.msk $0xffff, v44;
	v47 =	vmul.f32 $5.656854150e+00, v38;
	v48 =	vld [tilespmem:s4+$0xA0]  }
0x488: {  	v50 =	vld [tilespmem:s4+$0xB0];
	[tilespmem:v36+s20+$0x0] =	vst.idx.msk $0xffff, v43;
	v49 =	vmul.f32 $5.656854150e+00, v39  }
0x489: {  	v44 =	vld [tilespmem:s4+$0xC0];
	[tilespmem:v35+s20+$0x0] =	vst.idx.msk $0xffff, v47;
	v43 =	vmul.f32 $5.656854150e+00, v40  }
0x48a: {  	v46 =	vld [tilespmem:s4+$0xD0];
	[tilespmem:v34+s20+$0x0] =	vst.idx.msk $0xffff, v49;
	v45 =	vmul.f32 $5.656854150e+00, v41  }
0x48b: {  	[tilespmem:v32+s20+$0x0] =	vst.idx.msk $0xffff, v43;
	v47 =	vmul.f32 $5.656854150e+00, v42  }
0x48c: {  	[tilespmem:v33+s20+$0x0] =	vst.idx.msk $0xffff, v45;
	v48 =	vmul.f32 $5.656854150e+00, v48  }
0x48d: {  	[tilespmem:v31+s20+$0x0] =	vst.idx.msk $0xffff, v47;
	v31 =	vmul.f32 $5.656854150e+00, v50  }
0x48e: {  	s0 =	sadd.s32 $0x8, s24;
	[tilespmem:v30+s20+$0x0] =	vst.idx.msk $0xffff, v48;
	v30 =	vmul.f32 $5.656854150e+00, v44  }
0x48f: {  	[tilespmem:v29+s20+$0x0] =	vst.idx.msk $0xffff, v31;
	v29 =	vmul.f32 $5.656854150e+00, v46;
	v31 =	vmov s0  }
0x490: {  	[tilespmem:v28+s20+$0x0] =	vst.idx.msk $0xffff, v30;
	v28 =	vshrl.u32 v31, $0x3  }
0x491: {  	[tilespmem:v27+s20+$0x0] =	vst.idx.msk $0xffff, v29;
	v27 =	vshll.u32 v28, $0x3  }
0x492: {  	v27 =	vbroadcast v27, $0x0;
	v28 =	vld [tilespmem:s5+$0xE0]  }
0x493: {  	v30 =	vld [tilespmem:s5+$0x0]  }
0x494: {  	v29 =	vld [tilespmem:s5+$0xF0];
	v31 =	vadd.s32 v14, v27  }
0x495: {  	v42 =	vld [tilespmem:s5+$0x20];
	v41 =	vadd.s32 v11, v27  }
0x496: {  	v49 =	vld [tilespmem:s5+$0x10];
	v40 =	vadd.s32 v16, v27  }
0x497: {  	v44 =	vld [tilespmem:s5+$0x30];
	v45 =	vadd.s32 v13, v27;
	v28 =	vmul.f32 $5.656854150e+00, v28  }
0x498: {  	p0 =	slt.u32 s0, $0x78;
	v46 =	vld [tilespmem:s5+$0x40];
	v43 =	vadd.s32 v12, v27;
	v37 =	vadd.s32 v15, v27;
	v47 =	vmul.f32 $5.656854150e+00, v30  }
.Ltmp34:
0x499: {  	v38 =	vld [tilespmem:s5+$0x50];
	v36 =	vadd.s32 v17, v27;
	v35 =	vadd.s32 v18, v27;
	v29 =	vmul.f32 $5.656854150e+00, v29;
	[tilespmem:v31+s21+$0x0] =	vst.idx.msk $0xffff, v28;
	(pc) =	sbr.rel @!p0 .LBB2_51-.Ltmp34, $4  }
0x49a: {  	v39 =	vld [tilespmem:s5+$0x60];
	v34 =	vadd.s32 v19, v27;
	v32 =	vadd.s32 v20, v27;
	v50 =	vmul.f32 $5.656854150e+00, v42;
	[tilespmem:v41+s21+$0x0] =	vst.idx.msk $0xffff, v47  }
0x49b: {  	v33 =	vadd.s32 v21, v27;
	v48 =	vmul.f32 $5.656854150e+00, v49;
	v30 =	vadd.s32 v23, v27;
	[tilespmem:v40+s21+$0x0] =	vst.idx.msk $0xffff, v29;
	v40 =	vld [tilespmem:s5+$0x70]  }
0x49c: {  	v42 =	vld [tilespmem:s5+$0x80];
	v44 =	vmul.f32 $5.656854150e+00, v44;
	v31 =	vadd.s32 v22, v27;
	v28 =	vadd.s32 v25, v27;
	[tilespmem:v45+s21+$0x0] =	vst.idx.msk $0xffff, v50  }
0x49d: {  	v41 =	vld [tilespmem:s5+$0x90];
	v29 =	vadd.s32 v24, v27;
	[tilespmem:v43+s21+$0x0] =	vst.idx.msk $0xffff, v48;
	v27 =	vadd.s32 v26, v27;
	v43 =	vmul.f32 $5.656854150e+00, v46  }
.LBB2_50:
0x49e: {  	s0 =	sadd.s32 $0x8, s0;
	[tilespmem:v37+s21+$0x0] =	vst.idx.msk $0xffff, v44;
	v37 =	vmul.f32 $5.656854150e+00, v38;
	v38 =	vld [tilespmem:s5+$0xA0]  }
0x49f: {  	v44 =	vmov s0;
	p0 =	slt.u32 s0, $0x78;
	[tilespmem:v36+s21+$0x0] =	vst.idx.msk $0xffff, v43;
	v36 =	vmul.f32 $5.656854150e+00, v39;
	v39 =	vld [tilespmem:s5+$0xB0]  }
0x4a0: {  	v43 =	vshrl.u32 v44, $0x3;
	[tilespmem:v35+s21+$0x0] =	vst.idx.msk $0xffff, v37;
	v35 =	vmul.f32 $5.656854150e+00, v40;
	v37 =	vld [tilespmem:s5+$0xC0]  }
0x4a1: {  	v40 =	vshll.u32 v43, $0x3;
	[tilespmem:v34+s21+$0x0] =	vst.idx.msk $0xffff, v36;
	v34 =	vmul.f32 $5.656854150e+00, v42;
	v36 =	vld [tilespmem:s5+$0xD0];
	s5 =	sadd.s32 $0x100, s5  }
0x4a2: {  	v42 =	vbroadcast v40, $0x0;
	v40 =	vld [tilespmem:s5+$0xE0];
	[tilespmem:v32+s21+$0x0] =	vst.idx.msk $0xffff, v35;
	v32 =	vmul.f32 $5.656854150e+00, v41  }
0x4a3: {  	v41 =	vld [tilespmem:s5+$0xF0];
	[tilespmem:v33+s21+$0x0] =	vst.idx.msk $0xffff, v34;
	v33 =	vmul.f32 $5.656854150e+00, v38  }
0x4a4: {  	v38 =	vld [tilespmem:s5+$0x0];
	v43 =	vadd.s32 v11, v42;
	v44 =	vadd.s32 v14, v42;
	[tilespmem:v31+s21+$0x0] =	vst.idx.msk $0xffff, v32;
	v31 =	vmul.f32 $5.656854150e+00, v39  }
0x4a5: {  	v45 =	vadd.s32 v12, v42;
	v46 =	vadd.s32 v16, v42;
	v39 =	vld [tilespmem:s5+$0x10];
	[tilespmem:v30+s21+$0x0] =	vst.idx.msk $0xffff, v33;
	v30 =	vmul.f32 $5.656854150e+00, v37  }
0x4a6: {  	v48 =	vadd.s32 v13, v42;
	v37 =	vadd.s32 v15, v42;
	v47 =	vld [tilespmem:s5+$0x20];
	[tilespmem:v29+s21+$0x0] =	vst.idx.msk $0xffff, v31;
	v29 =	vmul.f32 $5.656854150e+00, v36  }
0x4a7: {  	v35 =	vadd.s32 v18, v42;
	v36 =	vadd.s32 v17, v42;
	v49 =	vld [tilespmem:s5+$0x30];
	v40 =	vmul.f32 $5.656854150e+00, v40;
	[tilespmem:v28+s21+$0x0] =	vst.idx.msk $0xffff, v30  }
0x4a8: {  	v34 =	vadd.s32 v19, v42;
	v32 =	vadd.s32 v20, v42;
	v50 =	vld [tilespmem:s5+$0x40];
	v28 =	vmul.f32 $5.656854150e+00, v41;
	[tilespmem:v27+s21+$0x0] =	vst.idx.msk $0xffff, v29  }
.Ltmp35:
0x4a9: {  	v33 =	vadd.s32 v21, v42;
	v31 =	vadd.s32 v22, v42;
	v27 =	vmul.f32 $5.656854150e+00, v38;
	v38 =	vld [tilespmem:s5+$0x50];
	[tilespmem:v44+s21+$0x0] =	vst.idx.msk $0xffff, v40;
	(pc) =	sbr.rel @p0 .LBB2_50-.Ltmp35, $4  }
0x4aa: {  	v30 =	vadd.s32 v23, v42;
	v29 =	vadd.s32 v24, v42;
	v41 =	vmul.f32 $5.656854150e+00, v39;
	v39 =	vld [tilespmem:s5+$0x60];
	[tilespmem:v46+s21+$0x0] =	vst.idx.msk $0xffff, v28  }
0x4ab: {  	v28 =	vadd.s32 v25, v42;
	[tilespmem:v43+s21+$0x0] =	vst.idx.msk $0xffff, v27;
	v43 =	vmul.f32 $5.656854150e+00, v47;
	v40 =	vld [tilespmem:s5+$0x70];
	v27 =	vadd.s32 v26, v42  }
0x4ac: {  	[tilespmem:v45+s21+$0x0] =	vst.idx.msk $0xffff, v41;
	v44 =	vmul.f32 $5.656854150e+00, v49;
	v42 =	vld [tilespmem:s5+$0x80]  }
0x4ad: {  	[tilespmem:v48+s21+$0x0] =	vst.idx.msk $0xffff, v43;
	v43 =	vmul.f32 $5.656854150e+00, v50;
	v41 =	vld [tilespmem:s5+$0x90]  }
.LBB2_51:
0x4ae: {  	_ =	sdelay $0x3  }
0x4af: {  	[tilespmem:v37+s21+$0x0] =	vst.idx.msk $0xffff, v44;
	v11 =	vmul.f32 $5.656854150e+00, v38;
	v12 =	vld [tilespmem:s5+$0xA0]  }
0x4b0: {  	v14 =	vld [tilespmem:s5+$0xB0];
	[tilespmem:v36+s21+$0x0] =	vst.idx.msk $0xffff, v43;
	v13 =	vmul.f32 $5.656854150e+00, v39  }
0x4b1: {  	v15 =	vld [tilespmem:s5+$0xC0];
	[tilespmem:v35+s21+$0x0] =	vst.idx.msk $0xffff, v11;
	v11 =	vmul.f32 $5.656854150e+00, v40  }
0x4b2: {  	v16 =	vld [tilespmem:s5+$0xD0];
	s0 =	smulhi.u32 $0x51EB851F, s23;
	[tilespmem:v34+s21+$0x0] =	vst.idx.msk $0xffff, v13;
	v49 =	vmul.f32 $5.656854150e+00, v42  }
0x4b3: {  	[tilespmem:v32+s21+$0x0] =	vst.idx.msk $0xffff, v11;
	v11 =	vmul.f32 $5.656854150e+00, v41  }
0x4b4: {  	s0 =	sshrl.u32 s0, $0x4;
	[tilespmem:v33+s21+$0x0] =	vst.idx.msk $0xffff, v49;
	v12 =	vmul.f32 $5.656854150e+00, v12  }
0x4b5: {  	s1 =	smul.u32 $0x32, s0;
	[tilespmem:v31+s21+$0x0] =	vst.idx.msk $0xffff, v11;
	v11 =	vmul.f32 $5.656854150e+00, v14  }
0x4b6: {  	v50 =	vmul.f32 $5.656854150e+00, v15;
	[tilespmem:v30+s21+$0x0] =	vst.idx.msk $0xffff, v12  }
0x4b7: {  	s0 =	sshll.u32 s0, $0x7;
	s1 =	ssub.s32 s23, s1;
	[tilespmem:v29+s21+$0x0] =	vst.idx.msk $0xffff, v11;
	v11 =	vmul.f32 $5.656854150e+00, v16  }
0x4b8: {  	s0 =	sadd.s32 s0, s7;
	s1 =	sshll.u32 s1, $0x12;
	[tilespmem:v28+s21+$0x0] =	vst.idx.msk $0xffff, v50  }
0x4b9: {  	s5 =	simm.s32 $0x1B600;
	s1 =	sadd.s32 s1, s0;
	[tilespmem:v27+s21+$0x0] =	vst.idx.msk $0xffff, v11  }
0x4ba: {  	[hbm4b:s1+s2] =	stream.linear.scatter [tilespmem:s5], [sflag:$0x6], $0x80, $0x38;
	[tilespmem:$0x1FA00] =	vst v63  }
0x4bb: {  	s9 =	simm.s32 $0x1B688;
	s4 =	sadd.s32 $0x10, s1  }
0x4bc: {  	[hbm4b:s4+s2] =	stream.linear.scatter [tilespmem:s9], [sflag:$0x6], $0x80, $0x38;
	[tilespmem:$0x1FA00] =	vst v63  }
0x4bd: {  	s25 =	simm.s32 $0x1B798;
	s23 =	simm.s32 $0x1B710;
	s24 =	sadd.s32 $0x20, s1  }
0x4be: {  	[hbm4b:s24+s2] =	stream.linear.scatter [tilespmem:s23], [sflag:$0x6], $0x80, $0x38;
	[tilespmem:$0x1FA00] =	vst v63  }
0x4bf: {  	s0 =	simm.s32 $0x440;
	s26 =	sadd.s32 $0x30, s1;
	s5 =	simm.s32 $0x1B820  }
0x4c0: {  	[hbm4b:s26+s2] =	stream.linear.scatter [tilespmem:s25], [sflag:$0x6], $0x80, $0x38;
	[tilespmem:$0x1FA00] =	vst v63  }
0x4c1: {  	s9 =	sadd.s32 $0x40, s1;
	s4 =	sadd.s32 $0x4000, s1;
	s23 =	simm.s32 $0x1B8A8  }
0x4c2: {  	[hbm4b:s9+s2] =	stream.linear.scatter [tilespmem:s5], [sflag:$0x6], $0x80, $0x38;
	[tilespmem:$0x1FA00] =	vst v63  }
0x4c3: {  	s24 =	sadd.s32 $0x50, s1;
	s25 =	simm.s32 $0x1B930;
	s26 =	sadd.s32 $0x60, s1  }
0x4c4: {  	[hbm4b:s24+s2] =	stream.linear.scatter [tilespmem:s23], [sflag:$0x6], $0x80, $0x38;
	[tilespmem:$0x1FA00] =	vst v63  }
0x4c5: {  	s5 =	simm.s32 $0x2200;
	s23 =	simm.s32 $0x1B9B8;
	s24 =	sadd.s32 $0x70, s1  }
0x4c6: {  	[hbm4b:s26+s2] =	stream.linear.scatter [tilespmem:s25], [sflag:$0x6], $0x80, $0x38;
	[tilespmem:$0x1FA00] =	vst v63  }
.LBB2_52:
0x4c7: {  	[hbm4b:s24+s2] =	stream.linear.scatter [tilespmem:s23], [sflag:$0x6], $0x80, $0x38;
	[tilespmem:$0x1FA00] =	vst v63  }
0x4c8: {  	s1 =	smov.u32 s0;
	s0 =	smov.u32 s5  }
0x4c9: {  	s9 =	sadd.s32 $0x1100, s5;
	s0 =	sshra.s32 s0, $0x2;
	s23 =	sadd.s32 $0x1B600, s1  }
0x4ca: {  	[hbm4b:s4+s2] =	stream.linear.scatter [tilespmem:s23], [sflag:$0x6], $0x80, $0x38;
	[tilespmem:$0x1FA00] =	vst v63  }
0x4cb: {  	p0 =	sne.s32 s5, $0xFF00;
	s5 =	sadd.s32 $0x1B688, s1;
	s23 =	sadd.s32 $0x10, s4  }
0x4cc: {  	[hbm4b:s23+s2] =	stream.linear.scatter [tilespmem:s5], [sflag:$0x6], $0x80, $0x38;
	[tilespmem:$0x1FA00] =	vst v63  }
0x4cd: {  	s5 =	sadd.s32 $0x1B710, s1;
	s23 =	sadd.s32 $0x20, s4  }
0x4ce: {  	[hbm4b:s23+s2] =	stream.linear.scatter [tilespmem:s5], [sflag:$0x6], $0x80, $0x38;
	[tilespmem:$0x1FA00] =	vst v63  }
0x4cf: {  	s5 =	sadd.s32 $0x1B798, s1;
	s23 =	sadd.s32 $0x30, s4  }
0x4d0: {  	[hbm4b:s23+s2] =	stream.linear.scatter [tilespmem:s5], [sflag:$0x6], $0x80, $0x38;
	[tilespmem:$0x1FA00] =	vst v63  }
0x4d1: {  	s5 =	sadd.s32 $0x1B820, s1;
	s23 =	sadd.s32 $0x40, s4  }
0x4d2: {  	[hbm4b:s23+s2] =	stream.linear.scatter [tilespmem:s5], [sflag:$0x6], $0x80, $0x38;
	[tilespmem:$0x1FA00] =	vst v63  }
.Ltmp36:
0x4d3: {  	s5 =	sadd.s32 $0x1B8A8, s1;
	s23 =	sadd.s32 $0x50, s4;
	(pc) =	sbr.rel @p0 .LBB2_52-.Ltmp36, $4  }
0x4d4: {  	[hbm4b:s23+s2] =	stream.linear.scatter [tilespmem:s5], [sflag:$0x6], $0x80, $0x38;
	[tilespmem:$0x1FA00] =	vst v63  }
0x4d5: {  	s24 =	sadd.s32 $0x70, s4;
	s5 =	sadd.s32 $0x1B930, s1;
	s23 =	sadd.s32 $0x60, s4  }
0x4d6: {  	[hbm4b:s23+s2] =	stream.linear.scatter [tilespmem:s5], [sflag:$0x6], $0x80, $0x38;
	[tilespmem:$0x1FA00] =	vst v63  }
0x4d7: {  	s4 =	sadd.s32 $0x4000, s4;
	s23 =	sadd.s32 $0x1B9B8, s1;
	s5 =	smov.u32 s9  }
0x4d8: {  	[hbm4b:s24+s2] =	stream.linear.scatter [tilespmem:s23], [sflag:$0x6], $0x80, $0x38;
	[tilespmem:$0x1FA00] =	vst v63  }
0x4d9: {  	s1 =	sadd.s32 $0x1B600, s0  }
0x4da: {  	[hbm4b:s4+s2] =	stream.linear.scatter [tilespmem:s1], [sflag:$0x6], $0x80, $0x38;
	[tilespmem:$0x1FA00] =	vst v63  }
0x4db: {  	s26 =	sadd.s32 $0x1B688, s0;
	s5 =	sadd.s32 $0x10, s4  }
0x4dc: {  	[hbm4b:s5+s2] =	stream.linear.scatter [tilespmem:s26], [sflag:$0x6], $0x80, $0x38;
	[tilespmem:$0x1FA00] =	vst v63  }
0x4dd: {  	s9 =	sadd.s32 $0x20, s4;
	s5 =	sadd.s32 $0x1B710, s0  }
0x4de: {  	[hbm4b:s9+s2] =	stream.linear.scatter [tilespmem:s5], [sflag:$0x6], $0x80, $0x38;
	[tilespmem:$0x1FA00] =	vst v63  }
0x4df: {  	s23 =	sadd.s32 $0x1B798, s0;
	s24 =	sadd.s32 $0x30, s4  }
0x4e0: {  	[hbm4b:s24+s2] =	stream.linear.scatter [tilespmem:s23], [sflag:$0x6], $0x80, $0x38;
	[tilespmem:$0x1FA00] =	vst v63  }
0x4e1: {  	s25 =	sadd.s32 $0x1B820, s0;
	s26 =	sadd.s32 $0x40, s4  }
0x4e2: {  	[hbm4b:s26+s2] =	stream.linear.scatter [tilespmem:s25], [sflag:$0x6], $0x80, $0x38;
	[tilespmem:$0x1FA00] =	vst v63  }
0x4e3: {  	s5 =	sadd.s32 $0x1B8A8, s0;
	s9 =	sadd.s32 $0x50, s4  }
0x4e4: {  	[hbm4b:s9+s2] =	stream.linear.scatter [tilespmem:s5], [sflag:$0x6], $0x80, $0x38;
	[tilespmem:$0x1FA00] =	vst v63  }
.Ltmp37:
0x4e5: {  	_ = 	snop;
	(pc) =	sbr.rel .LBB2_4-.Ltmp37, $4  }
0x4e6: {  	s23 =	sadd.s32 $0x1B930, s0;
	s24 =	sadd.s32 $0x60, s4  }
0x4e7: {  	[hbm4b:s24+s2] =	stream.linear.scatter [tilespmem:s23], [sflag:$0x6], $0x80, $0x38;
	[tilespmem:$0x1FA00] =	vst v63  }
0x4e8: {  	s22 =	sadd.s32 $0x1, s22;
	s25 =	sadd.s32 $0x1B9B8, s0;
	s26 =	sadd.s32 $0x70, s4  }
0x4e9: {  	[hbm4b:s26+s2] =	stream.linear.scatter [tilespmem:s25], [sflag:$0x6], $0x80, $0x38;
	[tilespmem:$0x1FA00] =	vst v63  }
.LBB2_55:
0x4ea: {  	_ =	sfence.sel $0x180000  }
0x4eb: {  	[bflag:$0x0] =	sbarrier.arrive $0xFFFF  }
0x4ec: {  	_ =	strace $0x90000047  }
0x4ed: {  	s0 =	stileid.u32;
	[bflag:$0x2] =	sbarrier.arrive $0xFFFF  }
0x4ee: {  	p0 =	sne.s32 s0, $0x0;
	s0 =	rddreg [dreg:$0x2]  }
0x4ef: {  	s0 =	sadd.s32 @!p0 $0x100000, s0  }
0x4f0: {  	[sflag:s0] =	ssyncadd.tile.s32 @!p0 $0x1;
	_ =	shalt  }
.Lfunc_end2:
_tile_overlayer_lowered:
.L_overlay_start_2:
0x4f1: {  	(tag) =	ssettag $0x2  }
0x4f2: {  	s0 =	rddreg [dreg:$0x0];
	s2 =	stileid.u32  }
0x4f3: {  	s1 =	rddreg [dreg:$0x1];
	p0 =	sne.s32 s2, $0x0  }
0x4f4: {  	s3 =	rddreg [dreg:$0x2];
	[bflag:$0x3] =	sbarrier.arrive $0xFFFF;
	s2 =	simm.s32 @!p0 $0x1C07  }
0x4f5: {  	[timem:s3], [sflag:s2] =	dma.local @!p0 [hbm:s0], s1  }
0x4f6: {  	s0 =	simm.s32 @!p0 $0x7  }
0x4f7: {  	_ =	swait.ge @!p0 [sflag:s0], s1  }
0x4f8: {  	s1 =	ssub.s32 @!p0 $0x0, s1;
	[sflag:s0] =	ssyncset.done @!p0 $0x0  }
0x4f9: {  	[sflag:s0] =	ssyncadd.s32 @!p0 s1  }
0x4fa: {  	[bflag:$0x3] =	sbarrier.arrive $0xFFFF  }
0x4fb: {  	_ =	shalt  }

</sc_bundles>
